<compile_context>
chip_gen: v7x
topology: tpu7x:2x2x1
jax: 0.10.2.dev20260603
libtpu: 0.0.44.dev20260713+nightly
codegen_flags: <defaults>
</compile_context>

<pallas_src>
import functools
import numpy as np
import jax
import jax.numpy as jnp
from jax import lax
from jax.experimental import pallas as pl
from jax.experimental.pallas import tpu as pltpu
from jax.experimental.pallas import tpu_sc as plsc

N = 10000
E = 320000
D = 128
H = 64
B = 64
NDEC = 100
NPAD = 112
OUT = 128

NC = 2
NS = 16
NW = NC * NS
EPW = E // NW
CH = 125
NIT = EPW // CH
GS = 4
NG = NIT // GS
M = NG // 2
NA = 10240
RPT = NA // NS


def _dec_edges_np(b, n):
    i = np.arange(n)
    p1 = np.stack([i[:-1], i[:-1] + 1], 1)
    p2 = np.stack([i[:-2], i[:-2] + 2], 1)
    pairs = np.concatenate([p1, p2], 0)
    both = np.concatenate([pairs, pairs[:, ::-1]], 0)
    offs = (np.arange(b) * n)[:, None, None]
    return (both[None] + offs).reshape(-1, 2).T


def _dec_ahat_np(n, npad):
    i = np.arange(n)
    p1 = np.stack([i[:-1], i[:-1] + 1], 1)
    p2 = np.stack([i[:-2], i[:-2] + 2], 1)
    pairs = np.concatenate([p1, p2], 0)
    both = np.concatenate([pairs, pairs[:, ::-1]], 0)
    A = np.zeros((n, n), np.float32)
    A[both[:, 1], both[:, 0]] += 1.0
    A += np.eye(n, dtype=np.float32)
    dinv = 1.0 / np.sqrt(A.sum(1))
    Ah = dinv[:, None] * A * dinv[None, :]
    Ap = np.zeros((npad, npad), np.float32)
    Ap[:n, :n] = Ah
    return Ap


_DEC_EI_NP = _dec_edges_np(B, NDEC).astype(np.int32)
_AHAT_NP = _dec_ahat_np(NDEC, NPAD)


def _dec_band_np():
    c = np.zeros((NPAD, 8), np.float32)
    for k in range(5):
        d = k - 2
        for i in range(NPAD):
            j = i + d
            if 0 <= j < NPAD:
                c[i, k] = _AHAT_NP[i, j]
    return np.repeat(c, B, axis=0)


_DEC_C_NP = _dec_band_np()

_sc_mesh = plsc.VectorSubcoreMesh(core_axis_name="c", subcore_axis_name="s")



@functools.partial(
    pl.kernel,
    mesh=_sc_mesh,
    out_type=jax.ShapeDtypeStruct((NC, NA, 8), jnp.float32),
    compiler_params=pltpu.CompilerParams(use_tc_tiling_on_sc=False),
    scratch_types=[
        pltpu.VMEM((NIT, CH), jnp.int32),
        pltpu.VMEM((CH, 8), jnp.float32),
        pltpu.VMEM_SHARED((NA, 8), jnp.float32),
        [pltpu.SemaphoreType.DMA] * 8,
    ],
)
def _deg_sc(dst_hbm, ones_hbm, zeros_hbm, out_hbm, dst_v, ones_v, acc, sems):
    cid = lax.axis_index("c")
    sid = lax.axis_index("s")
    wid = sid * NC + cid
    r0 = sid * RPT
    pltpu.sync_copy(ones_hbm, ones_v)
    pltpu.sync_copy(dst_hbm.at[wid], dst_v)
    pltpu.sync_copy(zeros_hbm.at[pl.ds(r0, RPT)], acc.at[pl.ds(r0, RPT)])
    plsc.subcore_barrier()

    def start(it, sem):
        pltpu.async_copy(ones_v, acc.at[dst_v.at[it]], sem, add=True)

    def wait(it, sem):
        pltpu.make_async_copy(ones_v, acc.at[dst_v.at[it]], sem).wait()

    for k in range(8):
        start(k, sems[k])

    def body(j, _):
        for k in range(8):
            wait(8 * j + k, sems[k])
            start(8 * (j + 1) + k, sems[k])
        return ()

    lax.fori_loop(0, NIT // 8 - 1, body, ())
    for k in range(8):
        wait(NIT - 8 + k, sems[k])
    plsc.subcore_barrier()
    pltpu.sync_copy(acc.at[pl.ds(r0, RPT)], out_hbm.at[cid, pl.ds(r0, RPT)])



@functools.partial(
    pl.kernel,
    mesh=_sc_mesh,
    out_type=jax.ShapeDtypeStruct((NC, NA, H), jnp.float32),
    compiler_params=pltpu.CompilerParams(use_tc_tiling_on_sc=False),
    scratch_types=[
        pltpu.VMEM((NIT, CH), jnp.int32),
        pltpu.VMEM((NIT, CH), jnp.int32),
        [pltpu.VMEM((CH, H), jnp.float32)] * GS,
        [pltpu.VMEM((CH, H), jnp.float32)] * GS,
        pltpu.VMEM_SHARED((NA, H), jnp.float32),
        [pltpu.SemaphoreType.DMA] * GS,
        [pltpu.SemaphoreType.DMA] * GS,
        [pltpu.SemaphoreType.DMA] * GS,
        [pltpu.SemaphoreType.DMA] * GS,
    ],
)
def _scat_sc(g_hbm, src_hbm, dst_hbm, zeros_hbm, out_hbm,
             src_v, dst_v, rowsA, rowsB, acc, semgA, semgB, semsA, semsB):
    cid = lax.axis_index("c")
    sid = lax.axis_index("s")
    wid = sid * NC + cid
    r0 = sid * RPT
    pltpu.sync_copy(src_hbm.at[wid], src_v)

    def gather_start(it, buf, sem):
        pltpu.async_copy(g_hbm.at[src_v.at[it]], buf, sem)

    def gather_wait(it, buf, sem):
        pltpu.make_async_copy(g_hbm.at[src_v.at[it]], buf, sem).wait()

    def scat_start(it, buf, sem):
        pltpu.async_copy(buf, acc.at[dst_v.at[it]], sem, add=True)

    def scat_wait(it, buf, sem):
        pltpu.make_async_copy(buf, acc.at[dst_v.at[it]], sem).wait()

    for k in range(GS):
        gather_start(k, rowsA[k], semgA[k])
    pltpu.sync_copy(zeros_hbm.at[pl.ds(r0, RPT)], acc.at[pl.ds(r0, RPT)])
    pltpu.sync_copy(dst_hbm.at[wid], dst_v)
    plsc.subcore_barrier()

    def body(m, _):
        gA = 2 * m
        gB = 2 * m + 1

        @pl.when(m > 0)
        def _():
            for k in range(GS):
                scat_wait((gA - 1) * GS + k, rowsB[k], semsB[k])

        for k in range(GS):
            gather_start(gB * GS + k, rowsB[k], semgB[k])
        for k in range(GS):
            gather_wait(gA * GS + k, rowsA[k], semgA[k])
            scat_start(gA * GS + k, rowsA[k], semsA[k])
        for k in range(GS):
            gather_wait(gB * GS + k, rowsB[k], semgB[k])
        for k in range(GS):
            scat_wait(gA * GS + k, rowsA[k], semsA[k])

        @pl.when(m < M - 1)
        def _():
            for k in range(GS):
                gather_start((gB + 1) * GS + k, rowsA[k], semgA[k])

        for k in range(GS):
            scat_start(gB * GS + k, rowsB[k], semsB[k])
        return ()

    lax.fori_loop(0, M, body, ())
    for k in range(GS):
        scat_wait((NG - 1) * GS + k, rowsB[k], semsB[k])
    plsc.subcore_barrier()
    pltpu.sync_copy(acc.at[pl.ds(r0, RPT)], out_hbm.at[cid, pl.ds(r0, RPT)])



def _tcu_body(x_ref, w_ref, u_ref):
    u_ref[...] = jnp.dot(x_ref[...], w_ref[...],
                         preferred_element_type=jnp.float32)


_tcu = pl.pallas_call(
    _tcu_body,
    out_shape=jax.ShapeDtypeStruct((N, H), jnp.float32),
)


def _tcs_body(deg_ref, u_ref, dinv_ref, g_ref):
    deg = 1.0 + deg_ref[0][:N, 0:1] + deg_ref[1][:N, 0:1]
    dinv = lax.rsqrt(deg)
    dinv_ref[...] = jnp.broadcast_to(dinv, (N, 8))
    g_ref[...] = dinv * u_ref[...]


_tcs = pl.pallas_call(
    _tcs_body,
    out_shape=(jax.ShapeDtypeStruct((N, 8), jnp.float32),
               jax.ShapeDtypeStruct((N, H), jnp.float32)),
)


def _tcb_body(s_ref, g_ref, dinv_ref, b_ref, w_ref, out_ref):
    dinv = dinv_ref[:, 0:1]
    t = dinv * (s_ref[0][:N] + s_ref[1][:N] + g_ref[...]) + b_ref[...]
    h = jnp.maximum(t, 0.0)
    out_ref[...] = dinv * jnp.dot(h, w_ref[...],
                                  preferred_element_type=jnp.float32)


_tcb = pl.pallas_call(
    _tcb_body,
    out_shape=jax.ShapeDtypeStruct((N, H), jnp.float32),
)


def _tcdec_body(s_ref, g_ref, dinv_ref, b_ref, batch_ref, c_ref, wt_ref,
                bt_ref, w1_ref, b1_ref, w2_ref, b2_ref, w3_ref, b3_ref,
                wo_ref, bo_ref, emb_ref, out_ref):
    dinv = dinv_ref[:, 0:1]
    hf = dinv * (s_ref[0][:N] + s_ref[1][:N] + g_ref[...]) + b_ref[...]
    seg = lax.broadcasted_iota(jnp.int32, (B, N), 0)
    onehot = (batch_ref[...] == seg).astype(jnp.float32)
    ssum = jnp.dot(onehot, hf, preferred_element_type=jnp.float32)
    cnt = jnp.sum(onehot, axis=1, keepdims=True)
    emb = ssum / jnp.maximum(cnt, 1.0)
    emb_ref[...] = emb
    init = jnp.dot(emb, wt_ref[...],
                   preferred_element_type=jnp.float32) + bt_ref[...]
    z4 = jnp.tile(init, (NPAD, 1))
    zb = jnp.zeros((B, H), jnp.float32)
    z2b = jnp.zeros((2 * B, H), jnp.float32)

    def band_apply(t4):
        u = c_ref[:, 2:3] * t4
        u += c_ref[:, 3:4] * jnp.concatenate([t4[B:], zb], 0)
        u += c_ref[:, 1:2] * jnp.concatenate([zb, t4[:-B]], 0)
        u += c_ref[:, 4:5] * jnp.concatenate([t4[2 * B:], z2b], 0)
        u += c_ref[:, 0:1] * jnp.concatenate([z2b, t4[:-2 * B]], 0)
        return u

    for w_ref, lb_ref in ((w1_ref, b1_ref), (w2_ref, b2_ref),
                          (w3_ref, b3_ref)):
        t4 = jnp.dot(z4, w_ref[...], preferred_element_type=jnp.float32)
        z4 = jnp.maximum(band_apply(t4) + lb_ref[...], 0.0)
    out_ref[...] = jnp.dot(z4, wo_ref[...],
                           preferred_element_type=jnp.float32) + bo_ref[...]


_tcdec = pl.pallas_call(
    _tcdec_body,
    out_shape=(jax.ShapeDtypeStruct((B, H), jnp.float32),
               jax.ShapeDtypeStruct((NPAD * B, OUT), jnp.float32)),
)


@jax.jit
def kernel(x, edge_index, batch, enc_W1, enc_b1, enc_W2, enc_b2, enc_W3,
           enc_b3, dec_Wt, dec_bt, dec_W1, dec_b1, dec_W2, dec_b2, dec_W3,
           dec_b3, dec_Wout, dec_bout):
    src = edge_index[0].reshape(NW, NIT, CH)
    dst = edge_index[1].reshape(NW, NIT, CH)
    zeros8 = jnp.zeros((NA, 8), jnp.float32)
    ones8 = jnp.ones((CH, 8), jnp.float32)
    zeros64 = jnp.zeros((NA, H), jnp.float32)

    u1 = _tcu(x, enc_W1)
    deg2 = _deg_sc(dst, ones8, zeros8)
    dinv8, g1 = _tcs(deg2, u1)
    s1 = _scat_sc(g1, src, dst, zeros64)
    g2 = _tcb(s1, g1, dinv8, enc_b1.reshape(1, H), enc_W2)
    s2 = _scat_sc(g2, src, dst, zeros64)
    g3 = _tcb(s2, g2, dinv8, enc_b2.reshape(1, H), enc_W3)
    s3 = _scat_sc(g3, src, dst, zeros64)
    emb, node4 = _tcdec(s3, g3, dinv8, enc_b3.reshape(1, H),
                        batch.reshape(1, N), jnp.asarray(_DEC_C_NP),
                        dec_Wt, dec_bt.reshape(1, H),
                        dec_W1, dec_b1.reshape(1, H),
                        dec_W2, dec_b2.reshape(1, H),
                        dec_W3, dec_b3.reshape(1, H),
                        dec_Wout, dec_bout.reshape(1, OUT))
    node_out = node4.reshape(NPAD, B, OUT).transpose(1, 0, 2)[:, :NDEC, :]
    return (node_out, emb, jnp.asarray(_DEC_EI_NP))

# --- scband reference (transcript-rebuilt; emitter-appended) ---
"""Pipeline reference for scband-astautoencoder-22565758173969 (READ-ONLY COPY).

The authoritative reference and input builder live on the scoring server;
editing this copy changes nothing except your own understanding.
"""

import jax, jax.numpy as jnp
import numpy as np

N = 10000
E = 320000
D = 128
H = 64
B = 64
NDEC = 100
OUT = 128


def _dec_edges(b, n):
    i = np.arange(n)
    p1 = np.stack([i[:-1], i[:-1] + 1], 1)
    p2 = np.stack([i[:-2], i[:-2] + 2], 1)
    pairs = np.concatenate([p1, p2], 0)
    both = np.concatenate([pairs, pairs[:, ::-1]], 0)
    offs = (np.arange(b) * n)[:, None, None]
    return jnp.asarray((both[None] + offs).reshape(-1, 2).T)


def _gcn(x, ei, W, bvec, n):
    # PyG GCNConv: x' = D^-1/2 (A + I) D^-1/2 x W + b
    h = x @ W
    loop = jnp.arange(n)
    src = jnp.concatenate([ei[0], loop])
    dst = jnp.concatenate([ei[1], loop])
    deg = jnp.zeros((n,), h.dtype).at[dst].add(1.0)
    dinv = jnp.where(deg > 0, 1.0 / jnp.sqrt(deg), 0.0)
    norm = (dinv[src] * dinv[dst])[:, None]
    out = jnp.zeros((n, h.shape[1]), h.dtype).at[dst].add(h[src] * norm)
    return out + bvec


def setup_inputs(seed: int = 0):
    key = jax.random.key(seed)
    ks = jax.random.split(key, 20)
    inp = {}
    inp["x"] = jax.random.normal(ks[0], (N, D), jnp.float32)
    inp["edge_index"] = jax.random.randint(ks[1], (2, E), 0, N)
    inp["batch"] = jnp.sort(jax.random.randint(ks[2], (N,), 0, B))
    s = 0.05
    inp["enc_W1"] = s * jax.random.normal(ks[3], (D, H), jnp.float32)
    inp["enc_b1"] = s * jax.random.normal(ks[4], (H,), jnp.float32)
    inp["enc_W2"] = s * jax.random.normal(ks[5], (H, H), jnp.float32)
    inp["enc_b2"] = s * jax.random.normal(ks[6], (H,), jnp.float32)
    inp["enc_W3"] = s * jax.random.normal(ks[7], (H, H), jnp.float32)
    inp["enc_b3"] = s * jax.random.normal(ks[8], (H,), jnp.float32)
    inp["dec_Wt"] = s * jax.random.normal(ks[9], (H, H), jnp.float32)
    inp["dec_bt"] = s * jax.random.normal(ks[10], (H,), jnp.float32)
    inp["dec_W1"] = s * jax.random.normal(ks[11], (H, H), jnp.float32)
    inp["dec_b1"] = s * jax.random.normal(ks[12], (H,), jnp.float32)
    inp["dec_W2"] = s * jax.random.normal(ks[13], (H, H), jnp.float32)
    inp["dec_b2"] = s * jax.random.normal(ks[14], (H,), jnp.float32)
    inp["dec_W3"] = s * jax.random.normal(ks[15], (H, H), jnp.float32)
    inp["dec_b3"] = s * jax.random.normal(ks[16], (H,), jnp.float32)
    inp["dec_Wout"] = s * jax.random.normal(ks[17], (H, OUT), jnp.float32)
    inp["dec_bout"] = s * jax.random.normal(ks[18], (OUT,), jnp.float32)
    return inp


def reference(x, edge_index, batch, enc_W1, enc_b1, enc_W2, enc_b2, enc_W3, enc_b3,
              dec_Wt, dec_bt, dec_W1, dec_b1, dec_W2, dec_b2, dec_W3, dec_b3,
              dec_Wout, dec_bout):
    # Encoder (RubyComplexityGNN, return_embedding=True, eval mode so dropout is identity)
    h = jax.nn.relu(_gcn(x, edge_index, enc_W1, enc_b1, N))
    h = jax.nn.relu(_gcn(h, edge_index, enc_W2, enc_b2, N))
    h = _gcn(h, edge_index, enc_W3, enc_b3, N)
    ssum = jax.ops.segment_sum(h, batch, num_segments=B)
    cnt = jax.ops.segment_sum(jnp.ones((N,), h.dtype), batch, num_segments=B)
    emb = ssum / jnp.maximum(cnt, 1.0)[:, None]
    # Decoder (ASTDecoder with num_nodes = max_nodes = 100)
    init = emb @ dec_Wt + dec_bt
    z = jnp.broadcast_to(init[:, None, :], (B, NDEC, H)).reshape(-1, H)
    dec_ei = _dec_edges(B, NDEC)
    n2 = B * NDEC
    z = jax.nn.relu(_gcn(z, dec_ei, dec_W1, dec_b1, n2))
    z = jax.nn.relu(_gcn(z, dec_ei, dec_W2, dec_b2, n2))
    z = jax.nn.relu(_gcn(z, dec_ei, dec_W3, dec_b3, n2))
    node_out = (z @ dec_Wout + dec_bout).reshape(B, NDEC, OUT)
    return (node_out, emb, dec_ei)

if __name__ == "__main__":
    import jax
    _d = setup_inputs()
    print(jax.jit(kernel)(*tuple(_d.values())))

</pallas_src>

<mosaic_0001>
#map = affine_map<(d0, d1) -> (0, 0)>
#map1 = affine_map<(d0, d1) -> (0, 0, 0)>
module attributes {stable_mosaic.version = 14 : i64} {
  func.func @_scat_sc(%arg0: i32, %arg1: i32, %arg2: memref<10000x64xf32, #tpu.memory_space<hbm>>, %arg3: memref<32x80x125xi32, #tpu.memory_space<hbm>>, %arg4: memref<32x80x125xi32, #tpu.memory_space<hbm>>, %arg5: memref<10240x64xf32, #tpu.memory_space<hbm>>, %arg6: memref<2x10240x64xf32, #tpu.memory_space<hbm>>, %arg7: memref<80x125xi32, #tpu.memory_space<vmem>>, %arg8: memref<80x125xi32, #tpu.memory_space<vmem>>, %arg9: memref<125x64xf32, #tpu.memory_space<vmem>>, %arg10: memref<125x64xf32, #tpu.memory_space<vmem>>, %arg11: memref<125x64xf32, #tpu.memory_space<vmem>>, %arg12: memref<125x64xf32, #tpu.memory_space<vmem>>, %arg13: memref<125x64xf32, #tpu.memory_space<vmem>>, %arg14: memref<125x64xf32, #tpu.memory_space<vmem>>, %arg15: memref<125x64xf32, #tpu.memory_space<vmem>>, %arg16: memref<125x64xf32, #tpu.memory_space<vmem>>, %arg17: memref<10240x64xf32, #tpu.memory_space<vmem_shared>>, %arg18: memref<!tpu.dma_semaphore, #tpu.memory_space<semaphore_mem>>, %arg19: memref<!tpu.dma_semaphore, #tpu.memory_space<semaphore_mem>>, %arg20: memref<!tpu.dma_semaphore, #tpu.memory_space<semaphore_mem>>, %arg21: memref<!tpu.dma_semaphore, #tpu.memory_space<semaphore_mem>>, %arg22: memref<!tpu.dma_semaphore, #tpu.memory_space<semaphore_mem>>, %arg23: memref<!tpu.dma_semaphore, #tpu.memory_space<semaphore_mem>>, %arg24: memref<!tpu.dma_semaphore, #tpu.memory_space<semaphore_mem>>, %arg25: memref<!tpu.dma_semaphore, #tpu.memory_space<semaphore_mem>>, %arg26: memref<!tpu.dma_semaphore, #tpu.memory_space<semaphore_mem>>, %arg27: memref<!tpu.dma_semaphore, #tpu.memory_space<semaphore_mem>>, %arg28: memref<!tpu.dma_semaphore, #tpu.memory_space<semaphore_mem>>, %arg29: memref<!tpu.dma_semaphore, #tpu.memory_space<semaphore_mem>>, %arg30: memref<!tpu.dma_semaphore, #tpu.memory_space<semaphore_mem>>, %arg31: memref<!tpu.dma_semaphore, #tpu.memory_space<semaphore_mem>>, %arg32: memref<!tpu.dma_semaphore, #tpu.memory_space<semaphore_mem>>, %arg33: memref<!tpu.dma_semaphore, #tpu.memory_space<semaphore_mem>>) attributes {dimension_semantics = [#tpu.dimension_semantics<core_parallel>, #tpu.dimension_semantics<subcore_parallel>], iteration_bounds = array<i64: 2, 16>, scalar_prefetch = 0 : i64, scratch_operands = 27 : i64, tpu.core_type = #tpu.core_type<sc_vector_subcore>, window_params = [{transform_indices = #map}, {transform_indices = #map1}, {transform_indices = #map1}, {transform_indices = #map}, {transform_indices = #map1}]} {
    %mul3A = arith.constant 2 : i32
    %mul3A_0 = arith.muli %arg1, %mul3A : i32
    %add3A = arith.addi %mul3A_0, %arg0 : i32
    %mul3A_1 = arith.constant 640 : i32
    %mul3A_2 = arith.muli %arg1, %mul3A_1 : i32
    "tpu.region"() ({
      %run_scoped3A = tpu.sem_alloc : memref<!tpu.dma_semaphore, #tpu.memory_space<semaphore_mem>>
      %dma_start3A_62 = arith.constant 0 : i32
      %dma_start3A_63 = arith.constant 0 : i32
      %dma_start3A_64 = tpu.memref_slice %arg3[%add3A, %dma_start3A_62, %dma_start3A_63] : memref<32x80x125xi32, #tpu.memory_space<hbm>> -> memref<1x80x125xi32, #tpu.memory_space<hbm>>
      %dma_start3A_65 = tpu.memref_squeeze %dma_start3A_64 : memref<1x80x125xi32, #tpu.memory_space<hbm>> -> memref<80x125xi32, #tpu.memory_space<hbm>>
      %dma_start3A_66 = arith.constant 0 : i32
      %dma_start3A_67 = arith.constant 0 : i32
      %dma_start3A_68 = tpu.memref_slice %arg3[%add3A, %dma_start3A_66, %dma_start3A_67] : memref<32x80x125xi32, #tpu.memory_space<hbm>> -> memref<1x80x125xi32, #tpu.memory_space<hbm>>
      %dma_start3A_69 = tpu.memref_squeeze %dma_start3A_68 : memref<1x80x125xi32, #tpu.memory_space<hbm>> -> memref<80x125xi32, #tpu.memory_space<hbm>>
      tpu.enqueue_dma source(%dma_start3A_69 : memref<80x125xi32, #tpu.memory_space<hbm>>) target(%arg7 : memref<80x125xi32, #tpu.memory_space<vmem>>) target_semaphore(%run_scoped3A : memref<!tpu.dma_semaphore, #tpu.memory_space<semaphore_mem>>)
      %dma_wait3A_70 = arith.constant 0 : i32
      %dma_wait3A_71 = arith.constant 0 : i32
      %dma_wait3A_72 = tpu.memref_slice %arg3[%add3A, %dma_wait3A_70, %dma_wait3A_71] : memref<32x80x125xi32, #tpu.memory_space<hbm>> -> memref<1x80x125xi32, #tpu.memory_space<hbm>>
      %dma_wait3A_73 = tpu.memref_squeeze %dma_wait3A_72 : memref<1x80x125xi32, #tpu.memory_space<hbm>> -> memref<80x125xi32, #tpu.memory_space<hbm>>
      %dma_wait3A_74 = arith.constant 0 : i32
      %dma_wait3A_75 = arith.constant 0 : i32
      %dma_wait3A_76 = tpu.memref_slice %arg3[%add3A, %dma_wait3A_74, %dma_wait3A_75] : memref<32x80x125xi32, #tpu.memory_space<hbm>> -> memref<1x80x125xi32, #tpu.memory_space<hbm>>
      %dma_wait3A_77 = tpu.memref_squeeze %dma_wait3A_76 : memref<1x80x125xi32, #tpu.memory_space<hbm>> -> memref<80x125xi32, #tpu.memory_space<hbm>>
      tpu.wait_dma2 semaphore(%run_scoped3A : memref<!tpu.dma_semaphore, #tpu.memory_space<semaphore_mem>>) src(%dma_wait3A_77 : memref<80x125xi32, #tpu.memory_space<hbm>>) dst(%arg7 : memref<80x125xi32, #tpu.memory_space<vmem>>)
      tpu.yield
    }) : () -> ()
    %dma_start3A = arith.constant 0 : i32
    %dma_start3A_3 = arith.constant 0 : i32
    %dma_start3A_4 = tpu.memref_slice %arg7[%dma_start3A, %dma_start3A_3] : memref<80x125xi32, #tpu.memory_space<vmem>> -> memref<1x125xi32, #tpu.memory_space<vmem>>
    %dma_start3A_5 = tpu.memref_squeeze %dma_start3A_4 : memref<1x125xi32, #tpu.memory_space<vmem>> -> memref<125xi32, #tpu.memory_space<vmem>>
    %dma_start3A_6 = arith.constant 0 : i32
    %dma_start3A_7 = arith.constant 0 : i32
    %dma_start3A_8 = tpu.memref_slice %arg2[%dma_start3A_6, %dma_start3A_7] : memref<10000x64xf32, #tpu.memory_space<hbm>> -> memref<10000x64xf32, #tpu.memory_space<hbm>>
    tpu.enqueue_indirect_dma source(%dma_start3A_8 : memref<10000x64xf32, #tpu.memory_space<hbm>>) target(%arg9 : memref<125x64xf32, #tpu.memory_space<vmem>>) offsets(%dma_start3A_5 : memref<125xi32, #tpu.memory_space<vmem>>) semaphore(%arg18 : memref<!tpu.dma_semaphore, #tpu.memory_space<semaphore_mem>>)
    %dma_start3A_9 = arith.constant 1 : i32
    %dma_start3A_10 = arith.constant 0 : i32
    %dma_start3A_11 = tpu.memref_slice %arg7[%dma_start3A_9, %dma_start3A_10] : memref<80x125xi32, #tpu.memory_space<vmem>> -> memref<1x125xi32, #tpu.memory_space<vmem>>
    %dma_start3A_12 = tpu.memref_squeeze %dma_start3A_11 : memref<1x125xi32, #tpu.memory_space<vmem>> -> memref<125xi32, #tpu.memory_space<vmem>>
    %dma_start3A_13 = arith.constant 0 : i32
    %dma_start3A_14 = arith.constant 0 : i32
    %dma_start3A_15 = tpu.memref_slice %arg2[%dma_start3A_13, %dma_start3A_14] : memref<10000x64xf32, #tpu.memory_space<hbm>> -> memref<10000x64xf32, #tpu.memory_space<hbm>>
    tpu.enqueue_indirect_dma source(%dma_start3A_15 : memref<10000x64xf32, #tpu.memory_space<hbm>>) target(%arg10 : memref<125x64xf32, #tpu.memory_space<vmem>>) offsets(%dma_start3A_12 : memref<125xi32, #tpu.memory_space<vmem>>) semaphore(%arg19 : memref<!tpu.dma_semaphore, #tpu.memory_space<semaphore_mem>>)
    %dma_start3A_16 = arith.constant 2 : i32
    %dma_start3A_17 = arith.constant 0 : i32
    %dma_start3A_18 = tpu.memref_slice %arg7[%dma_start3A_16, %dma_start3A_17] : memref<80x125xi32, #tpu.memory_space<vmem>> -> memref<1x125xi32, #tpu.memory_space<vmem>>
    %dma_start3A_19 = tpu.memref_squeeze %dma_start3A_18 : memref<1x125xi32, #tpu.memory_space<vmem>> -> memref<125xi32, #tpu.memory_space<vmem>>
    %dma_start3A_20 = arith.constant 0 : i32
    %dma_start3A_21 = arith.constant 0 : i32
    %dma_start3A_22 = tpu.memref_slice %arg2[%dma_start3A_20, %dma_start3A_21] : memref<10000x64xf32, #tpu.memory_space<hbm>> -> memref<10000x64xf32, #tpu.memory_space<hbm>>
    tpu.enqueue_indirect_dma source(%dma_start3A_22 : memref<10000x64xf32, #tpu.memory_space<hbm>>) target(%arg11 : memref<125x64xf32, #tpu.memory_space<vmem>>) offsets(%dma_start3A_19 : memref<125xi32, #tpu.memory_space<vmem>>) semaphore(%arg20 : memref<!tpu.dma_semaphore, #tpu.memory_space<semaphore_mem>>)
    %dma_start3A_23 = arith.constant 3 : i32
    %dma_start3A_24 = arith.constant 0 : i32
    %dma_start3A_25 = tpu.memref_slice %arg7[%dma_start3A_23, %dma_start3A_24] : memref<80x125xi32, #tpu.memory_space<vmem>> -> memref<1x125xi32, #tpu.memory_space<vmem>>
    %dma_start3A_26 = tpu.memref_squeeze %dma_start3A_25 : memref<1x125xi32, #tpu.memory_space<vmem>> -> memref<125xi32, #tpu.memory_space<vmem>>
    %dma_start3A_27 = arith.constant 0 : i32
    %dma_start3A_28 = arith.constant 0 : i32
    %dma_start3A_29 = tpu.memref_slice %arg2[%dma_start3A_27, %dma_start3A_28] : memref<10000x64xf32, #tpu.memory_space<hbm>> -> memref<10000x64xf32, #tpu.memory_space<hbm>>
    tpu.enqueue_indirect_dma source(%dma_start3A_29 : memref<10000x64xf32, #tpu.memory_space<hbm>>) target(%arg12 : memref<125x64xf32, #tpu.memory_space<vmem>>) offsets(%dma_start3A_26 : memref<125xi32, #tpu.memory_space<vmem>>) semaphore(%arg21 : memref<!tpu.dma_semaphore, #tpu.memory_space<semaphore_mem>>)
    "tpu.region"() ({
      %run_scoped3A = tpu.sem_alloc : memref<!tpu.dma_semaphore, #tpu.memory_space<semaphore_mem>>
      %dma_start3A_62 = arith.constant 0 : i32
      %dma_start3A_63 = tpu.memref_slice %arg17[%mul3A_2, %dma_start3A_62] : memref<10240x64xf32, #tpu.memory_space<vmem_shared>> -> memref<640x64xf32, #tpu.memory_space<vmem_shared>>
      %dma_start3A_64 = arith.constant 0 : i32
      %dma_start3A_65 = tpu.memref_slice %arg5[%mul3A_2, %dma_start3A_64] : memref<10240x64xf32, #tpu.memory_space<hbm>> -> memref<640x64xf32, #tpu.memory_space<hbm>>
      tpu.enqueue_dma source(%dma_start3A_65 : memref<640x64xf32, #tpu.memory_space<hbm>>) target(%dma_start3A_63 : memref<640x64xf32, #tpu.memory_space<vmem_shared>>) target_semaphore(%run_scoped3A : memref<!tpu.dma_semaphore, #tpu.memory_space<semaphore_mem>>)
      %dma_wait3A_66 = arith.constant 0 : i32
      %dma_wait3A_67 = tpu.memref_slice %arg17[%mul3A_2, %dma_wait3A_66] : memref<10240x64xf32, #tpu.memory_space<vmem_shared>> -> memref<640x64xf32, #tpu.memory_space<vmem_shared>>
      %dma_wait3A_68 = arith.constant 0 : i32
      %dma_wait3A_69 = tpu.memref_slice %arg5[%mul3A_2, %dma_wait3A_68] : memref<10240x64xf32, #tpu.memory_space<hbm>> -> memref<640x64xf32, #tpu.memory_space<hbm>>
      tpu.wait_dma2 semaphore(%run_scoped3A : memref<!tpu.dma_semaphore, #tpu.memory_space<semaphore_mem>>) src(%dma_wait3A_69 : memref<640x64xf32, #tpu.memory_space<hbm>>) dst(%dma_wait3A_67 : memref<640x64xf32, #tpu.memory_space<vmem_shared>>)
      tpu.yield
    }) : () -> ()
    "tpu.region"() ({
      %run_scoped3A = tpu.sem_alloc : memref<!tpu.dma_semaphore, #tpu.memory_space<semaphore_mem>>
      %dma_start3A_62 = arith.constant 0 : i32
      %dma_start3A_63 = arith.constant 0 : i32
      %dma_start3A_64 = tpu.memref_slice %arg4[%add3A, %dma_start3A_62, %dma_start3A_63] : memref<32x80x125xi32, #tpu.memory_space<hbm>> -> memref<1x80x125xi32, #tpu.memory_space<hbm>>
      %dma_start3A_65 = tpu.memref_squeeze %dma_start3A_64 : memref<1x80x125xi32, #tpu.memory_space<hbm>> -> memref<80x125xi32, #tpu.memory_space<hbm>>
      %dma_start3A_66 = arith.constant 0 : i32
      %dma_start3A_67 = arith.constant 0 : i32
      %dma_start3A_68 = tpu.memref_slice %arg4[%add3A, %dma_start3A_66, %dma_start3A_67] : memref<32x80x125xi32, #tpu.memory_space<hbm>> -> memref<1x80x125xi32, #tpu.memory_space<hbm>>
      %dma_start3A_69 = tpu.memref_squeeze %dma_start3A_68 : memref<1x80x125xi32, #tpu.memory_space<hbm>> -> memref<80x125xi32, #tpu.memory_space<hbm>>
      tpu.enqueue_dma source(%dma_start3A_69 : memref<80x125xi32, #tpu.memory_space<hbm>>) target(%arg8 : memref<80x125xi32, #tpu.memory_space<vmem>>) target_semaphore(%run_scoped3A : memref<!tpu.dma_semaphore, #tpu.memory_space<semaphore_mem>>)
      %dma_wait3A_70 = arith.constant 0 : i32
      %dma_wait3A_71 = arith.constant 0 : i32
      %dma_wait3A_72 = tpu.memref_slice %arg4[%add3A, %dma_wait3A_70, %dma_wait3A_71] : memref<32x80x125xi32, #tpu.memory_space<hbm>> -> memref<1x80x125xi32, #tpu.memory_space<hbm>>
      %dma_wait3A_73 = tpu.memref_squeeze %dma_wait3A_72 : memref<1x80x125xi32, #tpu.memory_space<hbm>> -> memref<80x125xi32, #tpu.memory_space<hbm>>
      %dma_wait3A_74 = arith.constant 0 : i32
      %dma_wait3A_75 = arith.constant 0 : i32
      %dma_wait3A_76 = tpu.memref_slice %arg4[%add3A, %dma_wait3A_74, %dma_wait3A_75] : memref<32x80x125xi32, #tpu.memory_space<hbm>> -> memref<1x80x125xi32, #tpu.memory_space<hbm>>
      %dma_wait3A_77 = tpu.memref_squeeze %dma_wait3A_76 : memref<1x80x125xi32, #tpu.memory_space<hbm>> -> memref<80x125xi32, #tpu.memory_space<hbm>>
      tpu.wait_dma2 semaphore(%run_scoped3A : memref<!tpu.dma_semaphore, #tpu.memory_space<semaphore_mem>>) src(%dma_wait3A_77 : memref<80x125xi32, #tpu.memory_space<hbm>>) dst(%arg8 : memref<80x125xi32, #tpu.memory_space<vmem>>)
      tpu.yield
    }) : () -> ()
    %barrier3A = arith.constant 0 : index
    tpu.barrier barrier_id(%barrier3A)
    %scan3A = arith.constant 0 : i32
    %scan3A_30 = arith.constant 10 : i32
    %scan3A_31 = arith.addi %scan3A, %scan3A_30 : i32
    %scan3A_32 = arith.constant 1 : i32
    scf.for %scan3A_62 = %scan3A to %scan3A_31 step %scan3A_32  : i32 {
      %mul3A_63 = arith.constant 2 : i32
      %mul3A_64 = arith.muli %mul3A_63, %scan3A_62 : i32
      %mul3A_65 = arith.constant 2 : i32
      %mul3A_66 = arith.muli %mul3A_65, %scan3A_62 : i32
      %add3A_67 = arith.constant 1 : i32
      %add3A_68 = arith.addi %mul3A_66, %add3A_67 : i32
      %gt3A = arith.constant 0 : i32
      %gt3A_69 = arith.cmpi sgt, %scan3A_62, %gt3A : i32
      %convert_element_type3A = arith.extui %gt3A_69 : i1 to i32
      %cond3A = arith.constant 0 : i32
      %cond3A_70 = arith.cmpi ne, %convert_element_type3A, %cond3A : i32
      scf.if %cond3A_70 {
        %sub3A = arith.constant 1 : i32
        %sub3A_315 = arith.subi %mul3A_64, %sub3A : i32
        %mul3A_316 = arith.constant 4 : i32
        %mul3A_317 = arith.muli %sub3A_315, %mul3A_316 : i32
        %add3A_318 = arith.constant 0 : i32
        %add3A_319 = arith.addi %mul3A_317, %add3A_318 : i32
        %dma_wait3A_320 = arith.constant 0 : i32
        %dma_wait3A_321 = tpu.memref_slice %arg8[%add3A_319, %dma_wait3A_320] : memref<80x125xi32, #tpu.memory_space<vmem>> -> memref<1x125xi32, #tpu.memory_space<vmem>>
        %dma_wait3A_322 = tpu.memref_squeeze %dma_wait3A_321 : memref<1x125xi32, #tpu.memory_space<vmem>> -> memref<125xi32, #tpu.memory_space<vmem>>
        %dma_wait3A_323 = arith.constant 0 : i32
        %dma_wait3A_324 = arith.constant 0 : i32
        %dma_wait3A_325 = tpu.memref_slice %arg17[%dma_wait3A_323, %dma_wait3A_324] : memref<10240x64xf32, #tpu.memory_space<vmem_shared>> -> memref<10240x64xf32, #tpu.memory_space<vmem_shared>>
        tpu.wait_indirect_dma semaphore(%arg30 : memref<!tpu.dma_semaphore, #tpu.memory_space<semaphore_mem>>) src(%arg13 : memref<125x64xf32, #tpu.memory_space<vmem>>) dst(%dma_wait3A_325 : memref<10240x64xf32, #tpu.memory_space<vmem_shared>>)
        %sub3A_326 = arith.constant 1 : i32
        %sub3A_327 = arith.subi %mul3A_64, %sub3A_326 : i32
        %mul3A_328 = arith.constant 4 : i32
        %mul3A_329 = arith.muli %sub3A_327, %mul3A_328 : i32
        %add3A_330 = arith.constant 1 : i32
        %add3A_331 = arith.addi %mul3A_329, %add3A_330 : i32
        %dma_wait3A_332 = arith.constant 0 : i32
        %dma_wait3A_333 = tpu.memref_slice %arg8[%add3A_331, %dma_wait3A_332] : memref<80x125xi32, #tpu.memory_space<vmem>> -> memref<1x125xi32, #tpu.memory_space<vmem>>
        %dma_wait3A_334 = tpu.memref_squeeze %dma_wait3A_333 : memref<1x125xi32, #tpu.memory_space<vmem>> -> memref<125xi32, #tpu.memory_space<vmem>>
        %dma_wait3A_335 = arith.constant 0 : i32
        %dma_wait3A_336 = arith.constant 0 : i32
        %dma_wait3A_337 = tpu.memref_slice %arg17[%dma_wait3A_335, %dma_wait3A_336] : memref<10240x64xf32, #tpu.memory_space<vmem_shared>> -> memref<10240x64xf32, #tpu.memory_space<vmem_shared>>
        tpu.wait_indirect_dma semaphore(%arg31 : memref<!tpu.dma_semaphore, #tpu.memory_space<semaphore_mem>>) src(%arg14 : memref<125x64xf32, #tpu.memory_space<vmem>>) dst(%dma_wait3A_337 : memref<10240x64xf32, #tpu.memory_space<vmem_shared>>)
        %sub3A_338 = arith.constant 1 : i32
        %sub3A_339 = arith.subi %mul3A_64, %sub3A_338 : i32
        %mul3A_340 = arith.constant 4 : i32
        %mul3A_341 = arith.muli %sub3A_339, %mul3A_340 : i32
        %add3A_342 = arith.constant 2 : i32
        %add3A_343 = arith.addi %mul3A_341, %add3A_342 : i32
        %dma_wait3A_344 = arith.constant 0 : i32
        %dma_wait3A_345 = tpu.memref_slice %arg8[%add3A_343, %dma_wait3A_344] : memref<80x125xi32, #tpu.memory_space<vmem>> -> memref<1x125xi32, #tpu.memory_space<vmem>>
        %dma_wait3A_346 = tpu.memref_squeeze %dma_wait3A_345 : memref<1x125xi32, #tpu.memory_space<vmem>> -> memref<125xi32, #tpu.memory_space<vmem>>
        %dma_wait3A_347 = arith.constant 0 : i32
        %dma_wait3A_348 = arith.constant 0 : i32
        %dma_wait3A_349 = tpu.memref_slice %arg17[%dma_wait3A_347, %dma_wait3A_348] : memref<10240x64xf32, #tpu.memory_space<vmem_shared>> -> memref<10240x64xf32, #tpu.memory_space<vmem_shared>>
        tpu.wait_indirect_dma semaphore(%arg32 : memref<!tpu.dma_semaphore, #tpu.memory_space<semaphore_mem>>) src(%arg15 : memref<125x64xf32, #tpu.memory_space<vmem>>) dst(%dma_wait3A_349 : memref<10240x64xf32, #tpu.memory_space<vmem_shared>>)
        %sub3A_350 = arith.constant 1 : i32
        %sub3A_351 = arith.subi %mul3A_64, %sub3A_350 : i32
        %mul3A_352 = arith.constant 4 : i32
        %mul3A_353 = arith.muli %sub3A_351, %mul3A_352 : i32
        %add3A_354 = arith.constant 3 : i32
        %add3A_355 = arith.addi %mul3A_353, %add3A_354 : i32
        %dma_wait3A_356 = arith.constant 0 : i32
        %dma_wait3A_357 = tpu.memref_slice %arg8[%add3A_355, %dma_wait3A_356] : memref<80x125xi32, #tpu.memory_space<vmem>> -> memref<1x125xi32, #tpu.memory_space<vmem>>
        %dma_wait3A_358 = tpu.memref_squeeze %dma_wait3A_357 : memref<1x125xi32, #tpu.memory_space<vmem>> -> memref<125xi32, #tpu.memory_space<vmem>>
        %dma_wait3A_359 = arith.constant 0 : i32
        %dma_wait3A_360 = arith.constant 0 : i32
        %dma_wait3A_361 = tpu.memref_slice %arg17[%dma_wait3A_359, %dma_wait3A_360] : memref<10240x64xf32, #tpu.memory_space<vmem_shared>> -> memref<10240x64xf32, #tpu.memory_space<vmem_shared>>
        tpu.wait_indirect_dma semaphore(%arg33 : memref<!tpu.dma_semaphore, #tpu.memory_space<semaphore_mem>>) src(%arg16 : memref<125x64xf32, #tpu.memory_space<vmem>>) dst(%dma_wait3A_361 : memref<10240x64xf32, #tpu.memory_space<vmem_shared>>)
      } else {
      }
      %mul3A_71 = arith.constant 4 : i32
      %mul3A_72 = arith.muli %add3A_68, %mul3A_71 : i32
      %add3A_73 = arith.constant 0 : i32
      %add3A_74 = arith.addi %mul3A_72, %add3A_73 : i32
      %dma_start3A_75 = arith.constant 0 : i32
      %dma_start3A_76 = tpu.memref_slice %arg7[%add3A_74, %dma_start3A_75] : memref<80x125xi32, #tpu.memory_space<vmem>> -> memref<1x125xi32, #tpu.memory_space<vmem>>
      %dma_start3A_77 = tpu.memref_squeeze %dma_start3A_76 : memref<1x125xi32, #tpu.memory_space<vmem>> -> memref<125xi32, #tpu.memory_space<vmem>>
      %dma_start3A_78 = arith.constant 0 : i32
      %dma_start3A_79 = arith.constant 0 : i32
      %dma_start3A_80 = tpu.memref_slice %arg2[%dma_start3A_78, %dma_start3A_79] : memref<10000x64xf32, #tpu.memory_space<hbm>> -> memref<10000x64xf32, #tpu.memory_space<hbm>>
      tpu.enqueue_indirect_dma source(%dma_start3A_80 : memref<10000x64xf32, #tpu.memory_space<hbm>>) target(%arg13 : memref<125x64xf32, #tpu.memory_space<vmem>>) offsets(%dma_start3A_77 : memref<125xi32, #tpu.memory_space<vmem>>) semaphore(%arg22 : memref<!tpu.dma_semaphore, #tpu.memory_space<semaphore_mem>>)
      %mul3A_81 = arith.constant 4 : i32
      %mul3A_82 = arith.muli %add3A_68, %mul3A_81 : i32
      %add3A_83 = arith.constant 1 : i32
      %add3A_84 = arith.addi %mul3A_82, %add3A_83 : i32
      %dma_start3A_85 = arith.constant 0 : i32
      %dma_start3A_86 = tpu.memref_slice %arg7[%add3A_84, %dma_start3A_85] : memref<80x125xi32, #tpu.memory_space<vmem>> -> memref<1x125xi32, #tpu.memory_space<vmem>>
      %dma_start3A_87 = tpu.memref_squeeze %dma_start3A_86 : memref<1x125xi32, #tpu.memory_space<vmem>> -> memref<125xi32, #tpu.memory_space<vmem>>
      %dma_start3A_88 = arith.constant 0 : i32
      %dma_start3A_89 = arith.constant 0 : i32
      %dma_start3A_90 = tpu.memref_slice %arg2[%dma_start3A_88, %dma_start3A_89] : memref<10000x64xf32, #tpu.memory_space<hbm>> -> memref<10000x64xf32, #tpu.memory_space<hbm>>
      tpu.enqueue_indirect_dma source(%dma_start3A_90 : memref<10000x64xf32, #tpu.memory_space<hbm>>) target(%arg14 : memref<125x64xf32, #tpu.memory_space<vmem>>) offsets(%dma_start3A_87 : memref<125xi32, #tpu.memory_space<vmem>>) semaphore(%arg23 : memref<!tpu.dma_semaphore, #tpu.memory_space<semaphore_mem>>)
      %mul3A_91 = arith.constant 4 : i32
      %mul3A_92 = arith.muli %add3A_68, %mul3A_91 : i32
      %add3A_93 = arith.constant 2 : i32
      %add3A_94 = arith.addi %mul3A_92, %add3A_93 : i32
      %dma_start3A_95 = arith.constant 0 : i32
      %dma_start3A_96 = tpu.memref_slice %arg7[%add3A_94, %dma_start3A_95] : memref<80x125xi32, #tpu.memory_space<vmem>> -> memref<1x125xi32, #tpu.memory_space<vmem>>
      %dma_start3A_97 = tpu.memref_squeeze %dma_start3A_96 : memref<1x125xi32, #tpu.memory_space<vmem>> -> memref<125xi32, #tpu.memory_space<vmem>>
      %dma_start3A_98 = arith.constant 0 : i32
      %dma_start3A_99 = arith.constant 0 : i32
      %dma_start3A_100 = tpu.memref_slice %arg2[%dma_start3A_98, %dma_start3A_99] : memref<10000x64xf32, #tpu.memory_space<hbm>> -> memref<10000x64xf32, #tpu.memory_space<hbm>>
      tpu.enqueue_indirect_dma source(%dma_start3A_100 : memref<10000x64xf32, #tpu.memory_space<hbm>>) target(%arg15 : memref<125x64xf32, #tpu.memory_space<vmem>>) offsets(%dma_start3A_97 : memref<125xi32, #tpu.memory_space<vmem>>) semaphore(%arg24 : memref<!tpu.dma_semaphore, #tpu.memory_space<semaphore_mem>>)
      %mul3A_101 = arith.constant 4 : i32
      %mul3A_102 = arith.muli %add3A_68, %mul3A_101 : i32
      %add3A_103 = arith.constant 3 : i32
      %add3A_104 = arith.addi %mul3A_102, %add3A_103 : i32
      %dma_start3A_105 = arith.constant 0 : i32
      %dma_start3A_106 = tpu.memref_slice %arg7[%add3A_104, %dma_start3A_105] : memref<80x125xi32, #tpu.memory_space<vmem>> -> memref<1x125xi32, #tpu.memory_space<vmem>>
      %dma_start3A_107 = tpu.memref_squeeze %dma_start3A_106 : memref<1x125xi32, #tpu.memory_space<vmem>> -> memref<125xi32, #tpu.memory_space<vmem>>
      %dma_start3A_108 = arith.constant 0 : i32
      %dma_start3A_109 = arith.constant 0 : i32
      %dma_start3A_110 = tpu.memref_slice %arg2[%dma_start3A_108, %dma_start3A_109] : memref<10000x64xf32, #tpu.memory_space<hbm>> -> memref<10000x64xf32, #tpu.memory_space<hbm>>
      tpu.enqueue_indirect_dma source(%dma_start3A_110 : memref<10000x64xf32, #tpu.memory_space<hbm>>) target(%arg16 : memref<125x64xf32, #tpu.memory_space<vmem>>) offsets(%dma_start3A_107 : memref<125xi32, #tpu.memory_space<vmem>>) semaphore(%arg25 : memref<!tpu.dma_semaphore, #tpu.memory_space<semaphore_mem>>)
      %mul3A_111 = arith.constant 4 : i32
      %mul3A_112 = arith.muli %mul3A_64, %mul3A_111 : i32
      %add3A_113 = arith.constant 0 : i32
      %add3A_114 = arith.addi %mul3A_112, %add3A_113 : i32
      %dma_wait3A_115 = arith.constant 0 : i32
      %dma_wait3A_116 = tpu.memref_slice %arg7[%add3A_114, %dma_wait3A_115] : memref<80x125xi32, #tpu.memory_space<vmem>> -> memref<1x125xi32, #tpu.memory_space<vmem>>
      %dma_wait3A_117 = tpu.memref_squeeze %dma_wait3A_116 : memref<1x125xi32, #tpu.memory_space<vmem>> -> memref<125xi32, #tpu.memory_space<vmem>>
      %dma_wait3A_118 = arith.constant 0 : i32
      %dma_wait3A_119 = arith.constant 0 : i32
      %dma_wait3A_120 = tpu.memref_slice %arg2[%dma_wait3A_118, %dma_wait3A_119] : memref<10000x64xf32, #tpu.memory_space<hbm>> -> memref<10000x64xf32, #tpu.memory_space<hbm>>
      tpu.wait_indirect_dma semaphore(%arg18 : memref<!tpu.dma_semaphore, #tpu.memory_space<semaphore_mem>>) src(%dma_wait3A_120 : memref<10000x64xf32, #tpu.memory_space<hbm>>) dst(%arg9 : memref<125x64xf32, #tpu.memory_space<vmem>>)
      %mul3A_121 = arith.constant 4 : i32
      %mul3A_122 = arith.muli %mul3A_64, %mul3A_121 : i32
      %add3A_123 = arith.constant 0 : i32
      %add3A_124 = arith.addi %mul3A_122, %add3A_123 : i32
      %dma_start3A_125 = arith.constant 0 : i32
      %dma_start3A_126 = tpu.memref_slice %arg8[%add3A_124, %dma_start3A_125] : memref<80x125xi32, #tpu.memory_space<vmem>> -> memref<1x125xi32, #tpu.memory_space<vmem>>
      %dma_start3A_127 = tpu.memref_squeeze %dma_start3A_126 : memref<1x125xi32, #tpu.memory_space<vmem>> -> memref<125xi32, #tpu.memory_space<vmem>>
      %dma_start3A_128 = arith.constant 0 : i32
      %dma_start3A_129 = arith.constant 0 : i32
      %dma_start3A_130 = tpu.memref_slice %arg17[%dma_start3A_128, %dma_start3A_129] : memref<10240x64xf32, #tpu.memory_space<vmem_shared>> -> memref<10240x64xf32, #tpu.memory_space<vmem_shared>>
      tpu.enqueue_indirect_dma source(%arg9 : memref<125x64xf32, #tpu.memory_space<vmem>>) target(%dma_start3A_130 : memref<10240x64xf32, #tpu.memory_space<vmem_shared>>) offsets(%dma_start3A_127 : memref<125xi32, #tpu.memory_space<vmem>>) semaphore(%arg26 : memref<!tpu.dma_semaphore, #tpu.memory_space<semaphore_mem>>) {add = true}
      %mul3A_131 = arith.constant 4 : i32
      %mul3A_132 = arith.muli %mul3A_64, %mul3A_131 : i32
      %add3A_133 = arith.constant 1 : i32
      %add3A_134 = arith.addi %mul3A_132, %add3A_133 : i32
      %dma_wait3A_135 = arith.constant 0 : i32
      %dma_wait3A_136 = tpu.memref_slice %arg7[%add3A_134, %dma_wait3A_135] : memref<80x125xi32, #tpu.memory_space<vmem>> -> memref<1x125xi32, #tpu.memory_space<vmem>>
      %dma_wait3A_137 = tpu.memref_squeeze %dma_wait3A_136 : memref<1x125xi32, #tpu.memory_space<vmem>> -> memref<125xi32, #tpu.memory_space<vmem>>
      %dma_wait3A_138 = arith.constant 0 : i32
      %dma_wait3A_139 = arith.constant 0 : i32
      %dma_wait3A_140 = tpu.memref_slice %arg2[%dma_wait3A_138, %dma_wait3A_139] : memref<10000x64xf32, #tpu.memory_space<hbm>> -> memref<10000x64xf32, #tpu.memory_space<hbm>>
      tpu.wait_indirect_dma semaphore(%arg19 : memref<!tpu.dma_semaphore, #tpu.memory_space<semaphore_mem>>) src(%dma_wait3A_140 : memref<10000x64xf32, #tpu.memory_space<hbm>>) dst(%arg10 : memref<125x64xf32, #tpu.memory_space<vmem>>)
      %mul3A_141 = arith.constant 4 : i32
      %mul3A_142 = arith.muli %mul3A_64, %mul3A_141 : i32
      %add3A_143 = arith.constant 1 : i32
      %add3A_144 = arith.addi %mul3A_142, %add3A_143 : i32
      %dma_start3A_145 = arith.constant 0 : i32
      %dma_start3A_146 = tpu.memref_slice %arg8[%add3A_144, %dma_start3A_145] : memref<80x125xi32, #tpu.memory_space<vmem>> -> memref<1x125xi32, #tpu.memory_space<vmem>>
      %dma_start3A_147 = tpu.memref_squeeze %dma_start3A_146 : memref<1x125xi32, #tpu.memory_space<vmem>> -> memref<125xi32, #tpu.memory_space<vmem>>
      %dma_start3A_148 = arith.constant 0 : i32
      %dma_start3A_149 = arith.constant 0 : i32
      %dma_start3A_150 = tpu.memref_slice %arg17[%dma_start3A_148, %dma_start3A_149] : memref<10240x64xf32, #tpu.memory_space<vmem_shared>> -> memref<10240x64xf32, #tpu.memory_space<vmem_shared>>
      tpu.enqueue_indirect_dma source(%arg10 : memref<125x64xf32, #tpu.memory_space<vmem>>) target(%dma_start3A_150 : memref<10240x64xf32, #tpu.memory_space<vmem_shared>>) offsets(%dma_start3A_147 : memref<125xi32, #tpu.memory_space<vmem>>) semaphore(%arg27 : memref<!tpu.dma_semaphore, #tpu.memory_space<semaphore_mem>>) {add = true}
      %mul3A_151 = arith.constant 4 : i32
      %mul3A_152 = arith.muli %mul3A_64, %mul3A_151 : i32
      %add3A_153 = arith.constant 2 : i32
      %add3A_154 = arith.addi %mul3A_152, %add3A_153 : i32
      %dma_wait3A_155 = arith.constant 0 : i32
      %dma_wait3A_156 = tpu.memref_slice %arg7[%add3A_154, %dma_wait3A_155] : memref<80x125xi32, #tpu.memory_space<vmem>> -> memref<1x125xi32, #tpu.memory_space<vmem>>
      %dma_wait3A_157 = tpu.memref_squeeze %dma_wait3A_156 : memref<1x125xi32, #tpu.memory_space<vmem>> -> memref<125xi32, #tpu.memory_space<vmem>>
      %dma_wait3A_158 = arith.constant 0 : i32
      %dma_wait3A_159 = arith.constant 0 : i32
      %dma_wait3A_160 = tpu.memref_slice %arg2[%dma_wait3A_158, %dma_wait3A_159] : memref<10000x64xf32, #tpu.memory_space<hbm>> -> memref<10000x64xf32, #tpu.memory_space<hbm>>
      tpu.wait_indirect_dma semaphore(%arg20 : memref<!tpu.dma_semaphore, #tpu.memory_space<semaphore_mem>>) src(%dma_wait3A_160 : memref<10000x64xf32, #tpu.memory_space<hbm>>) dst(%arg11 : memref<125x64xf32, #tpu.memory_space<vmem>>)
      %mul3A_161 = arith.constant 4 : i32
      %mul3A_162 = arith.muli %mul3A_64, %mul3A_161 : i32
      %add3A_163 = arith.constant 2 : i32
      %add3A_164 = arith.addi %mul3A_162, %add3A_163 : i32
      %dma_start3A_165 = arith.constant 0 : i32
      %dma_start3A_166 = tpu.memref_slice %arg8[%add3A_164, %dma_start3A_165] : memref<80x125xi32, #tpu.memory_space<vmem>> -> memref<1x125xi32, #tpu.memory_space<vmem>>
      %dma_start3A_167 = tpu.memref_squeeze %dma_start3A_166 : memref<1x125xi32, #tpu.memory_space<vmem>> -> memref<125xi32, #tpu.memory_space<vmem>>
      %dma_start3A_168 = arith.constant 0 : i32
      %dma_start3A_169 = arith.constant 0 : i32
      %dma_start3A_170 = tpu.memref_slice %arg17[%dma_start3A_168, %dma_start3A_169] : memref<10240x64xf32, #tpu.memory_space<vmem_shared>> -> memref<10240x64xf32, #tpu.memory_space<vmem_shared>>
      tpu.enqueue_indirect_dma source(%arg11 : memref<125x64xf32, #tpu.memory_space<vmem>>) target(%dma_start3A_170 : memref<10240x64xf32, #tpu.memory_space<vmem_shared>>) offsets(%dma_start3A_167 : memref<125xi32, #tpu.memory_space<vmem>>) semaphore(%arg28 : memref<!tpu.dma_semaphore, #tpu.memory_space<semaphore_mem>>) {add = true}
      %mul3A_171 = arith.constant 4 : i32
      %mul3A_172 = arith.muli %mul3A_64, %mul3A_171 : i32
      %add3A_173 = arith.constant 3 : i32
      %add3A_174 = arith.addi %mul3A_172, %add3A_173 : i32
      %dma_wait3A_175 = arith.constant 0 : i32
      %dma_wait3A_176 = tpu.memref_slice %arg7[%add3A_174, %dma_wait3A_175] : memref<80x125xi32, #tpu.memory_space<vmem>> -> memref<1x125xi32, #tpu.memory_space<vmem>>
      %dma_wait3A_177 = tpu.memref_squeeze %dma_wait3A_176 : memref<1x125xi32, #tpu.memory_space<vmem>> -> memref<125xi32, #tpu.memory_space<vmem>>
      %dma_wait3A_178 = arith.constant 0 : i32
      %dma_wait3A_179 = arith.constant 0 : i32
      %dma_wait3A_180 = tpu.memref_slice %arg2[%dma_wait3A_178, %dma_wait3A_179] : memref<10000x64xf32, #tpu.memory_space<hbm>> -> memref<10000x64xf32, #tpu.memory_space<hbm>>
      tpu.wait_indirect_dma semaphore(%arg21 : memref<!tpu.dma_semaphore, #tpu.memory_space<semaphore_mem>>) src(%dma_wait3A_180 : memref<10000x64xf32, #tpu.memory_space<hbm>>) dst(%arg12 : memref<125x64xf32, #tpu.memory_space<vmem>>)
      %mul3A_181 = arith.constant 4 : i32
      %mul3A_182 = arith.muli %mul3A_64, %mul3A_181 : i32
      %add3A_183 = arith.constant 3 : i32
      %add3A_184 = arith.addi %mul3A_182, %add3A_183 : i32
      %dma_start3A_185 = arith.constant 0 : i32
      %dma_start3A_186 = tpu.memref_slice %arg8[%add3A_184, %dma_start3A_185] : memref<80x125xi32, #tpu.memory_space<vmem>> -> memref<1x125xi32, #tpu.memory_space<vmem>>
      %dma_start3A_187 = tpu.memref_squeeze %dma_start3A_186 : memref<1x125xi32, #tpu.memory_space<vmem>> -> memref<125xi32, #tpu.memory_space<vmem>>
      %dma_start3A_188 = arith.constant 0 : i32
      %dma_start3A_189 = arith.constant 0 : i32
      %dma_start3A_190 = tpu.memref_slice %arg17[%dma_start3A_188, %dma_start3A_189] : memref<10240x64xf32, #tpu.memory_space<vmem_shared>> -> memref<10240x64xf32, #tpu.memory_space<vmem_shared>>
      tpu.enqueue_indirect_dma source(%arg12 : memref<125x64xf32, #tpu.memory_space<vmem>>) target(%dma_start3A_190 : memref<10240x64xf32, #tpu.memory_space<vmem_shared>>) offsets(%dma_start3A_187 : memref<125xi32, #tpu.memory_space<vmem>>) semaphore(%arg29 : memref<!tpu.dma_semaphore, #tpu.memory_space<semaphore_mem>>) {add = true}
      %mul3A_191 = arith.constant 4 : i32
      %mul3A_192 = arith.muli %add3A_68, %mul3A_191 : i32
      %add3A_193 = arith.constant 0 : i32
      %add3A_194 = arith.addi %mul3A_192, %add3A_193 : i32
      %dma_wait3A_195 = arith.constant 0 : i32
      %dma_wait3A_196 = tpu.memref_slice %arg7[%add3A_194, %dma_wait3A_195] : memref<80x125xi32, #tpu.memory_space<vmem>> -> memref<1x125xi32, #tpu.memory_space<vmem>>
      %dma_wait3A_197 = tpu.memref_squeeze %dma_wait3A_196 : memref<1x125xi32, #tpu.memory_space<vmem>> -> memref<125xi32, #tpu.memory_space<vmem>>
      %dma_wait3A_198 = arith.constant 0 : i32
      %dma_wait3A_199 = arith.constant 0 : i32
      %dma_wait3A_200 = tpu.memref_slice %arg2[%dma_wait3A_198, %dma_wait3A_199] : memref<10000x64xf32, #tpu.memory_space<hbm>> -> memref<10000x64xf32, #tpu.memory_space<hbm>>
      tpu.wait_indirect_dma semaphore(%arg22 : memref<!tpu.dma_semaphore, #tpu.memory_space<semaphore_mem>>) src(%dma_wait3A_200 : memref<10000x64xf32, #tpu.memory_space<hbm>>) dst(%arg13 : memref<125x64xf32, #tpu.memory_space<vmem>>)
      %mul3A_201 = arith.constant 4 : i32
      %mul3A_202 = arith.muli %add3A_68, %mul3A_201 : i32
      %add3A_203 = arith.constant 1 : i32
      %add3A_204 = arith.addi %mul3A_202, %add3A_203 : i32
      %dma_wait3A_205 = arith.constant 0 : i32
      %dma_wait3A_206 = tpu.memref_slice %arg7[%add3A_204, %dma_wait3A_205] : memref<80x125xi32, #tpu.memory_space<vmem>> -> memref<1x125xi32, #tpu.memory_space<vmem>>
      %dma_wait3A_207 = tpu.memref_squeeze %dma_wait3A_206 : memref<1x125xi32, #tpu.memory_space<vmem>> -> memref<125xi32, #tpu.memory_space<vmem>>
      %dma_wait3A_208 = arith.constant 0 : i32
      %dma_wait3A_209 = arith.constant 0 : i32
      %dma_wait3A_210 = tpu.memref_slice %arg2[%dma_wait3A_208, %dma_wait3A_209] : memref<10000x64xf32, #tpu.memory_space<hbm>> -> memref<10000x64xf32, #tpu.memory_space<hbm>>
      tpu.wait_indirect_dma semaphore(%arg23 : memref<!tpu.dma_semaphore, #tpu.memory_space<semaphore_mem>>) src(%dma_wait3A_210 : memref<10000x64xf32, #tpu.memory_space<hbm>>) dst(%arg14 : memref<125x64xf32, #tpu.memory_space<vmem>>)
      %mul3A_211 = arith.constant 4 : i32
      %mul3A_212 = arith.muli %add3A_68, %mul3A_211 : i32
      %add3A_213 = arith.constant 2 : i32
      %add3A_214 = arith.addi %mul3A_212, %add3A_213 : i32
      %dma_wait3A_215 = arith.constant 0 : i32
      %dma_wait3A_216 = tpu.memref_slice %arg7[%add3A_214, %dma_wait3A_215] : memref<80x125xi32, #tpu.memory_space<vmem>> -> memref<1x125xi32, #tpu.memory_space<vmem>>
      %dma_wait3A_217 = tpu.memref_squeeze %dma_wait3A_216 : memref<1x125xi32, #tpu.memory_space<vmem>> -> memref<125xi32, #tpu.memory_space<vmem>>
      %dma_wait3A_218 = arith.constant 0 : i32
      %dma_wait3A_219 = arith.constant 0 : i32
      %dma_wait3A_220 = tpu.memref_slice %arg2[%dma_wait3A_218, %dma_wait3A_219] : memref<10000x64xf32, #tpu.memory_space<hbm>> -> memref<10000x64xf32, #tpu.memory_space<hbm>>
      tpu.wait_indirect_dma semaphore(%arg24 : memref<!tpu.dma_semaphore, #tpu.memory_space<semaphore_mem>>) src(%dma_wait3A_220 : memref<10000x64xf32, #tpu.memory_space<hbm>>) dst(%arg15 : memref<125x64xf32, #tpu.memory_space<vmem>>)
      %mul3A_221 = arith.constant 4 : i32
      %mul3A_222 = arith.muli %add3A_68, %mul3A_221 : i32
      %add3A_223 = arith.constant 3 : i32
      %add3A_224 = arith.addi %mul3A_222, %add3A_223 : i32
      %dma_wait3A_225 = arith.constant 0 : i32
      %dma_wait3A_226 = tpu.memref_slice %arg7[%add3A_224, %dma_wait3A_225] : memref<80x125xi32, #tpu.memory_space<vmem>> -> memref<1x125xi32, #tpu.memory_space<vmem>>
      %dma_wait3A_227 = tpu.memref_squeeze %dma_wait3A_226 : memref<1x125xi32, #tpu.memory_space<vmem>> -> memref<125xi32, #tpu.memory_space<vmem>>
      %dma_wait3A_228 = arith.constant 0 : i32
      %dma_wait3A_229 = arith.constant 0 : i32
      %dma_wait3A_230 = tpu.memref_slice %arg2[%dma_wait3A_228, %dma_wait3A_229] : memref<10000x64xf32, #tpu.memory_space<hbm>> -> memref<10000x64xf32, #tpu.memory_space<hbm>>
      tpu.wait_indirect_dma semaphore(%arg25 : memref<!tpu.dma_semaphore, #tpu.memory_space<semaphore_mem>>) src(%dma_wait3A_230 : memref<10000x64xf32, #tpu.memory_space<hbm>>) dst(%arg16 : memref<125x64xf32, #tpu.memory_space<vmem>>)
      %mul3A_231 = arith.constant 4 : i32
      %mul3A_232 = arith.muli %mul3A_64, %mul3A_231 : i32
      %add3A_233 = arith.constant 0 : i32
      %add3A_234 = arith.addi %mul3A_232, %add3A_233 : i32
      %dma_wait3A_235 = arith.constant 0 : i32
      %dma_wait3A_236 = tpu.memref_slice %arg8[%add3A_234, %dma_wait3A_235] : memref<80x125xi32, #tpu.memory_space<vmem>> -> memref<1x125xi32, #tpu.memory_space<vmem>>
      %dma_wait3A_237 = tpu.memref_squeeze %dma_wait3A_236 : memref<1x125xi32, #tpu.memory_space<vmem>> -> memref<125xi32, #tpu.memory_space<vmem>>
      %dma_wait3A_238 = arith.constant 0 : i32
      %dma_wait3A_239 = arith.constant 0 : i32
      %dma_wait3A_240 = tpu.memref_slice %arg17[%dma_wait3A_238, %dma_wait3A_239] : memref<10240x64xf32, #tpu.memory_space<vmem_shared>> -> memref<10240x64xf32, #tpu.memory_space<vmem_shared>>
      tpu.wait_indirect_dma semaphore(%arg26 : memref<!tpu.dma_semaphore, #tpu.memory_space<semaphore_mem>>) src(%arg9 : memref<125x64xf32, #tpu.memory_space<vmem>>) dst(%dma_wait3A_240 : memref<10240x64xf32, #tpu.memory_space<vmem_shared>>)
      %mul3A_241 = arith.constant 4 : i32
      %mul3A_242 = arith.muli %mul3A_64, %mul3A_241 : i32
      %add3A_243 = arith.constant 1 : i32
      %add3A_244 = arith.addi %mul3A_242, %add3A_243 : i32
      %dma_wait3A_245 = arith.constant 0 : i32
      %dma_wait3A_246 = tpu.memref_slice %arg8[%add3A_244, %dma_wait3A_245] : memref<80x125xi32, #tpu.memory_space<vmem>> -> memref<1x125xi32, #tpu.memory_space<vmem>>
      %dma_wait3A_247 = tpu.memref_squeeze %dma_wait3A_246 : memref<1x125xi32, #tpu.memory_space<vmem>> -> memref<125xi32, #tpu.memory_space<vmem>>
      %dma_wait3A_248 = arith.constant 0 : i32
      %dma_wait3A_249 = arith.constant 0 : i32
      %dma_wait3A_250 = tpu.memref_slice %arg17[%dma_wait3A_248, %dma_wait3A_249] : memref<10240x64xf32, #tpu.memory_space<vmem_shared>> -> memref<10240x64xf32, #tpu.memory_space<vmem_shared>>
      tpu.wait_indirect_dma semaphore(%arg27 : memref<!tpu.dma_semaphore, #tpu.memory_space<semaphore_mem>>) src(%arg10 : memref<125x64xf32, #tpu.memory_space<vmem>>) dst(%dma_wait3A_250 : memref<10240x64xf32, #tpu.memory_space<vmem_shared>>)
      %mul3A_251 = arith.constant 4 : i32
      %mul3A_252 = arith.muli %mul3A_64, %mul3A_251 : i32
      %add3A_253 = arith.constant 2 : i32
      %add3A_254 = arith.addi %mul3A_252, %add3A_253 : i32
      %dma_wait3A_255 = arith.constant 0 : i32
      %dma_wait3A_256 = tpu.memref_slice %arg8[%add3A_254, %dma_wait3A_255] : memref<80x125xi32, #tpu.memory_space<vmem>> -> memref<1x125xi32, #tpu.memory_space<vmem>>
      %dma_wait3A_257 = tpu.memref_squeeze %dma_wait3A_256 : memref<1x125xi32, #tpu.memory_space<vmem>> -> memref<125xi32, #tpu.memory_space<vmem>>
      %dma_wait3A_258 = arith.constant 0 : i32
      %dma_wait3A_259 = arith.constant 0 : i32
      %dma_wait3A_260 = tpu.memref_slice %arg17[%dma_wait3A_258, %dma_wait3A_259] : memref<10240x64xf32, #tpu.memory_space<vmem_shared>> -> memref<10240x64xf32, #tpu.memory_space<vmem_shared>>
      tpu.wait_indirect_dma semaphore(%arg28 : memref<!tpu.dma_semaphore, #tpu.memory_space<semaphore_mem>>) src(%arg11 : memref<125x64xf32, #tpu.memory_space<vmem>>) dst(%dma_wait3A_260 : memref<10240x64xf32, #tpu.memory_space<vmem_shared>>)
      %mul3A_261 = arith.constant 4 : i32
      %mul3A_262 = arith.muli %mul3A_64, %mul3A_261 : i32
      %add3A_263 = arith.constant 3 : i32
      %add3A_264 = arith.addi %mul3A_262, %add3A_263 : i32
      %dma_wait3A_265 = arith.constant 0 : i32
      %dma_wait3A_266 = tpu.memref_slice %arg8[%add3A_264, %dma_wait3A_265] : memref<80x125xi32, #tpu.memory_space<vmem>> -> memref<1x125xi32, #tpu.memory_space<vmem>>
      %dma_wait3A_267 = tpu.memref_squeeze %dma_wait3A_266 : memref<1x125xi32, #tpu.memory_space<vmem>> -> memref<125xi32, #tpu.memory_space<vmem>>
      %dma_wait3A_268 = arith.constant 0 : i32
      %dma_wait3A_269 = arith.constant 0 : i32
      %dma_wait3A_270 = tpu.memref_slice %arg17[%dma_wait3A_268, %dma_wait3A_269] : memref<10240x64xf32, #tpu.memory_space<vmem_shared>> -> memref<10240x64xf32, #tpu.memory_space<vmem_shared>>
      tpu.wait_indirect_dma semaphore(%arg29 : memref<!tpu.dma_semaphore, #tpu.memory_space<semaphore_mem>>) src(%arg12 : memref<125x64xf32, #tpu.memory_space<vmem>>) dst(%dma_wait3A_270 : memref<10240x64xf32, #tpu.memory_space<vmem_shared>>)
      %lt3A = arith.constant 9 : i32
      %lt3A_271 = arith.cmpi slt, %scan3A_62, %lt3A : i32
      %convert_element_type3A_272 = arith.extui %lt3A_271 : i1 to i32
      %cond3A_273 = arith.constant 0 : i32
      %cond3A_274 = arith.cmpi ne, %convert_element_type3A_272, %cond3A_273 : i32
      scf.if %cond3A_274 {
        %add3A_315 = arith.constant 1 : i32
        %add3A_316 = arith.addi %add3A_68, %add3A_315 : i32
        %mul3A_317 = arith.constant 4 : i32
        %mul3A_318 = arith.muli %add3A_316, %mul3A_317 : i32
        %add3A_319 = arith.constant 0 : i32
        %add3A_320 = arith.addi %mul3A_318, %add3A_319 : i32
        %dma_start3A_321 = arith.constant 0 : i32
        %dma_start3A_322 = tpu.memref_slice %arg7[%add3A_320, %dma_start3A_321] : memref<80x125xi32, #tpu.memory_space<vmem>> -> memref<1x125xi32, #tpu.memory_space<vmem>>
        %dma_start3A_323 = tpu.memref_squeeze %dma_start3A_322 : memref<1x125xi32, #tpu.memory_space<vmem>> -> memref<125xi32, #tpu.memory_space<vmem>>
        %dma_start3A_324 = arith.constant 0 : i32
        %dma_start3A_325 = arith.constant 0 : i32
        %dma_start3A_326 = tpu.memref_slice %arg2[%dma_start3A_324, %dma_start3A_325] : memref<10000x64xf32, #tpu.memory_space<hbm>> -> memref<10000x64xf32, #tpu.memory_space<hbm>>
        tpu.enqueue_indirect_dma source(%dma_start3A_326 : memref<10000x64xf32, #tpu.memory_space<hbm>>) target(%arg9 : memref<125x64xf32, #tpu.memory_space<vmem>>) offsets(%dma_start3A_323 : memref<125xi32, #tpu.memory_space<vmem>>) semaphore(%arg18 : memref<!tpu.dma_semaphore, #tpu.memory_space<semaphore_mem>>)
        %add3A_327 = arith.constant 1 : i32
        %add3A_328 = arith.addi %add3A_68, %add3A_327 : i32
        %mul3A_329 = arith.constant 4 : i32
        %mul3A_330 = arith.muli %add3A_328, %mul3A_329 : i32
        %add3A_331 = arith.constant 1 : i32
        %add3A_332 = arith.addi %mul3A_330, %add3A_331 : i32
        %dma_start3A_333 = arith.constant 0 : i32
        %dma_start3A_334 = tpu.memref_slice %arg7[%add3A_332, %dma_start3A_333] : memref<80x125xi32, #tpu.memory_space<vmem>> -> memref<1x125xi32, #tpu.memory_space<vmem>>
        %dma_start3A_335 = tpu.memref_squeeze %dma_start3A_334 : memref<1x125xi32, #tpu.memory_space<vmem>> -> memref<125xi32, #tpu.memory_space<vmem>>
        %dma_start3A_336 = arith.constant 0 : i32
        %dma_start3A_337 = arith.constant 0 : i32
        %dma_start3A_338 = tpu.memref_slice %arg2[%dma_start3A_336, %dma_start3A_337] : memref<10000x64xf32, #tpu.memory_space<hbm>> -> memref<10000x64xf32, #tpu.memory_space<hbm>>
        tpu.enqueue_indirect_dma source(%dma_start3A_338 : memref<10000x64xf32, #tpu.memory_space<hbm>>) target(%arg10 : memref<125x64xf32, #tpu.memory_space<vmem>>) offsets(%dma_start3A_335 : memref<125xi32, #tpu.memory_space<vmem>>) semaphore(%arg19 : memref<!tpu.dma_semaphore, #tpu.memory_space<semaphore_mem>>)
        %add3A_339 = arith.constant 1 : i32
        %add3A_340 = arith.addi %add3A_68, %add3A_339 : i32
        %mul3A_341 = arith.constant 4 : i32
        %mul3A_342 = arith.muli %add3A_340, %mul3A_341 : i32
        %add3A_343 = arith.constant 2 : i32
        %add3A_344 = arith.addi %mul3A_342, %add3A_343 : i32
        %dma_start3A_345 = arith.constant 0 : i32
        %dma_start3A_346 = tpu.memref_slice %arg7[%add3A_344, %dma_start3A_345] : memref<80x125xi32, #tpu.memory_space<vmem>> -> memref<1x125xi32, #tpu.memory_space<vmem>>
        %dma_start3A_347 = tpu.memref_squeeze %dma_start3A_346 : memref<1x125xi32, #tpu.memory_space<vmem>> -> memref<125xi32, #tpu.memory_space<vmem>>
        %dma_start3A_348 = arith.constant 0 : i32
        %dma_start3A_349 = arith.constant 0 : i32
        %dma_start3A_350 = tpu.memref_slice %arg2[%dma_start3A_348, %dma_start3A_349] : memref<10000x64xf32, #tpu.memory_space<hbm>> -> memref<10000x64xf32, #tpu.memory_space<hbm>>
        tpu.enqueue_indirect_dma source(%dma_start3A_350 : memref<10000x64xf32, #tpu.memory_space<hbm>>) target(%arg11 : memref<125x64xf32, #tpu.memory_space<vmem>>) offsets(%dma_start3A_347 : memref<125xi32, #tpu.memory_space<vmem>>) semaphore(%arg20 : memref<!tpu.dma_semaphore, #tpu.memory_space<semaphore_mem>>)
        %add3A_351 = arith.constant 1 : i32
        %add3A_352 = arith.addi %add3A_68, %add3A_351 : i32
        %mul3A_353 = arith.constant 4 : i32
        %mul3A_354 = arith.muli %add3A_352, %mul3A_353 : i32
        %add3A_355 = arith.constant 3 : i32
        %add3A_356 = arith.addi %mul3A_354, %add3A_355 : i32
        %dma_start3A_357 = arith.constant 0 : i32
        %dma_start3A_358 = tpu.memref_slice %arg7[%add3A_356, %dma_start3A_357] : memref<80x125xi32, #tpu.memory_space<vmem>> -> memref<1x125xi32, #tpu.memory_space<vmem>>
        %dma_start3A_359 = tpu.memref_squeeze %dma_start3A_358 : memref<1x125xi32, #tpu.memory_space<vmem>> -> memref<125xi32, #tpu.memory_space<vmem>>
        %dma_start3A_360 = arith.constant 0 : i32
        %dma_start3A_361 = arith.constant 0 : i32
        %dma_start3A_362 = tpu.memref_slice %arg2[%dma_start3A_360, %dma_start3A_361] : memref<10000x64xf32, #tpu.memory_space<hbm>> -> memref<10000x64xf32, #tpu.memory_space<hbm>>
        tpu.enqueue_indirect_dma source(%dma_start3A_362 : memref<10000x64xf32, #tpu.memory_space<hbm>>) target(%arg12 : memref<125x64xf32, #tpu.memory_space<vmem>>) offsets(%dma_start3A_359 : memref<125xi32, #tpu.memory_space<vmem>>) semaphore(%arg21 : memref<!tpu.dma_semaphore, #tpu.memory_space<semaphore_mem>>)
      } else {
      }
      %mul3A_275 = arith.constant 4 : i32
      %mul3A_276 = arith.muli %add3A_68, %mul3A_275 : i32
      %add3A_277 = arith.constant 0 : i32
      %add3A_278 = arith.addi %mul3A_276, %add3A_277 : i32
      %dma_start3A_279 = arith.constant 0 : i32
      %dma_start3A_280 = tpu.memref_slice %arg8[%add3A_278, %dma_start3A_279] : memref<80x125xi32, #tpu.memory_space<vmem>> -> memref<1x125xi32, #tpu.memory_space<vmem>>
      %dma_start3A_281 = tpu.memref_squeeze %dma_start3A_280 : memref<1x125xi32, #tpu.memory_space<vmem>> -> memref<125xi32, #tpu.memory_space<vmem>>
      %dma_start3A_282 = arith.constant 0 : i32
      %dma_start3A_283 = arith.constant 0 : i32
      %dma_start3A_284 = tpu.memref_slice %arg17[%dma_start3A_282, %dma_start3A_283] : memref<10240x64xf32, #tpu.memory_space<vmem_shared>> -> memref<10240x64xf32, #tpu.memory_space<vmem_shared>>
      tpu.enqueue_indirect_dma source(%arg13 : memref<125x64xf32, #tpu.memory_space<vmem>>) target(%dma_start3A_284 : memref<10240x64xf32, #tpu.memory_space<vmem_shared>>) offsets(%dma_start3A_281 : memref<125xi32, #tpu.memory_space<vmem>>) semaphore(%arg30 : memref<!tpu.dma_semaphore, #tpu.memory_space<semaphore_mem>>) {add = true}
      %mul3A_285 = arith.constant 4 : i32
      %mul3A_286 = arith.muli %add3A_68, %mul3A_285 : i32
      %add3A_287 = arith.constant 1 : i32
      %add3A_288 = arith.addi %mul3A_286, %add3A_287 : i32
      %dma_start3A_289 = arith.constant 0 : i32
      %dma_start3A_290 = tpu.memref_slice %arg8[%add3A_288, %dma_start3A_289] : memref<80x125xi32, #tpu.memory_space<vmem>> -> memref<1x125xi32, #tpu.memory_space<vmem>>
      %dma_start3A_291 = tpu.memref_squeeze %dma_start3A_290 : memref<1x125xi32, #tpu.memory_space<vmem>> -> memref<125xi32, #tpu.memory_space<vmem>>
      %dma_start3A_292 = arith.constant 0 : i32
      %dma_start3A_293 = arith.constant 0 : i32
      %dma_start3A_294 = tpu.memref_slice %arg17[%dma_start3A_292, %dma_start3A_293] : memref<10240x64xf32, #tpu.memory_space<vmem_shared>> -> memref<10240x64xf32, #tpu.memory_space<vmem_shared>>
      tpu.enqueue_indirect_dma source(%arg14 : memref<125x64xf32, #tpu.memory_space<vmem>>) target(%dma_start3A_294 : memref<10240x64xf32, #tpu.memory_space<vmem_shared>>) offsets(%dma_start3A_291 : memref<125xi32, #tpu.memory_space<vmem>>) semaphore(%arg31 : memref<!tpu.dma_semaphore, #tpu.memory_space<semaphore_mem>>) {add = true}
      %mul3A_295 = arith.constant 4 : i32
      %mul3A_296 = arith.muli %add3A_68, %mul3A_295 : i32
      %add3A_297 = arith.constant 2 : i32
      %add3A_298 = arith.addi %mul3A_296, %add3A_297 : i32
      %dma_start3A_299 = arith.constant 0 : i32
      %dma_start3A_300 = tpu.memref_slice %arg8[%add3A_298, %dma_start3A_299] : memref<80x125xi32, #tpu.memory_space<vmem>> -> memref<1x125xi32, #tpu.memory_space<vmem>>
      %dma_start3A_301 = tpu.memref_squeeze %dma_start3A_300 : memref<1x125xi32, #tpu.memory_space<vmem>> -> memref<125xi32, #tpu.memory_space<vmem>>
      %dma_start3A_302 = arith.constant 0 : i32
      %dma_start3A_303 = arith.constant 0 : i32
      %dma_start3A_304 = tpu.memref_slice %arg17[%dma_start3A_302, %dma_start3A_303] : memref<10240x64xf32, #tpu.memory_space<vmem_shared>> -> memref<10240x64xf32, #tpu.memory_space<vmem_shared>>
      tpu.enqueue_indirect_dma source(%arg15 : memref<125x64xf32, #tpu.memory_space<vmem>>) target(%dma_start3A_304 : memref<10240x64xf32, #tpu.memory_space<vmem_shared>>) offsets(%dma_start3A_301 : memref<125xi32, #tpu.memory_space<vmem>>) semaphore(%arg32 : memref<!tpu.dma_semaphore, #tpu.memory_space<semaphore_mem>>) {add = true}
      %mul3A_305 = arith.constant 4 : i32
      %mul3A_306 = arith.muli %add3A_68, %mul3A_305 : i32
      %add3A_307 = arith.constant 3 : i32
      %add3A_308 = arith.addi %mul3A_306, %add3A_307 : i32
      %dma_start3A_309 = arith.constant 0 : i32
      %dma_start3A_310 = tpu.memref_slice %arg8[%add3A_308, %dma_start3A_309] : memref<80x125xi32, #tpu.memory_space<vmem>> -> memref<1x125xi32, #tpu.memory_space<vmem>>
      %dma_start3A_311 = tpu.memref_squeeze %dma_start3A_310 : memref<1x125xi32, #tpu.memory_space<vmem>> -> memref<125xi32, #tpu.memory_space<vmem>>
      %dma_start3A_312 = arith.constant 0 : i32
      %dma_start3A_313 = arith.constant 0 : i32
      %dma_start3A_314 = tpu.memref_slice %arg17[%dma_start3A_312, %dma_start3A_313] : memref<10240x64xf32, #tpu.memory_space<vmem_shared>> -> memref<10240x64xf32, #tpu.memory_space<vmem_shared>>
      tpu.enqueue_indirect_dma source(%arg16 : memref<125x64xf32, #tpu.memory_space<vmem>>) target(%dma_start3A_314 : memref<10240x64xf32, #tpu.memory_space<vmem_shared>>) offsets(%dma_start3A_311 : memref<125xi32, #tpu.memory_space<vmem>>) semaphore(%arg33 : memref<!tpu.dma_semaphore, #tpu.memory_space<semaphore_mem>>) {add = true}
    }
    %scan3A_33 = arith.constant 10 : i32
    %dma_wait3A = arith.constant 76 : i32
    %dma_wait3A_34 = arith.constant 0 : i32
    %dma_wait3A_35 = tpu.memref_slice %arg8[%dma_wait3A, %dma_wait3A_34] : memref<80x125xi32, #tpu.memory_space<vmem>> -> memref<1x125xi32, #tpu.memory_space<vmem>>
    %dma_wait3A_36 = tpu.memref_squeeze %dma_wait3A_35 : memref<1x125xi32, #tpu.memory_space<vmem>> -> memref<125xi32, #tpu.memory_space<vmem>>
    %dma_wait3A_37 = arith.constant 0 : i32
    %dma_wait3A_38 = arith.constant 0 : i32
    %dma_wait3A_39 = tpu.memref_slice %arg17[%dma_wait3A_37, %dma_wait3A_38] : memref<10240x64xf32, #tpu.memory_space<vmem_shared>> -> memref<10240x64xf32, #tpu.memory_space<vmem_shared>>
    tpu.wait_indirect_dma semaphore(%arg30 : memref<!tpu.dma_semaphore, #tpu.memory_space<semaphore_mem>>) src(%arg13 : memref<125x64xf32, #tpu.memory_space<vmem>>) dst(%dma_wait3A_39 : memref<10240x64xf32, #tpu.memory_space<vmem_shared>>)
    %dma_wait3A_40 = arith.constant 77 : i32
    %dma_wait3A_41 = arith.constant 0 : i32
    %dma_wait3A_42 = tpu.memref_slice %arg8[%dma_wait3A_40, %dma_wait3A_41] : memref<80x125xi32, #tpu.memory_space<vmem>> -> memref<1x125xi32, #tpu.memory_space<vmem>>
    %dma_wait3A_43 = tpu.memref_squeeze %dma_wait3A_42 : memref<1x125xi32, #tpu.memory_space<vmem>> -> memref<125xi32, #tpu.memory_space<vmem>>
    %dma_wait3A_44 = arith.constant 0 : i32
    %dma_wait3A_45 = arith.constant 0 : i32
    %dma_wait3A_46 = tpu.memref_slice %arg17[%dma_wait3A_44, %dma_wait3A_45] : memref<10240x64xf32, #tpu.memory_space<vmem_shared>> -> memref<10240x64xf32, #tpu.memory_space<vmem_shared>>
    tpu.wait_indirect_dma semaphore(%arg31 : memref<!tpu.dma_semaphore, #tpu.memory_space<semaphore_mem>>) src(%arg14 : memref<125x64xf32, #tpu.memory_space<vmem>>) dst(%dma_wait3A_46 : memref<10240x64xf32, #tpu.memory_space<vmem_shared>>)
    %dma_wait3A_47 = arith.constant 78 : i32
    %dma_wait3A_48 = arith.constant 0 : i32
    %dma_wait3A_49 = tpu.memref_slice %arg8[%dma_wait3A_47, %dma_wait3A_48] : memref<80x125xi32, #tpu.memory_space<vmem>> -> memref<1x125xi32, #tpu.memory_space<vmem>>
    %dma_wait3A_50 = tpu.memref_squeeze %dma_wait3A_49 : memref<1x125xi32, #tpu.memory_space<vmem>> -> memref<125xi32, #tpu.memory_space<vmem>>
    %dma_wait3A_51 = arith.constant 0 : i32
    %dma_wait3A_52 = arith.constant 0 : i32
    %dma_wait3A_53 = tpu.memref_slice %arg17[%dma_wait3A_51, %dma_wait3A_52] : memref<10240x64xf32, #tpu.memory_space<vmem_shared>> -> memref<10240x64xf32, #tpu.memory_space<vmem_shared>>
    tpu.wait_indirect_dma semaphore(%arg32 : memref<!tpu.dma_semaphore, #tpu.memory_space<semaphore_mem>>) src(%arg15 : memref<125x64xf32, #tpu.memory_space<vmem>>) dst(%dma_wait3A_53 : memref<10240x64xf32, #tpu.memory_space<vmem_shared>>)
    %dma_wait3A_54 = arith.constant 79 : i32
    %dma_wait3A_55 = arith.constant 0 : i32
    %dma_wait3A_56 = tpu.memref_slice %arg8[%dma_wait3A_54, %dma_wait3A_55] : memref<80x125xi32, #tpu.memory_space<vmem>> -> memref<1x125xi32, #tpu.memory_space<vmem>>
    %dma_wait3A_57 = tpu.memref_squeeze %dma_wait3A_56 : memref<1x125xi32, #tpu.memory_space<vmem>> -> memref<125xi32, #tpu.memory_space<vmem>>
    %dma_wait3A_58 = arith.constant 0 : i32
    %dma_wait3A_59 = arith.constant 0 : i32
    %dma_wait3A_60 = tpu.memref_slice %arg17[%dma_wait3A_58, %dma_wait3A_59] : memref<10240x64xf32, #tpu.memory_space<vmem_shared>> -> memref<10240x64xf32, #tpu.memory_space<vmem_shared>>
    tpu.wait_indirect_dma semaphore(%arg33 : memref<!tpu.dma_semaphore, #tpu.memory_space<semaphore_mem>>) src(%arg16 : memref<125x64xf32, #tpu.memory_space<vmem>>) dst(%dma_wait3A_60 : memref<10240x64xf32, #tpu.memory_space<vmem_shared>>)
    %barrier3A_61 = arith.constant 0 : index
    tpu.barrier barrier_id(%barrier3A_61)
    "tpu.region"() ({
      %run_scoped3A = tpu.sem_alloc : memref<!tpu.dma_semaphore, #tpu.memory_space<semaphore_mem>>
      %dma_start3A_62 = arith.constant 0 : i32
      %dma_start3A_63 = tpu.memref_slice %arg6[%arg0, %mul3A_2, %dma_start3A_62] : memref<2x10240x64xf32, #tpu.memory_space<hbm>> -> memref<1x640x64xf32, #tpu.memory_space<hbm>>
      %dma_start3A_64 = tpu.memref_squeeze %dma_start3A_63 : memref<1x640x64xf32, #tpu.memory_space<hbm>> -> memref<640x64xf32, #tpu.memory_space<hbm>>
      %dma_start3A_65 = arith.constant 0 : i32
      %dma_start3A_66 = tpu.memref_slice %arg17[%mul3A_2, %dma_start3A_65] : memref<10240x64xf32, #tpu.memory_space<vmem_shared>> -> memref<640x64xf32, #tpu.memory_space<vmem_shared>>
      tpu.enqueue_dma source(%dma_start3A_66 : memref<640x64xf32, #tpu.memory_space<vmem_shared>>) target(%dma_start3A_64 : memref<640x64xf32, #tpu.memory_space<hbm>>) target_semaphore(%run_scoped3A : memref<!tpu.dma_semaphore, #tpu.memory_space<semaphore_mem>>)
      %dma_wait3A_67 = arith.constant 0 : i32
      %dma_wait3A_68 = tpu.memref_slice %arg6[%arg0, %mul3A_2, %dma_wait3A_67] : memref<2x10240x64xf32, #tpu.memory_space<hbm>> -> memref<1x640x64xf32, #tpu.memory_space<hbm>>
      %dma_wait3A_69 = tpu.memref_squeeze %dma_wait3A_68 : memref<1x640x64xf32, #tpu.memory_space<hbm>> -> memref<640x64xf32, #tpu.memory_space<hbm>>
      %dma_wait3A_70 = arith.constant 0 : i32
      %dma_wait3A_71 = tpu.memref_slice %arg17[%mul3A_2, %dma_wait3A_70] : memref<10240x64xf32, #tpu.memory_space<vmem_shared>> -> memref<640x64xf32, #tpu.memory_space<vmem_shared>>
      tpu.wait_dma2 semaphore(%run_scoped3A : memref<!tpu.dma_semaphore, #tpu.memory_space<semaphore_mem>>) src(%dma_wait3A_71 : memref<640x64xf32, #tpu.memory_space<vmem_shared>>) dst(%dma_wait3A_69 : memref<640x64xf32, #tpu.memory_space<hbm>>)
      tpu.yield
    }) : () -> ()
    return
  }
}

#map = affine_map<(d0, d1) -> (0, 0)>
#map1 = affine_map<(d0, d1) -> (0, 0, 0)>
module attributes {stable_mosaic.version = 14 : i64} {
  func.func @_scat_sc(%arg0: i32, %arg1: i32, %arg2: memref<10000x64xf32, #tpu.memory_space<hbm>>, %arg3: memref<32x80x125xi32, #tpu.memory_space<hbm>>, %arg4: memref<32x80x125xi32, #tpu.memory_space<hbm>>, %arg5: memref<10240x64xf32, #tpu.memory_space<hbm>>, %arg6: memref<2x10240x64xf32, #tpu.memory_space<hbm>>, %arg7: memref<80x125xi32, #tpu.memory_space<vmem>>, %arg8: memref<80x125xi32, #tpu.memory_space<vmem>>, %arg9: memref<125x64xf32, #tpu.memory_space<vmem>>, %arg10: memref<125x64xf32, #tpu.memory_space<vmem>>, %arg11: memref<125x64xf32, #tpu.memory_space<vmem>>, %arg12: memref<125x64xf32, #tpu.memory_space<vmem>>, %arg13: memref<125x64xf32, #tpu.memory_space<vmem>>, %arg14: memref<125x64xf32, #tpu.memory_space<vmem>>, %arg15: memref<125x64xf32, #tpu.memory_space<vmem>>, %arg16: memref<125x64xf32, #tpu.memory_space<vmem>>, %arg17: memref<10240x64xf32, #tpu.memory_space<vmem_shared>>, %arg18: memref<!tpu.dma_semaphore, #tpu.memory_space<semaphore_mem>>, %arg19: memref<!tpu.dma_semaphore, #tpu.memory_space<semaphore_mem>>, %arg20: memref<!tpu.dma_semaphore, #tpu.memory_space<semaphore_mem>>, %arg21: memref<!tpu.dma_semaphore, #tpu.memory_space<semaphore_mem>>, %arg22: memref<!tpu.dma_semaphore, #tpu.memory_space<semaphore_mem>>, %arg23: memref<!tpu.dma_semaphore, #tpu.memory_space<semaphore_mem>>, %arg24: memref<!tpu.dma_semaphore, #tpu.memory_space<semaphore_mem>>, %arg25: memref<!tpu.dma_semaphore, #tpu.memory_space<semaphore_mem>>, %arg26: memref<!tpu.dma_semaphore, #tpu.memory_space<semaphore_mem>>, %arg27: memref<!tpu.dma_semaphore, #tpu.memory_space<semaphore_mem>>, %arg28: memref<!tpu.dma_semaphore, #tpu.memory_space<semaphore_mem>>, %arg29: memref<!tpu.dma_semaphore, #tpu.memory_space<semaphore_mem>>, %arg30: memref<!tpu.dma_semaphore, #tpu.memory_space<semaphore_mem>>, %arg31: memref<!tpu.dma_semaphore, #tpu.memory_space<semaphore_mem>>, %arg32: memref<!tpu.dma_semaphore, #tpu.memory_space<semaphore_mem>>, %arg33: memref<!tpu.dma_semaphore, #tpu.memory_space<semaphore_mem>>) attributes {dimension_semantics = [#tpu.dimension_semantics<core_parallel>, #tpu.dimension_semantics<subcore_parallel>], iteration_bounds = array<i64: 2, 16>, scalar_prefetch = 0 : i64, scratch_operands = 27 : i64, tpu.core_type = #tpu.core_type<sc_vector_subcore>, window_params = [{transform_indices = #map}, {transform_indices = #map1}, {transform_indices = #map1}, {transform_indices = #map}, {transform_indices = #map1}]} {
    %mul3A = arith.constant 2 : i32
    %mul3A_0 = arith.muli %arg1, %mul3A : i32
    %add3A = arith.addi %mul3A_0, %arg0 : i32
    %mul3A_1 = arith.constant 640 : i32
    %mul3A_2 = arith.muli %arg1, %mul3A_1 : i32
    "tpu.region"() ({
      %run_scoped3A = tpu.sem_alloc : memref<!tpu.dma_semaphore, #tpu.memory_space<semaphore_mem>>
      %dma_start3A_62 = arith.constant 0 : i32
      %dma_start3A_63 = arith.constant 0 : i32
      %dma_start3A_64 = tpu.memref_slice %arg3[%add3A, %dma_start3A_62, %dma_start3A_63] : memref<32x80x125xi32, #tpu.memory_space<hbm>> -> memref<1x80x125xi32, #tpu.memory_space<hbm>>
      %dma_start3A_65 = tpu.memref_squeeze %dma_start3A_64 : memref<1x80x125xi32, #tpu.memory_space<hbm>> -> memref<80x125xi32, #tpu.memory_space<hbm>>
      %dma_start3A_66 = arith.constant 0 : i32
      %dma_start3A_67 = arith.constant 0 : i32
      %dma_start3A_68 = tpu.memref_slice %arg3[%add3A, %dma_start3A_66, %dma_start3A_67] : memref<32x80x125xi32, #tpu.memory_space<hbm>> -> memref<1x80x125xi32, #tpu.memory_space<hbm>>
      %dma_start3A_69 = tpu.memref_squeeze %dma_start3A_68 : memref<1x80x125xi32, #tpu.memory_space<hbm>> -> memref<80x125xi32, #tpu.memory_space<hbm>>
      tpu.enqueue_dma source(%dma_start3A_69 : memref<80x125xi32, #tpu.memory_space<hbm>>) target(%arg7 : memref<80x125xi32, #tpu.memory_space<vmem>>) target_semaphore(%run_scoped3A : memref<!tpu.dma_semaphore, #tpu.memory_space<semaphore_mem>>)
      %dma_wait3A_70 = arith.constant 0 : i32
      %dma_wait3A_71 = arith.constant 0 : i32
      %dma_wait3A_72 = tpu.memref_slice %arg3[%add3A, %dma_wait3A_70, %dma_wait3A_71] : memref<32x80x125xi32, #tpu.memory_space<hbm>> -> memref<1x80x125xi32, #tpu.memory_space<hbm>>
      %dma_wait3A_73 = tpu.memref_squeeze %dma_wait3A_72 : memref<1x80x125xi32, #tpu.memory_space<hbm>> -> memref<80x125xi32, #tpu.memory_space<hbm>>
      %dma_wait3A_74 = arith.constant 0 : i32
      %dma_wait3A_75 = arith.constant 0 : i32
      %dma_wait3A_76 = tpu.memref_slice %arg3[%add3A, %dma_wait3A_74, %dma_wait3A_75] : memref<32x80x125xi32, #tpu.memory_space<hbm>> -> memref<1x80x125xi32, #tpu.memory_space<hbm>>
      %dma_wait3A_77 = tpu.memref_squeeze %dma_wait3A_76 : memref<1x80x125xi32, #tpu.memory_space<hbm>> -> memref<80x125xi32, #tpu.memory_space<hbm>>
      tpu.wait_dma2 semaphore(%run_scoped3A : memref<!tpu.dma_semaphore, #tpu.memory_space<semaphore_mem>>) src(%dma_wait3A_77 : memref<80x125xi32, #tpu.memory_space<hbm>>) dst(%arg7 : memref<80x125xi32, #tpu.memory_space<vmem>>)
      tpu.yield
    }) : () -> ()
    %dma_start3A = arith.constant 0 : i32
    %dma_start3A_3 = arith.constant 0 : i32
    %dma_start3A_4 = tpu.memref_slice %arg7[%dma_start3A, %dma_start3A_3] : memref<80x125xi32, #tpu.memory_space<vmem>> -> memref<1x125xi32, #tpu.memory_space<vmem>>
    %dma_start3A_5 = tpu.memref_squeeze %dma_start3A_4 : memref<1x125xi32, #tpu.memory_space<vmem>> -> memref<125xi32, #tpu.memory_space<vmem>>
    %dma_start3A_6 = arith.constant 0 : i32
    %dma_start3A_7 = arith.constant 0 : i32
    %dma_start3A_8 = tpu.memref_slice %arg2[%dma_start3A_6, %dma_start3A_7] : memref<10000x64xf32, #tpu.memory_space<hbm>> -> memref<10000x64xf32, #tpu.memory_space<hbm>>
    tpu.enqueue_indirect_dma source(%dma_start3A_8 : memref<10000x64xf32, #tpu.memory_space<hbm>>) target(%arg9 : memref<125x64xf32, #tpu.memory_space<vmem>>) offsets(%dma_start3A_5 : memref<125xi32, #tpu.memory_space<vmem>>) semaphore(%arg18 : memref<!tpu.dma_semaphore, #tpu.memory_space<semaphore_mem>>)
    %dma_start3A_9 = arith.constant 1 : i32
    %dma_start3A_10 = arith.constant 0 : i32
    %dma_start3A_11 = tpu.memref_slice %arg7[%dma_start3A_9, %dma_start3A_10] : memref<80x125xi32, #tpu.memory_space<vmem>> -> memref<1x125xi32, #tpu.memory_space<vmem>>
    %dma_start3A_12 = tpu.memref_squeeze %dma_start3A_11 : memref<1x125xi32, #tpu.memory_space<vmem>> -> memref<125xi32, #tpu.memory_space<vmem>>
    %dma_start3A_13 = arith.constant 0 : i32
    %dma_start3A_14 = arith.constant 0 : i32
    %dma_start3A_15 = tpu.memref_slice %arg2[%dma_start3A_13, %dma_start3A_14] : memref<10000x64xf32, #tpu.memory_space<hbm>> -> memref<10000x64xf32, #tpu.memory_space<hbm>>
    tpu.enqueue_indirect_dma source(%dma_start3A_15 : memref<10000x64xf32, #tpu.memory_space<hbm>>) target(%arg10 : memref<125x64xf32, #tpu.memory_space<vmem>>) offsets(%dma_start3A_12 : memref<125xi32, #tpu.memory_space<vmem>>) semaphore(%arg19 : memref<!tpu.dma_semaphore, #tpu.memory_space<semaphore_mem>>)
    %dma_start3A_16 = arith.constant 2 : i32
    %dma_start3A_17 = arith.constant 0 : i32
    %dma_start3A_18 = tpu.memref_slice %arg7[%dma_start3A_16, %dma_start3A_17] : memref<80x125xi32, #tpu.memory_space<vmem>> -> memref<1x125xi32, #tpu.memory_space<vmem>>
    %dma_start3A_19 = tpu.memref_squeeze %dma_start3A_18 : memref<1x125xi32, #tpu.memory_space<vmem>> -> memref<125xi32, #tpu.memory_space<vmem>>
    %dma_start3A_20 = arith.constant 0 : i32
    %dma_start3A_21 = arith.constant 0 : i32
    %dma_start3A_22 = tpu.memref_slice %arg2[%dma_start3A_20, %dma_start3A_21] : memref<10000x64xf32, #tpu.memory_space<hbm>> -> memref<10000x64xf32, #tpu.memory_space<hbm>>
    tpu.enqueue_indirect_dma source(%dma_start3A_22 : memref<10000x64xf32, #tpu.memory_space<hbm>>) target(%arg11 : memref<125x64xf32, #tpu.memory_space<vmem>>) offsets(%dma_start3A_19 : memref<125xi32, #tpu.memory_space<vmem>>) semaphore(%arg20 : memref<!tpu.dma_semaphore, #tpu.memory_space<semaphore_mem>>)
    %dma_start3A_23 = arith.constant 3 : i32
    %dma_start3A_24 = arith.constant 0 : i32
    %dma_start3A_25 = tpu.memref_slice %arg7[%dma_start3A_23, %dma_start3A_24] : memref<80x125xi32, #tpu.memory_space<vmem>> -> memref<1x125xi32, #tpu.memory_space<vmem>>
    %dma_start3A_26 = tpu.memref_squeeze %dma_start3A_25 : memref<1x125xi32, #tpu.memory_space<vmem>> -> memref<125xi32, #tpu.memory_space<vmem>>
    %dma_start3A_27 = arith.constant 0 : i32
    %dma_start3A_28 = arith.constant 0 : i32
    %dma_start3A_29 = tpu.memref_slice %arg2[%dma_start3A_27, %dma_start3A_28] : memref<10000x64xf32, #tpu.memory_space<hbm>> -> memref<10000x64xf32, #tpu.memory_space<hbm>>
    tpu.enqueue_indirect_dma source(%dma_start3A_29 : memref<10000x64xf32, #tpu.memory_space<hbm>>) target(%arg12 : memref<125x64xf32, #tpu.memory_space<vmem>>) offsets(%dma_start3A_26 : memref<125xi32, #tpu.memory_space<vmem>>) semaphore(%arg21 : memref<!tpu.dma_semaphore, #tpu.memory_space<semaphore_mem>>)
    "tpu.region"() ({
      %run_scoped3A = tpu.sem_alloc : memref<!tpu.dma_semaphore, #tpu.memory_space<semaphore_mem>>
      %dma_start3A_62 = arith.constant 0 : i32
      %dma_start3A_63 = tpu.memref_slice %arg17[%mul3A_2, %dma_start3A_62] : memref<10240x64xf32, #tpu.memory_space<vmem_shared>> -> memref<640x64xf32, #tpu.memory_space<vmem_shared>>
      %dma_start3A_64 = arith.constant 0 : i32
      %dma_start3A_65 = tpu.memref_slice %arg5[%mul3A_2, %dma_start3A_64] : memref<10240x64xf32, #tpu.memory_space<hbm>> -> memref<640x64xf32, #tpu.memory_space<hbm>>
      tpu.enqueue_dma source(%dma_start3A_65 : memref<640x64xf32, #tpu.memory_space<hbm>>) target(%dma_start3A_63 : memref<640x64xf32, #tpu.memory_space<vmem_shared>>) target_semaphore(%run_scoped3A : memref<!tpu.dma_semaphore, #tpu.memory_space<semaphore_mem>>)
      %dma_wait3A_66 = arith.constant 0 : i32
      %dma_wait3A_67 = tpu.memref_slice %arg17[%mul3A_2, %dma_wait3A_66] : memref<10240x64xf32, #tpu.memory_space<vmem_shared>> -> memref<640x64xf32, #tpu.memory_space<vmem_shared>>
      %dma_wait3A_68 = arith.constant 0 : i32
      %dma_wait3A_69 = tpu.memref_slice %arg5[%mul3A_2, %dma_wait3A_68] : memref<10240x64xf32, #tpu.memory_space<hbm>> -> memref<640x64xf32, #tpu.memory_space<hbm>>
      tpu.wait_dma2 semaphore(%run_scoped3A : memref<!tpu.dma_semaphore, #tpu.memory_space<semaphore_mem>>) src(%dma_wait3A_69 : memref<640x64xf32, #tpu.memory_space<hbm>>) dst(%dma_wait3A_67 : memref<640x64xf32, #tpu.memory_space<vmem_shared>>)
      tpu.yield
    }) : () -> ()
    "tpu.region"() ({
      %run_scoped3A = tpu.sem_alloc : memref<!tpu.dma_semaphore, #tpu.memory_space<semaphore_mem>>
      %dma_start3A_62 = arith.constant 0 : i32
      %dma_start3A_63 = arith.constant 0 : i32
      %dma_start3A_64 = tpu.memref_slice %arg4[%add3A, %dma_start3A_62, %dma_start3A_63] : memref<32x80x125xi32, #tpu.memory_space<hbm>> -> memref<1x80x125xi32, #tpu.memory_space<hbm>>
      %dma_start3A_65 = tpu.memref_squeeze %dma_start3A_64 : memref<1x80x125xi32, #tpu.memory_space<hbm>> -> memref<80x125xi32, #tpu.memory_space<hbm>>
      %dma_start3A_66 = arith.constant 0 : i32
      %dma_start3A_67 = arith.constant 0 : i32
      %dma_start3A_68 = tpu.memref_slice %arg4[%add3A, %dma_start3A_66, %dma_start3A_67] : memref<32x80x125xi32, #tpu.memory_space<hbm>> -> memref<1x80x125xi32, #tpu.memory_space<hbm>>
      %dma_start3A_69 = tpu.memref_squeeze %dma_start3A_68 : memref<1x80x125xi32, #tpu.memory_space<hbm>> -> memref<80x125xi32, #tpu.memory_space<hbm>>
      tpu.enqueue_dma source(%dma_start3A_69 : memref<80x125xi32, #tpu.memory_space<hbm>>) target(%arg8 : memref<80x125xi32, #tpu.memory_space<vmem>>) target_semaphore(%run_scoped3A : memref<!tpu.dma_semaphore, #tpu.memory_space<semaphore_mem>>)
      %dma_wait3A_70 = arith.constant 0 : i32
      %dma_wait3A_71 = arith.constant 0 : i32
      %dma_wait3A_72 = tpu.memref_slice %arg4[%add3A, %dma_wait3A_70, %dma_wait3A_71] : memref<32x80x125xi32, #tpu.memory_space<hbm>> -> memref<1x80x125xi32, #tpu.memory_space<hbm>>
      %dma_wait3A_73 = tpu.memref_squeeze %dma_wait3A_72 : memref<1x80x125xi32, #tpu.memory_space<hbm>> -> memref<80x125xi32, #tpu.memory_space<hbm>>
      %dma_wait3A_74 = arith.constant 0 : i32
      %dma_wait3A_75 = arith.constant 0 : i32
      %dma_wait3A_76 = tpu.memref_slice %arg4[%add3A, %dma_wait3A_74, %dma_wait3A_75] : memref<32x80x125xi32, #tpu.memory_space<hbm>> -> memref<1x80x125xi32, #tpu.memory_space<hbm>>
      %dma_wait3A_77 = tpu.memref_squeeze %dma_wait3A_76 : memref<1x80x125xi32, #tpu.memory_space<hbm>> -> memref<80x125xi32, #tpu.memory_space<hbm>>
      tpu.wait_dma2 semaphore(%run_scoped3A : memref<!tpu.dma_semaphore, #tpu.memory_space<semaphore_mem>>) src(%dma_wait3A_77 : memref<80x125xi32, #tpu.memory_space<hbm>>) dst(%arg8 : memref<80x125xi32, #tpu.memory_space<vmem>>)
      tpu.yield
    }) : () -> ()
    %barrier3A = arith.constant 0 : index
    tpu.barrier barrier_id(%barrier3A)
    %scan3A = arith.constant 0 : i32
    %scan3A_30 = arith.constant 10 : i32
    %scan3A_31 = arith.addi %scan3A, %scan3A_30 : i32
    %scan3A_32 = arith.constant 1 : i32
    scf.for %scan3A_62 = %scan3A to %scan3A_31 step %scan3A_32  : i32 {
      %mul3A_63 = arith.constant 2 : i32
      %mul3A_64 = arith.muli %mul3A_63, %scan3A_62 : i32
      %mul3A_65 = arith.constant 2 : i32
      %mul3A_66 = arith.muli %mul3A_65, %scan3A_62 : i32
      %add3A_67 = arith.constant 1 : i32
      %add3A_68 = arith.addi %mul3A_66, %add3A_67 : i32
      %gt3A = arith.constant 0 : i32
      %gt3A_69 = arith.cmpi sgt, %scan3A_62, %gt3A : i32
      %convert_element_type3A = arith.extui %gt3A_69 : i1 to i32
      %cond3A = arith.constant 0 : i32
      %cond3A_70 = arith.cmpi ne, %convert_element_type3A, %cond3A : i32
      scf.if %cond3A_70 {
        %sub3A = arith.constant 1 : i32
        %sub3A_315 = arith.subi %mul3A_64, %sub3A : i32
        %mul3A_316 = arith.constant 4 : i32
        %mul3A_317 = arith.muli %sub3A_315, %mul3A_316 : i32
        %add3A_318 = arith.constant 0 : i32
        %add3A_319 = arith.addi %mul3A_317, %add3A_318 : i32
        %dma_wait3A_320 = arith.constant 0 : i32
        %dma_wait3A_321 = tpu.memref_slice %arg8[%add3A_319, %dma_wait3A_320] : memref<80x125xi32, #tpu.memory_space<vmem>> -> memref<1x125xi32, #tpu.memory_space<vmem>>
        %dma_wait3A_322 = tpu.memref_squeeze %dma_wait3A_321 : memref<1x125xi32, #tpu.memory_space<vmem>> -> memref<125xi32, #tpu.memory_space<vmem>>
        %dma_wait3A_323 = arith.constant 0 : i32
        %dma_wait3A_324 = arith.constant 0 : i32
        %dma_wait3A_325 = tpu.memref_slice %arg17[%dma_wait3A_323, %dma_wait3A_324] : memref<10240x64xf32, #tpu.memory_space<vmem_shared>> -> memref<10240x64xf32, #tpu.memory_space<vmem_shared>>
        tpu.wait_indirect_dma semaphore(%arg30 : memref<!tpu.dma_semaphore, #tpu.memory_space<semaphore_mem>>) src(%arg13 : memref<125x64xf32, #tpu.memory_space<vmem>>) dst(%dma_wait3A_325 : memref<10240x64xf32, #tpu.memory_space<vmem_shared>>)
        %sub3A_326 = arith.constant 1 : i32
        %sub3A_327 = arith.subi %mul3A_64, %sub3A_326 : i32
        %mul3A_328 = arith.constant 4 : i32
        %mul3A_329 = arith.muli %sub3A_327, %mul3A_328 : i32
        %add3A_330 = arith.constant 1 : i32
        %add3A_331 = arith.addi %mul3A_329, %add3A_330 : i32
        %dma_wait3A_332 = arith.constant 0 : i32
        %dma_wait3A_333 = tpu.memref_slice %arg8[%add3A_331, %dma_wait3A_332] : memref<80x125xi32, #tpu.memory_space<vmem>> -> memref<1x125xi32, #tpu.memory_space<vmem>>
        %dma_wait3A_334 = tpu.memref_squeeze %dma_wait3A_333 : memref<1x125xi32, #tpu.memory_space<vmem>> -> memref<125xi32, #tpu.memory_space<vmem>>
        %dma_wait3A_335 = arith.constant 0 : i32
        %dma_wait3A_336 = arith.constant 0 : i32
        %dma_wait3A_337 = tpu.memref_slice %arg17[%dma_wait3A_335, %dma_wait3A_336] : memref<10240x64xf32, #tpu.memory_space<vmem_shared>> -> memref<10240x64xf32, #tpu.memory_space<vmem_shared>>
        tpu.wait_indirect_dma semaphore(%arg31 : memref<!tpu.dma_semaphore, #tpu.memory_space<semaphore_mem>>) src(%arg14 : memref<125x64xf32, #tpu.memory_space<vmem>>) dst(%dma_wait3A_337 : memref<10240x64xf32, #tpu.memory_space<vmem_shared>>)
        %sub3A_338 = arith.constant 1 : i32
        %sub3A_339 = arith.subi %mul3A_64, %sub3A_338 : i32
        %mul3A_340 = arith.constant 4 : i32
        %mul3A_341 = arith.muli %sub3A_339, %mul3A_340 : i32
        %add3A_342 = arith.constant 2 : i32
        %add3A_343 = arith.addi %mul3A_341, %add3A_342 : i32
        %dma_wait3A_344 = arith.constant 0 : i32
        %dma_wait3A_345 = tpu.memref_slice %arg8[%add3A_343, %dma_wait3A_344] : memref<80x125xi32, #tpu.memory_space<vmem>> -> memref<1x125xi32, #tpu.memory_space<vmem>>
        %dma_wait3A_346 = tpu.memref_squeeze %dma_wait3A_345 : memref<1x125xi32, #tpu.memory_space<vmem>> -> memref<125xi32, #tpu.memory_space<vmem>>
        %dma_wait3A_347 = arith.constant 0 : i32
        %dma_wait3A_348 = arith.constant 0 : i32
        %dma_wait3A_349 = tpu.memref_slice %arg17[%dma_wait3A_347, %dma_wait3A_348] : memref<10240x64xf32, #tpu.memory_space<vmem_shared>> -> memref<10240x64xf32, #tpu.memory_space<vmem_shared>>
        tpu.wait_indirect_dma semaphore(%arg32 : memref<!tpu.dma_semaphore, #tpu.memory_space<semaphore_mem>>) src(%arg15 : memref<125x64xf32, #tpu.memory_space<vmem>>) dst(%dma_wait3A_349 : memref<10240x64xf32, #tpu.memory_space<vmem_shared>>)
        %sub3A_350 = arith.constant 1 : i32
        %sub3A_351 = arith.subi %mul3A_64, %sub3A_350 : i32
        %mul3A_352 = arith.constant 4 : i32
        %mul3A_353 = arith.muli %sub3A_351, %mul3A_352 : i32
        %add3A_354 = arith.constant 3 : i32
        %add3A_355 = arith.addi %mul3A_353, %add3A_354 : i32
        %dma_wait3A_356 = arith.constant 0 : i32
        %dma_wait3A_357 = tpu.memref_slice %arg8[%add3A_355, %dma_wait3A_356] : memref<80x125xi32, #tpu.memory_space<vmem>> -> memref<1x125xi32, #tpu.memory_space<vmem>>
        %dma_wait3A_358 = tpu.memref_squeeze %dma_wait3A_357 : memref<1x125xi32, #tpu.memory_space<vmem>> -> memref<125xi32, #tpu.memory_space<vmem>>
        %dma_wait3A_359 = arith.constant 0 : i32
        %dma_wait3A_360 = arith.constant 0 : i32
        %dma_wait3A_361 = tpu.memref_slice %arg17[%dma_wait3A_359, %dma_wait3A_360] : memref<10240x64xf32, #tpu.memory_space<vmem_shared>> -> memref<10240x64xf32, #tpu.memory_space<vmem_shared>>
        tpu.wait_indirect_dma semaphore(%arg33 : memref<!tpu.dma_semaphore, #tpu.memory_space<semaphore_mem>>) src(%arg16 : memref<125x64xf32, #tpu.memory_space<vmem>>) dst(%dma_wait3A_361 : memref<10240x64xf32, #tpu.memory_space<vmem_shared>>)
      } else {
      }
      %mul3A_71 = arith.constant 4 : i32
      %mul3A_72 = arith.muli %add3A_68, %mul3A_71 : i32
      %add3A_73 = arith.constant 0 : i32
      %add3A_74 = arith.addi %mul3A_72, %add3A_73 : i32
      %dma_start3A_75 = arith.constant 0 : i32
      %dma_start3A_76 = tpu.memref_slice %arg7[%add3A_74, %dma_start3A_75] : memref<80x125xi32, #tpu.memory_space<vmem>> -> memref<1x125xi32, #tpu.memory_space<vmem>>
      %dma_start3A_77 = tpu.memref_squeeze %dma_start3A_76 : memref<1x125xi32, #tpu.memory_space<vmem>> -> memref<125xi32, #tpu.memory_space<vmem>>
      %dma_start3A_78 = arith.constant 0 : i32
      %dma_start3A_79 = arith.constant 0 : i32
      %dma_start3A_80 = tpu.memref_slice %arg2[%dma_start3A_78, %dma_start3A_79] : memref<10000x64xf32, #tpu.memory_space<hbm>> -> memref<10000x64xf32, #tpu.memory_space<hbm>>
      tpu.enqueue_indirect_dma source(%dma_start3A_80 : memref<10000x64xf32, #tpu.memory_space<hbm>>) target(%arg13 : memref<125x64xf32, #tpu.memory_space<vmem>>) offsets(%dma_start3A_77 : memref<125xi32, #tpu.memory_space<vmem>>) semaphore(%arg22 : memref<!tpu.dma_semaphore, #tpu.memory_space<semaphore_mem>>)
      %mul3A_81 = arith.constant 4 : i32
      %mul3A_82 = arith.muli %add3A_68, %mul3A_81 : i32
      %add3A_83 = arith.constant 1 : i32
      %add3A_84 = arith.addi %mul3A_82, %add3A_83 : i32
      %dma_start3A_85 = arith.constant 0 : i32
      %dma_start3A_86 = tpu.memref_slice %arg7[%add3A_84, %dma_start3A_85] : memref<80x125xi32, #tpu.memory_space<vmem>> -> memref<1x125xi32, #tpu.memory_space<vmem>>
      %dma_start3A_87 = tpu.memref_squeeze %dma_start3A_86 : memref<1x125xi32, #tpu.memory_space<vmem>> -> memref<125xi32, #tpu.memory_space<vmem>>
      %dma_start3A_88 = arith.constant 0 : i32
      %dma_start3A_89 = arith.constant 0 : i32
      %dma_start3A_90 = tpu.memref_slice %arg2[%dma_start3A_88, %dma_start3A_89] : memref<10000x64xf32, #tpu.memory_space<hbm>> -> memref<10000x64xf32, #tpu.memory_space<hbm>>
      tpu.enqueue_indirect_dma source(%dma_start3A_90 : memref<10000x64xf32, #tpu.memory_space<hbm>>) target(%arg14 : memref<125x64xf32, #tpu.memory_space<vmem>>) offsets(%dma_start3A_87 : memref<125xi32, #tpu.memory_space<vmem>>) semaphore(%arg23 : memref<!tpu.dma_semaphore, #tpu.memory_space<semaphore_mem>>)
      %mul3A_91 = arith.constant 4 : i32
      %mul3A_92 = arith.muli %add3A_68, %mul3A_91 : i32
      %add3A_93 = arith.constant 2 : i32
      %add3A_94 = arith.addi %mul3A_92, %add3A_93 : i32
      %dma_start3A_95 = arith.constant 0 : i32
      %dma_start3A_96 = tpu.memref_slice %arg7[%add3A_94, %dma_start3A_95] : memref<80x125xi32, #tpu.memory_space<vmem>> -> memref<1x125xi32, #tpu.memory_space<vmem>>
      %dma_start3A_97 = tpu.memref_squeeze %dma_start3A_96 : memref<1x125xi32, #tpu.memory_space<vmem>> -> memref<125xi32, #tpu.memory_space<vmem>>
      %dma_start3A_98 = arith.constant 0 : i32
      %dma_start3A_99 = arith.constant 0 : i32
      %dma_start3A_100 = tpu.memref_slice %arg2[%dma_start3A_98, %dma_start3A_99] : memref<10000x64xf32, #tpu.memory_space<hbm>> -> memref<10000x64xf32, #tpu.memory_space<hbm>>
      tpu.enqueue_indirect_dma source(%dma_start3A_100 : memref<10000x64xf32, #tpu.memory_space<hbm>>) target(%arg15 : memref<125x64xf32, #tpu.memory_space<vmem>>) offsets(%dma_start3A_97 : memref<125xi32, #tpu.memory_space<vmem>>) semaphore(%arg24 : memref<!tpu.dma_semaphore, #tpu.memory_space<semaphore_mem>>)
      %mul3A_101 = arith.constant 4 : i32
      %mul3A_102 = arith.muli %add3A_68, %mul3A_101 : i32
      %add3A_103 = arith.constant 3 : i32
      %add3A_104 = arith.addi %mul3A_102, %add3A_103 : i32
      %dma_start3A_105 = arith.constant 0 : i32
      %dma_start3A_106 = tpu.memref_slice %arg7[%add3A_104, %dma_start3A_105] : memref<80x125xi32, #tpu.memory_space<vmem>> -> memref<1x125xi32, #tpu.memory_space<vmem>>
      %dma_start3A_107 = tpu.memref_squeeze %dma_start3A_106 : memref<1x125xi32, #tpu.memory_space<vmem>> -> memref<125xi32, #tpu.memory_space<vmem>>
      %dma_start3A_108 = arith.constant 0 : i32
      %dma_start3A_109 = arith.constant 0 : i32
      %dma_start3A_110 = tpu.memref_slice %arg2[%dma_start3A_108, %dma_start3A_109] : memref<10000x64xf32, #tpu.memory_space<hbm>> -> memref<10000x64xf32, #tpu.memory_space<hbm>>
      tpu.enqueue_indirect_dma source(%dma_start3A_110 : memref<10000x64xf32, #tpu.memory_space<hbm>>) target(%arg16 : memref<125x64xf32, #tpu.memory_space<vmem>>) offsets(%dma_start3A_107 : memref<125xi32, #tpu.memory_space<vmem>>) semaphore(%arg25 : memref<!tpu.dma_semaphore, #tpu.memory_space<semaphore_mem>>)
      %mul3A_111 = arith.constant 4 : i32
      %mul3A_112 = arith.muli %mul3A_64, %mul3A_111 : i32
      %add3A_113 = arith.constant 0 : i32
      %add3A_114 = arith.addi %mul3A_112, %add3A_113 : i32
      %dma_wait3A_115 = arith.constant 0 : i32
      %dma_wait3A_116 = tpu.memref_slice %arg7[%add3A_114, %dma_wait3A_115] : memref<80x125xi32, #tpu.memory_space<vmem>> -> memref<1x125xi32, #tpu.memory_space<vmem>>
      %dma_wait3A_117 = tpu.memref_squeeze %dma_wait3A_116 : memref<1x125xi32, #tpu.memory_space<vmem>> -> memref<125xi32, #tpu.memory_space<vmem>>
      %dma_wait3A_118 = arith.constant 0 : i32
      %dma_wait3A_119 = arith.constant 0 : i32
      %dma_wait3A_120 = tpu.memref_slice %arg2[%dma_wait3A_118, %dma_wait3A_119] : memref<10000x64xf32, #tpu.memory_space<hbm>> -> memref<10000x64xf32, #tpu.memory_space<hbm>>
      tpu.wait_indirect_dma semaphore(%arg18 : memref<!tpu.dma_semaphore, #tpu.memory_space<semaphore_mem>>) src(%dma_wait3A_120 : memref<10000x64xf32, #tpu.memory_space<hbm>>) dst(%arg9 : memref<125x64xf32, #tpu.memory_space<vmem>>)
      %mul3A_121 = arith.constant 4 : i32
      %mul3A_122 = arith.muli %mul3A_64, %mul3A_121 : i32
      %add3A_123 = arith.constant 0 : i32
      %add3A_124 = arith.addi %mul3A_122, %add3A_123 : i32
      %dma_start3A_125 = arith.constant 0 : i32
      %dma_start3A_126 = tpu.memref_slice %arg8[%add3A_124, %dma_start3A_125] : memref<80x125xi32, #tpu.memory_space<vmem>> -> memref<1x125xi32, #tpu.memory_space<vmem>>
      %dma_start3A_127 = tpu.memref_squeeze %dma_start3A_126 : memref<1x125xi32, #tpu.memory_space<vmem>> -> memref<125xi32, #tpu.memory_space<vmem>>
      %dma_start3A_128 = arith.constant 0 : i32
      %dma_start3A_129 = arith.constant 0 : i32
      %dma_start3A_130 = tpu.memref_slice %arg17[%dma_start3A_128, %dma_start3A_129] : memref<10240x64xf32, #tpu.memory_space<vmem_shared>> -> memref<10240x64xf32, #tpu.memory_space<vmem_shared>>
      tpu.enqueue_indirect_dma source(%arg9 : memref<125x64xf32, #tpu.memory_space<vmem>>) target(%dma_start3A_130 : memref<10240x64xf32, #tpu.memory_space<vmem_shared>>) offsets(%dma_start3A_127 : memref<125xi32, #tpu.memory_space<vmem>>) semaphore(%arg26 : memref<!tpu.dma_semaphore, #tpu.memory_space<semaphore_mem>>) {add = true}
      %mul3A_131 = arith.constant 4 : i32
      %mul3A_132 = arith.muli %mul3A_64, %mul3A_131 : i32
      %add3A_133 = arith.constant 1 : i32
      %add3A_134 = arith.addi %mul3A_132, %add3A_133 : i32
      %dma_wait3A_135 = arith.constant 0 : i32
      %dma_wait3A_136 = tpu.memref_slice %arg7[%add3A_134, %dma_wait3A_135] : memref<80x125xi32, #tpu.memory_space<vmem>> -> memref<1x125xi32, #tpu.memory_space<vmem>>
      %dma_wait3A_137 = tpu.memref_squeeze %dma_wait3A_136 : memref<1x125xi32, #tpu.memory_space<vmem>> -> memref<125xi32, #tpu.memory_space<vmem>>
      %dma_wait3A_138 = arith.constant 0 : i32
      %dma_wait3A_139 = arith.constant 0 : i32
      %dma_wait3A_140 = tpu.memref_slice %arg2[%dma_wait3A_138, %dma_wait3A_139] : memref<10000x64xf32, #tpu.memory_space<hbm>> -> memref<10000x64xf32, #tpu.memory_space<hbm>>
      tpu.wait_indirect_dma semaphore(%arg19 : memref<!tpu.dma_semaphore, #tpu.memory_space<semaphore_mem>>) src(%dma_wait3A_140 : memref<10000x64xf32, #tpu.memory_space<hbm>>) dst(%arg10 : memref<125x64xf32, #tpu.memory_space<vmem>>)
      %mul3A_141 = arith.constant 4 : i32
      %mul3A_142 = arith.muli %mul3A_64, %mul3A_141 : i32
      %add3A_143 = arith.constant 1 : i32
      %add3A_144 = arith.addi %mul3A_142, %add3A_143 : i32
      %dma_start3A_145 = arith.constant 0 : i32
      %dma_start3A_146 = tpu.memref_slice %arg8[%add3A_144, %dma_start3A_145] : memref<80x125xi32, #tpu.memory_space<vmem>> -> memref<1x125xi32, #tpu.memory_space<vmem>>
      %dma_start3A_147 = tpu.memref_squeeze %dma_start3A_146 : memref<1x125xi32, #tpu.memory_space<vmem>> -> memref<125xi32, #tpu.memory_space<vmem>>
      %dma_start3A_148 = arith.constant 0 : i32
      %dma_start3A_149 = arith.constant 0 : i32
      %dma_start3A_150 = tpu.memref_slice %arg17[%dma_start3A_148, %dma_start3A_149] : memref<10240x64xf32, #tpu.memory_space<vmem_shared>> -> memref<10240x64xf32, #tpu.memory_space<vmem_shared>>
      tpu.enqueue_indirect_dma source(%arg10 : memref<125x64xf32, #tpu.memory_space<vmem>>) target(%dma_start3A_150 : memref<10240x64xf32, #tpu.memory_space<vmem_shared>>) offsets(%dma_start3A_147 : memref<125xi32, #tpu.memory_space<vmem>>) semaphore(%arg27 : memref<!tpu.dma_semaphore, #tpu.memory_space<semaphore_mem>>) {add = true}
      %mul3A_151 = arith.constant 4 : i32
      %mul3A_152 = arith.muli %mul3A_64, %mul3A_151 : i32
      %add3A_153 = arith.constant 2 : i32
      %add3A_154 = arith.addi %mul3A_152, %add3A_153 : i32
      %dma_wait3A_155 = arith.constant 0 : i32
      %dma_wait3A_156 = tpu.memref_slice %arg7[%add3A_154, %dma_wait3A_155] : memref<80x125xi32, #tpu.memory_space<vmem>> -> memref<1x125xi32, #tpu.memory_space<vmem>>
      %dma_wait3A_157 = tpu.memref_squeeze %dma_wait3A_156 : memref<1x125xi32, #tpu.memory_space<vmem>> -> memref<125xi32, #tpu.memory_space<vmem>>
      %dma_wait3A_158 = arith.constant 0 : i32
      %dma_wait3A_159 = arith.constant 0 : i32
      %dma_wait3A_160 = tpu.memref_slice %arg2[%dma_wait3A_158, %dma_wait3A_159] : memref<10000x64xf32, #tpu.memory_space<hbm>> -> memref<10000x64xf32, #tpu.memory_space<hbm>>
      tpu.wait_indirect_dma semaphore(%arg20 : memref<!tpu.dma_semaphore, #tpu.memory_space<semaphore_mem>>) src(%dma_wait3A_160 : memref<10000x64xf32, #tpu.memory_space<hbm>>) dst(%arg11 : memref<125x64xf32, #tpu.memory_space<vmem>>)
      %mul3A_161 = arith.constant 4 : i32
      %mul3A_162 = arith.muli %mul3A_64, %mul3A_161 : i32
      %add3A_163 = arith.constant 2 : i32
      %add3A_164 = arith.addi %mul3A_162, %add3A_163 : i32
      %dma_start3A_165 = arith.constant 0 : i32
      %dma_start3A_166 = tpu.memref_slice %arg8[%add3A_164, %dma_start3A_165] : memref<80x125xi32, #tpu.memory_space<vmem>> -> memref<1x125xi32, #tpu.memory_space<vmem>>
      %dma_start3A_167 = tpu.memref_squeeze %dma_start3A_166 : memref<1x125xi32, #tpu.memory_space<vmem>> -> memref<125xi32, #tpu.memory_space<vmem>>
      %dma_start3A_168 = arith.constant 0 : i32
      %dma_start3A_169 = arith.constant 0 : i32
      %dma_start3A_170 = tpu.memref_slice %arg17[%dma_start3A_168, %dma_start3A_169] : memref<10240x64xf32, #tpu.memory_space<vmem_shared>> -> memref<10240x64xf32, #tpu.memory_space<vmem_shared>>
      tpu.enqueue_indirect_dma source(%arg11 : memref<125x64xf32, #tpu.memory_space<vmem>>) target(%dma_start3A_170 : memref<10240x64xf32, #tpu.memory_space<vmem_shared>>) offsets(%dma_start3A_167 : memref<125xi32, #tpu.memory_space<vmem>>) semaphore(%arg28 : memref<!tpu.dma_semaphore, #tpu.memory_space<semaphore_mem>>) {add = true}
      %mul3A_171 = arith.constant 4 : i32
      %mul3A_172 = arith.muli %mul3A_64, %mul3A_171 : i32
      %add3A_173 = arith.constant 3 : i32
      %add3A_174 = arith.addi %mul3A_172, %add3A_173 : i32
      %dma_wait3A_175 = arith.constant 0 : i32
      %dma_wait3A_176 = tpu.memref_slice %arg7[%add3A_174, %dma_wait3A_175] : memref<80x125xi32, #tpu.memory_space<vmem>> -> memref<1x125xi32, #tpu.memory_space<vmem>>
      %dma_wait3A_177 = tpu.memref_squeeze %dma_wait3A_176 : memref<1x125xi32, #tpu.memory_space<vmem>> -> memref<125xi32, #tpu.memory_space<vmem>>
      %dma_wait3A_178 = arith.constant 0 : i32
      %dma_wait3A_179 = arith.constant 0 : i32
      %dma_wait3A_180 = tpu.memref_slice %arg2[%dma_wait3A_178, %dma_wait3A_179] : memref<10000x64xf32, #tpu.memory_space<hbm>> -> memref<10000x64xf32, #tpu.memory_space<hbm>>
      tpu.wait_indirect_dma semaphore(%arg21 : memref<!tpu.dma_semaphore, #tpu.memory_space<semaphore_mem>>) src(%dma_wait3A_180 : memref<10000x64xf32, #tpu.memory_space<hbm>>) dst(%arg12 : memref<125x64xf32, #tpu.memory_space<vmem>>)
      %mul3A_181 = arith.constant 4 : i32
      %mul3A_182 = arith.muli %mul3A_64, %mul3A_181 : i32
      %add3A_183 = arith.constant 3 : i32
      %add3A_184 = arith.addi %mul3A_182, %add3A_183 : i32
      %dma_start3A_185 = arith.constant 0 : i32
      %dma_start3A_186 = tpu.memref_slice %arg8[%add3A_184, %dma_start3A_185] : memref<80x125xi32, #tpu.memory_space<vmem>> -> memref<1x125xi32, #tpu.memory_space<vmem>>
      %dma_start3A_187 = tpu.memref_squeeze %dma_start3A_186 : memref<1x125xi32, #tpu.memory_space<vmem>> -> memref<125xi32, #tpu.memory_space<vmem>>
      %dma_start3A_188 = arith.constant 0 : i32
      %dma_start3A_189 = arith.constant 0 : i32
      %dma_start3A_190 = tpu.memref_slice %arg17[%dma_start3A_188, %dma_start3A_189] : memref<10240x64xf32, #tpu.memory_space<vmem_shared>> -> memref<10240x64xf32, #tpu.memory_space<vmem_shared>>
      tpu.enqueue_indirect_dma source(%arg12 : memref<125x64xf32, #tpu.memory_space<vmem>>) target(%dma_start3A_190 : memref<10240x64xf32, #tpu.memory_space<vmem_shared>>) offsets(%dma_start3A_187 : memref<125xi32, #tpu.memory_space<vmem>>) semaphore(%arg29 : memref<!tpu.dma_semaphore, #tpu.memory_space<semaphore_mem>>) {add = true}
      %mul3A_191 = arith.constant 4 : i32
      %mul3A_192 = arith.muli %add3A_68, %mul3A_191 : i32
      %add3A_193 = arith.constant 0 : i32
      %add3A_194 = arith.addi %mul3A_192, %add3A_193 : i32
      %dma_wait3A_195 = arith.constant 0 : i32
      %dma_wait3A_196 = tpu.memref_slice %arg7[%add3A_194, %dma_wait3A_195] : memref<80x125xi32, #tpu.memory_space<vmem>> -> memref<1x125xi32, #tpu.memory_space<vmem>>
      %dma_wait3A_197 = tpu.memref_squeeze %dma_wait3A_196 : memref<1x125xi32, #tpu.memory_space<vmem>> -> memref<125xi32, #tpu.memory_space<vmem>>
      %dma_wait3A_198 = arith.constant 0 : i32
      %dma_wait3A_199 = arith.constant 0 : i32
      %dma_wait3A_200 = tpu.memref_slice %arg2[%dma_wait3A_198, %dma_wait3A_199] : memref<10000x64xf32, #tpu.memory_space<hbm>> -> memref<10000x64xf32, #tpu.memory_space<hbm>>
      tpu.wait_indirect_dma semaphore(%arg22 : memref<!tpu.dma_semaphore, #tpu.memory_space<semaphore_mem>>) src(%dma_wait3A_200 : memref<10000x64xf32, #tpu.memory_space<hbm>>) dst(%arg13 : memref<125x64xf32, #tpu.memory_space<vmem>>)
      %mul3A_201 = arith.constant 4 : i32
      %mul3A_202 = arith.muli %add3A_68, %mul3A_201 : i32
      %add3A_203 = arith.constant 1 : i32
      %add3A_204 = arith.addi %mul3A_202, %add3A_203 : i32
      %dma_wait3A_205 = arith.constant 0 : i32
      %dma_wait3A_206 = tpu.memref_slice %arg7[%add3A_204, %dma_wait3A_205] : memref<80x125xi32, #tpu.memory_space<vmem>> -> memref<1x125xi32, #tpu.memory_space<vmem>>
      %dma_wait3A_207 = tpu.memref_squeeze %dma_wait3A_206 : memref<1x125xi32, #tpu.memory_space<vmem>> -> memref<125xi32, #tpu.memory_space<vmem>>
      %dma_wait3A_208 = arith.constant 0 : i32
      %dma_wait3A_209 = arith.constant 0 : i32
      %dma_wait3A_210 = tpu.memref_slice %arg2[%dma_wait3A_208, %dma_wait3A_209] : memref<10000x64xf32, #tpu.memory_space<hbm>> -> memref<10000x64xf32, #tpu.memory_space<hbm>>
      tpu.wait_indirect_dma semaphore(%arg23 : memref<!tpu.dma_semaphore, #tpu.memory_space<semaphore_mem>>) src(%dma_wait3A_210 : memref<10000x64xf32, #tpu.memory_space<hbm>>) dst(%arg14 : memref<125x64xf32, #tpu.memory_space<vmem>>)
      %mul3A_211 = arith.constant 4 : i32
      %mul3A_212 = arith.muli %add3A_68, %mul3A_211 : i32
      %add3A_213 = arith.constant 2 : i32
      %add3A_214 = arith.addi %mul3A_212, %add3A_213 : i32
      %dma_wait3A_215 = arith.constant 0 : i32
      %dma_wait3A_216 = tpu.memref_slice %arg7[%add3A_214, %dma_wait3A_215] : memref<80x125xi32, #tpu.memory_space<vmem>> -> memref<1x125xi32, #tpu.memory_space<vmem>>
      %dma_wait3A_217 = tpu.memref_squeeze %dma_wait3A_216 : memref<1x125xi32, #tpu.memory_space<vmem>> -> memref<125xi32, #tpu.memory_space<vmem>>
      %dma_wait3A_218 = arith.constant 0 : i32
      %dma_wait3A_219 = arith.constant 0 : i32
      %dma_wait3A_220 = tpu.memref_slice %arg2[%dma_wait3A_218, %dma_wait3A_219] : memref<10000x64xf32, #tpu.memory_space<hbm>> -> memref<10000x64xf32, #tpu.memory_space<hbm>>
      tpu.wait_indirect_dma semaphore(%arg24 : memref<!tpu.dma_semaphore, #tpu.memory_space<semaphore_mem>>) src(%dma_wait3A_220 : memref<10000x64xf32, #tpu.memory_space<hbm>>) dst(%arg15 : memref<125x64xf32, #tpu.memory_space<vmem>>)
      %mul3A_221 = arith.constant 4 : i32
      %mul3A_222 = arith.muli %add3A_68, %mul3A_221 : i32
      %add3A_223 = arith.constant 3 : i32
      %add3A_224 = arith.addi %mul3A_222, %add3A_223 : i32
      %dma_wait3A_225 = arith.constant 0 : i32
      %dma_wait3A_226 = tpu.memref_slice %arg7[%add3A_224, %dma_wait3A_225] : memref<80x125xi32, #tpu.memory_space<vmem>> -> memref<1x125xi32, #tpu.memory_space<vmem>>
      %dma_wait3A_227 = tpu.memref_squeeze %dma_wait3A_226 : memref<1x125xi32, #tpu.memory_space<vmem>> -> memref<125xi32, #tpu.memory_space<vmem>>
      %dma_wait3A_228 = arith.constant 0 : i32
      %dma_wait3A_229 = arith.constant 0 : i32
      %dma_wait3A_230 = tpu.memref_slice %arg2[%dma_wait3A_228, %dma_wait3A_229] : memref<10000x64xf32, #tpu.memory_space<hbm>> -> memref<10000x64xf32, #tpu.memory_space<hbm>>
      tpu.wait_indirect_dma semaphore(%arg25 : memref<!tpu.dma_semaphore, #tpu.memory_space<semaphore_mem>>) src(%dma_wait3A_230 : memref<10000x64xf32, #tpu.memory_space<hbm>>) dst(%arg16 : memref<125x64xf32, #tpu.memory_space<vmem>>)
      %mul3A_231 = arith.constant 4 : i32
      %mul3A_232 = arith.muli %mul3A_64, %mul3A_231 : i32
      %add3A_233 = arith.constant 0 : i32
      %add3A_234 = arith.addi %mul3A_232, %add3A_233 : i32
      %dma_wait3A_235 = arith.constant 0 : i32
      %dma_wait3A_236 = tpu.memref_slice %arg8[%add3A_234, %dma_wait3A_235] : memref<80x125xi32, #tpu.memory_space<vmem>> -> memref<1x125xi32, #tpu.memory_space<vmem>>
      %dma_wait3A_237 = tpu.memref_squeeze %dma_wait3A_236 : memref<1x125xi32, #tpu.memory_space<vmem>> -> memref<125xi32, #tpu.memory_space<vmem>>
      %dma_wait3A_238 = arith.constant 0 : i32
      %dma_wait3A_239 = arith.constant 0 : i32
      %dma_wait3A_240 = tpu.memref_slice %arg17[%dma_wait3A_238, %dma_wait3A_239] : memref<10240x64xf32, #tpu.memory_space<vmem_shared>> -> memref<10240x64xf32, #tpu.memory_space<vmem_shared>>
      tpu.wait_indirect_dma semaphore(%arg26 : memref<!tpu.dma_semaphore, #tpu.memory_space<semaphore_mem>>) src(%arg9 : memref<125x64xf32, #tpu.memory_space<vmem>>) dst(%dma_wait3A_240 : memref<10240x64xf32, #tpu.memory_space<vmem_shared>>)
      %mul3A_241 = arith.constant 4 : i32
      %mul3A_242 = arith.muli %mul3A_64, %mul3A_241 : i32
      %add3A_243 = arith.constant 1 : i32
      %add3A_244 = arith.addi %mul3A_242, %add3A_243 : i32
      %dma_wait3A_245 = arith.constant 0 : i32
      %dma_wait3A_246 = tpu.memref_slice %arg8[%add3A_244, %dma_wait3A_245] : memref<80x125xi32, #tpu.memory_space<vmem>> -> memref<1x125xi32, #tpu.memory_space<vmem>>
      %dma_wait3A_247 = tpu.memref_squeeze %dma_wait3A_246 : memref<1x125xi32, #tpu.memory_space<vmem>> -> memref<125xi32, #tpu.memory_space<vmem>>
      %dma_wait3A_248 = arith.constant 0 : i32
      %dma_wait3A_249 = arith.constant 0 : i32
      %dma_wait3A_250 = tpu.memref_slice %arg17[%dma_wait3A_248, %dma_wait3A_249] : memref<10240x64xf32, #tpu.memory_space<vmem_shared>> -> memref<10240x64xf32, #tpu.memory_space<vmem_shared>>
      tpu.wait_indirect_dma semaphore(%arg27 : memref<!tpu.dma_semaphore, #tpu.memory_space<semaphore_mem>>) src(%arg10 : memref<125x64xf32, #tpu.memory_space<vmem>>) dst(%dma_wait3A_250 : memref<10240x64xf32, #tpu.memory_space<vmem_shared>>)
      %mul3A_251 = arith.constant 4 : i32
      %mul3A_252 = arith.muli %mul3A_64, %mul3A_251 : i32
      %add3A_253 = arith.constant 2 : i32
      %add3A_254 = arith.addi %mul3A_252, %add3A_253 : i32
      %dma_wait3A_255 = arith.constant 0 : i32
      %dma_wait3A_256 = tpu.memref_slice %arg8[%add3A_254, %dma_wait3A_255] : memref<80x125xi32, #tpu.memory_space<vmem>> -> memref<1x125xi32, #tpu.memory_space<vmem>>
      %dma_wait3A_257 = tpu.memref_squeeze %dma_wait3A_256 : memref<1x125xi32, #tpu.memory_space<vmem>> -> memref<125xi32, #tpu.memory_space<vmem>>
      %dma_wait3A_258 = arith.constant 0 : i32
      %dma_wait3A_259 = arith.constant 0 : i32
      %dma_wait3A_260 = tpu.memref_slice %arg17[%dma_wait3A_258, %dma_wait3A_259] : memref<10240x64xf32, #tpu.memory_space<vmem_shared>> -> memref<10240x64xf32, #tpu.memory_space<vmem_shared>>
      tpu.wait_indirect_dma semaphore(%arg28 : memref<!tpu.dma_semaphore, #tpu.memory_space<semaphore_mem>>) src(%arg11 : memref<125x64xf32, #tpu.memory_space<vmem>>) dst(%dma_wait3A_260 : memref<10240x64xf32, #tpu.memory_space<vmem_shared>>)
      %mul3A_261 = arith.constant 4 : i32
      %mul3A_262 = arith.muli %mul3A_64, %mul3A_261 : i32
      %add3A_263 = arith.constant 3 : i32
      %add3A_264 = arith.addi %mul3A_262, %add3A_263 : i32
      %dma_wait3A_265 = arith.constant 0 : i32
      %dma_wait3A_266 = tpu.memref_slice %arg8[%add3A_264, %dma_wait3A_265] : memref<80x125xi32, #tpu.memory_space<vmem>> -> memref<1x125xi32, #tpu.memory_space<vmem>>
      %dma_wait3A_267 = tpu.memref_squeeze %dma_wait3A_266 : memref<1x125xi32, #tpu.memory_space<vmem>> -> memref<125xi32, #tpu.memory_space<vmem>>
      %dma_wait3A_268 = arith.constant 0 : i32
      %dma_wait3A_269 = arith.constant 0 : i32
      %dma_wait3A_270 = tpu.memref_slice %arg17[%dma_wait3A_268, %dma_wait3A_269] : memref<10240x64xf32, #tpu.memory_space<vmem_shared>> -> memref<10240x64xf32, #tpu.memory_space<vmem_shared>>
      tpu.wait_indirect_dma semaphore(%arg29 : memref<!tpu.dma_semaphore, #tpu.memory_space<semaphore_mem>>) src(%arg12 : memref<125x64xf32, #tpu.memory_space<vmem>>) dst(%dma_wait3A_270 : memref<10240x64xf32, #tpu.memory_space<vmem_shared>>)
      %lt3A = arith.constant 9 : i32
      %lt3A_271 = arith.cmpi slt, %scan3A_62, %lt3A : i32
      %convert_element_type3A_272 = arith.extui %lt3A_271 : i1 to i32
      %cond3A_273 = arith.constant 0 : i32
      %cond3A_274 = arith.cmpi ne, %convert_element_type3A_272, %cond3A_273 : i32
      scf.if %cond3A_274 {
        %add3A_315 = arith.constant 1 : i32
        %add3A_316 = arith.addi %add3A_68, %add3A_315 : i32
        %mul3A_317 = arith.constant 4 : i32
        %mul3A_318 = arith.muli %add3A_316, %mul3A_317 : i32
        %add3A_319 = arith.constant 0 : i32
        %add3A_320 = arith.addi %mul3A_318, %add3A_319 : i32
        %dma_start3A_321 = arith.constant 0 : i32
        %dma_start3A_322 = tpu.memref_slice %arg7[%add3A_320, %dma_start3A_321] : memref<80x125xi32, #tpu.memory_space<vmem>> -> memref<1x125xi32, #tpu.memory_space<vmem>>
        %dma_start3A_323 = tpu.memref_squeeze %dma_start3A_322 : memref<1x125xi32, #tpu.memory_space<vmem>> -> memref<125xi32, #tpu.memory_space<vmem>>
        %dma_start3A_324 = arith.constant 0 : i32
        %dma_start3A_325 = arith.constant 0 : i32
        %dma_start3A_326 = tpu.memref_slice %arg2[%dma_start3A_324, %dma_start3A_325] : memref<10000x64xf32, #tpu.memory_space<hbm>> -> memref<10000x64xf32, #tpu.memory_space<hbm>>
        tpu.enqueue_indirect_dma source(%dma_start3A_326 : memref<10000x64xf32, #tpu.memory_space<hbm>>) target(%arg9 : memref<125x64xf32, #tpu.memory_space<vmem>>) offsets(%dma_start3A_323 : memref<125xi32, #tpu.memory_space<vmem>>) semaphore(%arg18 : memref<!tpu.dma_semaphore, #tpu.memory_space<semaphore_mem>>)
        %add3A_327 = arith.constant 1 : i32
        %add3A_328 = arith.addi %add3A_68, %add3A_327 : i32
        %mul3A_329 = arith.constant 4 : i32
        %mul3A_330 = arith.muli %add3A_328, %mul3A_329 : i32
        %add3A_331 = arith.constant 1 : i32
        %add3A_332 = arith.addi %mul3A_330, %add3A_331 : i32
        %dma_start3A_333 = arith.constant 0 : i32
        %dma_start3A_334 = tpu.memref_slice %arg7[%add3A_332, %dma_start3A_333] : memref<80x125xi32, #tpu.memory_space<vmem>> -> memref<1x125xi32, #tpu.memory_space<vmem>>
        %dma_start3A_335 = tpu.memref_squeeze %dma_start3A_334 : memref<1x125xi32, #tpu.memory_space<vmem>> -> memref<125xi32, #tpu.memory_space<vmem>>
        %dma_start3A_336 = arith.constant 0 : i32
        %dma_start3A_337 = arith.constant 0 : i32
        %dma_start3A_338 = tpu.memref_slice %arg2[%dma_start3A_336, %dma_start3A_337] : memref<10000x64xf32, #tpu.memory_space<hbm>> -> memref<10000x64xf32, #tpu.memory_space<hbm>>
        tpu.enqueue_indirect_dma source(%dma_start3A_338 : memref<10000x64xf32, #tpu.memory_space<hbm>>) target(%arg10 : memref<125x64xf32, #tpu.memory_space<vmem>>) offsets(%dma_start3A_335 : memref<125xi32, #tpu.memory_space<vmem>>) semaphore(%arg19 : memref<!tpu.dma_semaphore, #tpu.memory_space<semaphore_mem>>)
        %add3A_339 = arith.constant 1 : i32
        %add3A_340 = arith.addi %add3A_68, %add3A_339 : i32
        %mul3A_341 = arith.constant 4 : i32
        %mul3A_342 = arith.muli %add3A_340, %mul3A_341 : i32
        %add3A_343 = arith.constant 2 : i32
        %add3A_344 = arith.addi %mul3A_342, %add3A_343 : i32
        %dma_start3A_345 = arith.constant 0 : i32
        %dma_start3A_346 = tpu.memref_slice %arg7[%add3A_344, %dma_start3A_345] : memref<80x125xi32, #tpu.memory_space<vmem>> -> memref<1x125xi32, #tpu.memory_space<vmem>>
        %dma_start3A_347 = tpu.memref_squeeze %dma_start3A_346 : memref<1x125xi32, #tpu.memory_space<vmem>> -> memref<125xi32, #tpu.memory_space<vmem>>
        %dma_start3A_348 = arith.constant 0 : i32
        %dma_start3A_349 = arith.constant 0 : i32
        %dma_start3A_350 = tpu.memref_slice %arg2[%dma_start3A_348, %dma_start3A_349] : memref<10000x64xf32, #tpu.memory_space<hbm>> -> memref<10000x64xf32, #tpu.memory_space<hbm>>
        tpu.enqueue_indirect_dma source(%dma_start3A_350 : memref<10000x64xf32, #tpu.memory_space<hbm>>) target(%arg11 : memref<125x64xf32, #tpu.memory_space<vmem>>) offsets(%dma_start3A_347 : memref<125xi32, #tpu.memory_space<vmem>>) semaphore(%arg20 : memref<!tpu.dma_semaphore, #tpu.memory_space<semaphore_mem>>)
        %add3A_351 = arith.constant 1 : i32
        %add3A_352 = arith.addi %add3A_68, %add3A_351 : i32
        %mul3A_353 = arith.constant 4 : i32
        %mul3A_354 = arith.muli %add3A_352, %mul3A_353 : i32
        %add3A_355 = arith.constant 3 : i32
        %add3A_356 = arith.addi %mul3A_354, %add3A_355 : i32
        %dma_start3A_357 = arith.constant 0 : i32
        %dma_start3A_358 = tpu.memref_slice %arg7[%add3A_356, %dma_start3A_357] : memref<80x125xi32, #tpu.memory_space<vmem>> -> memref<1x125xi32, #tpu.memory_space<vmem>>
        %dma_start3A_359 = tpu.memref_squeeze %dma_start3A_358 : memref<1x125xi32, #tpu.memory_space<vmem>> -> memref<125xi32, #tpu.memory_space<vmem>>
        %dma_start3A_360 = arith.constant 0 : i32
        %dma_start3A_361 = arith.constant 0 : i32
        %dma_start3A_362 = tpu.memref_slice %arg2[%dma_start3A_360, %dma_start3A_361] : memref<10000x64xf32, #tpu.memory_space<hbm>> -> memref<10000x64xf32, #tpu.memory_space<hbm>>
        tpu.enqueue_indirect_dma source(%dma_start3A_362 : memref<10000x64xf32, #tpu.memory_space<hbm>>) target(%arg12 : memref<125x64xf32, #tpu.memory_space<vmem>>) offsets(%dma_start3A_359 : memref<125xi32, #tpu.memory_space<vmem>>) semaphore(%arg21 : memref<!tpu.dma_semaphore, #tpu.memory_space<semaphore_mem>>)
      } else {
      }
      %mul3A_275 = arith.constant 4 : i32
      %mul3A_276 = arith.muli %add3A_68, %mul3A_275 : i32
      %add3A_277 = arith.constant 0 : i32
      %add3A_278 = arith.addi %mul3A_276, %add3A_277 : i32
      %dma_start3A_279 = arith.constant 0 : i32
      %dma_start3A_280 = tpu.memref_slice %arg8[%add3A_278, %dma_start3A_279] : memref<80x125xi32, #tpu.memory_space<vmem>> -> memref<1x125xi32, #tpu.memory_space<vmem>>
      %dma_start3A_281 = tpu.memref_squeeze %dma_start3A_280 : memref<1x125xi32, #tpu.memory_space<vmem>> -> memref<125xi32, #tpu.memory_space<vmem>>
      %dma_start3A_282 = arith.constant 0 : i32
      %dma_start3A_283 = arith.constant 0 : i32
      %dma_start3A_284 = tpu.memref_slice %arg17[%dma_start3A_282, %dma_start3A_283] : memref<10240x64xf32, #tpu.memory_space<vmem_shared>> -> memref<10240x64xf32, #tpu.memory_space<vmem_shared>>
      tpu.enqueue_indirect_dma source(%arg13 : memref<125x64xf32, #tpu.memory_space<vmem>>) target(%dma_start3A_284 : memref<10240x64xf32, #tpu.memory_space<vmem_shared>>) offsets(%dma_start3A_281 : memref<125xi32, #tpu.memory_space<vmem>>) semaphore(%arg30 : memref<!tpu.dma_semaphore, #tpu.memory_space<semaphore_mem>>) {add = true}
      %mul3A_285 = arith.constant 4 : i32
      %mul3A_286 = arith.muli %add3A_68, %mul3A_285 : i32
      %add3A_287 = arith.constant 1 : i32
      %add3A_288 = arith.addi %mul3A_286, %add3A_287 : i32
      %dma_start3A_289 = arith.constant 0 : i32
      %dma_start3A_290 = tpu.memref_slice %arg8[%add3A_288, %dma_start3A_289] : memref<80x125xi32, #tpu.memory_space<vmem>> -> memref<1x125xi32, #tpu.memory_space<vmem>>
      %dma_start3A_291 = tpu.memref_squeeze %dma_start3A_290 : memref<1x125xi32, #tpu.memory_space<vmem>> -> memref<125xi32, #tpu.memory_space<vmem>>
      %dma_start3A_292 = arith.constant 0 : i32
      %dma_start3A_293 = arith.constant 0 : i32
      %dma_start3A_294 = tpu.memref_slice %arg17[%dma_start3A_292, %dma_start3A_293] : memref<10240x64xf32, #tpu.memory_space<vmem_shared>> -> memref<10240x64xf32, #tpu.memory_space<vmem_shared>>
      tpu.enqueue_indirect_dma source(%arg14 : memref<125x64xf32, #tpu.memory_space<vmem>>) target(%dma_start3A_294 : memref<10240x64xf32, #tpu.memory_space<vmem_shared>>) offsets(%dma_start3A_291 : memref<125xi32, #tpu.memory_space<vmem>>) semaphore(%arg31 : memref<!tpu.dma_semaphore, #tpu.memory_space<semaphore_mem>>) {add = true}
      %mul3A_295 = arith.constant 4 : i32
      %mul3A_296 = arith.muli %add3A_68, %mul3A_295 : i32
      %add3A_297 = arith.constant 2 : i32
      %add3A_298 = arith.addi %mul3A_296, %add3A_297 : i32
      %dma_start3A_299 = arith.constant 0 : i32
      %dma_start3A_300 = tpu.memref_slice %arg8[%add3A_298, %dma_start3A_299] : memref<80x125xi32, #tpu.memory_space<vmem>> -> memref<1x125xi32, #tpu.memory_space<vmem>>
      %dma_start3A_301 = tpu.memref_squeeze %dma_start3A_300 : memref<1x125xi32, #tpu.memory_space<vmem>> -> memref<125xi32, #tpu.memory_space<vmem>>
      %dma_start3A_302 = arith.constant 0 : i32
      %dma_start3A_303 = arith.constant 0 : i32
      %dma_start3A_304 = tpu.memref_slice %arg17[%dma_start3A_302, %dma_start3A_303] : memref<10240x64xf32, #tpu.memory_space<vmem_shared>> -> memref<10240x64xf32, #tpu.memory_space<vmem_shared>>
      tpu.enqueue_indirect_dma source(%arg15 : memref<125x64xf32, #tpu.memory_space<vmem>>) target(%dma_start3A_304 : memref<10240x64xf32, #tpu.memory_space<vmem_shared>>) offsets(%dma_start3A_301 : memref<125xi32, #tpu.memory_space<vmem>>) semaphore(%arg32 : memref<!tpu.dma_semaphore, #tpu.memory_space<semaphore_mem>>) {add = true}
      %mul3A_305 = arith.constant 4 : i32
      %mul3A_306 = arith.muli %add3A_68, %mul3A_305 : i32
      %add3A_307 = arith.constant 3 : i32
      %add3A_308 = arith.addi %mul3A_306, %add3A_307 : i32
      %dma_start3A_309 = arith.constant 0 : i32
      %dma_start3A_310 = tpu.memref_slice %arg8[%add3A_308, %dma_start3A_309] : memref<80x125xi32, #tpu.memory_space<vmem>> -> memref<1x125xi32, #tpu.memory_space<vmem>>
      %dma_start3A_311 = tpu.memref_squeeze %dma_start3A_310 : memref<1x125xi32, #tpu.memory_space<vmem>> -> memref<125xi32, #tpu.memory_space<vmem>>
      %dma_start3A_312 = arith.constant 0 : i32
      %dma_start3A_313 = arith.constant 0 : i32
      %dma_start3A_314 = tpu.memref_slice %arg17[%dma_start3A_312, %dma_start3A_313] : memref<10240x64xf32, #tpu.memory_space<vmem_shared>> -> memref<10240x64xf32, #tpu.memory_space<vmem_shared>>
      tpu.enqueue_indirect_dma source(%arg16 : memref<125x64xf32, #tpu.memory_space<vmem>>) target(%dma_start3A_314 : memref<10240x64xf32, #tpu.memory_space<vmem_shared>>) offsets(%dma_start3A_311 : memref<125xi32, #tpu.memory_space<vmem>>) semaphore(%arg33 : memref<!tpu.dma_semaphore, #tpu.memory_space<semaphore_mem>>) {add = true}
    }
    %scan3A_33 = arith.constant 10 : i32
    %dma_wait3A = arith.constant 76 : i32
    %dma_wait3A_34 = arith.constant 0 : i32
    %dma_wait3A_35 = tpu.memref_slice %arg8[%dma_wait3A, %dma_wait3A_34] : memref<80x125xi32, #tpu.memory_space<vmem>> -> memref<1x125xi32, #tpu.memory_space<vmem>>
    %dma_wait3A_36 = tpu.memref_squeeze %dma_wait3A_35 : memref<1x125xi32, #tpu.memory_space<vmem>> -> memref<125xi32, #tpu.memory_space<vmem>>
    %dma_wait3A_37 = arith.constant 0 : i32
    %dma_wait3A_38 = arith.constant 0 : i32
    %dma_wait3A_39 = tpu.memref_slice %arg17[%dma_wait3A_37, %dma_wait3A_38] : memref<10240x64xf32, #tpu.memory_space<vmem_shared>> -> memref<10240x64xf32, #tpu.memory_space<vmem_shared>>
    tpu.wait_indirect_dma semaphore(%arg30 : memref<!tpu.dma_semaphore, #tpu.memory_space<semaphore_mem>>) src(%arg13 : memref<125x64xf32, #tpu.memory_space<vmem>>) dst(%dma_wait3A_39 : memref<10240x64xf32, #tpu.memory_space<vmem_shared>>)
    %dma_wait3A_40 = arith.constant 77 : i32
    %dma_wait3A_41 = arith.constant 0 : i32
    %dma_wait3A_42 = tpu.memref_slice %arg8[%dma_wait3A_40, %dma_wait3A_41] : memref<80x125xi32, #tpu.memory_space<vmem>> -> memref<1x125xi32, #tpu.memory_space<vmem>>
    %dma_wait3A_43 = tpu.memref_squeeze %dma_wait3A_42 : memref<1x125xi32, #tpu.memory_space<vmem>> -> memref<125xi32, #tpu.memory_space<vmem>>
    %dma_wait3A_44 = arith.constant 0 : i32
    %dma_wait3A_45 = arith.constant 0 : i32
    %dma_wait3A_46 = tpu.memref_slice %arg17[%dma_wait3A_44, %dma_wait3A_45] : memref<10240x64xf32, #tpu.memory_space<vmem_shared>> -> memref<10240x64xf32, #tpu.memory_space<vmem_shared>>
    tpu.wait_indirect_dma semaphore(%arg31 : memref<!tpu.dma_semaphore, #tpu.memory_space<semaphore_mem>>) src(%arg14 : memref<125x64xf32, #tpu.memory_space<vmem>>) dst(%dma_wait3A_46 : memref<10240x64xf32, #tpu.memory_space<vmem_shared>>)
    %dma_wait3A_47 = arith.constant 78 : i32
    %dma_wait3A_48 = arith.constant 0 : i32
    %dma_wait3A_49 = tpu.memref_slice %arg8[%dma_wait3A_47, %dma_wait3A_48] : memref<80x125xi32, #tpu.memory_space<vmem>> -> memref<1x125xi32, #tpu.memory_space<vmem>>
    %dma_wait3A_50 = tpu.memref_squeeze %dma_wait3A_49 : memref<1x125xi32, #tpu.memory_space<vmem>> -> memref<125xi32, #tpu.memory_space<vmem>>
    %dma_wait3A_51 = arith.constant 0 : i32
    %dma_wait3A_52 = arith.constant 0 : i32
    %dma_wait3A_53 = tpu.memref_slice %arg17[%dma_wait3A_51, %dma_wait3A_52] : memref<10240x64xf32, #tpu.memory_space<vmem_shared>> -> memref<10240x64xf32, #tpu.memory_space<vmem_shared>>
    tpu.wait_indirect_dma semaphore(%arg32 : memref<!tpu.dma_semaphore, #tpu.memory_space<semaphore_mem>>) src(%arg15 : memref<125x64xf32, #tpu.memory_space<vmem>>) dst(%dma_wait3A_53 : memref<10240x64xf32, #tpu.memory_space<vmem_shared>>)
    %dma_wait3A_54 = arith.constant 79 : i32
    %dma_wait3A_55 = arith.constant 0 : i32
    %dma_wait3A_56 = tpu.memref_slice %arg8[%dma_wait3A_54, %dma_wait3A_55] : memref<80x125xi32, #tpu.memory_space<vmem>> -> memref<1x125xi32, #tpu.memory_space<vmem>>
    %dma_wait3A_57 = tpu.memref_squeeze %dma_wait3A_56 : memref<1x125xi32, #tpu.memory_space<vmem>> -> memref<125xi32, #tpu.memory_space<vmem>>
    %dma_wait3A_58 = arith.constant 0 : i32
    %dma_wait3A_59 = arith.constant 0 : i32
    %dma_wait3A_60 = tpu.memref_slice %arg17[%dma_wait3A_58, %dma_wait3A_59] : memref<10240x64xf32, #tpu.memory_space<vmem_shared>> -> memref<10240x64xf32, #tpu.memory_space<vmem_shared>>
    tpu.wait_indirect_dma semaphore(%arg33 : memref<!tpu.dma_semaphore, #tpu.memory_space<semaphore_mem>>) src(%arg16 : memref<125x64xf32, #tpu.memory_space<vmem>>) dst(%dma_wait3A_60 : memref<10240x64xf32, #tpu.memory_space<vmem_shared>>)
    %barrier3A_61 = arith.constant 0 : index
    tpu.barrier barrier_id(%barrier3A_61)
    "tpu.region"() ({
      %run_scoped3A = tpu.sem_alloc : memref<!tpu.dma_semaphore, #tpu.memory_space<semaphore_mem>>
      %dma_start3A_62 = arith.constant 0 : i32
      %dma_start3A_63 = tpu.memref_slice %arg6[%arg0, %mul3A_2, %dma_start3A_62] : memref<2x10240x64xf32, #tpu.memory_space<hbm>> -> memref<1x640x64xf32, #tpu.memory_space<hbm>>
      %dma_start3A_64 = tpu.memref_squeeze %dma_start3A_63 : memref<1x640x64xf32, #tpu.memory_space<hbm>> -> memref<640x64xf32, #tpu.memory_space<hbm>>
      %dma_start3A_65 = arith.constant 0 : i32
      %dma_start3A_66 = tpu.memref_slice %arg17[%mul3A_2, %dma_start3A_65] : memref<10240x64xf32, #tpu.memory_space<vmem_shared>> -> memref<640x64xf32, #tpu.memory_space<vmem_shared>>
      tpu.enqueue_dma source(%dma_start3A_66 : memref<640x64xf32, #tpu.memory_space<vmem_shared>>) target(%dma_start3A_64 : memref<640x64xf32, #tpu.memory_space<hbm>>) target_semaphore(%run_scoped3A : memref<!tpu.dma_semaphore, #tpu.memory_space<semaphore_mem>>)
      %dma_wait3A_67 = arith.constant 0 : i32
      %dma_wait3A_68 = tpu.memref_slice %arg6[%arg0, %mul3A_2, %dma_wait3A_67] : memref<2x10240x64xf32, #tpu.memory_space<hbm>> -> memref<1x640x64xf32, #tpu.memory_space<hbm>>
      %dma_wait3A_69 = tpu.memref_squeeze %dma_wait3A_68 : memref<1x640x64xf32, #tpu.memory_space<hbm>> -> memref<640x64xf32, #tpu.memory_space<hbm>>
      %dma_wait3A_70 = arith.constant 0 : i32
      %dma_wait3A_71 = tpu.memref_slice %arg17[%mul3A_2, %dma_wait3A_70] : memref<10240x64xf32, #tpu.memory_space<vmem_shared>> -> memref<640x64xf32, #tpu.memory_space<vmem_shared>>
      tpu.wait_dma2 semaphore(%run_scoped3A : memref<!tpu.dma_semaphore, #tpu.memory_space<semaphore_mem>>) src(%dma_wait3A_71 : memref<640x64xf32, #tpu.memory_space<vmem_shared>>) dst(%dma_wait3A_69 : memref<640x64xf32, #tpu.memory_space<hbm>>)
      tpu.yield
    }) : () -> ()
    return
  }
}

#map = affine_map<(d0, d1) -> (0, 0, 0)>
#map1 = affine_map<(d0, d1) -> (0, 0)>
module attributes {stable_mosaic.version = 14 : i64} {
  func.func @_deg_sc(%arg0: i32, %arg1: i32, %arg2: memref<32x80x125xi32, #tpu.memory_space<hbm>>, %arg3: memref<125x8xf32, #tpu.memory_space<hbm>>, %arg4: memref<10240x8xf32, #tpu.memory_space<hbm>>, %arg5: memref<2x10240x8xf32, #tpu.memory_space<hbm>>, %arg6: memref<80x125xi32, #tpu.memory_space<vmem>>, %arg7: memref<125x8xf32, #tpu.memory_space<vmem>>, %arg8: memref<10240x8xf32, #tpu.memory_space<vmem_shared>>, %arg9: memref<!tpu.dma_semaphore, #tpu.memory_space<semaphore_mem>>, %arg10: memref<!tpu.dma_semaphore, #tpu.memory_space<semaphore_mem>>, %arg11: memref<!tpu.dma_semaphore, #tpu.memory_space<semaphore_mem>>, %arg12: memref<!tpu.dma_semaphore, #tpu.memory_space<semaphore_mem>>, %arg13: memref<!tpu.dma_semaphore, #tpu.memory_space<semaphore_mem>>, %arg14: memref<!tpu.dma_semaphore, #tpu.memory_space<semaphore_mem>>, %arg15: memref<!tpu.dma_semaphore, #tpu.memory_space<semaphore_mem>>, %arg16: memref<!tpu.dma_semaphore, #tpu.memory_space<semaphore_mem>>) attributes {dimension_semantics = [#tpu.dimension_semantics<core_parallel>, #tpu.dimension_semantics<subcore_parallel>], iteration_bounds = array<i64: 2, 16>, scalar_prefetch = 0 : i64, scratch_operands = 11 : i64, tpu.core_type = #tpu.core_type<sc_vector_subcore>, window_params = [{transform_indices = #map}, {transform_indices = #map1}, {transform_indices = #map1}, {transform_indices = #map}]} {
    %mul3A = arith.constant 2 : i32
    %mul3A_0 = arith.muli %arg1, %mul3A : i32
    %add3A = arith.addi %mul3A_0, %arg0 : i32
    %mul3A_1 = arith.constant 640 : i32
    %mul3A_2 = arith.muli %arg1, %mul3A_1 : i32
    "tpu.region"() ({
      %run_scoped3A = tpu.sem_alloc : memref<!tpu.dma_semaphore, #tpu.memory_space<semaphore_mem>>
      tpu.enqueue_dma source(%arg3 : memref<125x8xf32, #tpu.memory_space<hbm>>) target(%arg7 : memref<125x8xf32, #tpu.memory_space<vmem>>) target_semaphore(%run_scoped3A : memref<!tpu.dma_semaphore, #tpu.memory_space<semaphore_mem>>)
      tpu.wait_dma2 semaphore(%run_scoped3A : memref<!tpu.dma_semaphore, #tpu.memory_space<semaphore_mem>>) src(%arg3 : memref<125x8xf32, #tpu.memory_space<hbm>>) dst(%arg7 : memref<125x8xf32, #tpu.memory_space<vmem>>)
      tpu.yield
    }) : () -> ()
    "tpu.region"() ({
      %run_scoped3A = tpu.sem_alloc : memref<!tpu.dma_semaphore, #tpu.memory_space<semaphore_mem>>
      %dma_start3A_118 = arith.constant 0 : i32
      %dma_start3A_119 = arith.constant 0 : i32
      %dma_start3A_120 = tpu.memref_slice %arg2[%add3A, %dma_start3A_118, %dma_start3A_119] : memref<32x80x125xi32, #tpu.memory_space<hbm>> -> memref<1x80x125xi32, #tpu.memory_space<hbm>>
      %dma_start3A_121 = tpu.memref_squeeze %dma_start3A_120 : memref<1x80x125xi32, #tpu.memory_space<hbm>> -> memref<80x125xi32, #tpu.memory_space<hbm>>
      %dma_start3A_122 = arith.constant 0 : i32
      %dma_start3A_123 = arith.constant 0 : i32
      %dma_start3A_124 = tpu.memref_slice %arg2[%add3A, %dma_start3A_122, %dma_start3A_123] : memref<32x80x125xi32, #tpu.memory_space<hbm>> -> memref<1x80x125xi32, #tpu.memory_space<hbm>>
      %dma_start3A_125 = tpu.memref_squeeze %dma_start3A_124 : memref<1x80x125xi32, #tpu.memory_space<hbm>> -> memref<80x125xi32, #tpu.memory_space<hbm>>
      tpu.enqueue_dma source(%dma_start3A_125 : memref<80x125xi32, #tpu.memory_space<hbm>>) target(%arg6 : memref<80x125xi32, #tpu.memory_space<vmem>>) target_semaphore(%run_scoped3A : memref<!tpu.dma_semaphore, #tpu.memory_space<semaphore_mem>>)
      %dma_wait3A_126 = arith.constant 0 : i32
      %dma_wait3A_127 = arith.constant 0 : i32
      %dma_wait3A_128 = tpu.memref_slice %arg2[%add3A, %dma_wait3A_126, %dma_wait3A_127] : memref<32x80x125xi32, #tpu.memory_space<hbm>> -> memref<1x80x125xi32, #tpu.memory_space<hbm>>
      %dma_wait3A_129 = tpu.memref_squeeze %dma_wait3A_128 : memref<1x80x125xi32, #tpu.memory_space<hbm>> -> memref<80x125xi32, #tpu.memory_space<hbm>>
      %dma_wait3A_130 = arith.constant 0 : i32
      %dma_wait3A_131 = arith.constant 0 : i32
      %dma_wait3A_132 = tpu.memref_slice %arg2[%add3A, %dma_wait3A_130, %dma_wait3A_131] : memref<32x80x125xi32, #tpu.memory_space<hbm>> -> memref<1x80x125xi32, #tpu.memory_space<hbm>>
      %dma_wait3A_133 = tpu.memref_squeeze %dma_wait3A_132 : memref<1x80x125xi32, #tpu.memory_space<hbm>> -> memref<80x125xi32, #tpu.memory_space<hbm>>
      tpu.wait_dma2 semaphore(%run_scoped3A : memref<!tpu.dma_semaphore, #tpu.memory_space<semaphore_mem>>) src(%dma_wait3A_133 : memref<80x125xi32, #tpu.memory_space<hbm>>) dst(%arg6 : memref<80x125xi32, #tpu.memory_space<vmem>>)
      tpu.yield
    }) : () -> ()
    "tpu.region"() ({
      %run_scoped3A = tpu.sem_alloc : memref<!tpu.dma_semaphore, #tpu.memory_space<semaphore_mem>>
      %dma_start3A_118 = arith.constant 0 : i32
      %dma_start3A_119 = tpu.memref_slice %arg8[%mul3A_2, %dma_start3A_118] : memref<10240x8xf32, #tpu.memory_space<vmem_shared>> -> memref<640x8xf32, #tpu.memory_space<vmem_shared>>
      %dma_start3A_120 = arith.constant 0 : i32
      %dma_start3A_121 = tpu.memref_slice %arg4[%mul3A_2, %dma_start3A_120] : memref<10240x8xf32, #tpu.memory_space<hbm>> -> memref<640x8xf32, #tpu.memory_space<hbm>>
      tpu.enqueue_dma source(%dma_start3A_121 : memref<640x8xf32, #tpu.memory_space<hbm>>) target(%dma_start3A_119 : memref<640x8xf32, #tpu.memory_space<vmem_shared>>) target_semaphore(%run_scoped3A : memref<!tpu.dma_semaphore, #tpu.memory_space<semaphore_mem>>)
      %dma_wait3A_122 = arith.constant 0 : i32
      %dma_wait3A_123 = tpu.memref_slice %arg8[%mul3A_2, %dma_wait3A_122] : memref<10240x8xf32, #tpu.memory_space<vmem_shared>> -> memref<640x8xf32, #tpu.memory_space<vmem_shared>>
      %dma_wait3A_124 = arith.constant 0 : i32
      %dma_wait3A_125 = tpu.memref_slice %arg4[%mul3A_2, %dma_wait3A_124] : memref<10240x8xf32, #tpu.memory_space<hbm>> -> memref<640x8xf32, #tpu.memory_space<hbm>>
      tpu.wait_dma2 semaphore(%run_scoped3A : memref<!tpu.dma_semaphore, #tpu.memory_space<semaphore_mem>>) src(%dma_wait3A_125 : memref<640x8xf32, #tpu.memory_space<hbm>>) dst(%dma_wait3A_123 : memref<640x8xf32, #tpu.memory_space<vmem_shared>>)
      tpu.yield
    }) : () -> ()
    %barrier3A = arith.constant 0 : index
    tpu.barrier barrier_id(%barrier3A)
    %dma_start3A = arith.constant 0 : i32
    %dma_start3A_3 = arith.constant 0 : i32
    %dma_start3A_4 = tpu.memref_slice %arg6[%dma_start3A, %dma_start3A_3] : memref<80x125xi32, #tpu.memory_space<vmem>> -> memref<1x125xi32, #tpu.memory_space<vmem>>
    %dma_start3A_5 = tpu.memref_squeeze %dma_start3A_4 : memref<1x125xi32, #tpu.memory_space<vmem>> -> memref<125xi32, #tpu.memory_space<vmem>>
    %dma_start3A_6 = arith.constant 0 : i32
    %dma_start3A_7 = arith.constant 0 : i32
    %dma_start3A_8 = tpu.memref_slice %arg8[%dma_start3A_6, %dma_start3A_7] : memref<10240x8xf32, #tpu.memory_space<vmem_shared>> -> memref<10240x8xf32, #tpu.memory_space<vmem_shared>>
    tpu.enqueue_indirect_dma source(%arg7 : memref<125x8xf32, #tpu.memory_space<vmem>>) target(%dma_start3A_8 : memref<10240x8xf32, #tpu.memory_space<vmem_shared>>) offsets(%dma_start3A_5 : memref<125xi32, #tpu.memory_space<vmem>>) semaphore(%arg9 : memref<!tpu.dma_semaphore, #tpu.memory_space<semaphore_mem>>) {add = true}
    %dma_start3A_9 = arith.constant 1 : i32
    %dma_start3A_10 = arith.constant 0 : i32
    %dma_start3A_11 = tpu.memref_slice %arg6[%dma_start3A_9, %dma_start3A_10] : memref<80x125xi32, #tpu.memory_space<vmem>> -> memref<1x125xi32, #tpu.memory_space<vmem>>
    %dma_start3A_12 = tpu.memref_squeeze %dma_start3A_11 : memref<1x125xi32, #tpu.memory_space<vmem>> -> memref<125xi32, #tpu.memory_space<vmem>>
    %dma_start3A_13 = arith.constant 0 : i32
    %dma_start3A_14 = arith.constant 0 : i32
    %dma_start3A_15 = tpu.memref_slice %arg8[%dma_start3A_13, %dma_start3A_14] : memref<10240x8xf32, #tpu.memory_space<vmem_shared>> -> memref<10240x8xf32, #tpu.memory_space<vmem_shared>>
    tpu.enqueue_indirect_dma source(%arg7 : memref<125x8xf32, #tpu.memory_space<vmem>>) target(%dma_start3A_15 : memref<10240x8xf32, #tpu.memory_space<vmem_shared>>) offsets(%dma_start3A_12 : memref<125xi32, #tpu.memory_space<vmem>>) semaphore(%arg10 : memref<!tpu.dma_semaphore, #tpu.memory_space<semaphore_mem>>) {add = true}
    %dma_start3A_16 = arith.constant 2 : i32
    %dma_start3A_17 = arith.constant 0 : i32
    %dma_start3A_18 = tpu.memref_slice %arg6[%dma_start3A_16, %dma_start3A_17] : memref<80x125xi32, #tpu.memory_space<vmem>> -> memref<1x125xi32, #tpu.memory_space<vmem>>
    %dma_start3A_19 = tpu.memref_squeeze %dma_start3A_18 : memref<1x125xi32, #tpu.memory_space<vmem>> -> memref<125xi32, #tpu.memory_space<vmem>>
    %dma_start3A_20 = arith.constant 0 : i32
    %dma_start3A_21 = arith.constant 0 : i32
    %dma_start3A_22 = tpu.memref_slice %arg8[%dma_start3A_20, %dma_start3A_21] : memref<10240x8xf32, #tpu.memory_space<vmem_shared>> -> memref<10240x8xf32, #tpu.memory_space<vmem_shared>>
    tpu.enqueue_indirect_dma source(%arg7 : memref<125x8xf32, #tpu.memory_space<vmem>>) target(%dma_start3A_22 : memref<10240x8xf32, #tpu.memory_space<vmem_shared>>) offsets(%dma_start3A_19 : memref<125xi32, #tpu.memory_space<vmem>>) semaphore(%arg11 : memref<!tpu.dma_semaphore, #tpu.memory_space<semaphore_mem>>) {add = true}
    %dma_start3A_23 = arith.constant 3 : i32
    %dma_start3A_24 = arith.constant 0 : i32
    %dma_start3A_25 = tpu.memref_slice %arg6[%dma_start3A_23, %dma_start3A_24] : memref<80x125xi32, #tpu.memory_space<vmem>> -> memref<1x125xi32, #tpu.memory_space<vmem>>
    %dma_start3A_26 = tpu.memref_squeeze %dma_start3A_25 : memref<1x125xi32, #tpu.memory_space<vmem>> -> memref<125xi32, #tpu.memory_space<vmem>>
    %dma_start3A_27 = arith.constant 0 : i32
    %dma_start3A_28 = arith.constant 0 : i32
    %dma_start3A_29 = tpu.memref_slice %arg8[%dma_start3A_27, %dma_start3A_28] : memref<10240x8xf32, #tpu.memory_space<vmem_shared>> -> memref<10240x8xf32, #tpu.memory_space<vmem_shared>>
    tpu.enqueue_indirect_dma source(%arg7 : memref<125x8xf32, #tpu.memory_space<vmem>>) target(%dma_start3A_29 : memref<10240x8xf32, #tpu.memory_space<vmem_shared>>) offsets(%dma_start3A_26 : memref<125xi32, #tpu.memory_space<vmem>>) semaphore(%arg12 : memref<!tpu.dma_semaphore, #tpu.memory_space<semaphore_mem>>) {add = true}
    %dma_start3A_30 = arith.constant 4 : i32
    %dma_start3A_31 = arith.constant 0 : i32
    %dma_start3A_32 = tpu.memref_slice %arg6[%dma_start3A_30, %dma_start3A_31] : memref<80x125xi32, #tpu.memory_space<vmem>> -> memref<1x125xi32, #tpu.memory_space<vmem>>
    %dma_start3A_33 = tpu.memref_squeeze %dma_start3A_32 : memref<1x125xi32, #tpu.memory_space<vmem>> -> memref<125xi32, #tpu.memory_space<vmem>>
    %dma_start3A_34 = arith.constant 0 : i32
    %dma_start3A_35 = arith.constant 0 : i32
    %dma_start3A_36 = tpu.memref_slice %arg8[%dma_start3A_34, %dma_start3A_35] : memref<10240x8xf32, #tpu.memory_space<vmem_shared>> -> memref<10240x8xf32, #tpu.memory_space<vmem_shared>>
    tpu.enqueue_indirect_dma source(%arg7 : memref<125x8xf32, #tpu.memory_space<vmem>>) target(%dma_start3A_36 : memref<10240x8xf32, #tpu.memory_space<vmem_shared>>) offsets(%dma_start3A_33 : memref<125xi32, #tpu.memory_space<vmem>>) semaphore(%arg13 : memref<!tpu.dma_semaphore, #tpu.memory_space<semaphore_mem>>) {add = true}
    %dma_start3A_37 = arith.constant 5 : i32
    %dma_start3A_38 = arith.constant 0 : i32
    %dma_start3A_39 = tpu.memref_slice %arg6[%dma_start3A_37, %dma_start3A_38] : memref<80x125xi32, #tpu.memory_space<vmem>> -> memref<1x125xi32, #tpu.memory_space<vmem>>
    %dma_start3A_40 = tpu.memref_squeeze %dma_start3A_39 : memref<1x125xi32, #tpu.memory_space<vmem>> -> memref<125xi32, #tpu.memory_space<vmem>>
    %dma_start3A_41 = arith.constant 0 : i32
    %dma_start3A_42 = arith.constant 0 : i32
    %dma_start3A_43 = tpu.memref_slice %arg8[%dma_start3A_41, %dma_start3A_42] : memref<10240x8xf32, #tpu.memory_space<vmem_shared>> -> memref<10240x8xf32, #tpu.memory_space<vmem_shared>>
    tpu.enqueue_indirect_dma source(%arg7 : memref<125x8xf32, #tpu.memory_space<vmem>>) target(%dma_start3A_43 : memref<10240x8xf32, #tpu.memory_space<vmem_shared>>) offsets(%dma_start3A_40 : memref<125xi32, #tpu.memory_space<vmem>>) semaphore(%arg14 : memref<!tpu.dma_semaphore, #tpu.memory_space<semaphore_mem>>) {add = true}
    %dma_start3A_44 = arith.constant 6 : i32
    %dma_start3A_45 = arith.constant 0 : i32
    %dma_start3A_46 = tpu.memref_slice %arg6[%dma_start3A_44, %dma_start3A_45] : memref<80x125xi32, #tpu.memory_space<vmem>> -> memref<1x125xi32, #tpu.memory_space<vmem>>
    %dma_start3A_47 = tpu.memref_squeeze %dma_start3A_46 : memref<1x125xi32, #tpu.memory_space<vmem>> -> memref<125xi32, #tpu.memory_space<vmem>>
    %dma_start3A_48 = arith.constant 0 : i32
    %dma_start3A_49 = arith.constant 0 : i32
    %dma_start3A_50 = tpu.memref_slice %arg8[%dma_start3A_48, %dma_start3A_49] : memref<10240x8xf32, #tpu.memory_space<vmem_shared>> -> memref<10240x8xf32, #tpu.memory_space<vmem_shared>>
    tpu.enqueue_indirect_dma source(%arg7 : memref<125x8xf32, #tpu.memory_space<vmem>>) target(%dma_start3A_50 : memref<10240x8xf32, #tpu.memory_space<vmem_shared>>) offsets(%dma_start3A_47 : memref<125xi32, #tpu.memory_space<vmem>>) semaphore(%arg15 : memref<!tpu.dma_semaphore, #tpu.memory_space<semaphore_mem>>) {add = true}
    %dma_start3A_51 = arith.constant 7 : i32
    %dma_start3A_52 = arith.constant 0 : i32
    %dma_start3A_53 = tpu.memref_slice %arg6[%dma_start3A_51, %dma_start3A_52] : memref<80x125xi32, #tpu.memory_space<vmem>> -> memref<1x125xi32, #tpu.memory_space<vmem>>
    %dma_start3A_54 = tpu.memref_squeeze %dma_start3A_53 : memref<1x125xi32, #tpu.memory_space<vmem>> -> memref<125xi32, #tpu.memory_space<vmem>>
    %dma_start3A_55 = arith.constant 0 : i32
    %dma_start3A_56 = arith.constant 0 : i32
    %dma_start3A_57 = tpu.memref_slice %arg8[%dma_start3A_55, %dma_start3A_56] : memref<10240x8xf32, #tpu.memory_space<vmem_shared>> -> memref<10240x8xf32, #tpu.memory_space<vmem_shared>>
    tpu.enqueue_indirect_dma source(%arg7 : memref<125x8xf32, #tpu.memory_space<vmem>>) target(%dma_start3A_57 : memref<10240x8xf32, #tpu.memory_space<vmem_shared>>) offsets(%dma_start3A_54 : memref<125xi32, #tpu.memory_space<vmem>>) semaphore(%arg16 : memref<!tpu.dma_semaphore, #tpu.memory_space<semaphore_mem>>) {add = true}
    %scan3A = arith.constant 0 : i32
    %scan3A_58 = arith.constant 9 : i32
    %scan3A_59 = arith.addi %scan3A, %scan3A_58 : i32
    %scan3A_60 = arith.constant 1 : i32
    scf.for %scan3A_118 = %scan3A to %scan3A_59 step %scan3A_60  : i32 {
      %mul3A_119 = arith.constant 8 : i32
      %mul3A_120 = arith.muli %mul3A_119, %scan3A_118 : i32
      %add3A_121 = arith.constant 0 : i32
      %add3A_122 = arith.addi %mul3A_120, %add3A_121 : i32
      %dma_wait3A_123 = arith.constant 0 : i32
      %dma_wait3A_124 = tpu.memref_slice %arg6[%add3A_122, %dma_wait3A_123] : memref<80x125xi32, #tpu.memory_space<vmem>> -> memref<1x125xi32, #tpu.memory_space<vmem>>
      %dma_wait3A_125 = tpu.memref_squeeze %dma_wait3A_124 : memref<1x125xi32, #tpu.memory_space<vmem>> -> memref<125xi32, #tpu.memory_space<vmem>>
      %dma_wait3A_126 = arith.constant 0 : i32
      %dma_wait3A_127 = arith.constant 0 : i32
      %dma_wait3A_128 = tpu.memref_slice %arg8[%dma_wait3A_126, %dma_wait3A_127] : memref<10240x8xf32, #tpu.memory_space<vmem_shared>> -> memref<10240x8xf32, #tpu.memory_space<vmem_shared>>
      tpu.wait_indirect_dma semaphore(%arg9 : memref<!tpu.dma_semaphore, #tpu.memory_space<semaphore_mem>>) src(%arg7 : memref<125x8xf32, #tpu.memory_space<vmem>>) dst(%dma_wait3A_128 : memref<10240x8xf32, #tpu.memory_space<vmem_shared>>)
      %add3A_129 = arith.constant 1 : i32
      %add3A_130 = arith.addi %scan3A_118, %add3A_129 : i32
      %mul3A_131 = arith.constant 8 : i32
      %mul3A_132 = arith.muli %mul3A_131, %add3A_130 : i32
      %add3A_133 = arith.constant 0 : i32
      %add3A_134 = arith.addi %mul3A_132, %add3A_133 : i32
      %dma_start3A_135 = arith.constant 0 : i32
      %dma_start3A_136 = tpu.memref_slice %arg6[%add3A_134, %dma_start3A_135] : memref<80x125xi32, #tpu.memory_space<vmem>> -> memref<1x125xi32, #tpu.memory_space<vmem>>
      %dma_start3A_137 = tpu.memref_squeeze %dma_start3A_136 : memref<1x125xi32, #tpu.memory_space<vmem>> -> memref<125xi32, #tpu.memory_space<vmem>>
      %dma_start3A_138 = arith.constant 0 : i32
      %dma_start3A_139 = arith.constant 0 : i32
      %dma_start3A_140 = tpu.memref_slice %arg8[%dma_start3A_138, %dma_start3A_139] : memref<10240x8xf32, #tpu.memory_space<vmem_shared>> -> memref<10240x8xf32, #tpu.memory_space<vmem_shared>>
      tpu.enqueue_indirect_dma source(%arg7 : memref<125x8xf32, #tpu.memory_space<vmem>>) target(%dma_start3A_140 : memref<10240x8xf32, #tpu.memory_space<vmem_shared>>) offsets(%dma_start3A_137 : memref<125xi32, #tpu.memory_space<vmem>>) semaphore(%arg9 : memref<!tpu.dma_semaphore, #tpu.memory_space<semaphore_mem>>) {add = true}
      %mul3A_141 = arith.constant 8 : i32
      %mul3A_142 = arith.muli %mul3A_141, %scan3A_118 : i32
      %add3A_143 = arith.constant 1 : i32
      %add3A_144 = arith.addi %mul3A_142, %add3A_143 : i32
      %dma_wait3A_145 = arith.constant 0 : i32
      %dma_wait3A_146 = tpu.memref_slice %arg6[%add3A_144, %dma_wait3A_145] : memref<80x125xi32, #tpu.memory_space<vmem>> -> memref<1x125xi32, #tpu.memory_space<vmem>>
      %dma_wait3A_147 = tpu.memref_squeeze %dma_wait3A_146 : memref<1x125xi32, #tpu.memory_space<vmem>> -> memref<125xi32, #tpu.memory_space<vmem>>
      %dma_wait3A_148 = arith.constant 0 : i32
      %dma_wait3A_149 = arith.constant 0 : i32
      %dma_wait3A_150 = tpu.memref_slice %arg8[%dma_wait3A_148, %dma_wait3A_149] : memref<10240x8xf32, #tpu.memory_space<vmem_shared>> -> memref<10240x8xf32, #tpu.memory_space<vmem_shared>>
      tpu.wait_indirect_dma semaphore(%arg10 : memref<!tpu.dma_semaphore, #tpu.memory_space<semaphore_mem>>) src(%arg7 : memref<125x8xf32, #tpu.memory_space<vmem>>) dst(%dma_wait3A_150 : memref<10240x8xf32, #tpu.memory_space<vmem_shared>>)
      %add3A_151 = arith.constant 1 : i32
      %add3A_152 = arith.addi %scan3A_118, %add3A_151 : i32
      %mul3A_153 = arith.constant 8 : i32
      %mul3A_154 = arith.muli %mul3A_153, %add3A_152 : i32
      %add3A_155 = arith.constant 1 : i32
      %add3A_156 = arith.addi %mul3A_154, %add3A_155 : i32
      %dma_start3A_157 = arith.constant 0 : i32
      %dma_start3A_158 = tpu.memref_slice %arg6[%add3A_156, %dma_start3A_157] : memref<80x125xi32, #tpu.memory_space<vmem>> -> memref<1x125xi32, #tpu.memory_space<vmem>>
      %dma_start3A_159 = tpu.memref_squeeze %dma_start3A_158 : memref<1x125xi32, #tpu.memory_space<vmem>> -> memref<125xi32, #tpu.memory_space<vmem>>
      %dma_start3A_160 = arith.constant 0 : i32
      %dma_start3A_161 = arith.constant 0 : i32
      %dma_start3A_162 = tpu.memref_slice %arg8[%dma_start3A_160, %dma_start3A_161] : memref<10240x8xf32, #tpu.memory_space<vmem_shared>> -> memref<10240x8xf32, #tpu.memory_space<vmem_shared>>
      tpu.enqueue_indirect_dma source(%arg7 : memref<125x8xf32, #tpu.memory_space<vmem>>) target(%dma_start3A_162 : memref<10240x8xf32, #tpu.memory_space<vmem_shared>>) offsets(%dma_start3A_159 : memref<125xi32, #tpu.memory_space<vmem>>) semaphore(%arg10 : memref<!tpu.dma_semaphore, #tpu.memory_space<semaphore_mem>>) {add = true}
      %mul3A_163 = arith.constant 8 : i32
      %mul3A_164 = arith.muli %mul3A_163, %scan3A_118 : i32
      %add3A_165 = arith.constant 2 : i32
      %add3A_166 = arith.addi %mul3A_164, %add3A_165 : i32
      %dma_wait3A_167 = arith.constant 0 : i32
      %dma_wait3A_168 = tpu.memref_slice %arg6[%add3A_166, %dma_wait3A_167] : memref<80x125xi32, #tpu.memory_space<vmem>> -> memref<1x125xi32, #tpu.memory_space<vmem>>
      %dma_wait3A_169 = tpu.memref_squeeze %dma_wait3A_168 : memref<1x125xi32, #tpu.memory_space<vmem>> -> memref<125xi32, #tpu.memory_space<vmem>>
      %dma_wait3A_170 = arith.constant 0 : i32
      %dma_wait3A_171 = arith.constant 0 : i32
      %dma_wait3A_172 = tpu.memref_slice %arg8[%dma_wait3A_170, %dma_wait3A_171] : memref<10240x8xf32, #tpu.memory_space<vmem_shared>> -> memref<10240x8xf32, #tpu.memory_space<vmem_shared>>
      tpu.wait_indirect_dma semaphore(%arg11 : memref<!tpu.dma_semaphore, #tpu.memory_space<semaphore_mem>>) src(%arg7 : memref<125x8xf32, #tpu.memory_space<vmem>>) dst(%dma_wait3A_172 : memref<10240x8xf32, #tpu.memory_space<vmem_shared>>)
      %add3A_173 = arith.constant 1 : i32
      %add3A_174 = arith.addi %scan3A_118, %add3A_173 : i32
      %mul3A_175 = arith.constant 8 : i32
      %mul3A_176 = arith.muli %mul3A_175, %add3A_174 : i32
      %add3A_177 = arith.constant 2 : i32
      %add3A_178 = arith.addi %mul3A_176, %add3A_177 : i32
      %dma_start3A_179 = arith.constant 0 : i32
      %dma_start3A_180 = tpu.memref_slice %arg6[%add3A_178, %dma_start3A_179] : memref<80x125xi32, #tpu.memory_space<vmem>> -> memref<1x125xi32, #tpu.memory_space<vmem>>
      %dma_start3A_181 = tpu.memref_squeeze %dma_start3A_180 : memref<1x125xi32, #tpu.memory_space<vmem>> -> memref<125xi32, #tpu.memory_space<vmem>>
      %dma_start3A_182 = arith.constant 0 : i32
      %dma_start3A_183 = arith.constant 0 : i32
      %dma_start3A_184 = tpu.memref_slice %arg8[%dma_start3A_182, %dma_start3A_183] : memref<10240x8xf32, #tpu.memory_space<vmem_shared>> -> memref<10240x8xf32, #tpu.memory_space<vmem_shared>>
      tpu.enqueue_indirect_dma source(%arg7 : memref<125x8xf32, #tpu.memory_space<vmem>>) target(%dma_start3A_184 : memref<10240x8xf32, #tpu.memory_space<vmem_shared>>) offsets(%dma_start3A_181 : memref<125xi32, #tpu.memory_space<vmem>>) semaphore(%arg11 : memref<!tpu.dma_semaphore, #tpu.memory_space<semaphore_mem>>) {add = true}
      %mul3A_185 = arith.constant 8 : i32
      %mul3A_186 = arith.muli %mul3A_185, %scan3A_118 : i32
      %add3A_187 = arith.constant 3 : i32
      %add3A_188 = arith.addi %mul3A_186, %add3A_187 : i32
      %dma_wait3A_189 = arith.constant 0 : i32
      %dma_wait3A_190 = tpu.memref_slice %arg6[%add3A_188, %dma_wait3A_189] : memref<80x125xi32, #tpu.memory_space<vmem>> -> memref<1x125xi32, #tpu.memory_space<vmem>>
      %dma_wait3A_191 = tpu.memref_squeeze %dma_wait3A_190 : memref<1x125xi32, #tpu.memory_space<vmem>> -> memref<125xi32, #tpu.memory_space<vmem>>
      %dma_wait3A_192 = arith.constant 0 : i32
      %dma_wait3A_193 = arith.constant 0 : i32
      %dma_wait3A_194 = tpu.memref_slice %arg8[%dma_wait3A_192, %dma_wait3A_193] : memref<10240x8xf32, #tpu.memory_space<vmem_shared>> -> memref<10240x8xf32, #tpu.memory_space<vmem_shared>>
      tpu.wait_indirect_dma semaphore(%arg12 : memref<!tpu.dma_semaphore, #tpu.memory_space<semaphore_mem>>) src(%arg7 : memref<125x8xf32, #tpu.memory_space<vmem>>) dst(%dma_wait3A_194 : memref<10240x8xf32, #tpu.memory_space<vmem_shared>>)
      %add3A_195 = arith.constant 1 : i32
      %add3A_196 = arith.addi %scan3A_118, %add3A_195 : i32
      %mul3A_197 = arith.constant 8 : i32
      %mul3A_198 = arith.muli %mul3A_197, %add3A_196 : i32
      %add3A_199 = arith.constant 3 : i32
      %add3A_200 = arith.addi %mul3A_198, %add3A_199 : i32
      %dma_start3A_201 = arith.constant 0 : i32
      %dma_start3A_202 = tpu.memref_slice %arg6[%add3A_200, %dma_start3A_201] : memref<80x125xi32, #tpu.memory_space<vmem>> -> memref<1x125xi32, #tpu.memory_space<vmem>>
      %dma_start3A_203 = tpu.memref_squeeze %dma_start3A_202 : memref<1x125xi32, #tpu.memory_space<vmem>> -> memref<125xi32, #tpu.memory_space<vmem>>
      %dma_start3A_204 = arith.constant 0 : i32
      %dma_start3A_205 = arith.constant 0 : i32
      %dma_start3A_206 = tpu.memref_slice %arg8[%dma_start3A_204, %dma_start3A_205] : memref<10240x8xf32, #tpu.memory_space<vmem_shared>> -> memref<10240x8xf32, #tpu.memory_space<vmem_shared>>
      tpu.enqueue_indirect_dma source(%arg7 : memref<125x8xf32, #tpu.memory_space<vmem>>) target(%dma_start3A_206 : memref<10240x8xf32, #tpu.memory_space<vmem_shared>>) offsets(%dma_start3A_203 : memref<125xi32, #tpu.memory_space<vmem>>) semaphore(%arg12 : memref<!tpu.dma_semaphore, #tpu.memory_space<semaphore_mem>>) {add = true}
      %mul3A_207 = arith.constant 8 : i32
      %mul3A_208 = arith.muli %mul3A_207, %scan3A_118 : i32
      %add3A_209 = arith.constant 4 : i32
      %add3A_210 = arith.addi %mul3A_208, %add3A_209 : i32
      %dma_wait3A_211 = arith.constant 0 : i32
      %dma_wait3A_212 = tpu.memref_slice %arg6[%add3A_210, %dma_wait3A_211] : memref<80x125xi32, #tpu.memory_space<vmem>> -> memref<1x125xi32, #tpu.memory_space<vmem>>
      %dma_wait3A_213 = tpu.memref_squeeze %dma_wait3A_212 : memref<1x125xi32, #tpu.memory_space<vmem>> -> memref<125xi32, #tpu.memory_space<vmem>>
      %dma_wait3A_214 = arith.constant 0 : i32
      %dma_wait3A_215 = arith.constant 0 : i32
      %dma_wait3A_216 = tpu.memref_slice %arg8[%dma_wait3A_214, %dma_wait3A_215] : memref<10240x8xf32, #tpu.memory_space<vmem_shared>> -> memref<10240x8xf32, #tpu.memory_space<vmem_shared>>
      tpu.wait_indirect_dma semaphore(%arg13 : memref<!tpu.dma_semaphore, #tpu.memory_space<semaphore_mem>>) src(%arg7 : memref<125x8xf32, #tpu.memory_space<vmem>>) dst(%dma_wait3A_216 : memref<10240x8xf32, #tpu.memory_space<vmem_shared>>)
      %add3A_217 = arith.constant 1 : i32
      %add3A_218 = arith.addi %scan3A_118, %add3A_217 : i32
      %mul3A_219 = arith.constant 8 : i32
      %mul3A_220 = arith.muli %mul3A_219, %add3A_218 : i32
      %add3A_221 = arith.constant 4 : i32
      %add3A_222 = arith.addi %mul3A_220, %add3A_221 : i32
      %dma_start3A_223 = arith.constant 0 : i32
      %dma_start3A_224 = tpu.memref_slice %arg6[%add3A_222, %dma_start3A_223] : memref<80x125xi32, #tpu.memory_space<vmem>> -> memref<1x125xi32, #tpu.memory_space<vmem>>
      %dma_start3A_225 = tpu.memref_squeeze %dma_start3A_224 : memref<1x125xi32, #tpu.memory_space<vmem>> -> memref<125xi32, #tpu.memory_space<vmem>>
      %dma_start3A_226 = arith.constant 0 : i32
      %dma_start3A_227 = arith.constant 0 : i32
      %dma_start3A_228 = tpu.memref_slice %arg8[%dma_start3A_226, %dma_start3A_227] : memref<10240x8xf32, #tpu.memory_space<vmem_shared>> -> memref<10240x8xf32, #tpu.memory_space<vmem_shared>>
      tpu.enqueue_indirect_dma source(%arg7 : memref<125x8xf32, #tpu.memory_space<vmem>>) target(%dma_start3A_228 : memref<10240x8xf32, #tpu.memory_space<vmem_shared>>) offsets(%dma_start3A_225 : memref<125xi32, #tpu.memory_space<vmem>>) semaphore(%arg13 : memref<!tpu.dma_semaphore, #tpu.memory_space<semaphore_mem>>) {add = true}
      %mul3A_229 = arith.constant 8 : i32
      %mul3A_230 = arith.muli %mul3A_229, %scan3A_118 : i32
      %add3A_231 = arith.constant 5 : i32
      %add3A_232 = arith.addi %mul3A_230, %add3A_231 : i32
      %dma_wait3A_233 = arith.constant 0 : i32
      %dma_wait3A_234 = tpu.memref_slice %arg6[%add3A_232, %dma_wait3A_233] : memref<80x125xi32, #tpu.memory_space<vmem>> -> memref<1x125xi32, #tpu.memory_space<vmem>>
      %dma_wait3A_235 = tpu.memref_squeeze %dma_wait3A_234 : memref<1x125xi32, #tpu.memory_space<vmem>> -> memref<125xi32, #tpu.memory_space<vmem>>
      %dma_wait3A_236 = arith.constant 0 : i32
      %dma_wait3A_237 = arith.constant 0 : i32
      %dma_wait3A_238 = tpu.memref_slice %arg8[%dma_wait3A_236, %dma_wait3A_237] : memref<10240x8xf32, #tpu.memory_space<vmem_shared>> -> memref<10240x8xf32, #tpu.memory_space<vmem_shared>>
      tpu.wait_indirect_dma semaphore(%arg14 : memref<!tpu.dma_semaphore, #tpu.memory_space<semaphore_mem>>) src(%arg7 : memref<125x8xf32, #tpu.memory_space<vmem>>) dst(%dma_wait3A_238 : memref<10240x8xf32, #tpu.memory_space<vmem_shared>>)
      %add3A_239 = arith.constant 1 : i32
      %add3A_240 = arith.addi %scan3A_118, %add3A_239 : i32
      %mul3A_241 = arith.constant 8 : i32
      %mul3A_242 = arith.muli %mul3A_241, %add3A_240 : i32
      %add3A_243 = arith.constant 5 : i32
      %add3A_244 = arith.addi %mul3A_242, %add3A_243 : i32
      %dma_start3A_245 = arith.constant 0 : i32
      %dma_start3A_246 = tpu.memref_slice %arg6[%add3A_244, %dma_start3A_245] : memref<80x125xi32, #tpu.memory_space<vmem>> -> memref<1x125xi32, #tpu.memory_space<vmem>>
      %dma_start3A_247 = tpu.memref_squeeze %dma_start3A_246 : memref<1x125xi32, #tpu.memory_space<vmem>> -> memref<125xi32, #tpu.memory_space<vmem>>
      %dma_start3A_248 = arith.constant 0 : i32
      %dma_start3A_249 = arith.constant 0 : i32
      %dma_start3A_250 = tpu.memref_slice %arg8[%dma_start3A_248, %dma_start3A_249] : memref<10240x8xf32, #tpu.memory_space<vmem_shared>> -> memref<10240x8xf32, #tpu.memory_space<vmem_shared>>
      tpu.enqueue_indirect_dma source(%arg7 : memref<125x8xf32, #tpu.memory_space<vmem>>) target(%dma_start3A_250 : memref<10240x8xf32, #tpu.memory_space<vmem_shared>>) offsets(%dma_start3A_247 : memref<125xi32, #tpu.memory_space<vmem>>) semaphore(%arg14 : memref<!tpu.dma_semaphore, #tpu.memory_space<semaphore_mem>>) {add = true}
      %mul3A_251 = arith.constant 8 : i32
      %mul3A_252 = arith.muli %mul3A_251, %scan3A_118 : i32
      %add3A_253 = arith.constant 6 : i32
      %add3A_254 = arith.addi %mul3A_252, %add3A_253 : i32
      %dma_wait3A_255 = arith.constant 0 : i32
      %dma_wait3A_256 = tpu.memref_slice %arg6[%add3A_254, %dma_wait3A_255] : memref<80x125xi32, #tpu.memory_space<vmem>> -> memref<1x125xi32, #tpu.memory_space<vmem>>
      %dma_wait3A_257 = tpu.memref_squeeze %dma_wait3A_256 : memref<1x125xi32, #tpu.memory_space<vmem>> -> memref<125xi32, #tpu.memory_space<vmem>>
      %dma_wait3A_258 = arith.constant 0 : i32
      %dma_wait3A_259 = arith.constant 0 : i32
      %dma_wait3A_260 = tpu.memref_slice %arg8[%dma_wait3A_258, %dma_wait3A_259] : memref<10240x8xf32, #tpu.memory_space<vmem_shared>> -> memref<10240x8xf32, #tpu.memory_space<vmem_shared>>
      tpu.wait_indirect_dma semaphore(%arg15 : memref<!tpu.dma_semaphore, #tpu.memory_space<semaphore_mem>>) src(%arg7 : memref<125x8xf32, #tpu.memory_space<vmem>>) dst(%dma_wait3A_260 : memref<10240x8xf32, #tpu.memory_space<vmem_shared>>)
      %add3A_261 = arith.constant 1 : i32
      %add3A_262 = arith.addi %scan3A_118, %add3A_261 : i32
      %mul3A_263 = arith.constant 8 : i32
      %mul3A_264 = arith.muli %mul3A_263, %add3A_262 : i32
      %add3A_265 = arith.constant 6 : i32
      %add3A_266 = arith.addi %mul3A_264, %add3A_265 : i32
      %dma_start3A_267 = arith.constant 0 : i32
      %dma_start3A_268 = tpu.memref_slice %arg6[%add3A_266, %dma_start3A_267] : memref<80x125xi32, #tpu.memory_space<vmem>> -> memref<1x125xi32, #tpu.memory_space<vmem>>
      %dma_start3A_269 = tpu.memref_squeeze %dma_start3A_268 : memref<1x125xi32, #tpu.memory_space<vmem>> -> memref<125xi32, #tpu.memory_space<vmem>>
      %dma_start3A_270 = arith.constant 0 : i32
      %dma_start3A_271 = arith.constant 0 : i32
      %dma_start3A_272 = tpu.memref_slice %arg8[%dma_start3A_270, %dma_start3A_271] : memref<10240x8xf32, #tpu.memory_space<vmem_shared>> -> memref<10240x8xf32, #tpu.memory_space<vmem_shared>>
      tpu.enqueue_indirect_dma source(%arg7 : memref<125x8xf32, #tpu.memory_space<vmem>>) target(%dma_start3A_272 : memref<10240x8xf32, #tpu.memory_space<vmem_shared>>) offsets(%dma_start3A_269 : memref<125xi32, #tpu.memory_space<vmem>>) semaphore(%arg15 : memref<!tpu.dma_semaphore, #tpu.memory_space<semaphore_mem>>) {add = true}
      %mul3A_273 = arith.constant 8 : i32
      %mul3A_274 = arith.muli %mul3A_273, %scan3A_118 : i32
      %add3A_275 = arith.constant 7 : i32
      %add3A_276 = arith.addi %mul3A_274, %add3A_275 : i32
      %dma_wait3A_277 = arith.constant 0 : i32
      %dma_wait3A_278 = tpu.memref_slice %arg6[%add3A_276, %dma_wait3A_277] : memref<80x125xi32, #tpu.memory_space<vmem>> -> memref<1x125xi32, #tpu.memory_space<vmem>>
      %dma_wait3A_279 = tpu.memref_squeeze %dma_wait3A_278 : memref<1x125xi32, #tpu.memory_space<vmem>> -> memref<125xi32, #tpu.memory_space<vmem>>
      %dma_wait3A_280 = arith.constant 0 : i32
      %dma_wait3A_281 = arith.constant 0 : i32
      %dma_wait3A_282 = tpu.memref_slice %arg8[%dma_wait3A_280, %dma_wait3A_281] : memref<10240x8xf32, #tpu.memory_space<vmem_shared>> -> memref<10240x8xf32, #tpu.memory_space<vmem_shared>>
      tpu.wait_indirect_dma semaphore(%arg16 : memref<!tpu.dma_semaphore, #tpu.memory_space<semaphore_mem>>) src(%arg7 : memref<125x8xf32, #tpu.memory_space<vmem>>) dst(%dma_wait3A_282 : memref<10240x8xf32, #tpu.memory_space<vmem_shared>>)
      %add3A_283 = arith.constant 1 : i32
      %add3A_284 = arith.addi %scan3A_118, %add3A_283 : i32
      %mul3A_285 = arith.constant 8 : i32
      %mul3A_286 = arith.muli %mul3A_285, %add3A_284 : i32
      %add3A_287 = arith.constant 7 : i32
      %add3A_288 = arith.addi %mul3A_286, %add3A_287 : i32
      %dma_start3A_289 = arith.constant 0 : i32
      %dma_start3A_290 = tpu.memref_slice %arg6[%add3A_288, %dma_start3A_289] : memref<80x125xi32, #tpu.memory_space<vmem>> -> memref<1x125xi32, #tpu.memory_space<vmem>>
      %dma_start3A_291 = tpu.memref_squeeze %dma_start3A_290 : memref<1x125xi32, #tpu.memory_space<vmem>> -> memref<125xi32, #tpu.memory_space<vmem>>
      %dma_start3A_292 = arith.constant 0 : i32
      %dma_start3A_293 = arith.constant 0 : i32
      %dma_start3A_294 = tpu.memref_slice %arg8[%dma_start3A_292, %dma_start3A_293] : memref<10240x8xf32, #tpu.memory_space<vmem_shared>> -> memref<10240x8xf32, #tpu.memory_space<vmem_shared>>
      tpu.enqueue_indirect_dma source(%arg7 : memref<125x8xf32, #tpu.memory_space<vmem>>) target(%dma_start3A_294 : memref<10240x8xf32, #tpu.memory_space<vmem_shared>>) offsets(%dma_start3A_291 : memref<125xi32, #tpu.memory_space<vmem>>) semaphore(%arg16 : memref<!tpu.dma_semaphore, #tpu.memory_space<semaphore_mem>>) {add = true}
    }
    %scan3A_61 = arith.constant 9 : i32
    %dma_wait3A = arith.constant 72 : i32
    %dma_wait3A_62 = arith.constant 0 : i32
    %dma_wait3A_63 = tpu.memref_slice %arg6[%dma_wait3A, %dma_wait3A_62] : memref<80x125xi32, #tpu.memory_space<vmem>> -> memref<1x125xi32, #tpu.memory_space<vmem>>
    %dma_wait3A_64 = tpu.memref_squeeze %dma_wait3A_63 : memref<1x125xi32, #tpu.memory_space<vmem>> -> memref<125xi32, #tpu.memory_space<vmem>>
    %dma_wait3A_65 = arith.constant 0 : i32
    %dma_wait3A_66 = arith.constant 0 : i32
    %dma_wait3A_67 = tpu.memref_slice %arg8[%dma_wait3A_65, %dma_wait3A_66] : memref<10240x8xf32, #tpu.memory_space<vmem_shared>> -> memref<10240x8xf32, #tpu.memory_space<vmem_shared>>
    tpu.wait_indirect_dma semaphore(%arg9 : memref<!tpu.dma_semaphore, #tpu.memory_space<semaphore_mem>>) src(%arg7 : memref<125x8xf32, #tpu.memory_space<vmem>>) dst(%dma_wait3A_67 : memref<10240x8xf32, #tpu.memory_space<vmem_shared>>)
    %dma_wait3A_68 = arith.constant 73 : i32
    %dma_wait3A_69 = arith.constant 0 : i32
    %dma_wait3A_70 = tpu.memref_slice %arg6[%dma_wait3A_68, %dma_wait3A_69] : memref<80x125xi32, #tpu.memory_space<vmem>> -> memref<1x125xi32, #tpu.memory_space<vmem>>
    %dma_wait3A_71 = tpu.memref_squeeze %dma_wait3A_70 : memref<1x125xi32, #tpu.memory_space<vmem>> -> memref<125xi32, #tpu.memory_space<vmem>>
    %dma_wait3A_72 = arith.constant 0 : i32
    %dma_wait3A_73 = arith.constant 0 : i32
    %dma_wait3A_74 = tpu.memref_slice %arg8[%dma_wait3A_72, %dma_wait3A_73] : memref<10240x8xf32, #tpu.memory_space<vmem_shared>> -> memref<10240x8xf32, #tpu.memory_space<vmem_shared>>
    tpu.wait_indirect_dma semaphore(%arg10 : memref<!tpu.dma_semaphore, #tpu.memory_space<semaphore_mem>>) src(%arg7 : memref<125x8xf32, #tpu.memory_space<vmem>>) dst(%dma_wait3A_74 : memref<10240x8xf32, #tpu.memory_space<vmem_shared>>)
    %dma_wait3A_75 = arith.constant 74 : i32
    %dma_wait3A_76 = arith.constant 0 : i32
    %dma_wait3A_77 = tpu.memref_slice %arg6[%dma_wait3A_75, %dma_wait3A_76] : memref<80x125xi32, #tpu.memory_space<vmem>> -> memref<1x125xi32, #tpu.memory_space<vmem>>
    %dma_wait3A_78 = tpu.memref_squeeze %dma_wait3A_77 : memref<1x125xi32, #tpu.memory_space<vmem>> -> memref<125xi32, #tpu.memory_space<vmem>>
    %dma_wait3A_79 = arith.constant 0 : i32
    %dma_wait3A_80 = arith.constant 0 : i32
    %dma_wait3A_81 = tpu.memref_slice %arg8[%dma_wait3A_79, %dma_wait3A_80] : memref<10240x8xf32, #tpu.memory_space<vmem_shared>> -> memref<10240x8xf32, #tpu.memory_space<vmem_shared>>
    tpu.wait_indirect_dma semaphore(%arg11 : memref<!tpu.dma_semaphore, #tpu.memory_space<semaphore_mem>>) src(%arg7 : memref<125x8xf32, #tpu.memory_space<vmem>>) dst(%dma_wait3A_81 : memref<10240x8xf32, #tpu.memory_space<vmem_shared>>)
    %dma_wait3A_82 = arith.constant 75 : i32
    %dma_wait3A_83 = arith.constant 0 : i32
    %dma_wait3A_84 = tpu.memref_slice %arg6[%dma_wait3A_82, %dma_wait3A_83] : memref<80x125xi32, #tpu.memory_space<vmem>> -> memref<1x125xi32, #tpu.memory_space<vmem>>
    %dma_wait3A_85 = tpu.memref_squeeze %dma_wait3A_84 : memref<1x125xi32, #tpu.memory_space<vmem>> -> memref<125xi32, #tpu.memory_space<vmem>>
    %dma_wait3A_86 = arith.constant 0 : i32
    %dma_wait3A_87 = arith.constant 0 : i32
    %dma_wait3A_88 = tpu.memref_slice %arg8[%dma_wait3A_86, %dma_wait3A_87] : memref<10240x8xf32, #tpu.memory_space<vmem_shared>> -> memref<10240x8xf32, #tpu.memory_space<vmem_shared>>
    tpu.wait_indirect_dma semaphore(%arg12 : memref<!tpu.dma_semaphore, #tpu.memory_space<semaphore_mem>>) src(%arg7 : memref<125x8xf32, #tpu.memory_space<vmem>>) dst(%dma_wait3A_88 : memref<10240x8xf32, #tpu.memory_space<vmem_shared>>)
    %dma_wait3A_89 = arith.constant 76 : i32
    %dma_wait3A_90 = arith.constant 0 : i32
    %dma_wait3A_91 = tpu.memref_slice %arg6[%dma_wait3A_89, %dma_wait3A_90] : memref<80x125xi32, #tpu.memory_space<vmem>> -> memref<1x125xi32, #tpu.memory_space<vmem>>
    %dma_wait3A_92 = tpu.memref_squeeze %dma_wait3A_91 : memref<1x125xi32, #tpu.memory_space<vmem>> -> memref<125xi32, #tpu.memory_space<vmem>>
    %dma_wait3A_93 = arith.constant 0 : i32
    %dma_wait3A_94 = arith.constant 0 : i32
    %dma_wait3A_95 = tpu.memref_slice %arg8[%dma_wait3A_93, %dma_wait3A_94] : memref<10240x8xf32, #tpu.memory_space<vmem_shared>> -> memref<10240x8xf32, #tpu.memory_space<vmem_shared>>
    tpu.wait_indirect_dma semaphore(%arg13 : memref<!tpu.dma_semaphore, #tpu.memory_space<semaphore_mem>>) src(%arg7 : memref<125x8xf32, #tpu.memory_space<vmem>>) dst(%dma_wait3A_95 : memref<10240x8xf32, #tpu.memory_space<vmem_shared>>)
    %dma_wait3A_96 = arith.constant 77 : i32
    %dma_wait3A_97 = arith.constant 0 : i32
    %dma_wait3A_98 = tpu.memref_slice %arg6[%dma_wait3A_96, %dma_wait3A_97] : memref<80x125xi32, #tpu.memory_space<vmem>> -> memref<1x125xi32, #tpu.memory_space<vmem>>
    %dma_wait3A_99 = tpu.memref_squeeze %dma_wait3A_98 : memref<1x125xi32, #tpu.memory_space<vmem>> -> memref<125xi32, #tpu.memory_space<vmem>>
    %dma_wait3A_100 = arith.constant 0 : i32
    %dma_wait3A_101 = arith.constant 0 : i32
    %dma_wait3A_102 = tpu.memref_slice %arg8[%dma_wait3A_100, %dma_wait3A_101] : memref<10240x8xf32, #tpu.memory_space<vmem_shared>> -> memref<10240x8xf32, #tpu.memory_space<vmem_shared>>
    tpu.wait_indirect_dma semaphore(%arg14 : memref<!tpu.dma_semaphore, #tpu.memory_space<semaphore_mem>>) src(%arg7 : memref<125x8xf32, #tpu.memory_space<vmem>>) dst(%dma_wait3A_102 : memref<10240x8xf32, #tpu.memory_space<vmem_shared>>)
    %dma_wait3A_103 = arith.constant 78 : i32
    %dma_wait3A_104 = arith.constant 0 : i32
    %dma_wait3A_105 = tpu.memref_slice %arg6[%dma_wait3A_103, %dma_wait3A_104] : memref<80x125xi32, #tpu.memory_space<vmem>> -> memref<1x125xi32, #tpu.memory_space<vmem>>
    %dma_wait3A_106 = tpu.memref_squeeze %dma_wait3A_105 : memref<1x125xi32, #tpu.memory_space<vmem>> -> memref<125xi32, #tpu.memory_space<vmem>>
    %dma_wait3A_107 = arith.constant 0 : i32
    %dma_wait3A_108 = arith.constant 0 : i32
    %dma_wait3A_109 = tpu.memref_slice %arg8[%dma_wait3A_107, %dma_wait3A_108] : memref<10240x8xf32, #tpu.memory_space<vmem_shared>> -> memref<10240x8xf32, #tpu.memory_space<vmem_shared>>
    tpu.wait_indirect_dma semaphore(%arg15 : memref<!tpu.dma_semaphore, #tpu.memory_space<semaphore_mem>>) src(%arg7 : memref<125x8xf32, #tpu.memory_space<vmem>>) dst(%dma_wait3A_109 : memref<10240x8xf32, #tpu.memory_space<vmem_shared>>)
    %dma_wait3A_110 = arith.constant 79 : i32
    %dma_wait3A_111 = arith.constant 0 : i32
    %dma_wait3A_112 = tpu.memref_slice %arg6[%dma_wait3A_110, %dma_wait3A_111] : memref<80x125xi32, #tpu.memory_space<vmem>> -> memref<1x125xi32, #tpu.memory_space<vmem>>
    %dma_wait3A_113 = tpu.memref_squeeze %dma_wait3A_112 : memref<1x125xi32, #tpu.memory_space<vmem>> -> memref<125xi32, #tpu.memory_space<vmem>>
    %dma_wait3A_114 = arith.constant 0 : i32
    %dma_wait3A_115 = arith.constant 0 : i32
    %dma_wait3A_116 = tpu.memref_slice %arg8[%dma_wait3A_114, %dma_wait3A_115] : memref<10240x8xf32, #tpu.memory_space<vmem_shared>> -> memref<10240x8xf32, #tpu.memory_space<vmem_shared>>
    tpu.wait_indirect_dma semaphore(%arg16 : memref<!tpu.dma_semaphore, #tpu.memory_space<semaphore_mem>>) src(%arg7 : memref<125x8xf32, #tpu.memory_space<vmem>>) dst(%dma_wait3A_116 : memref<10240x8xf32, #tpu.memory_space<vmem_shared>>)
    %barrier3A_117 = arith.constant 0 : index
    tpu.barrier barrier_id(%barrier3A_117)
    "tpu.region"() ({
      %run_scoped3A = tpu.sem_alloc : memref<!tpu.dma_semaphore, #tpu.memory_space<semaphore_mem>>
      %dma_start3A_118 = arith.constant 0 : i32
      %dma_start3A_119 = tpu.memref_slice %arg5[%arg0, %mul3A_2, %dma_start3A_118] : memref<2x10240x8xf32, #tpu.memory_space<hbm>> -> memref<1x640x8xf32, #tpu.memory_space<hbm>>
      %dma_start3A_120 = tpu.memref_squeeze %dma_start3A_119 : memref<1x640x8xf32, #tpu.memory_space<hbm>> -> memref<640x8xf32, #tpu.memory_space<hbm>>
      %dma_start3A_121 = arith.constant 0 : i32
      %dma_start3A_122 = tpu.memref_slice %arg8[%mul3A_2, %dma_start3A_121] : memref<10240x8xf32, #tpu.memory_space<vmem_shared>> -> memref<640x8xf32, #tpu.memory_space<vmem_shared>>
      tpu.enqueue_dma source(%dma_start3A_122 : memref<640x8xf32, #tpu.memory_space<vmem_shared>>) target(%dma_start3A_120 : memref<640x8xf32, #tpu.memory_space<hbm>>) target_semaphore(%run_scoped3A : memref<!tpu.dma_semaphore, #tpu.memory_space<semaphore_mem>>)
      %dma_wait3A_123 = arith.constant 0 : i32
      %dma_wait3A_124 = tpu.memref_slice %arg5[%arg0, %mul3A_2, %dma_wait3A_123] : memref<2x10240x8xf32, #tpu.memory_space<hbm>> -> memref<1x640x8xf32, #tpu.memory_space<hbm>>
      %dma_wait3A_125 = tpu.memref_squeeze %dma_wait3A_124 : memref<1x640x8xf32, #tpu.memory_space<hbm>> -> memref<640x8xf32, #tpu.memory_space<hbm>>
      %dma_wait3A_126 = arith.constant 0 : i32
      %dma_wait3A_127 = tpu.memref_slice %arg8[%mul3A_2, %dma_wait3A_126] : memref<10240x8xf32, #tpu.memory_space<vmem_shared>> -> memref<640x8xf32, #tpu.memory_space<vmem_shared>>
      tpu.wait_dma2 semaphore(%run_scoped3A : memref<!tpu.dma_semaphore, #tpu.memory_space<semaphore_mem>>) src(%dma_wait3A_127 : memref<640x8xf32, #tpu.memory_space<vmem_shared>>) dst(%dma_wait3A_125 : memref<640x8xf32, #tpu.memory_space<hbm>>)
      tpu.yield
    }) : () -> ()
    return
  }
}

#map = affine_map<(d0, d1) -> (0, 0)>
#map1 = affine_map<(d0, d1) -> (0, 0, 0)>
module attributes {stable_mosaic.version = 14 : i64} {
  func.func @_scat_sc(%arg0: i32, %arg1: i32, %arg2: memref<10000x64xf32, #tpu.memory_space<hbm>>, %arg3: memref<32x80x125xi32, #tpu.memory_space<hbm>>, %arg4: memref<32x80x125xi32, #tpu.memory_space<hbm>>, %arg5: memref<10240x64xf32, #tpu.memory_space<hbm>>, %arg6: memref<2x10240x64xf32, #tpu.memory_space<hbm>>, %arg7: memref<80x125xi32, #tpu.memory_space<vmem>>, %arg8: memref<80x125xi32, #tpu.memory_space<vmem>>, %arg9: memref<125x64xf32, #tpu.memory_space<vmem>>, %arg10: memref<125x64xf32, #tpu.memory_space<vmem>>, %arg11: memref<125x64xf32, #tpu.memory_space<vmem>>, %arg12: memref<125x64xf32, #tpu.memory_space<vmem>>, %arg13: memref<125x64xf32, #tpu.memory_space<vmem>>, %arg14: memref<125x64xf32, #tpu.memory_space<vmem>>, %arg15: memref<125x64xf32, #tpu.memory_space<vmem>>, %arg16: memref<125x64xf32, #tpu.memory_space<vmem>>, %arg17: memref<10240x64xf32, #tpu.memory_space<vmem_shared>>, %arg18: memref<!tpu.dma_semaphore, #tpu.memory_space<semaphore_mem>>, %arg19: memref<!tpu.dma_semaphore, #tpu.memory_space<semaphore_mem>>, %arg20: memref<!tpu.dma_semaphore, #tpu.memory_space<semaphore_mem>>, %arg21: memref<!tpu.dma_semaphore, #tpu.memory_space<semaphore_mem>>, %arg22: memref<!tpu.dma_semaphore, #tpu.memory_space<semaphore_mem>>, %arg23: memref<!tpu.dma_semaphore, #tpu.memory_space<semaphore_mem>>, %arg24: memref<!tpu.dma_semaphore, #tpu.memory_space<semaphore_mem>>, %arg25: memref<!tpu.dma_semaphore, #tpu.memory_space<semaphore_mem>>, %arg26: memref<!tpu.dma_semaphore, #tpu.memory_space<semaphore_mem>>, %arg27: memref<!tpu.dma_semaphore, #tpu.memory_space<semaphore_mem>>, %arg28: memref<!tpu.dma_semaphore, #tpu.memory_space<semaphore_mem>>, %arg29: memref<!tpu.dma_semaphore, #tpu.memory_space<semaphore_mem>>, %arg30: memref<!tpu.dma_semaphore, #tpu.memory_space<semaphore_mem>>, %arg31: memref<!tpu.dma_semaphore, #tpu.memory_space<semaphore_mem>>, %arg32: memref<!tpu.dma_semaphore, #tpu.memory_space<semaphore_mem>>, %arg33: memref<!tpu.dma_semaphore, #tpu.memory_space<semaphore_mem>>) attributes {dimension_semantics = [#tpu.dimension_semantics<core_parallel>, #tpu.dimension_semantics<subcore_parallel>], iteration_bounds = array<i64: 2, 16>, scalar_prefetch = 0 : i64, scratch_operands = 27 : i64, tpu.core_type = #tpu.core_type<sc_vector_subcore>, window_params = [{transform_indices = #map}, {transform_indices = #map1}, {transform_indices = #map1}, {transform_indices = #map}, {transform_indices = #map1}]} {
    %mul3A = arith.constant 2 : i32
    %mul3A_0 = arith.muli %arg1, %mul3A : i32
    %add3A = arith.addi %mul3A_0, %arg0 : i32
    %mul3A_1 = arith.constant 640 : i32
    %mul3A_2 = arith.muli %arg1, %mul3A_1 : i32
    "tpu.region"() ({
      %run_scoped3A = tpu.sem_alloc : memref<!tpu.dma_semaphore, #tpu.memory_space<semaphore_mem>>
      %dma_start3A_62 = arith.constant 0 : i32
      %dma_start3A_63 = arith.constant 0 : i32
      %dma_start3A_64 = tpu.memref_slice %arg3[%add3A, %dma_start3A_62, %dma_start3A_63] : memref<32x80x125xi32, #tpu.memory_space<hbm>> -> memref<1x80x125xi32, #tpu.memory_space<hbm>>
      %dma_start3A_65 = tpu.memref_squeeze %dma_start3A_64 : memref<1x80x125xi32, #tpu.memory_space<hbm>> -> memref<80x125xi32, #tpu.memory_space<hbm>>
      %dma_start3A_66 = arith.constant 0 : i32
      %dma_start3A_67 = arith.constant 0 : i32
      %dma_start3A_68 = tpu.memref_slice %arg3[%add3A, %dma_start3A_66, %dma_start3A_67] : memref<32x80x125xi32, #tpu.memory_space<hbm>> -> memref<1x80x125xi32, #tpu.memory_space<hbm>>
      %dma_start3A_69 = tpu.memref_squeeze %dma_start3A_68 : memref<1x80x125xi32, #tpu.memory_space<hbm>> -> memref<80x125xi32, #tpu.memory_space<hbm>>
      tpu.enqueue_dma source(%dma_start3A_69 : memref<80x125xi32, #tpu.memory_space<hbm>>) target(%arg7 : memref<80x125xi32, #tpu.memory_space<vmem>>) target_semaphore(%run_scoped3A : memref<!tpu.dma_semaphore, #tpu.memory_space<semaphore_mem>>)
      %dma_wait3A_70 = arith.constant 0 : i32
      %dma_wait3A_71 = arith.constant 0 : i32
      %dma_wait3A_72 = tpu.memref_slice %arg3[%add3A, %dma_wait3A_70, %dma_wait3A_71] : memref<32x80x125xi32, #tpu.memory_space<hbm>> -> memref<1x80x125xi32, #tpu.memory_space<hbm>>
      %dma_wait3A_73 = tpu.memref_squeeze %dma_wait3A_72 : memref<1x80x125xi32, #tpu.memory_space<hbm>> -> memref<80x125xi32, #tpu.memory_space<hbm>>
      %dma_wait3A_74 = arith.constant 0 : i32
      %dma_wait3A_75 = arith.constant 0 : i32
      %dma_wait3A_76 = tpu.memref_slice %arg3[%add3A, %dma_wait3A_74, %dma_wait3A_75] : memref<32x80x125xi32, #tpu.memory_space<hbm>> -> memref<1x80x125xi32, #tpu.memory_space<hbm>>
      %dma_wait3A_77 = tpu.memref_squeeze %dma_wait3A_76 : memref<1x80x125xi32, #tpu.memory_space<hbm>> -> memref<80x125xi32, #tpu.memory_space<hbm>>
      tpu.wait_dma2 semaphore(%run_scoped3A : memref<!tpu.dma_semaphore, #tpu.memory_space<semaphore_mem>>) src(%dma_wait3A_77 : memref<80x125xi32, #tpu.memory_space<hbm>>) dst(%arg7 : memref<80x125xi32, #tpu.memory_space<vmem>>)
      tpu.yield
    }) : () -> ()
    %dma_start3A = arith.constant 0 : i32
    %dma_start3A_3 = arith.constant 0 : i32
    %dma_start3A_4 = tpu.memref_slice %arg7[%dma_start3A, %dma_start3A_3] : memref<80x125xi32, #tpu.memory_space<vmem>> -> memref<1x125xi32, #tpu.memory_space<vmem>>
    %dma_start3A_5 = tpu.memref_squeeze %dma_start3A_4 : memref<1x125xi32, #tpu.memory_space<vmem>> -> memref<125xi32, #tpu.memory_space<vmem>>
    %dma_start3A_6 = arith.constant 0 : i32
    %dma_start3A_7 = arith.constant 0 : i32
    %dma_start3A_8 = tpu.memref_slice %arg2[%dma_start3A_6, %dma_start3A_7] : memref<10000x64xf32, #tpu.memory_space<hbm>> -> memref<10000x64xf32, #tpu.memory_space<hbm>>
    tpu.enqueue_indirect_dma source(%dma_start3A_8 : memref<10000x64xf32, #tpu.memory_space<hbm>>) target(%arg9 : memref<125x64xf32, #tpu.memory_space<vmem>>) offsets(%dma_start3A_5 : memref<125xi32, #tpu.memory_space<vmem>>) semaphore(%arg18 : memref<!tpu.dma_semaphore, #tpu.memory_space<semaphore_mem>>)
    %dma_start3A_9 = arith.constant 1 : i32
    %dma_start3A_10 = arith.constant 0 : i32
    %dma_start3A_11 = tpu.memref_slice %arg7[%dma_start3A_9, %dma_start3A_10] : memref<80x125xi32, #tpu.memory_space<vmem>> -> memref<1x125xi32, #tpu.memory_space<vmem>>
    %dma_start3A_12 = tpu.memref_squeeze %dma_start3A_11 : memref<1x125xi32, #tpu.memory_space<vmem>> -> memref<125xi32, #tpu.memory_space<vmem>>
    %dma_start3A_13 = arith.constant 0 : i32
    %dma_start3A_14 = arith.constant 0 : i32
    %dma_start3A_15 = tpu.memref_slice %arg2[%dma_start3A_13, %dma_start3A_14] : memref<10000x64xf32, #tpu.memory_space<hbm>> -> memref<10000x64xf32, #tpu.memory_space<hbm>>
    tpu.enqueue_indirect_dma source(%dma_start3A_15 : memref<10000x64xf32, #tpu.memory_space<hbm>>) target(%arg10 : memref<125x64xf32, #tpu.memory_space<vmem>>) offsets(%dma_start3A_12 : memref<125xi32, #tpu.memory_space<vmem>>) semaphore(%arg19 : memref<!tpu.dma_semaphore, #tpu.memory_space<semaphore_mem>>)
    %dma_start3A_16 = arith.constant 2 : i32
    %dma_start3A_17 = arith.constant 0 : i32
    %dma_start3A_18 = tpu.memref_slice %arg7[%dma_start3A_16, %dma_start3A_17] : memref<80x125xi32, #tpu.memory_space<vmem>> -> memref<1x125xi32, #tpu.memory_space<vmem>>
    %dma_start3A_19 = tpu.memref_squeeze %dma_start3A_18 : memref<1x125xi32, #tpu.memory_space<vmem>> -> memref<125xi32, #tpu.memory_space<vmem>>
    %dma_start3A_20 = arith.constant 0 : i32
    %dma_start3A_21 = arith.constant 0 : i32
    %dma_start3A_22 = tpu.memref_slice %arg2[%dma_start3A_20, %dma_start3A_21] : memref<10000x64xf32, #tpu.memory_space<hbm>> -> memref<10000x64xf32, #tpu.memory_space<hbm>>
    tpu.enqueue_indirect_dma source(%dma_start3A_22 : memref<10000x64xf32, #tpu.memory_space<hbm>>) target(%arg11 : memref<125x64xf32, #tpu.memory_space<vmem>>) offsets(%dma_start3A_19 : memref<125xi32, #tpu.memory_space<vmem>>) semaphore(%arg20 : memref<!tpu.dma_semaphore, #tpu.memory_space<semaphore_mem>>)
    %dma_start3A_23 = arith.constant 3 : i32
    %dma_start3A_24 = arith.constant 0 : i32
    %dma_start3A_25 = tpu.memref_slice %arg7[%dma_start3A_23, %dma_start3A_24] : memref<80x125xi32, #tpu.memory_space<vmem>> -> memref<1x125xi32, #tpu.memory_space<vmem>>
    %dma_start3A_26 = tpu.memref_squeeze %dma_start3A_25 : memref<1x125xi32, #tpu.memory_space<vmem>> -> memref<125xi32, #tpu.memory_space<vmem>>
    %dma_start3A_27 = arith.constant 0 : i32
    %dma_start3A_28 = arith.constant 0 : i32
    %dma_start3A_29 = tpu.memref_slice %arg2[%dma_start3A_27, %dma_start3A_28] : memref<10000x64xf32, #tpu.memory_space<hbm>> -> memref<10000x64xf32, #tpu.memory_space<hbm>>
    tpu.enqueue_indirect_dma source(%dma_start3A_29 : memref<10000x64xf32, #tpu.memory_space<hbm>>) target(%arg12 : memref<125x64xf32, #tpu.memory_space<vmem>>) offsets(%dma_start3A_26 : memref<125xi32, #tpu.memory_space<vmem>>) semaphore(%arg21 : memref<!tpu.dma_semaphore, #tpu.memory_space<semaphore_mem>>)
    "tpu.region"() ({
      %run_scoped3A = tpu.sem_alloc : memref<!tpu.dma_semaphore, #tpu.memory_space<semaphore_mem>>
      %dma_start3A_62 = arith.constant 0 : i32
      %dma_start3A_63 = tpu.memref_slice %arg17[%mul3A_2, %dma_start3A_62] : memref<10240x64xf32, #tpu.memory_space<vmem_shared>> -> memref<640x64xf32, #tpu.memory_space<vmem_shared>>
      %dma_start3A_64 = arith.constant 0 : i32
      %dma_start3A_65 = tpu.memref_slice %arg5[%mul3A_2, %dma_start3A_64] : memref<10240x64xf32, #tpu.memory_space<hbm>> -> memref<640x64xf32, #tpu.memory_space<hbm>>
      tpu.enqueue_dma source(%dma_start3A_65 : memref<640x64xf32, #tpu.memory_space<hbm>>) target(%dma_start3A_63 : memref<640x64xf32, #tpu.memory_space<vmem_shared>>) target_semaphore(%run_scoped3A : memref<!tpu.dma_semaphore, #tpu.memory_space<semaphore_mem>>)
      %dma_wait3A_66 = arith.constant 0 : i32
      %dma_wait3A_67 = tpu.memref_slice %arg17[%mul3A_2, %dma_wait3A_66] : memref<10240x64xf32, #tpu.memory_space<vmem_shared>> -> memref<640x64xf32, #tpu.memory_space<vmem_shared>>
      %dma_wait3A_68 = arith.constant 0 : i32
      %dma_wait3A_69 = tpu.memref_slice %arg5[%mul3A_2, %dma_wait3A_68] : memref<10240x64xf32, #tpu.memory_space<hbm>> -> memref<640x64xf32, #tpu.memory_space<hbm>>
      tpu.wait_dma2 semaphore(%run_scoped3A : memref<!tpu.dma_semaphore, #tpu.memory_space<semaphore_mem>>) src(%dma_wait3A_69 : memref<640x64xf32, #tpu.memory_space<hbm>>) dst(%dma_wait3A_67 : memref<640x64xf32, #tpu.memory_space<vmem_shared>>)
      tpu.yield
    }) : () -> ()
    "tpu.region"() ({
      %run_scoped3A = tpu.sem_alloc : memref<!tpu.dma_semaphore, #tpu.memory_space<semaphore_mem>>
      %dma_start3A_62 = arith.constant 0 : i32
      %dma_start3A_63 = arith.constant 0 : i32
      %dma_start3A_64 = tpu.memref_slice %arg4[%add3A, %dma_start3A_62, %dma_start3A_63] : memref<32x80x125xi32, #tpu.memory_space<hbm>> -> memref<1x80x125xi32, #tpu.memory_space<hbm>>
      %dma_start3A_65 = tpu.memref_squeeze %dma_start3A_64 : memref<1x80x125xi32, #tpu.memory_space<hbm>> -> memref<80x125xi32, #tpu.memory_space<hbm>>
      %dma_start3A_66 = arith.constant 0 : i32
      %dma_start3A_67 = arith.constant 0 : i32
      %dma_start3A_68 = tpu.memref_slice %arg4[%add3A, %dma_start3A_66, %dma_start3A_67] : memref<32x80x125xi32, #tpu.memory_space<hbm>> -> memref<1x80x125xi32, #tpu.memory_space<hbm>>
      %dma_start3A_69 = tpu.memref_squeeze %dma_start3A_68 : memref<1x80x125xi32, #tpu.memory_space<hbm>> -> memref<80x125xi32, #tpu.memory_space<hbm>>
      tpu.enqueue_dma source(%dma_start3A_69 : memref<80x125xi32, #tpu.memory_space<hbm>>) target(%arg8 : memref<80x125xi32, #tpu.memory_space<vmem>>) target_semaphore(%run_scoped3A : memref<!tpu.dma_semaphore, #tpu.memory_space<semaphore_mem>>)
      %dma_wait3A_70 = arith.constant 0 : i32
      %dma_wait3A_71 = arith.constant 0 : i32
      %dma_wait3A_72 = tpu.memref_slice %arg4[%add3A, %dma_wait3A_70, %dma_wait3A_71] : memref<32x80x125xi32, #tpu.memory_space<hbm>> -> memref<1x80x125xi32, #tpu.memory_space<hbm>>
      %dma_wait3A_73 = tpu.memref_squeeze %dma_wait3A_72 : memref<1x80x125xi32, #tpu.memory_space<hbm>> -> memref<80x125xi32, #tpu.memory_space<hbm>>
      %dma_wait3A_74 = arith.constant 0 : i32
      %dma_wait3A_75 = arith.constant 0 : i32
      %dma_wait3A_76 = tpu.memref_slice %arg4[%add3A, %dma_wait3A_74, %dma_wait3A_75] : memref<32x80x125xi32, #tpu.memory_space<hbm>> -> memref<1x80x125xi32, #tpu.memory_space<hbm>>
      %dma_wait3A_77 = tpu.memref_squeeze %dma_wait3A_76 : memref<1x80x125xi32, #tpu.memory_space<hbm>> -> memref<80x125xi32, #tpu.memory_space<hbm>>
      tpu.wait_dma2 semaphore(%run_scoped3A : memref<!tpu.dma_semaphore, #tpu.memory_space<semaphore_mem>>) src(%dma_wait3A_77 : memref<80x125xi32, #tpu.memory_space<hbm>>) dst(%arg8 : memref<80x125xi32, #tpu.memory_space<vmem>>)
      tpu.yield
    }) : () -> ()
    %barrier3A = arith.constant 0 : index
    tpu.barrier barrier_id(%barrier3A)
    %scan3A = arith.constant 0 : i32
    %scan3A_30 = arith.constant 10 : i32
    %scan3A_31 = arith.addi %scan3A, %scan3A_30 : i32
    %scan3A_32 = arith.constant 1 : i32
    scf.for %scan3A_62 = %scan3A to %scan3A_31 step %scan3A_32  : i32 {
      %mul3A_63 = arith.constant 2 : i32
      %mul3A_64 = arith.muli %mul3A_63, %scan3A_62 : i32
      %mul3A_65 = arith.constant 2 : i32
      %mul3A_66 = arith.muli %mul3A_65, %scan3A_62 : i32
      %add3A_67 = arith.constant 1 : i32
      %add3A_68 = arith.addi %mul3A_66, %add3A_67 : i32
      %gt3A = arith.constant 0 : i32
      %gt3A_69 = arith.cmpi sgt, %scan3A_62, %gt3A : i32
      %convert_element_type3A = arith.extui %gt3A_69 : i1 to i32
      %cond3A = arith.constant 0 : i32
      %cond3A_70 = arith.cmpi ne, %convert_element_type3A, %cond3A : i32
      scf.if %cond3A_70 {
        %sub3A = arith.constant 1 : i32
        %sub3A_315 = arith.subi %mul3A_64, %sub3A : i32
        %mul3A_316 = arith.constant 4 : i32
        %mul3A_317 = arith.muli %sub3A_315, %mul3A_316 : i32
        %add3A_318 = arith.constant 0 : i32
        %add3A_319 = arith.addi %mul3A_317, %add3A_318 : i32
        %dma_wait3A_320 = arith.constant 0 : i32
        %dma_wait3A_321 = tpu.memref_slice %arg8[%add3A_319, %dma_wait3A_320] : memref<80x125xi32, #tpu.memory_space<vmem>> -> memref<1x125xi32, #tpu.memory_space<vmem>>
        %dma_wait3A_322 = tpu.memref_squeeze %dma_wait3A_321 : memref<1x125xi32, #tpu.memory_space<vmem>> -> memref<125xi32, #tpu.memory_space<vmem>>
        %dma_wait3A_323 = arith.constant 0 : i32
        %dma_wait3A_324 = arith.constant 0 : i32
        %dma_wait3A_325 = tpu.memref_slice %arg17[%dma_wait3A_323, %dma_wait3A_324] : memref<10240x64xf32, #tpu.memory_space<vmem_shared>> -> memref<10240x64xf32, #tpu.memory_space<vmem_shared>>
        tpu.wait_indirect_dma semaphore(%arg30 : memref<!tpu.dma_semaphore, #tpu.memory_space<semaphore_mem>>) src(%arg13 : memref<125x64xf32, #tpu.memory_space<vmem>>) dst(%dma_wait3A_325 : memref<10240x64xf32, #tpu.memory_space<vmem_shared>>)
        %sub3A_326 = arith.constant 1 : i32
        %sub3A_327 = arith.subi %mul3A_64, %sub3A_326 : i32
        %mul3A_328 = arith.constant 4 : i32
        %mul3A_329 = arith.muli %sub3A_327, %mul3A_328 : i32
        %add3A_330 = arith.constant 1 : i32
        %add3A_331 = arith.addi %mul3A_329, %add3A_330 : i32
        %dma_wait3A_332 = arith.constant 0 : i32
        %dma_wait3A_333 = tpu.memref_slice %arg8[%add3A_331, %dma_wait3A_332] : memref<80x125xi32, #tpu.memory_space<vmem>> -> memref<1x125xi32, #tpu.memory_space<vmem>>
        %dma_wait3A_334 = tpu.memref_squeeze %dma_wait3A_333 : memref<1x125xi32, #tpu.memory_space<vmem>> -> memref<125xi32, #tpu.memory_space<vmem>>
        %dma_wait3A_335 = arith.constant 0 : i32
        %dma_wait3A_336 = arith.constant 0 : i32
        %dma_wait3A_337 = tpu.memref_slice %arg17[%dma_wait3A_335, %dma_wait3A_336] : memref<10240x64xf32, #tpu.memory_space<vmem_shared>> -> memref<10240x64xf32, #tpu.memory_space<vmem_shared>>
        tpu.wait_indirect_dma semaphore(%arg31 : memref<!tpu.dma_semaphore, #tpu.memory_space<semaphore_mem>>) src(%arg14 : memref<125x64xf32, #tpu.memory_space<vmem>>) dst(%dma_wait3A_337 : memref<10240x64xf32, #tpu.memory_space<vmem_shared>>)
        %sub3A_338 = arith.constant 1 : i32
        %sub3A_339 = arith.subi %mul3A_64, %sub3A_338 : i32
        %mul3A_340 = arith.constant 4 : i32
        %mul3A_341 = arith.muli %sub3A_339, %mul3A_340 : i32
        %add3A_342 = arith.constant 2 : i32
        %add3A_343 = arith.addi %mul3A_341, %add3A_342 : i32
        %dma_wait3A_344 = arith.constant 0 : i32
        %dma_wait3A_345 = tpu.memref_slice %arg8[%add3A_343, %dma_wait3A_344] : memref<80x125xi32, #tpu.memory_space<vmem>> -> memref<1x125xi32, #tpu.memory_space<vmem>>
        %dma_wait3A_346 = tpu.memref_squeeze %dma_wait3A_345 : memref<1x125xi32, #tpu.memory_space<vmem>> -> memref<125xi32, #tpu.memory_space<vmem>>
        %dma_wait3A_347 = arith.constant 0 : i32
        %dma_wait3A_348 = arith.constant 0 : i32
        %dma_wait3A_349 = tpu.memref_slice %arg17[%dma_wait3A_347, %dma_wait3A_348] : memref<10240x64xf32, #tpu.memory_space<vmem_shared>> -> memref<10240x64xf32, #tpu.memory_space<vmem_shared>>
        tpu.wait_indirect_dma semaphore(%arg32 : memref<!tpu.dma_semaphore, #tpu.memory_space<semaphore_mem>>) src(%arg15 : memref<125x64xf32, #tpu.memory_space<vmem>>) dst(%dma_wait3A_349 : memref<10240x64xf32, #tpu.memory_space<vmem_shared>>)
        %sub3A_350 = arith.constant 1 : i32
        %sub3A_351 = arith.subi %mul3A_64, %sub3A_350 : i32
        %mul3A_352 = arith.constant 4 : i32
        %mul3A_353 = arith.muli %sub3A_351, %mul3A_352 : i32
        %add3A_354 = arith.constant 3 : i32
        %add3A_355 = arith.addi %mul3A_353, %add3A_354 : i32
        %dma_wait3A_356 = arith.constant 0 : i32
        %dma_wait3A_357 = tpu.memref_slice %arg8[%add3A_355, %dma_wait3A_356] : memref<80x125xi32, #tpu.memory_space<vmem>> -> memref<1x125xi32, #tpu.memory_space<vmem>>
        %dma_wait3A_358 = tpu.memref_squeeze %dma_wait3A_357 : memref<1x125xi32, #tpu.memory_space<vmem>> -> memref<125xi32, #tpu.memory_space<vmem>>
        %dma_wait3A_359 = arith.constant 0 : i32
        %dma_wait3A_360 = arith.constant 0 : i32
        %dma_wait3A_361 = tpu.memref_slice %arg17[%dma_wait3A_359, %dma_wait3A_360] : memref<10240x64xf32, #tpu.memory_space<vmem_shared>> -> memref<10240x64xf32, #tpu.memory_space<vmem_shared>>
        tpu.wait_indirect_dma semaphore(%arg33 : memref<!tpu.dma_semaphore, #tpu.memory_space<semaphore_mem>>) src(%arg16 : memref<125x64xf32, #tpu.memory_space<vmem>>) dst(%dma_wait3A_361 : memref<10240x64xf32, #tpu.memory_space<vmem_shared>>)
      } else {
      }
      %mul3A_71 = arith.constant 4 : i32
      %mul3A_72 = arith.muli %add3A_68, %mul3A_71 : i32
      %add3A_73 = arith.constant 0 : i32
      %add3A_74 = arith.addi %mul3A_72, %add3A_73 : i32
      %dma_start3A_75 = arith.constant 0 : i32
      %dma_start3A_76 = tpu.memref_slice %arg7[%add3A_74, %dma_start3A_75] : memref<80x125xi32, #tpu.memory_space<vmem>> -> memref<1x125xi32, #tpu.memory_space<vmem>>
      %dma_start3A_77 = tpu.memref_squeeze %dma_start3A_76 : memref<1x125xi32, #tpu.memory_space<vmem>> -> memref<125xi32, #tpu.memory_space<vmem>>
      %dma_start3A_78 = arith.constant 0 : i32
      %dma_start3A_79 = arith.constant 0 : i32
      %dma_start3A_80 = tpu.memref_slice %arg2[%dma_start3A_78, %dma_start3A_79] : memref<10000x64xf32, #tpu.memory_space<hbm>> -> memref<10000x64xf32, #tpu.memory_space<hbm>>
      tpu.enqueue_indirect_dma source(%dma_start3A_80 : memref<10000x64xf32, #tpu.memory_space<hbm>>) target(%arg13 : memref<125x64xf32, #tpu.memory_space<vmem>>) offsets(%dma_start3A_77 : memref<125xi32, #tpu.memory_space<vmem>>) semaphore(%arg22 : memref<!tpu.dma_semaphore, #tpu.memory_space<semaphore_mem>>)
      %mul3A_81 = arith.constant 4 : i32
      %mul3A_82 = arith.muli %add3A_68, %mul3A_81 : i32
      %add3A_83 = arith.constant 1 : i32
      %add3A_84 = arith.addi %mul3A_82, %add3A_83 : i32
      %dma_start3A_85 = arith.constant 0 : i32
      %dma_start3A_86 = tpu.memref_slice %arg7[%add3A_84, %dma_start3A_85] : memref<80x125xi32, #tpu.memory_space<vmem>> -> memref<1x125xi32, #tpu.memory_space<vmem>>
      %dma_start3A_87 = tpu.memref_squeeze %dma_start3A_86 : memref<1x125xi32, #tpu.memory_space<vmem>> -> memref<125xi32, #tpu.memory_space<vmem>>
      %dma_start3A_88 = arith.constant 0 : i32
      %dma_start3A_89 = arith.constant 0 : i32
      %dma_start3A_90 = tpu.memref_slice %arg2[%dma_start3A_88, %dma_start3A_89] : memref<10000x64xf32, #tpu.memory_space<hbm>> -> memref<10000x64xf32, #tpu.memory_space<hbm>>
      tpu.enqueue_indirect_dma source(%dma_start3A_90 : memref<10000x64xf32, #tpu.memory_space<hbm>>) target(%arg14 : memref<125x64xf32, #tpu.memory_space<vmem>>) offsets(%dma_start3A_87 : memref<125xi32, #tpu.memory_space<vmem>>) semaphore(%arg23 : memref<!tpu.dma_semaphore, #tpu.memory_space<semaphore_mem>>)
      %mul3A_91 = arith.constant 4 : i32
      %mul3A_92 = arith.muli %add3A_68, %mul3A_91 : i32
      %add3A_93 = arith.constant 2 : i32
      %add3A_94 = arith.addi %mul3A_92, %add3A_93 : i32
      %dma_start3A_95 = arith.constant 0 : i32
      %dma_start3A_96 = tpu.memref_slice %arg7[%add3A_94, %dma_start3A_95] : memref<80x125xi32, #tpu.memory_space<vmem>> -> memref<1x125xi32, #tpu.memory_space<vmem>>
      %dma_start3A_97 = tpu.memref_squeeze %dma_start3A_96 : memref<1x125xi32, #tpu.memory_space<vmem>> -> memref<125xi32, #tpu.memory_space<vmem>>
      %dma_start3A_98 = arith.constant 0 : i32
      %dma_start3A_99 = arith.constant 0 : i32
      %dma_start3A_100 = tpu.memref_slice %arg2[%dma_start3A_98, %dma_start3A_99] : memref<10000x64xf32, #tpu.memory_space<hbm>> -> memref<10000x64xf32, #tpu.memory_space<hbm>>
      tpu.enqueue_indirect_dma source(%dma_start3A_100 : memref<10000x64xf32, #tpu.memory_space<hbm>>) target(%arg15 : memref<125x64xf32, #tpu.memory_space<vmem>>) offsets(%dma_start3A_97 : memref<125xi32, #tpu.memory_space<vmem>>) semaphore(%arg24 : memref<!tpu.dma_semaphore, #tpu.memory_space<semaphore_mem>>)
      %mul3A_101 = arith.constant 4 : i32
      %mul3A_102 = arith.muli %add3A_68, %mul3A_101 : i32
      %add3A_103 = arith.constant 3 : i32
      %add3A_104 = arith.addi %mul3A_102, %add3A_103 : i32
      %dma_start3A_105 = arith.constant 0 : i32
      %dma_start3A_106 = tpu.memref_slice %arg7[%add3A_104, %dma_start3A_105] : memref<80x125xi32, #tpu.memory_space<vmem>> -> memref<1x125xi32, #tpu.memory_space<vmem>>
      %dma_start3A_107 = tpu.memref_squeeze %dma_start3A_106 : memref<1x125xi32, #tpu.memory_space<vmem>> -> memref<125xi32, #tpu.memory_space<vmem>>
      %dma_start3A_108 = arith.constant 0 : i32
      %dma_start3A_109 = arith.constant 0 : i32
      %dma_start3A_110 = tpu.memref_slice %arg2[%dma_start3A_108, %dma_start3A_109] : memref<10000x64xf32, #tpu.memory_space<hbm>> -> memref<10000x64xf32, #tpu.memory_space<hbm>>
      tpu.enqueue_indirect_dma source(%dma_start3A_110 : memref<10000x64xf32, #tpu.memory_space<hbm>>) target(%arg16 : memref<125x64xf32, #tpu.memory_space<vmem>>) offsets(%dma_start3A_107 : memref<125xi32, #tpu.memory_space<vmem>>) semaphore(%arg25 : memref<!tpu.dma_semaphore, #tpu.memory_space<semaphore_mem>>)
      %mul3A_111 = arith.constant 4 : i32
      %mul3A_112 = arith.muli %mul3A_64, %mul3A_111 : i32
      %add3A_113 = arith.constant 0 : i32
      %add3A_114 = arith.addi %mul3A_112, %add3A_113 : i32
      %dma_wait3A_115 = arith.constant 0 : i32
      %dma_wait3A_116 = tpu.memref_slice %arg7[%add3A_114, %dma_wait3A_115] : memref<80x125xi32, #tpu.memory_space<vmem>> -> memref<1x125xi32, #tpu.memory_space<vmem>>
      %dma_wait3A_117 = tpu.memref_squeeze %dma_wait3A_116 : memref<1x125xi32, #tpu.memory_space<vmem>> -> memref<125xi32, #tpu.memory_space<vmem>>
      %dma_wait3A_118 = arith.constant 0 : i32
      %dma_wait3A_119 = arith.constant 0 : i32
      %dma_wait3A_120 = tpu.memref_slice %arg2[%dma_wait3A_118, %dma_wait3A_119] : memref<10000x64xf32, #tpu.memory_space<hbm>> -> memref<10000x64xf32, #tpu.memory_space<hbm>>
      tpu.wait_indirect_dma semaphore(%arg18 : memref<!tpu.dma_semaphore, #tpu.memory_space<semaphore_mem>>) src(%dma_wait3A_120 : memref<10000x64xf32, #tpu.memory_space<hbm>>) dst(%arg9 : memref<125x64xf32, #tpu.memory_space<vmem>>)
      %mul3A_121 = arith.constant 4 : i32
      %mul3A_122 = arith.muli %mul3A_64, %mul3A_121 : i32
      %add3A_123 = arith.constant 0 : i32
      %add3A_124 = arith.addi %mul3A_122, %add3A_123 : i32
      %dma_start3A_125 = arith.constant 0 : i32
      %dma_start3A_126 = tpu.memref_slice %arg8[%add3A_124, %dma_start3A_125] : memref<80x125xi32, #tpu.memory_space<vmem>> -> memref<1x125xi32, #tpu.memory_space<vmem>>
      %dma_start3A_127 = tpu.memref_squeeze %dma_start3A_126 : memref<1x125xi32, #tpu.memory_space<vmem>> -> memref<125xi32, #tpu.memory_space<vmem>>
      %dma_start3A_128 = arith.constant 0 : i32
      %dma_start3A_129 = arith.constant 0 : i32
      %dma_start3A_130 = tpu.memref_slice %arg17[%dma_start3A_128, %dma_start3A_129] : memref<10240x64xf32, #tpu.memory_space<vmem_shared>> -> memref<10240x64xf32, #tpu.memory_space<vmem_shared>>
      tpu.enqueue_indirect_dma source(%arg9 : memref<125x64xf32, #tpu.memory_space<vmem>>) target(%dma_start3A_130 : memref<10240x64xf32, #tpu.memory_space<vmem_shared>>) offsets(%dma_start3A_127 : memref<125xi32, #tpu.memory_space<vmem>>) semaphore(%arg26 : memref<!tpu.dma_semaphore, #tpu.memory_space<semaphore_mem>>) {add = true}
      %mul3A_131 = arith.constant 4 : i32
      %mul3A_132 = arith.muli %mul3A_64, %mul3A_131 : i32
      %add3A_133 = arith.constant 1 : i32
      %add3A_134 = arith.addi %mul3A_132, %add3A_133 : i32
      %dma_wait3A_135 = arith.constant 0 : i32
      %dma_wait3A_136 = tpu.memref_slice %arg7[%add3A_134, %dma_wait3A_135] : memref<80x125xi32, #tpu.memory_space<vmem>> -> memref<1x125xi32, #tpu.memory_space<vmem>>
      %dma_wait3A_137 = tpu.memref_squeeze %dma_wait3A_136 : memref<1x125xi32, #tpu.memory_space<vmem>> -> memref<125xi32, #tpu.memory_space<vmem>>
      %dma_wait3A_138 = arith.constant 0 : i32
      %dma_wait3A_139 = arith.constant 0 : i32
      %dma_wait3A_140 = tpu.memref_slice %arg2[%dma_wait3A_138, %dma_wait3A_139] : memref<10000x64xf32, #tpu.memory_space<hbm>> -> memref<10000x64xf32, #tpu.memory_space<hbm>>
      tpu.wait_indirect_dma semaphore(%arg19 : memref<!tpu.dma_semaphore, #tpu.memory_space<semaphore_mem>>) src(%dma_wait3A_140 : memref<10000x64xf32, #tpu.memory_space<hbm>>) dst(%arg10 : memref<125x64xf32, #tpu.memory_space<vmem>>)
      %mul3A_141 = arith.constant 4 : i32
      %mul3A_142 = arith.muli %mul3A_64, %mul3A_141 : i32
      %add3A_143 = arith.constant 1 : i32
      %add3A_144 = arith.addi %mul3A_142, %add3A_143 : i32
      %dma_start3A_145 = arith.constant 0 : i32
      %dma_start3A_146 = tpu.memref_slice %arg8[%add3A_144, %dma_start3A_145] : memref<80x125xi32, #tpu.memory_space<vmem>> -> memref<1x125xi32, #tpu.memory_space<vmem>>
      %dma_start3A_147 = tpu.memref_squeeze %dma_start3A_146 : memref<1x125xi32, #tpu.memory_space<vmem>> -> memref<125xi32, #tpu.memory_space<vmem>>
      %dma_start3A_148 = arith.constant 0 : i32
      %dma_start3A_149 = arith.constant 0 : i32
      %dma_start3A_150 = tpu.memref_slice %arg17[%dma_start3A_148, %dma_start3A_149] : memref<10240x64xf32, #tpu.memory_space<vmem_shared>> -> memref<10240x64xf32, #tpu.memory_space<vmem_shared>>
      tpu.enqueue_indirect_dma source(%arg10 : memref<125x64xf32, #tpu.memory_space<vmem>>) target(%dma_start3A_150 : memref<10240x64xf32, #tpu.memory_space<vmem_shared>>) offsets(%dma_start3A_147 : memref<125xi32, #tpu.memory_space<vmem>>) semaphore(%arg27 : memref<!tpu.dma_semaphore, #tpu.memory_space<semaphore_mem>>) {add = true}
      %mul3A_151 = arith.constant 4 : i32
      %mul3A_152 = arith.muli %mul3A_64, %mul3A_151 : i32
      %add3A_153 = arith.constant 2 : i32
      %add3A_154 = arith.addi %mul3A_152, %add3A_153 : i32
      %dma_wait3A_155 = arith.constant 0 : i32
      %dma_wait3A_156 = tpu.memref_slice %arg7[%add3A_154, %dma_wait3A_155] : memref<80x125xi32, #tpu.memory_space<vmem>> -> memref<1x125xi32, #tpu.memory_space<vmem>>
      %dma_wait3A_157 = tpu.memref_squeeze %dma_wait3A_156 : memref<1x125xi32, #tpu.memory_space<vmem>> -> memref<125xi32, #tpu.memory_space<vmem>>
      %dma_wait3A_158 = arith.constant 0 : i32
      %dma_wait3A_159 = arith.constant 0 : i32
      %dma_wait3A_160 = tpu.memref_slice %arg2[%dma_wait3A_158, %dma_wait3A_159] : memref<10000x64xf32, #tpu.memory_space<hbm>> -> memref<10000x64xf32, #tpu.memory_space<hbm>>
      tpu.wait_indirect_dma semaphore(%arg20 : memref<!tpu.dma_semaphore, #tpu.memory_space<semaphore_mem>>) src(%dma_wait3A_160 : memref<10000x64xf32, #tpu.memory_space<hbm>>) dst(%arg11 : memref<125x64xf32, #tpu.memory_space<vmem>>)
      %mul3A_161 = arith.constant 4 : i32
      %mul3A_162 = arith.muli %mul3A_64, %mul3A_161 : i32
      %add3A_163 = arith.constant 2 : i32
      %add3A_164 = arith.addi %mul3A_162, %add3A_163 : i32
      %dma_start3A_165 = arith.constant 0 : i32
      %dma_start3A_166 = tpu.memref_slice %arg8[%add3A_164, %dma_start3A_165] : memref<80x125xi32, #tpu.memory_space<vmem>> -> memref<1x125xi32, #tpu.memory_space<vmem>>
      %dma_start3A_167 = tpu.memref_squeeze %dma_start3A_166 : memref<1x125xi32, #tpu.memory_space<vmem>> -> memref<125xi32, #tpu.memory_space<vmem>>
      %dma_start3A_168 = arith.constant 0 : i32
      %dma_start3A_169 = arith.constant 0 : i32
      %dma_start3A_170 = tpu.memref_slice %arg17[%dma_start3A_168, %dma_start3A_169] : memref<10240x64xf32, #tpu.memory_space<vmem_shared>> -> memref<10240x64xf32, #tpu.memory_space<vmem_shared>>
      tpu.enqueue_indirect_dma source(%arg11 : memref<125x64xf32, #tpu.memory_space<vmem>>) target(%dma_start3A_170 : memref<10240x64xf32, #tpu.memory_space<vmem_shared>>) offsets(%dma_start3A_167 : memref<125xi32, #tpu.memory_space<vmem>>) semaphore(%arg28 : memref<!tpu.dma_semaphore, #tpu.memory_space<semaphore_mem>>) {add = true}
      %mul3A_171 = arith.constant 4 : i32
      %mul3A_172 = arith.muli %mul3A_64, %mul3A_171 : i32
      %add3A_173 = arith.constant 3 : i32
      %add3A_174 = arith.addi %mul3A_172, %add3A_173 : i32
      %dma_wait3A_175 = arith.constant 0 : i32
      %dma_wait3A_176 = tpu.memref_slice %arg7[%add3A_174, %dma_wait3A_175] : memref<80x125xi32, #tpu.memory_space<vmem>> -> memref<1x125xi32, #tpu.memory_space<vmem>>
      %dma_wait3A_177 = tpu.memref_squeeze %dma_wait3A_176 : memref<1x125xi32, #tpu.memory_space<vmem>> -> memref<125xi32, #tpu.memory_space<vmem>>
      %dma_wait3A_178 = arith.constant 0 : i32
      %dma_wait3A_179 = arith.constant 0 : i32
      %dma_wait3A_180 = tpu.memref_slice %arg2[%dma_wait3A_178, %dma_wait3A_179] : memref<10000x64xf32, #tpu.memory_space<hbm>> -> memref<10000x64xf32, #tpu.memory_space<hbm>>
      tpu.wait_indirect_dma semaphore(%arg21 : memref<!tpu.dma_semaphore, #tpu.memory_space<semaphore_mem>>) src(%dma_wait3A_180 : memref<10000x64xf32, #tpu.memory_space<hbm>>) dst(%arg12 : memref<125x64xf32, #tpu.memory_space<vmem>>)
      %mul3A_181 = arith.constant 4 : i32
      %mul3A_182 = arith.muli %mul3A_64, %mul3A_181 : i32
      %add3A_183 = arith.constant 3 : i32
      %add3A_184 = arith.addi %mul3A_182, %add3A_183 : i32
      %dma_start3A_185 = arith.constant 0 : i32
      %dma_start3A_186 = tpu.memref_slice %arg8[%add3A_184, %dma_start3A_185] : memref<80x125xi32, #tpu.memory_space<vmem>> -> memref<1x125xi32, #tpu.memory_space<vmem>>
      %dma_start3A_187 = tpu.memref_squeeze %dma_start3A_186 : memref<1x125xi32, #tpu.memory_space<vmem>> -> memref<125xi32, #tpu.memory_space<vmem>>
      %dma_start3A_188 = arith.constant 0 : i32
      %dma_start3A_189 = arith.constant 0 : i32
      %dma_start3A_190 = tpu.memref_slice %arg17[%dma_start3A_188, %dma_start3A_189] : memref<10240x64xf32, #tpu.memory_space<vmem_shared>> -> memref<10240x64xf32, #tpu.memory_space<vmem_shared>>
      tpu.enqueue_indirect_dma source(%arg12 : memref<125x64xf32, #tpu.memory_space<vmem>>) target(%dma_start3A_190 : memref<10240x64xf32, #tpu.memory_space<vmem_shared>>) offsets(%dma_start3A_187 : memref<125xi32, #tpu.memory_space<vmem>>) semaphore(%arg29 : memref<!tpu.dma_semaphore, #tpu.memory_space<semaphore_mem>>) {add = true}
      %mul3A_191 = arith.constant 4 : i32
      %mul3A_192 = arith.muli %add3A_68, %mul3A_191 : i32
      %add3A_193 = arith.constant 0 : i32
      %add3A_194 = arith.addi %mul3A_192, %add3A_193 : i32
      %dma_wait3A_195 = arith.constant 0 : i32
      %dma_wait3A_196 = tpu.memref_slice %arg7[%add3A_194, %dma_wait3A_195] : memref<80x125xi32, #tpu.memory_space<vmem>> -> memref<1x125xi32, #tpu.memory_space<vmem>>
      %dma_wait3A_197 = tpu.memref_squeeze %dma_wait3A_196 : memref<1x125xi32, #tpu.memory_space<vmem>> -> memref<125xi32, #tpu.memory_space<vmem>>
      %dma_wait3A_198 = arith.constant 0 : i32
      %dma_wait3A_199 = arith.constant 0 : i32
      %dma_wait3A_200 = tpu.memref_slice %arg2[%dma_wait3A_198, %dma_wait3A_199] : memref<10000x64xf32, #tpu.memory_space<hbm>> -> memref<10000x64xf32, #tpu.memory_space<hbm>>
      tpu.wait_indirect_dma semaphore(%arg22 : memref<!tpu.dma_semaphore, #tpu.memory_space<semaphore_mem>>) src(%dma_wait3A_200 : memref<10000x64xf32, #tpu.memory_space<hbm>>) dst(%arg13 : memref<125x64xf32, #tpu.memory_space<vmem>>)
      %mul3A_201 = arith.constant 4 : i32
      %mul3A_202 = arith.muli %add3A_68, %mul3A_201 : i32
      %add3A_203 = arith.constant 1 : i32
      %add3A_204 = arith.addi %mul3A_202, %add3A_203 : i32
      %dma_wait3A_205 = arith.constant 0 : i32
      %dma_wait3A_206 = tpu.memref_slice %arg7[%add3A_204, %dma_wait3A_205] : memref<80x125xi32, #tpu.memory_space<vmem>> -> memref<1x125xi32, #tpu.memory_space<vmem>>
      %dma_wait3A_207 = tpu.memref_squeeze %dma_wait3A_206 : memref<1x125xi32, #tpu.memory_space<vmem>> -> memref<125xi32, #tpu.memory_space<vmem>>
      %dma_wait3A_208 = arith.constant 0 : i32
      %dma_wait3A_209 = arith.constant 0 : i32
      %dma_wait3A_210 = tpu.memref_slice %arg2[%dma_wait3A_208, %dma_wait3A_209] : memref<10000x64xf32, #tpu.memory_space<hbm>> -> memref<10000x64xf32, #tpu.memory_space<hbm>>
      tpu.wait_indirect_dma semaphore(%arg23 : memref<!tpu.dma_semaphore, #tpu.memory_space<semaphore_mem>>) src(%dma_wait3A_210 : memref<10000x64xf32, #tpu.memory_space<hbm>>) dst(%arg14 : memref<125x64xf32, #tpu.memory_space<vmem>>)
      %mul3A_211 = arith.constant 4 : i32
      %mul3A_212 = arith.muli %add3A_68, %mul3A_211 : i32
      %add3A_213 = arith.constant 2 : i32
      %add3A_214 = arith.addi %mul3A_212, %add3A_213 : i32
      %dma_wait3A_215 = arith.constant 0 : i32
      %dma_wait3A_216 = tpu.memref_slice %arg7[%add3A_214, %dma_wait3A_215] : memref<80x125xi32, #tpu.memory_space<vmem>> -> memref<1x125xi32, #tpu.memory_space<vmem>>
      %dma_wait3A_217 = tpu.memref_squeeze %dma_wait3A_216 : memref<1x125xi32, #tpu.memory_space<vmem>> -> memref<125xi32, #tpu.memory_space<vmem>>
      %dma_wait3A_218 = arith.constant 0 : i32
      %dma_wait3A_219 = arith.constant 0 : i32
      %dma_wait3A_220 = tpu.memref_slice %arg2[%dma_wait3A_218, %dma_wait3A_219] : memref<10000x64xf32, #tpu.memory_space<hbm>> -> memref<10000x64xf32, #tpu.memory_space<hbm>>
      tpu.wait_indirect_dma semaphore(%arg24 : memref<!tpu.dma_semaphore, #tpu.memory_space<semaphore_mem>>) src(%dma_wait3A_220 : memref<10000x64xf32, #tpu.memory_space<hbm>>) dst(%arg15 : memref<125x64xf32, #tpu.memory_space<vmem>>)
      %mul3A_221 = arith.constant 4 : i32
      %mul3A_222 = arith.muli %add3A_68, %mul3A_221 : i32
      %add3A_223 = arith.constant 3 : i32
      %add3A_224 = arith.addi %mul3A_222, %add3A_223 : i32
      %dma_wait3A_225 = arith.constant 0 : i32
      %dma_wait3A_226 = tpu.memref_slice %arg7[%add3A_224, %dma_wait3A_225] : memref<80x125xi32, #tpu.memory_space<vmem>> -> memref<1x125xi32, #tpu.memory_space<vmem>>
      %dma_wait3A_227 = tpu.memref_squeeze %dma_wait3A_226 : memref<1x125xi32, #tpu.memory_space<vmem>> -> memref<125xi32, #tpu.memory_space<vmem>>
      %dma_wait3A_228 = arith.constant 0 : i32
      %dma_wait3A_229 = arith.constant 0 : i32
      %dma_wait3A_230 = tpu.memref_slice %arg2[%dma_wait3A_228, %dma_wait3A_229] : memref<10000x64xf32, #tpu.memory_space<hbm>> -> memref<10000x64xf32, #tpu.memory_space<hbm>>
      tpu.wait_indirect_dma semaphore(%arg25 : memref<!tpu.dma_semaphore, #tpu.memory_space<semaphore_mem>>) src(%dma_wait3A_230 : memref<10000x64xf32, #tpu.memory_space<hbm>>) dst(%arg16 : memref<125x64xf32, #tpu.memory_space<vmem>>)
      %mul3A_231 = arith.constant 4 : i32
      %mul3A_232 = arith.muli %mul3A_64, %mul3A_231 : i32
      %add3A_233 = arith.constant 0 : i32
      %add3A_234 = arith.addi %mul3A_232, %add3A_233 : i32
      %dma_wait3A_235 = arith.constant 0 : i32
      %dma_wait3A_236 = tpu.memref_slice %arg8[%add3A_234, %dma_wait3A_235] : memref<80x125xi32, #tpu.memory_space<vmem>> -> memref<1x125xi32, #tpu.memory_space<vmem>>
      %dma_wait3A_237 = tpu.memref_squeeze %dma_wait3A_236 : memref<1x125xi32, #tpu.memory_space<vmem>> -> memref<125xi32, #tpu.memory_space<vmem>>
      %dma_wait3A_238 = arith.constant 0 : i32
      %dma_wait3A_239 = arith.constant 0 : i32
      %dma_wait3A_240 = tpu.memref_slice %arg17[%dma_wait3A_238, %dma_wait3A_239] : memref<10240x64xf32, #tpu.memory_space<vmem_shared>> -> memref<10240x64xf32, #tpu.memory_space<vmem_shared>>
      tpu.wait_indirect_dma semaphore(%arg26 : memref<!tpu.dma_semaphore, #tpu.memory_space<semaphore_mem>>) src(%arg9 : memref<125x64xf32, #tpu.memory_space<vmem>>) dst(%dma_wait3A_240 : memref<10240x64xf32, #tpu.memory_space<vmem_shared>>)
      %mul3A_241 = arith.constant 4 : i32
      %mul3A_242 = arith.muli %mul3A_64, %mul3A_241 : i32
      %add3A_243 = arith.constant 1 : i32
      %add3A_244 = arith.addi %mul3A_242, %add3A_243 : i32
      %dma_wait3A_245 = arith.constant 0 : i32
      %dma_wait3A_246 = tpu.memref_slice %arg8[%add3A_244, %dma_wait3A_245] : memref<80x125xi32, #tpu.memory_space<vmem>> -> memref<1x125xi32, #tpu.memory_space<vmem>>
      %dma_wait3A_247 = tpu.memref_squeeze %dma_wait3A_246 : memref<1x125xi32, #tpu.memory_space<vmem>> -> memref<125xi32, #tpu.memory_space<vmem>>
      %dma_wait3A_248 = arith.constant 0 : i32
      %dma_wait3A_249 = arith.constant 0 : i32
      %dma_wait3A_250 = tpu.memref_slice %arg17[%dma_wait3A_248, %dma_wait3A_249] : memref<10240x64xf32, #tpu.memory_space<vmem_shared>> -> memref<10240x64xf32, #tpu.memory_space<vmem_shared>>
      tpu.wait_indirect_dma semaphore(%arg27 : memref<!tpu.dma_semaphore, #tpu.memory_space<semaphore_mem>>) src(%arg10 : memref<125x64xf32, #tpu.memory_space<vmem>>) dst(%dma_wait3A_250 : memref<10240x64xf32, #tpu.memory_space<vmem_shared>>)
      %mul3A_251 = arith.constant 4 : i32
      %mul3A_252 = arith.muli %mul3A_64, %mul3A_251 : i32
      %add3A_253 = arith.constant 2 : i32
      %add3A_254 = arith.addi %mul3A_252, %add3A_253 : i32
      %dma_wait3A_255 = arith.constant 0 : i32
      %dma_wait3A_256 = tpu.memref_slice %arg8[%add3A_254, %dma_wait3A_255] : memref<80x125xi32, #tpu.memory_space<vmem>> -> memref<1x125xi32, #tpu.memory_space<vmem>>
      %dma_wait3A_257 = tpu.memref_squeeze %dma_wait3A_256 : memref<1x125xi32, #tpu.memory_space<vmem>> -> memref<125xi32, #tpu.memory_space<vmem>>
      %dma_wait3A_258 = arith.constant 0 : i32
      %dma_wait3A_259 = arith.constant 0 : i32
      %dma_wait3A_260 = tpu.memref_slice %arg17[%dma_wait3A_258, %dma_wait3A_259] : memref<10240x64xf32, #tpu.memory_space<vmem_shared>> -> memref<10240x64xf32, #tpu.memory_space<vmem_shared>>
      tpu.wait_indirect_dma semaphore(%arg28 : memref<!tpu.dma_semaphore, #tpu.memory_space<semaphore_mem>>) src(%arg11 : memref<125x64xf32, #tpu.memory_space<vmem>>) dst(%dma_wait3A_260 : memref<10240x64xf32, #tpu.memory_space<vmem_shared>>)
      %mul3A_261 = arith.constant 4 : i32
      %mul3A_262 = arith.muli %mul3A_64, %mul3A_261 : i32
      %add3A_263 = arith.constant 3 : i32
      %add3A_264 = arith.addi %mul3A_262, %add3A_263 : i32
      %dma_wait3A_265 = arith.constant 0 : i32
      %dma_wait3A_266 = tpu.memref_slice %arg8[%add3A_264, %dma_wait3A_265] : memref<80x125xi32, #tpu.memory_space<vmem>> -> memref<1x125xi32, #tpu.memory_space<vmem>>
      %dma_wait3A_267 = tpu.memref_squeeze %dma_wait3A_266 : memref<1x125xi32, #tpu.memory_space<vmem>> -> memref<125xi32, #tpu.memory_space<vmem>>
      %dma_wait3A_268 = arith.constant 0 : i32
      %dma_wait3A_269 = arith.constant 0 : i32
      %dma_wait3A_270 = tpu.memref_slice %arg17[%dma_wait3A_268, %dma_wait3A_269] : memref<10240x64xf32, #tpu.memory_space<vmem_shared>> -> memref<10240x64xf32, #tpu.memory_space<vmem_shared>>
      tpu.wait_indirect_dma semaphore(%arg29 : memref<!tpu.dma_semaphore, #tpu.memory_space<semaphore_mem>>) src(%arg12 : memref<125x64xf32, #tpu.memory_space<vmem>>) dst(%dma_wait3A_270 : memref<10240x64xf32, #tpu.memory_space<vmem_shared>>)
      %lt3A = arith.constant 9 : i32
      %lt3A_271 = arith.cmpi slt, %scan3A_62, %lt3A : i32
      %convert_element_type3A_272 = arith.extui %lt3A_271 : i1 to i32
      %cond3A_273 = arith.constant 0 : i32
      %cond3A_274 = arith.cmpi ne, %convert_element_type3A_272, %cond3A_273 : i32
      scf.if %cond3A_274 {
        %add3A_315 = arith.constant 1 : i32
        %add3A_316 = arith.addi %add3A_68, %add3A_315 : i32
        %mul3A_317 = arith.constant 4 : i32
        %mul3A_318 = arith.muli %add3A_316, %mul3A_317 : i32
        %add3A_319 = arith.constant 0 : i32
        %add3A_320 = arith.addi %mul3A_318, %add3A_319 : i32
        %dma_start3A_321 = arith.constant 0 : i32
        %dma_start3A_322 = tpu.memref_slice %arg7[%add3A_320, %dma_start3A_321] : memref<80x125xi32, #tpu.memory_space<vmem>> -> memref<1x125xi32, #tpu.memory_space<vmem>>
        %dma_start3A_323 = tpu.memref_squeeze %dma_start3A_322 : memref<1x125xi32, #tpu.memory_space<vmem>> -> memref<125xi32, #tpu.memory_space<vmem>>
        %dma_start3A_324 = arith.constant 0 : i32
        %dma_start3A_325 = arith.constant 0 : i32
        %dma_start3A_326 = tpu.memref_slice %arg2[%dma_start3A_324, %dma_start3A_325] : memref<10000x64xf32, #tpu.memory_space<hbm>> -> memref<10000x64xf32, #tpu.memory_space<hbm>>
        tpu.enqueue_indirect_dma source(%dma_start3A_326 : memref<10000x64xf32, #tpu.memory_space<hbm>>) target(%arg9 : memref<125x64xf32, #tpu.memory_space<vmem>>) offsets(%dma_start3A_323 : memref<125xi32, #tpu.memory_space<vmem>>) semaphore(%arg18 : memref<!tpu.dma_semaphore, #tpu.memory_space<semaphore_mem>>)
        %add3A_327 = arith.constant 1 : i32
        %add3A_328 = arith.addi %add3A_68, %add3A_327 : i32
        %mul3A_329 = arith.constant 4 : i32
        %mul3A_330 = arith.muli %add3A_328, %mul3A_329 : i32
        %add3A_331 = arith.constant 1 : i32
        %add3A_332 = arith.addi %mul3A_330, %add3A_331 : i32
        %dma_start3A_333 = arith.constant 0 : i32
        %dma_start3A_334 = tpu.memref_slice %arg7[%add3A_332, %dma_start3A_333] : memref<80x125xi32, #tpu.memory_space<vmem>> -> memref<1x125xi32, #tpu.memory_space<vmem>>
        %dma_start3A_335 = tpu.memref_squeeze %dma_start3A_334 : memref<1x125xi32, #tpu.memory_space<vmem>> -> memref<125xi32, #tpu.memory_space<vmem>>
        %dma_start3A_336 = arith.constant 0 : i32
        %dma_start3A_337 = arith.constant 0 : i32
        %dma_start3A_338 = tpu.memref_slice %arg2[%dma_start3A_336, %dma_start3A_337] : memref<10000x64xf32, #tpu.memory_space<hbm>> -> memref<10000x64xf32, #tpu.memory_space<hbm>>
        tpu.enqueue_indirect_dma source(%dma_start3A_338 : memref<10000x64xf32, #tpu.memory_space<hbm>>) target(%arg10 : memref<125x64xf32, #tpu.memory_space<vmem>>) offsets(%dma_start3A_335 : memref<125xi32, #tpu.memory_space<vmem>>) semaphore(%arg19 : memref<!tpu.dma_semaphore, #tpu.memory_space<semaphore_mem>>)
        %add3A_339 = arith.constant 1 : i32
        %add3A_340 = arith.addi %add3A_68, %add3A_339 : i32
        %mul3A_341 = arith.constant 4 : i32
        %mul3A_342 = arith.muli %add3A_340, %mul3A_341 : i32
        %add3A_343 = arith.constant 2 : i32
        %add3A_344 = arith.addi %mul3A_342, %add3A_343 : i32
        %dma_start3A_345 = arith.constant 0 : i32
        %dma_start3A_346 = tpu.memref_slice %arg7[%add3A_344, %dma_start3A_345] : memref<80x125xi32, #tpu.memory_space<vmem>> -> memref<1x125xi32, #tpu.memory_space<vmem>>
        %dma_start3A_347 = tpu.memref_squeeze %dma_start3A_346 : memref<1x125xi32, #tpu.memory_space<vmem>> -> memref<125xi32, #tpu.memory_space<vmem>>
        %dma_start3A_348 = arith.constant 0 : i32
        %dma_start3A_349 = arith.constant 0 : i32
        %dma_start3A_350 = tpu.memref_slice %arg2[%dma_start3A_348, %dma_start3A_349] : memref<10000x64xf32, #tpu.memory_space<hbm>> -> memref<10000x64xf32, #tpu.memory_space<hbm>>
        tpu.enqueue_indirect_dma source(%dma_start3A_350 : memref<10000x64xf32, #tpu.memory_space<hbm>>) target(%arg11 : memref<125x64xf32, #tpu.memory_space<vmem>>) offsets(%dma_start3A_347 : memref<125xi32, #tpu.memory_space<vmem>>) semaphore(%arg20 : memref<!tpu.dma_semaphore, #tpu.memory_space<semaphore_mem>>)
        %add3A_351 = arith.constant 1 : i32
        %add3A_352 = arith.addi %add3A_68, %add3A_351 : i32
        %mul3A_353 = arith.constant 4 : i32
        %mul3A_354 = arith.muli %add3A_352, %mul3A_353 : i32
        %add3A_355 = arith.constant 3 : i32
        %add3A_356 = arith.addi %mul3A_354, %add3A_355 : i32
        %dma_start3A_357 = arith.constant 0 : i32
        %dma_start3A_358 = tpu.memref_slice %arg7[%add3A_356, %dma_start3A_357] : memref<80x125xi32, #tpu.memory_space<vmem>> -> memref<1x125xi32, #tpu.memory_space<vmem>>
        %dma_start3A_359 = tpu.memref_squeeze %dma_start3A_358 : memref<1x125xi32, #tpu.memory_space<vmem>> -> memref<125xi32, #tpu.memory_space<vmem>>
        %dma_start3A_360 = arith.constant 0 : i32
        %dma_start3A_361 = arith.constant 0 : i32
        %dma_start3A_362 = tpu.memref_slice %arg2[%dma_start3A_360, %dma_start3A_361] : memref<10000x64xf32, #tpu.memory_space<hbm>> -> memref<10000x64xf32, #tpu.memory_space<hbm>>
        tpu.enqueue_indirect_dma source(%dma_start3A_362 : memref<10000x64xf32, #tpu.memory_space<hbm>>) target(%arg12 : memref<125x64xf32, #tpu.memory_space<vmem>>) offsets(%dma_start3A_359 : memref<125xi32, #tpu.memory_space<vmem>>) semaphore(%arg21 : memref<!tpu.dma_semaphore, #tpu.memory_space<semaphore_mem>>)
      } else {
      }
      %mul3A_275 = arith.constant 4 : i32
      %mul3A_276 = arith.muli %add3A_68, %mul3A_275 : i32
      %add3A_277 = arith.constant 0 : i32
      %add3A_278 = arith.addi %mul3A_276, %add3A_277 : i32
      %dma_start3A_279 = arith.constant 0 : i32
      %dma_start3A_280 = tpu.memref_slice %arg8[%add3A_278, %dma_start3A_279] : memref<80x125xi32, #tpu.memory_space<vmem>> -> memref<1x125xi32, #tpu.memory_space<vmem>>
      %dma_start3A_281 = tpu.memref_squeeze %dma_start3A_280 : memref<1x125xi32, #tpu.memory_space<vmem>> -> memref<125xi32, #tpu.memory_space<vmem>>
      %dma_start3A_282 = arith.constant 0 : i32
      %dma_start3A_283 = arith.constant 0 : i32
      %dma_start3A_284 = tpu.memref_slice %arg17[%dma_start3A_282, %dma_start3A_283] : memref<10240x64xf32, #tpu.memory_space<vmem_shared>> -> memref<10240x64xf32, #tpu.memory_space<vmem_shared>>
      tpu.enqueue_indirect_dma source(%arg13 : memref<125x64xf32, #tpu.memory_space<vmem>>) target(%dma_start3A_284 : memref<10240x64xf32, #tpu.memory_space<vmem_shared>>) offsets(%dma_start3A_281 : memref<125xi32, #tpu.memory_space<vmem>>) semaphore(%arg30 : memref<!tpu.dma_semaphore, #tpu.memory_space<semaphore_mem>>) {add = true}
      %mul3A_285 = arith.constant 4 : i32
      %mul3A_286 = arith.muli %add3A_68, %mul3A_285 : i32
      %add3A_287 = arith.constant 1 : i32
      %add3A_288 = arith.addi %mul3A_286, %add3A_287 : i32
      %dma_start3A_289 = arith.constant 0 : i32
      %dma_start3A_290 = tpu.memref_slice %arg8[%add3A_288, %dma_start3A_289] : memref<80x125xi32, #tpu.memory_space<vmem>> -> memref<1x125xi32, #tpu.memory_space<vmem>>
      %dma_start3A_291 = tpu.memref_squeeze %dma_start3A_290 : memref<1x125xi32, #tpu.memory_space<vmem>> -> memref<125xi32, #tpu.memory_space<vmem>>
      %dma_start3A_292 = arith.constant 0 : i32
      %dma_start3A_293 = arith.constant 0 : i32
      %dma_start3A_294 = tpu.memref_slice %arg17[%dma_start3A_292, %dma_start3A_293] : memref<10240x64xf32, #tpu.memory_space<vmem_shared>> -> memref<10240x64xf32, #tpu.memory_space<vmem_shared>>
      tpu.enqueue_indirect_dma source(%arg14 : memref<125x64xf32, #tpu.memory_space<vmem>>) target(%dma_start3A_294 : memref<10240x64xf32, #tpu.memory_space<vmem_shared>>) offsets(%dma_start3A_291 : memref<125xi32, #tpu.memory_space<vmem>>) semaphore(%arg31 : memref<!tpu.dma_semaphore, #tpu.memory_space<semaphore_mem>>) {add = true}
      %mul3A_295 = arith.constant 4 : i32
      %mul3A_296 = arith.muli %add3A_68, %mul3A_295 : i32
      %add3A_297 = arith.constant 2 : i32
      %add3A_298 = arith.addi %mul3A_296, %add3A_297 : i32
      %dma_start3A_299 = arith.constant 0 : i32
      %dma_start3A_300 = tpu.memref_slice %arg8[%add3A_298, %dma_start3A_299] : memref<80x125xi32, #tpu.memory_space<vmem>> -> memref<1x125xi32, #tpu.memory_space<vmem>>
      %dma_start3A_301 = tpu.memref_squeeze %dma_start3A_300 : memref<1x125xi32, #tpu.memory_space<vmem>> -> memref<125xi32, #tpu.memory_space<vmem>>
      %dma_start3A_302 = arith.constant 0 : i32
      %dma_start3A_303 = arith.constant 0 : i32
      %dma_start3A_304 = tpu.memref_slice %arg17[%dma_start3A_302, %dma_start3A_303] : memref<10240x64xf32, #tpu.memory_space<vmem_shared>> -> memref<10240x64xf32, #tpu.memory_space<vmem_shared>>
      tpu.enqueue_indirect_dma source(%arg15 : memref<125x64xf32, #tpu.memory_space<vmem>>) target(%dma_start3A_304 : memref<10240x64xf32, #tpu.memory_space<vmem_shared>>) offsets(%dma_start3A_301 : memref<125xi32, #tpu.memory_space<vmem>>) semaphore(%arg32 : memref<!tpu.dma_semaphore, #tpu.memory_space<semaphore_mem>>) {add = true}
      %mul3A_305 = arith.constant 4 : i32
      %mul3A_306 = arith.muli %add3A_68, %mul3A_305 : i32
      %add3A_307 = arith.constant 3 : i32
      %add3A_308 = arith.addi %mul3A_306, %add3A_307 : i32
      %dma_start3A_309 = arith.constant 0 : i32
      %dma_start3A_310 = tpu.memref_slice %arg8[%add3A_308, %dma_start3A_309] : memref<80x125xi32, #tpu.memory_space<vmem>> -> memref<1x125xi32, #tpu.memory_space<vmem>>
      %dma_start3A_311 = tpu.memref_squeeze %dma_start3A_310 : memref<1x125xi32, #tpu.memory_space<vmem>> -> memref<125xi32, #tpu.memory_space<vmem>>
      %dma_start3A_312 = arith.constant 0 : i32
      %dma_start3A_313 = arith.constant 0 : i32
      %dma_start3A_314 = tpu.memref_slice %arg17[%dma_start3A_312, %dma_start3A_313] : memref<10240x64xf32, #tpu.memory_space<vmem_shared>> -> memref<10240x64xf32, #tpu.memory_space<vmem_shared>>
      tpu.enqueue_indirect_dma source(%arg16 : memref<125x64xf32, #tpu.memory_space<vmem>>) target(%dma_start3A_314 : memref<10240x64xf32, #tpu.memory_space<vmem_shared>>) offsets(%dma_start3A_311 : memref<125xi32, #tpu.memory_space<vmem>>) semaphore(%arg33 : memref<!tpu.dma_semaphore, #tpu.memory_space<semaphore_mem>>) {add = true}
    }
    %scan3A_33 = arith.constant 10 : i32
    %dma_wait3A = arith.constant 76 : i32
    %dma_wait3A_34 = arith.constant 0 : i32
    %dma_wait3A_35 = tpu.memref_slice %arg8[%dma_wait3A, %dma_wait3A_34] : memref<80x125xi32, #tpu.memory_space<vmem>> -> memref<1x125xi32, #tpu.memory_space<vmem>>
    %dma_wait3A_36 = tpu.memref_squeeze %dma_wait3A_35 : memref<1x125xi32, #tpu.memory_space<vmem>> -> memref<125xi32, #tpu.memory_space<vmem>>
    %dma_wait3A_37 = arith.constant 0 : i32
    %dma_wait3A_38 = arith.constant 0 : i32
    %dma_wait3A_39 = tpu.memref_slice %arg17[%dma_wait3A_37, %dma_wait3A_38] : memref<10240x64xf32, #tpu.memory_space<vmem_shared>> -> memref<10240x64xf32, #tpu.memory_space<vmem_shared>>
    tpu.wait_indirect_dma semaphore(%arg30 : memref<!tpu.dma_semaphore, #tpu.memory_space<semaphore_mem>>) src(%arg13 : memref<125x64xf32, #tpu.memory_space<vmem>>) dst(%dma_wait3A_39 : memref<10240x64xf32, #tpu.memory_space<vmem_shared>>)
    %dma_wait3A_40 = arith.constant 77 : i32
    %dma_wait3A_41 = arith.constant 0 : i32
    %dma_wait3A_42 = tpu.memref_slice %arg8[%dma_wait3A_40, %dma_wait3A_41] : memref<80x125xi32, #tpu.memory_space<vmem>> -> memref<1x125xi32, #tpu.memory_space<vmem>>
    %dma_wait3A_43 = tpu.memref_squeeze %dma_wait3A_42 : memref<1x125xi32, #tpu.memory_space<vmem>> -> memref<125xi32, #tpu.memory_space<vmem>>
    %dma_wait3A_44 = arith.constant 0 : i32
    %dma_wait3A_45 = arith.constant 0 : i32
    %dma_wait3A_46 = tpu.memref_slice %arg17[%dma_wait3A_44, %dma_wait3A_45] : memref<10240x64xf32, #tpu.memory_space<vmem_shared>> -> memref<10240x64xf32, #tpu.memory_space<vmem_shared>>
    tpu.wait_indirect_dma semaphore(%arg31 : memref<!tpu.dma_semaphore, #tpu.memory_space<semaphore_mem>>) src(%arg14 : memref<125x64xf32, #tpu.memory_space<vmem>>) dst(%dma_wait3A_46 : memref<10240x64xf32, #tpu.memory_space<vmem_shared>>)
    %dma_wait3A_47 = arith.constant 78 : i32
    %dma_wait3A_48 = arith.constant 0 : i32
    %dma_wait3A_49 = tpu.memref_slice %arg8[%dma_wait3A_47, %dma_wait3A_48] : memref<80x125xi32, #tpu.memory_space<vmem>> -> memref<1x125xi32, #tpu.memory_space<vmem>>
    %dma_wait3A_50 = tpu.memref_squeeze %dma_wait3A_49 : memref<1x125xi32, #tpu.memory_space<vmem>> -> memref<125xi32, #tpu.memory_space<vmem>>
    %dma_wait3A_51 = arith.constant 0 : i32
    %dma_wait3A_52 = arith.constant 0 : i32
    %dma_wait3A_53 = tpu.memref_slice %arg17[%dma_wait3A_51, %dma_wait3A_52] : memref<10240x64xf32, #tpu.memory_space<vmem_shared>> -> memref<10240x64xf32, #tpu.memory_space<vmem_shared>>
    tpu.wait_indirect_dma semaphore(%arg32 : memref<!tpu.dma_semaphore, #tpu.memory_space<semaphore_mem>>) src(%arg15 : memref<125x64xf32, #tpu.memory_space<vmem>>) dst(%dma_wait3A_53 : memref<10240x64xf32, #tpu.memory_space<vmem_shared>>)
    %dma_wait3A_54 = arith.constant 79 : i32
    %dma_wait3A_55 = arith.constant 0 : i32
    %dma_wait3A_56 = tpu.memref_slice %arg8[%dma_wait3A_54, %dma_wait3A_55] : memref<80x125xi32, #tpu.memory_space<vmem>> -> memref<1x125xi32, #tpu.memory_space<vmem>>
    %dma_wait3A_57 = tpu.memref_squeeze %dma_wait3A_56 : memref<1x125xi32, #tpu.memory_space<vmem>> -> memref<125xi32, #tpu.memory_space<vmem>>
    %dma_wait3A_58 = arith.constant 0 : i32
    %dma_wait3A_59 = arith.constant 0 : i32
    %dma_wait3A_60 = tpu.memref_slice %arg17[%dma_wait3A_58, %dma_wait3A_59] : memref<10240x64xf32, #tpu.memory_space<vmem_shared>> -> memref<10240x64xf32, #tpu.memory_space<vmem_shared>>
    tpu.wait_indirect_dma semaphore(%arg33 : memref<!tpu.dma_semaphore, #tpu.memory_space<semaphore_mem>>) src(%arg16 : memref<125x64xf32, #tpu.memory_space<vmem>>) dst(%dma_wait3A_60 : memref<10240x64xf32, #tpu.memory_space<vmem_shared>>)
    %barrier3A_61 = arith.constant 0 : index
    tpu.barrier barrier_id(%barrier3A_61)
    "tpu.region"() ({
      %run_scoped3A = tpu.sem_alloc : memref<!tpu.dma_semaphore, #tpu.memory_space<semaphore_mem>>
      %dma_start3A_62 = arith.constant 0 : i32
      %dma_start3A_63 = tpu.memref_slice %arg6[%arg0, %mul3A_2, %dma_start3A_62] : memref<2x10240x64xf32, #tpu.memory_space<hbm>> -> memref<1x640x64xf32, #tpu.memory_space<hbm>>
      %dma_start3A_64 = tpu.memref_squeeze %dma_start3A_63 : memref<1x640x64xf32, #tpu.memory_space<hbm>> -> memref<640x64xf32, #tpu.memory_space<hbm>>
      %dma_start3A_65 = arith.constant 0 : i32
      %dma_start3A_66 = tpu.memref_slice %arg17[%mul3A_2, %dma_start3A_65] : memref<10240x64xf32, #tpu.memory_space<vmem_shared>> -> memref<640x64xf32, #tpu.memory_space<vmem_shared>>
      tpu.enqueue_dma source(%dma_start3A_66 : memref<640x64xf32, #tpu.memory_space<vmem_shared>>) target(%dma_start3A_64 : memref<640x64xf32, #tpu.memory_space<hbm>>) target_semaphore(%run_scoped3A : memref<!tpu.dma_semaphore, #tpu.memory_space<semaphore_mem>>)
      %dma_wait3A_67 = arith.constant 0 : i32
      %dma_wait3A_68 = tpu.memref_slice %arg6[%arg0, %mul3A_2, %dma_wait3A_67] : memref<2x10240x64xf32, #tpu.memory_space<hbm>> -> memref<1x640x64xf32, #tpu.memory_space<hbm>>
      %dma_wait3A_69 = tpu.memref_squeeze %dma_wait3A_68 : memref<1x640x64xf32, #tpu.memory_space<hbm>> -> memref<640x64xf32, #tpu.memory_space<hbm>>
      %dma_wait3A_70 = arith.constant 0 : i32
      %dma_wait3A_71 = tpu.memref_slice %arg17[%mul3A_2, %dma_wait3A_70] : memref<10240x64xf32, #tpu.memory_space<vmem_shared>> -> memref<640x64xf32, #tpu.memory_space<vmem_shared>>
      tpu.wait_dma2 semaphore(%run_scoped3A : memref<!tpu.dma_semaphore, #tpu.memory_space<semaphore_mem>>) src(%dma_wait3A_71 : memref<640x64xf32, #tpu.memory_space<vmem_shared>>) dst(%dma_wait3A_69 : memref<640x64xf32, #tpu.memory_space<hbm>>)
      tpu.yield
    }) : () -> ()
    return
  }
}

module attributes {stable_mosaic.version = 14 : i64} {
  func.func @_tcu_body(%arg0: memref<10000x128xf32, #tpu.memory_space<vmem>>, %arg1: memref<128x64xf32, #tpu.memory_space<vmem>>, %arg2: memref<10000x64xf32, #tpu.memory_space<vmem>>) attributes {dimension_semantics = [], scalar_prefetch = 0 : i64, scratch_operands = 0 : i64, tpu.core_type = #tpu.core_type<tc>} {
    %get3A = arith.constant 0 : index
    %get3A_0 = arith.constant 0 : index
    %get3A_1 = vector.load %arg0[%get3A, %get3A_0] : memref<10000x128xf32, #tpu.memory_space<vmem>>, vector<10000x128xf32>
    %get3A_2 = arith.constant 0 : index
    %get3A_3 = arith.constant 0 : index
    %get3A_4 = vector.load %arg1[%get3A_2, %get3A_3] : memref<128x64xf32, #tpu.memory_space<vmem>>, vector<128x64xf32>
    %dot_general3A = arith.constant dense<0.000000e+00> : vector<10000x64xf32>
    %dot_general3A_5 = tpu.matmul %get3A_1, %get3A_4, %dot_general3A {dimension_numbers = #tpu.dot_dimension_numbers<[1], [0], [0], [1], [0, 0, 1, 1], [], []>, transpose_lhs_hint = false} : vector<10000x128xf32>, vector<128x64xf32>, vector<10000x64xf32> -> vector<10000x64xf32>
    %swap3A = arith.constant 0 : index
    %swap3A_6 = arith.constant 0 : index
    %swap3A_7 = vector.load %arg2[%swap3A, %swap3A_6] : memref<10000x64xf32, #tpu.memory_space<vmem>>, vector<10000x64xf32>
    tpu.vector_store %arg2[%swap3A, %swap3A_6], %dot_general3A_5 {strides = array<i32>} : memref<10000x64xf32, #tpu.memory_space<vmem>>, vector<10000x64xf32>,
    return
  }
}

module attributes {stable_mosaic.version = 14 : i64} {
  func.func @_tcs_body(%arg0: memref<2x10240x8xf32, #tpu.memory_space<vmem>>, %arg1: memref<10000x64xf32, #tpu.memory_space<vmem>>, %arg2: memref<10000x8xf32, #tpu.memory_space<vmem>>, %arg3: memref<10000x64xf32, #tpu.memory_space<vmem>>) attributes {dimension_semantics = [], scalar_prefetch = 0 : i64, scratch_operands = 0 : i64, tpu.core_type = #tpu.core_type<tc>} {
    %get3A = arith.constant 0 : index
    %get3A_0 = arith.constant 0 : index
    %get3A_1 = arith.constant 0 : index
    %get3A_2 = vector.load %arg0[%get3A, %get3A_0, %get3A_1] : memref<2x10240x8xf32, #tpu.memory_space<vmem>>, vector<1x10240x8xf32>
    %get3A_3 = vector.shape_cast %get3A_2 : vector<1x10240x8xf32> to vector<10240x8xf32>
    %slice3A = vector.extract_strided_slice %get3A_3 {offsets = [0, 0], sizes = [10000, 1], strides = [1, 1]} : vector<10240x8xf32> to vector<10000x1xf32>
    %add3A = arith.constant 1.000000e+00 : f32
    %add3A_4 = vector.broadcast %add3A : f32 to vector<10000x1xf32>
    %add3A_5 = arith.addf %add3A_4, %slice3A : vector<10000x1xf32>
    %get3A_6 = arith.constant 1 : index
    %get3A_7 = arith.constant 0 : index
    %get3A_8 = arith.constant 0 : index
    %get3A_9 = vector.load %arg0[%get3A_6, %get3A_7, %get3A_8] : memref<2x10240x8xf32, #tpu.memory_space<vmem>>, vector<1x10240x8xf32>
    %get3A_10 = vector.shape_cast %get3A_9 : vector<1x10240x8xf32> to vector<10240x8xf32>
    %slice3A_11 = vector.extract_strided_slice %get3A_10 {offsets = [0, 0], sizes = [10000, 1], strides = [1, 1]} : vector<10240x8xf32> to vector<10000x1xf32>
    %add3A_12 = arith.addf %add3A_5, %slice3A_11 : vector<10000x1xf32>
    %rsqrt3A = math.rsqrt %add3A_12 : vector<10000x1xf32>
    %broadcast_in_dim3A = vector.shape_cast %rsqrt3A : vector<10000x1xf32> to vector<10000x1xf32>
    %broadcast_in_dim3A_13 = vector.broadcast %broadcast_in_dim3A : vector<10000x1xf32> to vector<10000x8xf32>
    %swap3A = arith.constant 0 : index
    %swap3A_14 = arith.constant 0 : index
    %swap3A_15 = vector.load %arg2[%swap3A, %swap3A_14] : memref<10000x8xf32, #tpu.memory_space<vmem>>, vector<10000x8xf32>
    tpu.vector_store %arg2[%swap3A, %swap3A_14], %broadcast_in_dim3A_13 {strides = array<i32>} : memref<10000x8xf32, #tpu.memory_space<vmem>>, vector<10000x8xf32>,
    %get3A_16 = arith.constant 0 : index
    %get3A_17 = arith.constant 0 : index
    %get3A_18 = vector.load %arg1[%get3A_16, %get3A_17] : memref<10000x64xf32, #tpu.memory_space<vmem>>, vector<10000x64xf32>
    %mul3A = vector.broadcast %rsqrt3A : vector<10000x1xf32> to vector<10000x64xf32>
    %mul3A_19 = arith.mulf %mul3A, %get3A_18 : vector<10000x64xf32>
    %swap3A_20 = arith.constant 0 : index
    %swap3A_21 = arith.constant 0 : index
    %swap3A_22 = vector.load %arg3[%swap3A_20, %swap3A_21] : memref<10000x64xf32, #tpu.memory_space<vmem>>, vector<10000x64xf32>
    tpu.vector_store %arg3[%swap3A_20, %swap3A_21], %mul3A_19 {strides = array<i32>} : memref<10000x64xf32, #tpu.memory_space<vmem>>, vector<10000x64xf32>,
    return
  }
}

module attributes {stable_mosaic.version = 14 : i64} {
  func.func @_tcb_body(%arg0: memref<2x10240x64xf32, #tpu.memory_space<vmem>>, %arg1: memref<10000x64xf32, #tpu.memory_space<vmem>>, %arg2: memref<10000x8xf32, #tpu.memory_space<vmem>>, %arg3: memref<1x64xf32, #tpu.memory_space<vmem>>, %arg4: memref<64x64xf32, #tpu.memory_space<vmem>>, %arg5: memref<10000x64xf32, #tpu.memory_space<vmem>>) attributes {dimension_semantics = [], scalar_prefetch = 0 : i64, scratch_operands = 0 : i64, tpu.core_type = #tpu.core_type<tc>} {
    %get3A = arith.constant 0 : index
    %get3A_0 = arith.constant 0 : index
    %get3A_1 = vector.load %arg2[%get3A, %get3A_0] : memref<10000x8xf32, #tpu.memory_space<vmem>>, vector<10000x1xf32>
    %get3A_2 = arith.constant 0 : index
    %get3A_3 = arith.constant 0 : index
    %get3A_4 = arith.constant 0 : index
    %get3A_5 = vector.load %arg0[%get3A_2, %get3A_3, %get3A_4] : memref<2x10240x64xf32, #tpu.memory_space<vmem>>, vector<1x10240x64xf32>
    %get3A_6 = vector.shape_cast %get3A_5 : vector<1x10240x64xf32> to vector<10240x64xf32>
    %slice3A = vector.extract_strided_slice %get3A_6 {offsets = [0, 0], sizes = [10000, 64], strides = [1, 1]} : vector<10240x64xf32> to vector<10000x64xf32>
    %get3A_7 = arith.constant 1 : index
    %get3A_8 = arith.constant 0 : index
    %get3A_9 = arith.constant 0 : index
    %get3A_10 = vector.load %arg0[%get3A_7, %get3A_8, %get3A_9] : memref<2x10240x64xf32, #tpu.memory_space<vmem>>, vector<1x10240x64xf32>
    %get3A_11 = vector.shape_cast %get3A_10 : vector<1x10240x64xf32> to vector<10240x64xf32>
    %slice3A_12 = vector.extract_strided_slice %get3A_11 {offsets = [0, 0], sizes = [10000, 64], strides = [1, 1]} : vector<10240x64xf32> to vector<10000x64xf32>
    %add3A = arith.addf %slice3A, %slice3A_12 : vector<10000x64xf32>
    %get3A_13 = arith.constant 0 : index
    %get3A_14 = arith.constant 0 : index
    %get3A_15 = vector.load %arg1[%get3A_13, %get3A_14] : memref<10000x64xf32, #tpu.memory_space<vmem>>, vector<10000x64xf32>
    %add3A_16 = arith.addf %add3A, %get3A_15 : vector<10000x64xf32>
    %mul3A = vector.broadcast %get3A_1 : vector<10000x1xf32> to vector<10000x64xf32>
    %mul3A_17 = arith.mulf %mul3A, %add3A_16 : vector<10000x64xf32>
    %get3A_18 = arith.constant 0 : index
    %get3A_19 = arith.constant 0 : index
    %get3A_20 = vector.load %arg3[%get3A_18, %get3A_19] : memref<1x64xf32, #tpu.memory_space<vmem>>, vector<1x64xf32>
    %add3A_21 = vector.broadcast %get3A_20 : vector<1x64xf32> to vector<10000x64xf32>
    %add3A_22 = arith.addf %mul3A_17, %add3A_21 : vector<10000x64xf32>
    %max3A = arith.constant 0.000000e+00 : f32
    %max3A_23 = vector.broadcast %max3A : f32 to vector<10000x64xf32>
    %max3A_24 = arith.maximumf %add3A_22, %max3A_23 : vector<10000x64xf32>
    %get3A_25 = arith.constant 0 : index
    %get3A_26 = arith.constant 0 : index
    %get3A_27 = vector.load %arg4[%get3A_25, %get3A_26] : memref<64x64xf32, #tpu.memory_space<vmem>>, vector<64x64xf32>
    %dot_general3A = arith.constant dense<0.000000e+00> : vector<10000x64xf32>
    %dot_general3A_28 = tpu.matmul %max3A_24, %get3A_27, %dot_general3A {dimension_numbers = #tpu.dot_dimension_numbers<[1], [0], [0], [1], [0, 0, 1, 1], [], []>, transpose_lhs_hint = false} : vector<10000x64xf32>, vector<64x64xf32>, vector<10000x64xf32> -> vector<10000x64xf32>
    %mul3A_29 = vector.broadcast %get3A_1 : vector<10000x1xf32> to vector<10000x64xf32>
    %mul3A_30 = arith.mulf %mul3A_29, %dot_general3A_28 : vector<10000x64xf32>
    %swap3A = arith.constant 0 : index
    %swap3A_31 = arith.constant 0 : index
    %swap3A_32 = vector.load %arg5[%swap3A, %swap3A_31] : memref<10000x64xf32, #tpu.memory_space<vmem>>, vector<10000x64xf32>
    tpu.vector_store %arg5[%swap3A, %swap3A_31], %mul3A_30 {strides = array<i32>} : memref<10000x64xf32, #tpu.memory_space<vmem>>, vector<10000x64xf32>,
    return
  }
}

module attributes {stable_mosaic.version = 14 : i64} {
  func.func @_tcdec_body(%arg0: memref<2x10240x64xf32, #tpu.memory_space<vmem>>, %arg1: memref<10000x64xf32, #tpu.memory_space<vmem>>, %arg2: memref<10000x8xf32, #tpu.memory_space<vmem>>, %arg3: memref<1x64xf32, #tpu.memory_space<vmem>>, %arg4: memref<1x10000xi32, #tpu.memory_space<vmem>>, %arg5: memref<7168x8xf32, #tpu.memory_space<vmem>>, %arg6: memref<64x64xf32, #tpu.memory_space<vmem>>, %arg7: memref<1x64xf32, #tpu.memory_space<vmem>>, %arg8: memref<64x64xf32, #tpu.memory_space<vmem>>, %arg9: memref<1x64xf32, #tpu.memory_space<vmem>>, %arg10: memref<64x64xf32, #tpu.memory_space<vmem>>, %arg11: memref<1x64xf32, #tpu.memory_space<vmem>>, %arg12: memref<64x64xf32, #tpu.memory_space<vmem>>, %arg13: memref<1x64xf32, #tpu.memory_space<vmem>>, %arg14: memref<64x128xf32, #tpu.memory_space<vmem>>, %arg15: memref<1x128xf32, #tpu.memory_space<vmem>>, %arg16: memref<64x64xf32, #tpu.memory_space<vmem>>, %arg17: memref<7168x128xf32, #tpu.memory_space<vmem>>) attributes {dimension_semantics = [], scalar_prefetch = 0 : i64, scratch_operands = 0 : i64, tpu.core_type = #tpu.core_type<tc>} {
    %get3A = arith.constant 0 : index
    %get3A_0 = arith.constant 0 : index
    %get3A_1 = vector.load %arg2[%get3A, %get3A_0] : memref<10000x8xf32, #tpu.memory_space<vmem>>, vector<10000x1xf32>
    %get3A_2 = arith.constant 0 : index
    %get3A_3 = arith.constant 0 : index
    %get3A_4 = arith.constant 0 : index
    %get3A_5 = vector.load %arg0[%get3A_2, %get3A_3, %get3A_4] : memref<2x10240x64xf32, #tpu.memory_space<vmem>>, vector<1x10240x64xf32>
    %get3A_6 = vector.shape_cast %get3A_5 : vector<1x10240x64xf32> to vector<10240x64xf32>
    %slice3A = vector.extract_strided_slice %get3A_6 {offsets = [0, 0], sizes = [10000, 64], strides = [1, 1]} : vector<10240x64xf32> to vector<10000x64xf32>
    %get3A_7 = arith.constant 1 : index
    %get3A_8 = arith.constant 0 : index
    %get3A_9 = arith.constant 0 : index
    %get3A_10 = vector.load %arg0[%get3A_7, %get3A_8, %get3A_9] : memref<2x10240x64xf32, #tpu.memory_space<vmem>>, vector<1x10240x64xf32>
    %get3A_11 = vector.shape_cast %get3A_10 : vector<1x10240x64xf32> to vector<10240x64xf32>
    %slice3A_12 = vector.extract_strided_slice %get3A_11 {offsets = [0, 0], sizes = [10000, 64], strides = [1, 1]} : vector<10240x64xf32> to vector<10000x64xf32>
    %add3A = arith.addf %slice3A, %slice3A_12 : vector<10000x64xf32>
    %get3A_13 = arith.constant 0 : index
    %get3A_14 = arith.constant 0 : index
    %get3A_15 = vector.load %arg1[%get3A_13, %get3A_14] : memref<10000x64xf32, #tpu.memory_space<vmem>>, vector<10000x64xf32>
    %add3A_16 = arith.addf %add3A, %get3A_15 : vector<10000x64xf32>
    %mul3A = vector.broadcast %get3A_1 : vector<10000x1xf32> to vector<10000x64xf32>
    %mul3A_17 = arith.mulf %mul3A, %add3A_16 : vector<10000x64xf32>
    %get3A_18 = arith.constant 0 : index
    %get3A_19 = arith.constant 0 : index
    %get3A_20 = vector.load %arg3[%get3A_18, %get3A_19] : memref<1x64xf32, #tpu.memory_space<vmem>>, vector<1x64xf32>
    %add3A_21 = vector.broadcast %get3A_20 : vector<1x64xf32> to vector<10000x64xf32>
    %add3A_22 = arith.addf %mul3A_17, %add3A_21 : vector<10000x64xf32>
    %iota3A = tpu.iota {dimensions = array<i32: 0>} : vector<64x10000xi32>
    %get3A_23 = arith.constant 0 : index
    %get3A_24 = arith.constant 0 : index
    %get3A_25 = vector.load %arg4[%get3A_23, %get3A_24] : memref<1x10000xi32, #tpu.memory_space<vmem>>, vector<1x10000xi32>
    %eq3A = vector.broadcast %get3A_25 : vector<1x10000xi32> to vector<64x10000xi32>
    %eq3A_26 = arith.cmpi eq, %eq3A, %iota3A : vector<64x10000xi32>
    %convert_element_type3A = arith.extui %eq3A_26 : vector<64x10000xi1> to vector<64x10000xi32>
    %convert_element_type3A_27 = arith.sitofp %convert_element_type3A : vector<64x10000xi32> to vector<64x10000xf32>
    %dot_general3A = arith.constant dense<0.000000e+00> : vector<64x64xf32>
    %dot_general3A_28 = tpu.matmul %convert_element_type3A_27, %add3A_22, %dot_general3A {dimension_numbers = #tpu.dot_dimension_numbers<[1], [0], [0], [1], [0, 0, 1, 1], [], []>, transpose_lhs_hint = false} : vector<64x10000xf32>, vector<10000x64xf32>, vector<64x64xf32> -> vector<64x64xf32>
    %reduce_sum3A = arith.constant dense<0.000000e+00> : vector<64xf32>
    %reduce_sum3A_29 = vector.multi_reduction <add>, %convert_element_type3A_27, %reduce_sum3A [1] : vector<64x10000xf32> to vector<64xf32>
    %broadcast_in_dim3A = vector.shape_cast %reduce_sum3A_29 : vector<64xf32> to vector<64x1xf32>
    %max3A = arith.constant 1.000000e+00 : f32
    %max3A_30 = vector.broadcast %max3A : f32 to vector<64x1xf32>
    %max3A_31 = arith.maximumf %broadcast_in_dim3A, %max3A_30 : vector<64x1xf32>
    %div3A = vector.broadcast %max3A_31 : vector<64x1xf32> to vector<64x64xf32>
    %div3A_32 = arith.divf %dot_general3A_28, %div3A : vector<64x64xf32>
    %swap3A = arith.constant 0 : index
    %swap3A_33 = arith.constant 0 : index
    %swap3A_34 = vector.load %arg16[%swap3A, %swap3A_33] : memref<64x64xf32, #tpu.memory_space<vmem>>, vector<64x64xf32>
    tpu.vector_store %arg16[%swap3A, %swap3A_33], %div3A_32 {strides = array<i32>} : memref<64x64xf32, #tpu.memory_space<vmem>>, vector<64x64xf32>,
    %get3A_35 = arith.constant 0 : index
    %get3A_36 = arith.constant 0 : index
    %get3A_37 = vector.load %arg6[%get3A_35, %get3A_36] : memref<64x64xf32, #tpu.memory_space<vmem>>, vector<64x64xf32>
    %dot_general3A_38 = arith.constant dense<0.000000e+00> : vector<64x64xf32>
    %dot_general3A_39 = tpu.matmul %div3A_32, %get3A_37, %dot_general3A_38 {dimension_numbers = #tpu.dot_dimension_numbers<[1], [0], [0], [1], [0, 0, 1, 1], [], []>, transpose_lhs_hint = false} : vector<64x64xf32>, vector<64x64xf32>, vector<64x64xf32> -> vector<64x64xf32>
    %get3A_40 = arith.constant 0 : index
    %get3A_41 = arith.constant 0 : index
    %get3A_42 = vector.load %arg7[%get3A_40, %get3A_41] : memref<1x64xf32, #tpu.memory_space<vmem>>, vector<1x64xf32>
    %add3A_43 = vector.broadcast %get3A_42 : vector<1x64xf32> to vector<64x64xf32>
    %add3A_44 = arith.addf %dot_general3A_39, %add3A_43 : vector<64x64xf32>
    %tile3A = tpu.concatenate %add3A_44, %add3A_44, %add3A_44, %add3A_44, %add3A_44, %add3A_44, %add3A_44, %add3A_44, %add3A_44, %add3A_44, %add3A_44, %add3A_44, %add3A_44, %add3A_44, %add3A_44, %add3A_44, %add3A_44, %add3A_44, %add3A_44, %add3A_44, %add3A_44, %add3A_44, %add3A_44, %add3A_44, %add3A_44, %add3A_44, %add3A_44, %add3A_44, %add3A_44, %add3A_44, %add3A_44, %add3A_44, %add3A_44, %add3A_44, %add3A_44, %add3A_44, %add3A_44, %add3A_44, %add3A_44, %add3A_44, %add3A_44, %add3A_44, %add3A_44, %add3A_44, %add3A_44, %add3A_44, %add3A_44, %add3A_44, %add3A_44, %add3A_44, %add3A_44, %add3A_44, %add3A_44, %add3A_44, %add3A_44, %add3A_44, %add3A_44, %add3A_44, %add3A_44, %add3A_44, %add3A_44, %add3A_44, %add3A_44, %add3A_44, %add3A_44, %add3A_44, %add3A_44, %add3A_44, %add3A_44, %add3A_44, %add3A_44, %add3A_44, %add3A_44, %add3A_44, %add3A_44, %add3A_44, %add3A_44, %add3A_44, %add3A_44, %add3A_44, %add3A_44, %add3A_44, %add3A_44, %add3A_44, %add3A_44, %add3A_44, %add3A_44, %add3A_44, %add3A_44, %add3A_44, %add3A_44, %add3A_44, %add3A_44, %add3A_44, %add3A_44, %add3A_44, %add3A_44, %add3A_44, %add3A_44, %add3A_44, %add3A_44, %add3A_44, %add3A_44, %add3A_44, %add3A_44, %add3A_44, %add3A_44, %add3A_44, %add3A_44, %add3A_44, %add3A_44, %add3A_44 in 0 : vector<64x64xf32>, vector<64x64xf32>, vector<64x64xf32>, vector<64x64xf32>, vector<64x64xf32>, vector<64x64xf32>, vector<64x64xf32>, vector<64x64xf32>, vector<64x64xf32>, vector<64x64xf32>, vector<64x64xf32>, vector<64x64xf32>, vector<64x64xf32>, vector<64x64xf32>, vector<64x64xf32>, vector<64x64xf32>, vector<64x64xf32>, vector<64x64xf32>, vector<64x64xf32>, vector<64x64xf32>, vector<64x64xf32>, vector<64x64xf32>, vector<64x64xf32>, vector<64x64xf32>, vector<64x64xf32>, vector<64x64xf32>, vector<64x64xf32>, vector<64x64xf32>, vector<64x64xf32>, vector<64x64xf32>, vector<64x64xf32>, vector<64x64xf32>, vector<64x64xf32>, vector<64x64xf32>, vector<64x64xf32>, vector<64x64xf32>, vector<64x64xf32>, vector<64x64xf32>, vector<64x64xf32>, vector<64x64xf32>, vector<64x64xf32>, vector<64x64xf32>, vector<64x64xf32>, vector<64x64xf32>, vector<64x64xf32>, vector<64x64xf32>, vector<64x64xf32>, vector<64x64xf32>, vector<64x64xf32>, vector<64x64xf32>, vector<64x64xf32>, vector<64x64xf32>, vector<64x64xf32>, vector<64x64xf32>, vector<64x64xf32>, vector<64x64xf32>, vector<64x64xf32>, vector<64x64xf32>, vector<64x64xf32>, vector<64x64xf32>, vector<64x64xf32>, vector<64x64xf32>, vector<64x64xf32>, vector<64x64xf32>, vector<64x64xf32>, vector<64x64xf32>, vector<64x64xf32>, vector<64x64xf32>, vector<64x64xf32>, vector<64x64xf32>, vector<64x64xf32>, vector<64x64xf32>, vector<64x64xf32>, vector<64x64xf32>, vector<64x64xf32>, vector<64x64xf32>, vector<64x64xf32>, vector<64x64xf32>, vector<64x64xf32>, vector<64x64xf32>, vector<64x64xf32>, vector<64x64xf32>, vector<64x64xf32>, vector<64x64xf32>, vector<64x64xf32>, vector<64x64xf32>, vector<64x64xf32>, vector<64x64xf32>, vector<64x64xf32>, vector<64x64xf32>, vector<64x64xf32>, vector<64x64xf32>, vector<64x64xf32>, vector<64x64xf32>, vector<64x64xf32>, vector<64x64xf32>, vector<64x64xf32>, vector<64x64xf32>, vector<64x64xf32>, vector<64x64xf32>, vector<64x64xf32>, vector<64x64xf32>, vector<64x64xf32>, vector<64x64xf32>, vector<64x64xf32>, vector<64x64xf32>, vector<64x64xf32>, vector<64x64xf32>, vector<64x64xf32>, vector<64x64xf32>, vector<64x64xf32>, vector<64x64xf32> -> vector<7168x64xf32>
    %broadcast_in_dim3A_45 = arith.constant 0.000000e+00 : f32
    %broadcast_in_dim3A_46 = vector.broadcast %broadcast_in_dim3A_45 : f32 to vector<64x64xf32>
    %broadcast_in_dim3A_47 = arith.constant 0.000000e+00 : f32
    %broadcast_in_dim3A_48 = vector.broadcast %broadcast_in_dim3A_47 : f32 to vector<128x64xf32>
    %get3A_49 = arith.constant 0 : index
    %get3A_50 = arith.constant 0 : index
    %get3A_51 = vector.load %arg8[%get3A_49, %get3A_50] : memref<64x64xf32, #tpu.memory_space<vmem>>, vector<64x64xf32>
    %dot_general3A_52 = arith.constant dense<0.000000e+00> : vector<7168x64xf32>
    %dot_general3A_53 = tpu.matmul %tile3A, %get3A_51, %dot_general3A_52 {dimension_numbers = #tpu.dot_dimension_numbers<[1], [0], [0], [1], [0, 0, 1, 1], [], []>, transpose_lhs_hint = false} : vector<7168x64xf32>, vector<64x64xf32>, vector<7168x64xf32> -> vector<7168x64xf32>
    %get3A_54 = arith.constant 0 : index
    %get3A_55 = arith.constant 2 : index
    %get3A_56 = vector.load %arg5[%get3A_54, %get3A_55] : memref<7168x8xf32, #tpu.memory_space<vmem>>, vector<7168x1xf32>
    %mul3A_57 = vector.broadcast %get3A_56 : vector<7168x1xf32> to vector<7168x64xf32>
    %mul3A_58 = arith.mulf %mul3A_57, %dot_general3A_53 : vector<7168x64xf32>
    %get3A_59 = arith.constant 0 : index
    %get3A_60 = arith.constant 3 : index
    %get3A_61 = vector.load %arg5[%get3A_59, %get3A_60] : memref<7168x8xf32, #tpu.memory_space<vmem>>, vector<7168x1xf32>
    %slice3A_62 = vector.extract_strided_slice %dot_general3A_53 {offsets = [64, 0], sizes = [7104, 64], strides = [1, 1]} : vector<7168x64xf32> to vector<7104x64xf32>
    %concatenate3A = tpu.concatenate %slice3A_62, %broadcast_in_dim3A_46 in 0 : vector<7104x64xf32>, vector<64x64xf32> -> vector<7168x64xf32>
    %mul3A_63 = vector.broadcast %get3A_61 : vector<7168x1xf32> to vector<7168x64xf32>
    %mul3A_64 = arith.mulf %mul3A_63, %concatenate3A : vector<7168x64xf32>
    %add3A_65 = arith.addf %mul3A_58, %mul3A_64 : vector<7168x64xf32>
    %get3A_66 = arith.constant 0 : index
    %get3A_67 = arith.constant 1 : index
    %get3A_68 = vector.load %arg5[%get3A_66, %get3A_67] : memref<7168x8xf32, #tpu.memory_space<vmem>>, vector<7168x1xf32>
    %slice3A_69 = vector.extract_strided_slice %dot_general3A_53 {offsets = [0, 0], sizes = [7104, 64], strides = [1, 1]} : vector<7168x64xf32> to vector<7104x64xf32>
    %concatenate3A_70 = tpu.concatenate %broadcast_in_dim3A_46, %slice3A_69 in 0 : vector<64x64xf32>, vector<7104x64xf32> -> vector<7168x64xf32>
    %mul3A_71 = vector.broadcast %get3A_68 : vector<7168x1xf32> to vector<7168x64xf32>
    %mul3A_72 = arith.mulf %mul3A_71, %concatenate3A_70 : vector<7168x64xf32>
    %add3A_73 = arith.addf %add3A_65, %mul3A_72 : vector<7168x64xf32>
    %get3A_74 = arith.constant 0 : index
    %get3A_75 = arith.constant 4 : index
    %get3A_76 = vector.load %arg5[%get3A_74, %get3A_75] : memref<7168x8xf32, #tpu.memory_space<vmem>>, vector<7168x1xf32>
    %slice3A_77 = vector.extract_strided_slice %dot_general3A_53 {offsets = [128, 0], sizes = [7040, 64], strides = [1, 1]} : vector<7168x64xf32> to vector<7040x64xf32>
    %concatenate3A_78 = tpu.concatenate %slice3A_77, %broadcast_in_dim3A_48 in 0 : vector<7040x64xf32>, vector<128x64xf32> -> vector<7168x64xf32>
    %mul3A_79 = vector.broadcast %get3A_76 : vector<7168x1xf32> to vector<7168x64xf32>
    %mul3A_80 = arith.mulf %mul3A_79, %concatenate3A_78 : vector<7168x64xf32>
    %add3A_81 = arith.addf %add3A_73, %mul3A_80 : vector<7168x64xf32>
    %get3A_82 = arith.constant 0 : index
    %get3A_83 = arith.constant 0 : index
    %get3A_84 = vector.load %arg5[%get3A_82, %get3A_83] : memref<7168x8xf32, #tpu.memory_space<vmem>>, vector<7168x1xf32>
    %slice3A_85 = vector.extract_strided_slice %dot_general3A_53 {offsets = [0, 0], sizes = [7040, 64], strides = [1, 1]} : vector<7168x64xf32> to vector<7040x64xf32>
    %concatenate3A_86 = tpu.concatenate %broadcast_in_dim3A_48, %slice3A_85 in 0 : vector<128x64xf32>, vector<7040x64xf32> -> vector<7168x64xf32>
    %mul3A_87 = vector.broadcast %get3A_84 : vector<7168x1xf32> to vector<7168x64xf32>
    %mul3A_88 = arith.mulf %mul3A_87, %concatenate3A_86 : vector<7168x64xf32>
    %add3A_89 = arith.addf %add3A_81, %mul3A_88 : vector<7168x64xf32>
    %get3A_90 = arith.constant 0 : index
    %get3A_91 = arith.constant 0 : index
    %get3A_92 = vector.load %arg9[%get3A_90, %get3A_91] : memref<1x64xf32, #tpu.memory_space<vmem>>, vector<1x64xf32>
    %add3A_93 = vector.broadcast %get3A_92 : vector<1x64xf32> to vector<7168x64xf32>
    %add3A_94 = arith.addf %add3A_89, %add3A_93 : vector<7168x64xf32>
    %max3A_95 = arith.constant 0.000000e+00 : f32
    %max3A_96 = vector.broadcast %max3A_95 : f32 to vector<7168x64xf32>
    %max3A_97 = arith.maximumf %add3A_94, %max3A_96 : vector<7168x64xf32>
    %get3A_98 = arith.constant 0 : index
    %get3A_99 = arith.constant 0 : index
    %get3A_100 = vector.load %arg10[%get3A_98, %get3A_99] : memref<64x64xf32, #tpu.memory_space<vmem>>, vector<64x64xf32>
    %dot_general3A_101 = arith.constant dense<0.000000e+00> : vector<7168x64xf32>
    %dot_general3A_102 = tpu.matmul %max3A_97, %get3A_100, %dot_general3A_101 {dimension_numbers = #tpu.dot_dimension_numbers<[1], [0], [0], [1], [0, 0, 1, 1], [], []>, transpose_lhs_hint = false} : vector<7168x64xf32>, vector<64x64xf32>, vector<7168x64xf32> -> vector<7168x64xf32>
    %get3A_103 = arith.constant 0 : index
    %get3A_104 = arith.constant 2 : index
    %get3A_105 = vector.load %arg5[%get3A_103, %get3A_104] : memref<7168x8xf32, #tpu.memory_space<vmem>>, vector<7168x1xf32>
    %mul3A_106 = vector.broadcast %get3A_105 : vector<7168x1xf32> to vector<7168x64xf32>
    %mul3A_107 = arith.mulf %mul3A_106, %dot_general3A_102 : vector<7168x64xf32>
    %get3A_108 = arith.constant 0 : index
    %get3A_109 = arith.constant 3 : index
    %get3A_110 = vector.load %arg5[%get3A_108, %get3A_109] : memref<7168x8xf32, #tpu.memory_space<vmem>>, vector<7168x1xf32>
    %slice3A_111 = vector.extract_strided_slice %dot_general3A_102 {offsets = [64, 0], sizes = [7104, 64], strides = [1, 1]} : vector<7168x64xf32> to vector<7104x64xf32>
    %concatenate3A_112 = tpu.concatenate %slice3A_111, %broadcast_in_dim3A_46 in 0 : vector<7104x64xf32>, vector<64x64xf32> -> vector<7168x64xf32>
    %mul3A_113 = vector.broadcast %get3A_110 : vector<7168x1xf32> to vector<7168x64xf32>
    %mul3A_114 = arith.mulf %mul3A_113, %concatenate3A_112 : vector<7168x64xf32>
    %add3A_115 = arith.addf %mul3A_107, %mul3A_114 : vector<7168x64xf32>
    %get3A_116 = arith.constant 0 : index
    %get3A_117 = arith.constant 1 : index
    %get3A_118 = vector.load %arg5[%get3A_116, %get3A_117] : memref<7168x8xf32, #tpu.memory_space<vmem>>, vector<7168x1xf32>
    %slice3A_119 = vector.extract_strided_slice %dot_general3A_102 {offsets = [0, 0], sizes = [7104, 64], strides = [1, 1]} : vector<7168x64xf32> to vector<7104x64xf32>
    %concatenate3A_120 = tpu.concatenate %broadcast_in_dim3A_46, %slice3A_119 in 0 : vector<64x64xf32>, vector<7104x64xf32> -> vector<7168x64xf32>
    %mul3A_121 = vector.broadcast %get3A_118 : vector<7168x1xf32> to vector<7168x64xf32>
    %mul3A_122 = arith.mulf %mul3A_121, %concatenate3A_120 : vector<7168x64xf32>
    %add3A_123 = arith.addf %add3A_115, %mul3A_122 : vector<7168x64xf32>
    %get3A_124 = arith.constant 0 : index
    %get3A_125 = arith.constant 4 : index
    %get3A_126 = vector.load %arg5[%get3A_124, %get3A_125] : memref<7168x8xf32, #tpu.memory_space<vmem>>, vector<7168x1xf32>
    %slice3A_127 = vector.extract_strided_slice %dot_general3A_102 {offsets = [128, 0], sizes = [7040, 64], strides = [1, 1]} : vector<7168x64xf32> to vector<7040x64xf32>
    %concatenate3A_128 = tpu.concatenate %slice3A_127, %broadcast_in_dim3A_48 in 0 : vector<7040x64xf32>, vector<128x64xf32> -> vector<7168x64xf32>
    %mul3A_129 = vector.broadcast %get3A_126 : vector<7168x1xf32> to vector<7168x64xf32>
    %mul3A_130 = arith.mulf %mul3A_129, %concatenate3A_128 : vector<7168x64xf32>
    %add3A_131 = arith.addf %add3A_123, %mul3A_130 : vector<7168x64xf32>
    %get3A_132 = arith.constant 0 : index
    %get3A_133 = arith.constant 0 : index
    %get3A_134 = vector.load %arg5[%get3A_132, %get3A_133] : memref<7168x8xf32, #tpu.memory_space<vmem>>, vector<7168x1xf32>
    %slice3A_135 = vector.extract_strided_slice %dot_general3A_102 {offsets = [0, 0], sizes = [7040, 64], strides = [1, 1]} : vector<7168x64xf32> to vector<7040x64xf32>
    %concatenate3A_136 = tpu.concatenate %broadcast_in_dim3A_48, %slice3A_135 in 0 : vector<128x64xf32>, vector<7040x64xf32> -> vector<7168x64xf32>
    %mul3A_137 = vector.broadcast %get3A_134 : vector<7168x1xf32> to vector<7168x64xf32>
    %mul3A_138 = arith.mulf %mul3A_137, %concatenate3A_136 : vector<7168x64xf32>
    %add3A_139 = arith.addf %add3A_131, %mul3A_138 : vector<7168x64xf32>
    %get3A_140 = arith.constant 0 : index
    %get3A_141 = arith.constant 0 : index
    %get3A_142 = vector.load %arg11[%get3A_140, %get3A_141] : memref<1x64xf32, #tpu.memory_space<vmem>>, vector<1x64xf32>
    %add3A_143 = vector.broadcast %get3A_142 : vector<1x64xf32> to vector<7168x64xf32>
    %add3A_144 = arith.addf %add3A_139, %add3A_143 : vector<7168x64xf32>
    %max3A_145 = arith.constant 0.000000e+00 : f32
    %max3A_146 = vector.broadcast %max3A_145 : f32 to vector<7168x64xf32>
    %max3A_147 = arith.maximumf %add3A_144, %max3A_146 : vector<7168x64xf32>
    %get3A_148 = arith.constant 0 : index
    %get3A_149 = arith.constant 0 : index
    %get3A_150 = vector.load %arg12[%get3A_148, %get3A_149] : memref<64x64xf32, #tpu.memory_space<vmem>>, vector<64x64xf32>
    %dot_general3A_151 = arith.constant dense<0.000000e+00> : vector<7168x64xf32>
    %dot_general3A_152 = tpu.matmul %max3A_147, %get3A_150, %dot_general3A_151 {dimension_numbers = #tpu.dot_dimension_numbers<[1], [0], [0], [1], [0, 0, 1, 1], [], []>, transpose_lhs_hint = false} : vector<7168x64xf32>, vector<64x64xf32>, vector<7168x64xf32> -> vector<7168x64xf32>
    %get3A_153 = arith.constant 0 : index
    %get3A_154 = arith.constant 2 : index
    %get3A_155 = vector.load %arg5[%get3A_153, %get3A_154] : memref<7168x8xf32, #tpu.memory_space<vmem>>, vector<7168x1xf32>
    %mul3A_156 = vector.broadcast %get3A_155 : vector<7168x1xf32> to vector<7168x64xf32>
    %mul3A_157 = arith.mulf %mul3A_156, %dot_general3A_152 : vector<7168x64xf32>
    %get3A_158 = arith.constant 0 : index
    %get3A_159 = arith.constant 3 : index
    %get3A_160 = vector.load %arg5[%get3A_158, %get3A_159] : memref<7168x8xf32, #tpu.memory_space<vmem>>, vector<7168x1xf32>
    %slice3A_161 = vector.extract_strided_slice %dot_general3A_152 {offsets = [64, 0], sizes = [7104, 64], strides = [1, 1]} : vector<7168x64xf32> to vector<7104x64xf32>
    %concatenate3A_162 = tpu.concatenate %slice3A_161, %broadcast_in_dim3A_46 in 0 : vector<7104x64xf32>, vector<64x64xf32> -> vector<7168x64xf32>
    %mul3A_163 = vector.broadcast %get3A_160 : vector<7168x1xf32> to vector<7168x64xf32>
    %mul3A_164 = arith.mulf %mul3A_163, %concatenate3A_162 : vector<7168x64xf32>
    %add3A_165 = arith.addf %mul3A_157, %mul3A_164 : vector<7168x64xf32>
    %get3A_166 = arith.constant 0 : index
    %get3A_167 = arith.constant 1 : index
    %get3A_168 = vector.load %arg5[%get3A_166, %get3A_167] : memref<7168x8xf32, #tpu.memory_space<vmem>>, vector<7168x1xf32>
    %slice3A_169 = vector.extract_strided_slice %dot_general3A_152 {offsets = [0, 0], sizes = [7104, 64], strides = [1, 1]} : vector<7168x64xf32> to vector<7104x64xf32>
    %concatenate3A_170 = tpu.concatenate %broadcast_in_dim3A_46, %slice3A_169 in 0 : vector<64x64xf32>, vector<7104x64xf32> -> vector<7168x64xf32>
    %mul3A_171 = vector.broadcast %get3A_168 : vector<7168x1xf32> to vector<7168x64xf32>
    %mul3A_172 = arith.mulf %mul3A_171, %concatenate3A_170 : vector<7168x64xf32>
    %add3A_173 = arith.addf %add3A_165, %mul3A_172 : vector<7168x64xf32>
    %get3A_174 = arith.constant 0 : index
    %get3A_175 = arith.constant 4 : index
    %get3A_176 = vector.load %arg5[%get3A_174, %get3A_175] : memref<7168x8xf32, #tpu.memory_space<vmem>>, vector<7168x1xf32>
    %slice3A_177 = vector.extract_strided_slice %dot_general3A_152 {offsets = [128, 0], sizes = [7040, 64], strides = [1, 1]} : vector<7168x64xf32> to vector<7040x64xf32>
    %concatenate3A_178 = tpu.concatenate %slice3A_177, %broadcast_in_dim3A_48 in 0 : vector<7040x64xf32>, vector<128x64xf32> -> vector<7168x64xf32>
    %mul3A_179 = vector.broadcast %get3A_176 : vector<7168x1xf32> to vector<7168x64xf32>
    %mul3A_180 = arith.mulf %mul3A_179, %concatenate3A_178 : vector<7168x64xf32>
    %add3A_181 = arith.addf %add3A_173, %mul3A_180 : vector<7168x64xf32>
    %get3A_182 = arith.constant 0 : index
    %get3A_183 = arith.constant 0 : index
    %get3A_184 = vector.load %arg5[%get3A_182, %get3A_183] : memref<7168x8xf32, #tpu.memory_space<vmem>>, vector<7168x1xf32>
    %slice3A_185 = vector.extract_strided_slice %dot_general3A_152 {offsets = [0, 0], sizes = [7040, 64], strides = [1, 1]} : vector<7168x64xf32> to vector<7040x64xf32>
    %concatenate3A_186 = tpu.concatenate %broadcast_in_dim3A_48, %slice3A_185 in 0 : vector<128x64xf32>, vector<7040x64xf32> -> vector<7168x64xf32>
    %mul3A_187 = vector.broadcast %get3A_184 : vector<7168x1xf32> to vector<7168x64xf32>
    %mul3A_188 = arith.mulf %mul3A_187, %concatenate3A_186 : vector<7168x64xf32>
    %add3A_189 = arith.addf %add3A_181, %mul3A_188 : vector<7168x64xf32>
    %get3A_190 = arith.constant 0 : index
    %get3A_191 = arith.constant 0 : index
    %get3A_192 = vector.load %arg13[%get3A_190, %get3A_191] : memref<1x64xf32, #tpu.memory_space<vmem>>, vector<1x64xf32>
    %add3A_193 = vector.broadcast %get3A_192 : vector<1x64xf32> to vector<7168x64xf32>
    %add3A_194 = arith.addf %add3A_189, %add3A_193 : vector<7168x64xf32>
    %max3A_195 = arith.constant 0.000000e+00 : f32
    %max3A_196 = vector.broadcast %max3A_195 : f32 to vector<7168x64xf32>
    %max3A_197 = arith.maximumf %add3A_194, %max3A_196 : vector<7168x64xf32>
    %get3A_198 = arith.constant 0 : index
    %get3A_199 = arith.constant 0 : index
    %get3A_200 = vector.load %arg14[%get3A_198, %get3A_199] : memref<64x128xf32, #tpu.memory_space<vmem>>, vector<64x128xf32>
    %dot_general3A_201 = arith.constant dense<0.000000e+00> : vector<7168x128xf32>
    %dot_general3A_202 = tpu.matmul %max3A_197, %get3A_200, %dot_general3A_201 {dimension_numbers = #tpu.dot_dimension_numbers<[1], [0], [0], [1], [0, 0, 1, 1], [], []>, transpose_lhs_hint = false} : vector<7168x64xf32>, vector<64x128xf32>, vector<7168x128xf32> -> vector<7168x128xf32>
    %get3A_203 = arith.constant 0 : index
    %get3A_204 = arith.constant 0 : index
    %get3A_205 = vector.load %arg15[%get3A_203, %get3A_204] : memref<1x128xf32, #tpu.memory_space<vmem>>, vector<1x128xf32>
    %add3A_206 = vector.broadcast %get3A_205 : vector<1x128xf32> to vector<7168x128xf32>
    %add3A_207 = arith.addf %dot_general3A_202, %add3A_206 : vector<7168x128xf32>
    %swap3A_208 = arith.constant 0 : index
    %swap3A_209 = arith.constant 0 : index
    %swap3A_210 = vector.load %arg17[%swap3A_208, %swap3A_209] : memref<7168x128xf32, #tpu.memory_space<vmem>>, vector<7168x128xf32>
    tpu.vector_store %arg17[%swap3A_208, %swap3A_209], %add3A_207 {strides = array<i32>} : memref<7168x128xf32, #tpu.memory_space<vmem>>, vector<7168x128xf32>,
    return
  }
}

</mosaic_0001>

<sc_bundles>
// kernel: kernel.11.cloned.1.call-start
scs
__scs_entry_jumppad:
0x0: {  	(pc) =	sbr.rel $0x88, $3  }
0x1: {  	(tag) =	ssettag $0x0;
	lr =	simm.s32 $0x1  }
0x2: {  	[smem:$0x3F8E] =	sst lr;
	_ =	strace $0xD0000000  }
0x3: {  	_ = 	snop  }
0x4: {  	_ = 	snop  }
0x5: {  	_ = 	snop  }
0x6: {  	_ = 	snop  }
0x7: {  	_ = 	snop  }
__scs_overlays_trampoline_lowered:
0x8: {  	[smem:$0x3F9D] =	sst s0  }
0x9: {  	[smem:$0x3F9E] =	sst s1  }
0xa: {  	[smem:$0x3F9F] =	sst s2  }
0xb: {  	[smem:$0x3FA0] =	sst s3  }
0xc: {  	[smem:$0x3FA1] =	sst s4  }
0xd: {  	[smem:$0x3FA2] =	sst s5  }
0xe: {  	[smem:$0x3FA3] =	sst s6  }
0xf: {  	[smem:$0x3FA4] =	sst s7  }
0x10: {  	[smem:$0x3FA5] =	sst s8  }
0x11: {  	[smem:$0x3FA6] =	sst s9;
	s0 =	simm.s32 @!p0 $0x0  }
0x12: {  	s1 =	sld [smem:$0x3F8C];
	s0 =	simm.s32 @p0 $0x1  }
0x13: {  	[smem:$0x3FA7] =	sst s0;
	s0 =	simm.s32 @!p1 $0x0  }
0x14: {  	s2 =	sld [smem:$0x3F8B];
	s0 =	simm.s32 @p1 $0x1  }
0x15: {  	[smem:$0x3FA8] =	sst s0;
	s0 =	simm.s32 @!p2 $0x0  }
0x16: {  	s3 =	sld [smem:$0x3FDB];
	s0 =	simm.s32 @p2 $0x1  }
0x17: {  	s4 =	simm.s32 $0x1BF5;
	[smem:$0x3FAA] =	sst s0  }
0x18: {  	s0 =	sld [smem:$0x3F8D];
	_ =	swait.ge [sflag:s4], $0x0  }
0x19: {  	s7 =	sld [smem:$0x3F8E]  }
0x1a: {  	s8 =	sadd.s32 $0xFFFFE003, lr  }
0x1b: {  	s9 =	sadd.s32 $0xFFFFFEF7, lr;
	s5 =	simm.s32 $0xFFFFFFFF;
	p2 =	slt.u32 s8, $0xFFFFF086  }
0x1c: {  	p1 =	slt.u32 s9, $0xF7A;
	s5 =	simm.s32 @!p2 $0x0  }
0x1d: {  	s5 =	simm.s32 @p1 $0x1;
	p0 =	seq.s32 s7, s2  }
0x1e: {  	s7 =	smul.u32 @!p0 $0xF7A, s2;
	p2 =	seq.s32 @!p0 s5, $0x0  }
0x1f: {  	s9 =	smul.u32 $0xF7A, s1;
	s8 =	simm.s32 @!p0 $0x1BF5;
	p2 =	por !p2, p0  }
0x20: {  	[sflag:s8] =	ssyncset.s32 @!p0 $0xFFFFF086;
	s6 =	sadd.s32 @!p0 s3, s7;
	s7 =	simm.s32 @!p0 $0x108  }
0x21: {  	s3 =	sadd.s32 s3, s9;
	s6 =	sadd.s32 @!p0 $0x88, s6;
	s7 =	simm.s32 @p2 $0x1082  }
0x22: {  	[simem:s7], [sflag:s8] =	dma.local @!p0 [hbm:s6], $0xF7A  }
0x23: {  	s9 =	sor.u32 $0xD0000000, s2;
	s6 =	simm.s32 $0x108;
	_ =	swait.ge @!p0 [sflag:s8], $0x0  }
0x24: {  	s3 =	sadd.s32 $0x88, s3;
	s6 =	simm.s32 @!p1 $0x1082;
	[sflag:s4] =	ssyncset.s32 $0xFFFFF086  }
0x25: {  	[simem:s6], [sflag:s4] =	dma.local [hbm:s3], $0xF7A  }
0x26: {  	[smem:$0x3F8E] =	sst s1;
	(tag) =	ssettag s2;
	_ =	strace s9  }
0x27: {  	s1 =	sld [smem:$0x3F9E]  }
0x28: {  	s2 =	sld [smem:$0x3F9F]  }
0x29: {  	s4 =	sld [smem:$0x3FA1]  }
0x2a: {  	p0 =	seq.s32 s5, $0x0;
	s5 =	sld [smem:$0x3FA2]  }
0x2b: {  	s6 =	sld [smem:$0x3FA3]  }
0x2c: {  	s7 =	sld [smem:$0x3FA4]  }
0x2d: {  	s3 =	simm.s32 $0x108;
	s8 =	sld [smem:$0x3FA5]  }
0x2e: {  	s3 =	simm.s32 @!p0 $0x1082;
	s9 =	sld [smem:$0x3FA6]  }
0x2f: {  	lr =	sadd.s32 s0, s3;
	s0 =	sld [smem:$0x3F9D]  }
0x30: {  	s3 =	sld [smem:$0x3FA0]  }
0x31: {  	[smem:$0x3FA9] =	sst s10  }
0x32: {  	s10 =	sld [smem:$0x3FA7];
	_ =	sdelay $0x3  }
0x33: {  	p0 =	seq.s32 s10, $0x1;
	s10 =	sld [smem:$0x3FA9];
	_ =	sdelay $0x3  }
0x34: {  	[smem:$0x3FA9] =	sst s10  }
0x35: {  	s10 =	sld [smem:$0x3FA8];
	_ =	sdelay $0x3  }
0x36: {  	p1 =	seq.s32 s10, $0x1;
	s10 =	sld [smem:$0x3FA9];
	_ =	sdelay $0x3  }
0x37: {  	[smem:$0x3FA9] =	sst s10  }
0x38: {  	s10 =	sld [smem:$0x3FAA]  }
0x39: {  	_ = 	snop;
	(pc) =	sbr.ind lr, $3  }
0x3a: {  	_ = 	snop  }
0x3b: {  	_ = 	snop  }
0x3c: {  	p2 =	seq.s32 s10, $0x1;
	s10 =	sld [smem:$0x3FA9]  }
0x3d: {  	_ =	shalt  }
0x3e: {  	_ =	shalt  }
0x3f: {  	_ =	shalt  }
0x40: {  	_ =	shalt  }
0x41: {  	_ =	shalt  }
0x42: {  	_ =	shalt  }
0x43: {  	_ =	shalt  }
0x44: {  	_ =	shalt  }
0x45: {  	_ =	shalt  }
0x46: {  	_ =	shalt  }
0x47: {  	_ =	shalt  }
0x48: {  	_ =	shalt  }
0x49: {  	_ =	shalt  }
0x4a: {  	_ =	shalt  }
0x4b: {  	_ =	shalt  }
0x4c: {  	_ =	shalt  }
0x4d: {  	_ =	shalt  }
0x4e: {  	_ =	shalt  }
0x4f: {  	_ =	shalt  }
0x50: {  	_ =	shalt  }
0x51: {  	_ =	shalt  }
0x52: {  	_ =	shalt  }
0x53: {  	_ =	shalt  }
0x54: {  	_ =	shalt  }
0x55: {  	_ =	shalt  }
0x56: {  	_ =	shalt  }
0x57: {  	_ =	shalt  }
0x58: {  	_ =	shalt  }
0x59: {  	_ =	shalt  }
0x5a: {  	_ =	shalt  }
0x5b: {  	_ =	shalt  }
0x5c: {  	_ =	shalt  }
0x5d: {  	_ =	shalt  }
0x5e: {  	_ =	shalt  }
0x5f: {  	_ =	shalt  }
0x60: {  	_ =	shalt  }
0x61: {  	_ =	shalt  }
0x62: {  	_ =	shalt  }
0x63: {  	_ =	shalt  }
0x64: {  	_ =	shalt  }
0x65: {  	_ =	shalt  }
0x66: {  	_ =	shalt  }
0x67: {  	_ =	shalt  }
0x68: {  	_ =	shalt  }
0x69: {  	_ =	shalt  }
0x6a: {  	_ =	shalt  }
0x6b: {  	_ =	shalt  }
0x6c: {  	_ =	shalt  }
0x6d: {  	_ =	shalt  }
0x6e: {  	_ =	shalt  }
0x6f: {  	_ =	shalt  }
0x70: {  	_ =	shalt  }
0x71: {  	_ =	shalt  }
0x72: {  	_ =	shalt  }
0x73: {  	_ =	shalt  }
0x74: {  	_ =	shalt  }
0x75: {  	_ =	shalt  }
0x76: {  	_ =	shalt  }
0x77: {  	_ =	shalt  }
0x78: {  	_ =	shalt  }
0x79: {  	_ =	shalt  }
0x7a: {  	_ =	shalt  }
0x7b: {  	_ =	shalt  }
0x7c: {  	_ =	shalt  }
0x7d: {  	_ =	shalt  }
0x7e: {  	_ =	shalt  }
0x7f: {  	_ =	shalt  }
0x80: {  	_ =	shalt  }
0x81: {  	_ =	shalt  }
0x82: {  	_ =	shalt  }
0x83: {  	_ =	shalt  }
0x84: {  	_ =	shalt  }
0x85: {  	_ =	shalt  }
0x86: {  	_ =	shalt  }
0x87: {  	_ =	shalt  }
.Lfunc_end0:
.L_simem_size_0:
called_computation_lowered:
.L_overlay_start_0:
0x88: {  	s2 =	sld [smem:$0x3FD9]  }
0x89: {  	s3 =	sld [smem:$0x3FFE];
	_ =	sdelay $0x1  }
0x8a: {  	s1 =	srdreg.scid  }
0x8b: {  	s0 =	sand.u32 $0x1, s1  }
0x8c: {  	s14 =	sshll.u32 s0, $0xA;
	s2 =	sadd.s32 s3, s2  }
0x8d: {  	s2 =	sadd.s32 s2, s14  }
0x8e: {  	[smem:$0x3FB5] =	sst s2  }
0x8f: {  	_ = 	snop  }
0x90: {  	s2 =	sld [smem:$0x3FD0];
	_ =	sdelay $0x2  }
0x91: {  	s15 =	simm.s32 $0xA;
	s4 =	simm.s32 $0x10  }
0x92: {  	[smem:s4], [sflag:s15] =	dma.local [hbm:s2], $0x1  }
0x93: {  	_ =	swait.eq [sflag:s15], $0x1  }
0x94: {  	[sflag:s15] =	ssyncset.done $0x0  }
0x95: {  	s16 =	sld [smem:$0x10];
	[sflag:s15] =	ssyncadd.s32 $0xFFFFFFFF  }
0x96: {  	s17 =	sld [smem:$0x11];
	(tm) =	ssettm $0x1  }
0x97: {  	s18 =	sld [smem:$0x3FFB];
	_ =	sdelay $0x3  }
0x98: {  	_ =	strace s18  }
0x99: {  	s4 =	sld [smem:$0x3FFC];
	_ =	sdelay $0x3  }
0x9a: {  	_ =	strace s4  }
0x9b: {  	s4 =	sld [smem:$0x3FFD];
	_ =	sdelay $0x3  }
0x9c: {  	_ =	strace s4  }
0x9d: {  	_ =	strace $0x8FFFFFFF  }
0x9e: {  	s19 =	sld [smem:$0x3FDB];
	_ =	sdelay $0x1  }
0x9f: {  	s5 =	simm.s32 $_scs_section_size  }
0xa0: {  	s6 =	simm.s32 $_size__tile_overlayer_lowered;
	s7 =	simm.s32 $_tile_overlayer_lowered  }
0xa1: {  	s22 =	simm.s32 $0x1BFF;
	s21 =	sshll.u32 s7, $0x1;
	s4 =	sadd.s32 s5, s19  }
0xa2: {  	s8 =	simm.s32 $0x0;
	s20 =	sshll.u32 s6, $0x1;
	s6 =	sadd.s32 s21, s4  }
0xa3: {  	[timem:s8], [sflag:s22] =	dma.local [hbm:s6], s20  }
0xa4: {  	_ =	swait.ge [sflag:s22], s20  }
0xa5: {  	s5 =	ssub.s32 $0x0, s20;
	[sflag:s22] =	ssyncset.done $0x0  }
0xa6: {  	[sflag:s22] =	ssyncadd.s32 s5;
	_ =	sdelay $0x1  }
0xa7: {  	s23 =	simm.s32 $0x1B8B  }
0xa8: {  	_ =	swait.ge [sflag:s23], $0x1  }
0xa9: {  	[sflag:s23] =	ssyncset.done $0x0  }
0xaa: {  	s25 =	simm.s32 $0x1B8E;
	s24 =	sld [smem:$0x3FFE];
	[sflag:s23] =	ssyncadd.s32 $0xFFFFFFFF  }
0xab: {  	s26 =	simm.s32 $execute0_lowered;
	[smem:$0x3FD2] =	sst s25  }
0xac: {  	s6 =	sshll.u32 s26, $0x1;
	_ =	strace $0x80000046;
	[dreg:$0x1] =	wrdreg $0xFFFFFFFF  }
0xad: {  	s28 =	simm.s32 $_size_execute0_lowered;
	s4 =	sadd.s32 s4, s6;
	[dreg:$0x0] =	wrdreg $0x0  }
0xae: {  	s6 =	sshll.u32 s28, $0x1;
	[dreg:$0x2] =	wrdreg s4  }
0xaf: {  	[dreg:$0x3] =	wrdreg s6  }
0xb0: {  	[dreg:$0x4] =	wrdreg $0xC0  }
0xb1: {  	_ =	task [dreg:s8], $0x5FFFF  }
0xb2: {  	[dreg:$0x1] =	wrdreg $0xFFFFFFFF  }
0xb3: {  	[dreg:$0x0] =	wrdreg $0x60  }
0xb4: {  	[dreg:$0x2] =	wrdreg s24  }
0xb5: {  	[dreg:$0x3] =	wrdreg s17  }
0xb6: {  	[dreg:$0x4] =	wrdreg s16  }
0xb7: {  	[dreg:$0x5] =	wrdreg $0x2BE80  }
0xb8: {  	[dreg:$0x6] =	wrdreg $0x9  }
0xb9: {  	_ =	task.clear_ibuf [dreg:s8], $0x7FFFF;
	_ =	strace $0x90000046  }
0xba: {  	s29 =	simm.s32 $0x9;
	_ =	strace $0x80000048  }
0xbb: {  	_ =	swait.ge [sflag:s29], $0x1  }
0xbc: {  	[sflag:s29] =	ssyncadd.s32 $0xFFFFFFFF  }
0xbd: {  	_ =	strace $0x90000048  }
0xbe: {  	_ =	sfence  }
0xbf: {  	s30 =	sld [smem:$0x0];
	_ =	sdelay $0x2  }
0xc0: {  	s31 =	sshll.u32 s1, $0xD;
	s1 =	sshrl.u32 s1, $0x2  }
0xc1: {  	s3 =	sand.u32 $0x4000, s31;
	s1 =	sadd.s32 s1, s30  }
0xc2: {  	s0 =	sor.u32 s3, s0;
	s1 =	sshll.u32 s1, $0x11  }
0xc3: {  	s0 =	sor.u32 s1, s0  }
0xc4: {  	s0 =	sadd.s32 $0x8F2B, s0  }
0xc5: {  	[sflag:s0] =	ssyncadd.remote.s32 $0x1  }
0xc6: {  	_ =	sfence.sel $0xFFFF  }
0xc7: {  	[dreg:$0x0] =	wrdreg $0xFFFFFFFF;
	(pc) =	sbr.abs _section_cstart, $3  }
0xc8: {  	[dreg:$0x1] =	wrdreg $0xFFFFFFFF  }
0xc9: {  	_ =	task.clear_ibuf [dreg:s8], $0x2FFFF;
	_ =	strace $0x9FFFFFFF  }
0xca: {  	(tm) =	ssettm $0x7FFFFFFF  }
0xcb: {  	_ =	shalt  }
tec
execute0_lowered:
.L_overlay_start_1:
0x0: {  	(tag) =	ssettag $0x1  }
0x1: {  	s0 =	rddreg [dreg:$0x0]  }
0x2: {  	s1 =	rddreg [dreg:$0x1]  }
0x3: {  	s7 =	rddreg [dreg:$0x2]  }
0x4: {  	s3 =	rddreg [dreg:$0x3];
	s5 =	srdreg.scid  }
0x5: {  	s2 =	stileid.u32;
	s4 =	simm.s32 $0x0;
	s13 =	simm.s32 $0x7D  }
0x6: {  	s14 =	simm.s32 $0x80;
	s15 =	simm.s32 $0x100;
	s16 =	simm.s32 $0x180  }
0x7: {  	s17 =	simm.s32 $0x200;
	s18 =	simm.s32 $0x280;
	s19 =	simm.s32 $0x300  }
0x8: {  	s20 =	simm.s32 $0x380;
	s21 =	simm.s32 $0x1;
	s28 =	simm.s32 $0x7  }
0x9: {  	s29 =	simm.s32 $0x8;
	s30 =	simm.s32 $0x0;
	s5 =	sand.u32 $0x1, s5  }
0xa: {  	s6 =	sshll.u32 s2, $0x1;
	[smem:$0x7FF] =	sst s4;
	s8 =	smul.u32 $0x1400, s2  }
0xb: {  	s31 =	sshll.u32 s2, $0x6;
	s6 =	sor.u32 s5, s6;
	s11 =	smul.u32 $0x14000, s5  }
0xc: {  	_ =	strace $0x80000047;
	s10 =	ssub.s32 $0x2, s5;
	s6 =	smul.u32 $0x500, s6  }
0xd: {  	s9 =	sshrl.u32 s8, $0x3;
	s23 =	sshrl.u32 s10, $0x1;
	s12 =	sadd.s32 s8, s3  }
0xe: {  	s24 =	ssub.s32 s10, s23;
	s25 =	sadd.s32 s8, s11;
	s10 =	simm.s32 $0x9  }
0xf: {  	s11 =	sor.u32 $0x1C09, s31;
	s12 =	sshrl.u32 s12, $0x3;
	s23 =	simm.s32 $0x3  }
0x10: {  	s22 =	sadd.s32 s6, s0;
	s0 =	sadd.s32 s9, s0;
	s26 =	sshrl.u32 s25, $0x3  }
0x11: {  	s8 =	smax.u32 s24, $0x1;
	s9 =	simm.s32 $0x2800;
	s24 =	simm.s32 $0x4  }
0x12: {  	s25 =	simm.s32 $0x5;
	s5 =	sadd.s32 $0x3A00, s22;
	s6 =	sadd.s32 $0xDA00, s0  }
0x13: {  	s7 =	sadd.s32 s7, s26;
	s22 =	simm.s32 $0x2;
	s26 =	simm.s32 $0x6  }
.LBB2_1:
0x14: {  	[tilespmem:s9], [sflag:$0x9] =	stream.linear.gather [hbm4b:s1+s4], $0x3E8, $0x38;
	[tilespmem:$0x3FE8] =	vst v63  }
0x15: {  	_ =	swait.ge [sflag:s10], $0x3E8  }
0x16: {  	[sflag:s10] =	ssyncset.done $0x0  }
0x17: {  	[sflag:s10] =	ssyncadd.s32 $0xFFFFFC18  }
0x18: {  	[tilespmem:s4], [sflag:$0x9] =	stream.linear.gather [hbm4b:s5+s4], $0x2800, $0x38;
	[tilespmem:$0x3FE8] =	vst v63  }
0x19: {  	_ =	swait.ge [sflag:s10], $0x2800  }
0x1a: {  	[sflag:s10] =	ssyncset.done $0x0  }
0x1b: {  	[sflag:s10] =	ssyncadd.s32 $0xFFFFD800  }
0x1c: {  	[spmem:s12], [sflag:s11] =	dma.local [hbm:s6], $0x280  }
0x1d: {  	_ =	swait.ge [sflag:s10], $0x280  }
0x1e: {  	[sflag:s10] =	ssyncset.done $0x0  }
0x1f: {  	[sflag:s10] =	ssyncadd.s32 $0xFFFFFD80  }
0x20: {  	[bflag:$0x0] =	sbarrier.arrive $0xFFFF  }
0x21: {  	[spmem:s3] =	stream.indirect.scatter.add.f32 [tilespmem:s9], [sflag:$0x1], $0x8, s4, s13, $0xb8;
	[tilespmem:$0x3FE8] =	vst v63  }
0x22: {  	_ = 	snop  }
0x23: {  	[spmem:s3] =	stream.indirect.scatter.add.f32 [tilespmem:s9], [sflag:$0x2], $0x8, s14, s13, $0xb8;
	[tilespmem:$0x3FE8] =	vst v63  }
0x24: {  	_ = 	snop  }
0x25: {  	[spmem:s3] =	stream.indirect.scatter.add.f32 [tilespmem:s9], [sflag:$0x3], $0x8, s15, s13, $0xb8;
	[tilespmem:$0x3FE8] =	vst v63  }
0x26: {  	_ = 	snop  }
0x27: {  	[spmem:s3] =	stream.indirect.scatter.add.f32 [tilespmem:s9], [sflag:$0x4], $0x8, s16, s13, $0xb8;
	[tilespmem:$0x3FE8] =	vst v63  }
0x28: {  	_ = 	snop  }
0x29: {  	[spmem:s3] =	stream.indirect.scatter.add.f32 [tilespmem:s9], [sflag:$0x5], $0x8, s17, s13, $0xb8;
	[tilespmem:$0x3FE8] =	vst v63  }
0x2a: {  	_ = 	snop  }
0x2b: {  	[spmem:s3] =	stream.indirect.scatter.add.f32 [tilespmem:s9], [sflag:$0x6], $0x8, s18, s13, $0xb8;
	[tilespmem:$0x3FE8] =	vst v63  }
0x2c: {  	_ = 	snop  }
0x2d: {  	[spmem:s3] =	stream.indirect.scatter.add.f32 [tilespmem:s9], [sflag:$0x7], $0x8, s19, s13, $0xb8;
	[tilespmem:$0x3FE8] =	vst v63  }
0x2e: {  	_ = 	snop  }
0x2f: {  	[spmem:s3] =	stream.indirect.scatter.add.f32 [tilespmem:s9], [sflag:$0x8], $0x8, s20, s13, $0xb8;
	[tilespmem:$0x3FE8] =	vst v63  }
0x30: {  	_ =	swait.ge [sflag:s21], $0x3E8  }
0x31: {  	[sflag:s21] =	ssyncset.done $0x0  }
0x32: {  	s0 =	simm.s32 $0x400;
	[sflag:s21] =	ssyncadd.s32 $0xFFFFFC18  }
0x33: {  	[spmem:s3] =	stream.indirect.scatter.add.f32 [tilespmem:s9], [sflag:$0x1], $0x8, s0, s13, $0xb8;
	[tilespmem:$0x3FE8] =	vst v63  }
0x34: {  	_ =	swait.ge [sflag:s22], $0x3E8  }
0x35: {  	[sflag:s22] =	ssyncset.done $0x0  }
0x36: {  	s2 =	simm.s32 $0x480;
	[sflag:s22] =	ssyncadd.s32 $0xFFFFFC18  }
0x37: {  	[spmem:s3] =	stream.indirect.scatter.add.f32 [tilespmem:s9], [sflag:$0x2], $0x8, s2, s13, $0xb8;
	[tilespmem:$0x3FE8] =	vst v63  }
0x38: {  	_ =	swait.ge [sflag:s23], $0x3E8  }
0x39: {  	[sflag:s23] =	ssyncset.done $0x0  }
0x3a: {  	s2 =	simm.s32 $0x500;
	[sflag:s23] =	ssyncadd.s32 $0xFFFFFC18  }
0x3b: {  	[spmem:s3] =	stream.indirect.scatter.add.f32 [tilespmem:s9], [sflag:$0x3], $0x8, s2, s13, $0xb8;
	[tilespmem:$0x3FE8] =	vst v63  }
0x3c: {  	_ =	swait.ge [sflag:s24], $0x3E8  }
0x3d: {  	[sflag:s24] =	ssyncset.done $0x0  }
0x3e: {  	s2 =	simm.s32 $0x580;
	[sflag:s24] =	ssyncadd.s32 $0xFFFFFC18  }
0x3f: {  	[spmem:s3] =	stream.indirect.scatter.add.f32 [tilespmem:s9], [sflag:$0x4], $0x8, s2, s13, $0xb8;
	[tilespmem:$0x3FE8] =	vst v63  }
0x40: {  	_ =	swait.ge [sflag:s25], $0x3E8  }
0x41: {  	[sflag:s25] =	ssyncset.done $0x0  }
0x42: {  	s2 =	simm.s32 $0x600;
	[sflag:s25] =	ssyncadd.s32 $0xFFFFFC18  }
0x43: {  	[spmem:s3] =	stream.indirect.scatter.add.f32 [tilespmem:s9], [sflag:$0x5], $0x8, s2, s13, $0xb8;
	[tilespmem:$0x3FE8] =	vst v63  }
0x44: {  	_ =	swait.ge [sflag:s26], $0x3E8  }
0x45: {  	[sflag:s26] =	ssyncset.done $0x0  }
0x46: {  	s2 =	simm.s32 $0x680;
	[sflag:s26] =	ssyncadd.s32 $0xFFFFFC18  }
0x47: {  	[spmem:s3] =	stream.indirect.scatter.add.f32 [tilespmem:s9], [sflag:$0x6], $0x8, s2, s13, $0xb8;
	[tilespmem:$0x3FE8] =	vst v63  }
0x48: {  	_ =	swait.ge [sflag:s28], $0x3E8  }
0x49: {  	[sflag:s28] =	ssyncset.done $0x0  }
0x4a: {  	s2 =	simm.s32 $0x700;
	[sflag:s28] =	ssyncadd.s32 $0xFFFFFC18  }
0x4b: {  	[spmem:s3] =	stream.indirect.scatter.add.f32 [tilespmem:s9], [sflag:$0x7], $0x8, s2, s13, $0xb8;
	[tilespmem:$0x3FE8] =	vst v63  }
0x4c: {  	_ =	swait.ge [sflag:s29], $0x3E8  }
0x4d: {  	[sflag:s29] =	ssyncset.done $0x0  }
0x4e: {  	s31 =	simm.s32 $0x1000;
	s0 =	simm.s32 $0x780;
	[sflag:s29] =	ssyncadd.s32 $0xFFFFFC18  }
.LBB2_2:
0x4f: {  	[spmem:s3] =	stream.indirect.scatter.add.f32 [tilespmem:s9], [sflag:$0x8], $0x8, s0, s13, $0xb8;
	[tilespmem:$0x3FE8] =	vst v63  }
0x50: {  	s0 =	smov.u32 s31  }
0x51: {  	p0 =	sne.s32 s31, $0x8000;
	s31 =	sadd.s32 $0x1000, s31;
	_ =	swait.ge [sflag:s21], $0x3E8  }
0x52: {  	s0 =	sshra.s32 s0, $0x2;
	[sflag:s21] =	ssyncset.done $0x0  }
0x53: {  	s2 =	sadd.s32 $0x400, s0;
	[sflag:s21] =	ssyncadd.s32 $0xFFFFFC18  }
0x54: {  	[spmem:s3] =	stream.indirect.scatter.add.f32 [tilespmem:s9], [sflag:$0x1], $0x8, s2, s13, $0xb8;
	[tilespmem:$0x3FE8] =	vst v63  }
0x55: {  	_ =	swait.ge [sflag:s22], $0x3E8  }
0x56: {  	[sflag:s22] =	ssyncset.done $0x0  }
0x57: {  	s2 =	sadd.s32 $0x480, s0;
	[sflag:s22] =	ssyncadd.s32 $0xFFFFFC18  }
0x58: {  	[spmem:s3] =	stream.indirect.scatter.add.f32 [tilespmem:s9], [sflag:$0x2], $0x8, s2, s13, $0xb8;
	[tilespmem:$0x3FE8] =	vst v63  }
0x59: {  	_ =	swait.ge [sflag:s23], $0x3E8  }
0x5a: {  	[sflag:s23] =	ssyncset.done $0x0  }
0x5b: {  	s2 =	sadd.s32 $0x500, s0;
	[sflag:s23] =	ssyncadd.s32 $0xFFFFFC18  }
0x5c: {  	[spmem:s3] =	stream.indirect.scatter.add.f32 [tilespmem:s9], [sflag:$0x3], $0x8, s2, s13, $0xb8;
	[tilespmem:$0x3FE8] =	vst v63  }
0x5d: {  	_ =	swait.ge [sflag:s24], $0x3E8  }
0x5e: {  	[sflag:s24] =	ssyncset.done $0x0  }
0x5f: {  	s2 =	sadd.s32 $0x580, s0;
	[sflag:s24] =	ssyncadd.s32 $0xFFFFFC18  }
0x60: {  	[spmem:s3] =	stream.indirect.scatter.add.f32 [tilespmem:s9], [sflag:$0x4], $0x8, s2, s13, $0xb8;
	[tilespmem:$0x3FE8] =	vst v63  }
0x61: {  	_ =	swait.ge [sflag:s25], $0x3E8  }
0x62: {  	[sflag:s25] =	ssyncset.done $0x0  }
0x63: {  	s2 =	sadd.s32 $0x600, s0;
	[sflag:s25] =	ssyncadd.s32 $0xFFFFFC18  }
0x64: {  	[spmem:s3] =	stream.indirect.scatter.add.f32 [tilespmem:s9], [sflag:$0x5], $0x8, s2, s13, $0xb8;
	[tilespmem:$0x3FE8] =	vst v63  }
0x65: {  	_ =	swait.ge [sflag:s26], $0x3E8  }
0x66: {  	[sflag:s26] =	ssyncset.done $0x0  }
0x67: {  	s2 =	sadd.s32 $0x680, s0;
	[sflag:s26] =	ssyncadd.s32 $0xFFFFFC18  }
0x68: {  	[spmem:s3] =	stream.indirect.scatter.add.f32 [tilespmem:s9], [sflag:$0x6], $0x8, s2, s13, $0xb8;
	[tilespmem:$0x3FE8] =	vst v63  }
0x69: {  	_ =	swait.ge [sflag:s28], $0x3E8  }
0x6a: {  	[sflag:s28] =	ssyncset.done $0x0  }
.Ltmp0:
0x6b: {  	s2 =	sadd.s32 $0x700, s0;
	[sflag:s28] =	ssyncadd.s32 $0xFFFFFC18;
	(pc) =	sbr.rel @p0 .LBB2_2-.Ltmp0, $4  }
0x6c: {  	[spmem:s3] =	stream.indirect.scatter.add.f32 [tilespmem:s9], [sflag:$0x7], $0x8, s2, s13, $0xb8;
	[tilespmem:$0x3FE8] =	vst v63  }
0x6d: {  	_ =	swait.ge [sflag:s29], $0x3E8  }
0x6e: {  	[sflag:s29] =	ssyncset.done $0x0  }
0x6f: {  	s0 =	sadd.s32 $0x780, s0;
	[sflag:s29] =	ssyncadd.s32 $0xFFFFFC18  }
0x70: {  	[spmem:s3] =	stream.indirect.scatter.add.f32 [tilespmem:s9], [sflag:$0x8], $0x8, s0, s13, $0xb8;
	[tilespmem:$0x3FE8] =	vst v63  }
0x71: {  	_ =	swait.ge [sflag:s21], $0x3E8  }
0x72: {  	[sflag:s21] =	ssyncset.done $0x0  }
0x73: {  	[sflag:s21] =	ssyncadd.s32 $0xFFFFFC18  }
0x74: {  	_ =	swait.ge [sflag:s22], $0x3E8  }
0x75: {  	[sflag:s22] =	ssyncset.done $0x0  }
0x76: {  	[sflag:s22] =	ssyncadd.s32 $0xFFFFFC18  }
0x77: {  	_ =	swait.ge [sflag:s23], $0x3E8  }
0x78: {  	[sflag:s23] =	ssyncset.done $0x0  }
0x79: {  	[sflag:s23] =	ssyncadd.s32 $0xFFFFFC18  }
0x7a: {  	_ =	swait.ge [sflag:s24], $0x3E8  }
0x7b: {  	[sflag:s24] =	ssyncset.done $0x0  }
0x7c: {  	[sflag:s24] =	ssyncadd.s32 $0xFFFFFC18  }
0x7d: {  	_ =	swait.ge [sflag:s25], $0x3E8  }
0x7e: {  	[sflag:s25] =	ssyncset.done $0x0  }
0x7f: {  	[sflag:s25] =	ssyncadd.s32 $0xFFFFFC18  }
0x80: {  	_ =	swait.ge [sflag:s26], $0x3E8  }
0x81: {  	[sflag:s26] =	ssyncset.done $0x0  }
0x82: {  	[sflag:s26] =	ssyncadd.s32 $0xFFFFFC18  }
0x83: {  	_ =	swait.ge [sflag:s28], $0x3E8  }
0x84: {  	[sflag:s28] =	ssyncset.done $0x0  }
0x85: {  	[sflag:s28] =	ssyncadd.s32 $0xFFFFFC18  }
0x86: {  	_ =	swait.ge [sflag:s29], $0x3E8  }
0x87: {  	s30 =	sadd.s32 $0x1, s30;
	[sflag:s29] =	ssyncset.done $0x0  }
0x88: {  	p0 =	sne.s32 s30, s8;
	[sflag:s29] =	ssyncadd.s32 $0xFFFFFC18  }
.Ltmp1:
0x89: {  	[bflag:$0x0] =	sbarrier.arrive $0xFFFF;
	(pc) =	sbr.rel @p0 .LBB2_1-.Ltmp1, $4  }
0x8a: {  	[hbm:s7], [sflag:s11] =	dma.local [spmem:s12], $0x280  }
0x8b: {  	_ =	swait.ge [sflag:s10], $0x280  }
0x8c: {  	[sflag:s10] =	ssyncset.done $0x0  }
0x8d: {  	[sflag:s10] =	ssyncadd.s32 $0xFFFFFD80  }
0x8e: {  	_ =	sfence.sel $0x180000  }
0x8f: {  	[bflag:$0x0] =	sbarrier.arrive $0xFFFF  }
0x90: {  	_ =	strace $0x90000047  }
0x91: {  	s0 =	stileid.u32;
	[bflag:$0x2] =	sbarrier.arrive $0xFFFF  }
0x92: {  	p0 =	sne.s32 s0, $0x0;
	s0 =	rddreg [dreg:$0x4]  }
0x93: {  	s0 =	sadd.s32 @!p0 $0x100000, s0  }
0x94: {  	[sflag:s0] =	ssyncadd.tile.s32 @!p0 $0x1;
	_ =	shalt  }
.Lfunc_end2:
_tile_overlayer_lowered:
.L_overlay_start_2:
0x95: {  	(tag) =	ssettag $0x2  }
0x96: {  	s0 =	rddreg [dreg:$0x0];
	s2 =	stileid.u32  }
0x97: {  	s1 =	rddreg [dreg:$0x1];
	p0 =	sne.s32 s2, $0x0  }
0x98: {  	s3 =	rddreg [dreg:$0x2];
	[bflag:$0x3] =	sbarrier.arrive $0xFFFF;
	s2 =	simm.s32 @!p0 $0x1C09  }
0x99: {  	[timem:s3], [sflag:s2] =	dma.local @!p0 [hbm:s0], s1  }
0x9a: {  	s0 =	simm.s32 @!p0 $0x9  }
0x9b: {  	_ =	swait.ge @!p0 [sflag:s0], s1  }
0x9c: {  	s1 =	ssub.s32 @!p0 $0x0, s1;
	[sflag:s0] =	ssyncset.done @!p0 $0x0  }
0x9d: {  	[sflag:s0] =	ssyncadd.s32 @!p0 s1  }
0x9e: {  	[bflag:$0x3] =	sbarrier.arrive $0xFFFF  }
0x9f: {  	_ =	shalt  }

// kernel: kernel.14.cloned.1.call-start
scs
__scs_entry_jumppad:
0x0: {  	(pc) =	sbr.rel $0x88, $3  }
0x1: {  	(tag) =	ssettag $0x0;
	lr =	simm.s32 $0x1  }
0x2: {  	[smem:$0x3F8E] =	sst lr;
	_ =	strace $0xD0000000  }
0x3: {  	_ = 	snop  }
0x4: {  	_ = 	snop  }
0x5: {  	_ = 	snop  }
0x6: {  	_ = 	snop  }
0x7: {  	_ = 	snop  }
__scs_overlays_trampoline_lowered:
0x8: {  	[smem:$0x3F9D] =	sst s0  }
0x9: {  	[smem:$0x3F9E] =	sst s1  }
0xa: {  	[smem:$0x3F9F] =	sst s2  }
0xb: {  	[smem:$0x3FA0] =	sst s3  }
0xc: {  	[smem:$0x3FA1] =	sst s4  }
0xd: {  	[smem:$0x3FA2] =	sst s5  }
0xe: {  	[smem:$0x3FA3] =	sst s6  }
0xf: {  	[smem:$0x3FA4] =	sst s7  }
0x10: {  	[smem:$0x3FA5] =	sst s8  }
0x11: {  	[smem:$0x3FA6] =	sst s9;
	s0 =	simm.s32 @!p0 $0x0  }
0x12: {  	s1 =	sld [smem:$0x3F8C];
	s0 =	simm.s32 @p0 $0x1  }
0x13: {  	[smem:$0x3FA7] =	sst s0;
	s0 =	simm.s32 @!p1 $0x0  }
0x14: {  	s2 =	sld [smem:$0x3F8B];
	s0 =	simm.s32 @p1 $0x1  }
0x15: {  	[smem:$0x3FA8] =	sst s0;
	s0 =	simm.s32 @!p2 $0x0  }
0x16: {  	s3 =	sld [smem:$0x3FDB];
	s0 =	simm.s32 @p2 $0x1  }
0x17: {  	s4 =	simm.s32 $0x1BF5;
	[smem:$0x3FAA] =	sst s0  }
0x18: {  	s0 =	sld [smem:$0x3F8D];
	_ =	swait.ge [sflag:s4], $0x0  }
0x19: {  	s7 =	sld [smem:$0x3F8E]  }
0x1a: {  	s8 =	sadd.s32 $0xFFFFE003, lr  }
0x1b: {  	s9 =	sadd.s32 $0xFFFFFEF7, lr;
	s5 =	simm.s32 $0xFFFFFFFF;
	p2 =	slt.u32 s8, $0xFFFFF086  }
0x1c: {  	p1 =	slt.u32 s9, $0xF7A;
	s5 =	simm.s32 @!p2 $0x0  }
0x1d: {  	s5 =	simm.s32 @p1 $0x1;
	p0 =	seq.s32 s7, s2  }
0x1e: {  	s7 =	smul.u32 @!p0 $0xF7A, s2;
	p2 =	seq.s32 @!p0 s5, $0x0  }
0x1f: {  	s9 =	smul.u32 $0xF7A, s1;
	s8 =	simm.s32 @!p0 $0x1BF5;
	p2 =	por !p2, p0  }
0x20: {  	[sflag:s8] =	ssyncset.s32 @!p0 $0xFFFFF086;
	s6 =	sadd.s32 @!p0 s3, s7;
	s7 =	simm.s32 @!p0 $0x108  }
0x21: {  	s3 =	sadd.s32 s3, s9;
	s6 =	sadd.s32 @!p0 $0x88, s6;
	s7 =	simm.s32 @p2 $0x1082  }
0x22: {  	[simem:s7], [sflag:s8] =	dma.local @!p0 [hbm:s6], $0xF7A  }
0x23: {  	s9 =	sor.u32 $0xD0000000, s2;
	s6 =	simm.s32 $0x108;
	_ =	swait.ge @!p0 [sflag:s8], $0x0  }
0x24: {  	s3 =	sadd.s32 $0x88, s3;
	s6 =	simm.s32 @!p1 $0x1082;
	[sflag:s4] =	ssyncset.s32 $0xFFFFF086  }
0x25: {  	[simem:s6], [sflag:s4] =	dma.local [hbm:s3], $0xF7A  }
0x26: {  	[smem:$0x3F8E] =	sst s1;
	(tag) =	ssettag s2;
	_ =	strace s9  }
0x27: {  	s1 =	sld [smem:$0x3F9E]  }
0x28: {  	s2 =	sld [smem:$0x3F9F]  }
0x29: {  	s4 =	sld [smem:$0x3FA1]  }
0x2a: {  	p0 =	seq.s32 s5, $0x0;
	s5 =	sld [smem:$0x3FA2]  }
0x2b: {  	s6 =	sld [smem:$0x3FA3]  }
0x2c: {  	s7 =	sld [smem:$0x3FA4]  }
0x2d: {  	s3 =	simm.s32 $0x108;
	s8 =	sld [smem:$0x3FA5]  }
0x2e: {  	s3 =	simm.s32 @!p0 $0x1082;
	s9 =	sld [smem:$0x3FA6]  }
0x2f: {  	lr =	sadd.s32 s0, s3;
	s0 =	sld [smem:$0x3F9D]  }
0x30: {  	s3 =	sld [smem:$0x3FA0]  }
0x31: {  	[smem:$0x3FA9] =	sst s10  }
0x32: {  	s10 =	sld [smem:$0x3FA7];
	_ =	sdelay $0x3  }
0x33: {  	p0 =	seq.s32 s10, $0x1;
	s10 =	sld [smem:$0x3FA9];
	_ =	sdelay $0x3  }
0x34: {  	[smem:$0x3FA9] =	sst s10  }
0x35: {  	s10 =	sld [smem:$0x3FA8];
	_ =	sdelay $0x3  }
0x36: {  	p1 =	seq.s32 s10, $0x1;
	s10 =	sld [smem:$0x3FA9];
	_ =	sdelay $0x3  }
0x37: {  	[smem:$0x3FA9] =	sst s10  }
0x38: {  	s10 =	sld [smem:$0x3FAA]  }
0x39: {  	_ = 	snop;
	(pc) =	sbr.ind lr, $3  }
0x3a: {  	_ = 	snop  }
0x3b: {  	_ = 	snop  }
0x3c: {  	p2 =	seq.s32 s10, $0x1;
	s10 =	sld [smem:$0x3FA9]  }
0x3d: {  	_ =	shalt  }
0x3e: {  	_ =	shalt  }
0x3f: {  	_ =	shalt  }
0x40: {  	_ =	shalt  }
0x41: {  	_ =	shalt  }
0x42: {  	_ =	shalt  }
0x43: {  	_ =	shalt  }
0x44: {  	_ =	shalt  }
0x45: {  	_ =	shalt  }
0x46: {  	_ =	shalt  }
0x47: {  	_ =	shalt  }
0x48: {  	_ =	shalt  }
0x49: {  	_ =	shalt  }
0x4a: {  	_ =	shalt  }
0x4b: {  	_ =	shalt  }
0x4c: {  	_ =	shalt  }
0x4d: {  	_ =	shalt  }
0x4e: {  	_ =	shalt  }
0x4f: {  	_ =	shalt  }
0x50: {  	_ =	shalt  }
0x51: {  	_ =	shalt  }
0x52: {  	_ =	shalt  }
0x53: {  	_ =	shalt  }
0x54: {  	_ =	shalt  }
0x55: {  	_ =	shalt  }
0x56: {  	_ =	shalt  }
0x57: {  	_ =	shalt  }
0x58: {  	_ =	shalt  }
0x59: {  	_ =	shalt  }
0x5a: {  	_ =	shalt  }
0x5b: {  	_ =	shalt  }
0x5c: {  	_ =	shalt  }
0x5d: {  	_ =	shalt  }
0x5e: {  	_ =	shalt  }
0x5f: {  	_ =	shalt  }
0x60: {  	_ =	shalt  }
0x61: {  	_ =	shalt  }
0x62: {  	_ =	shalt  }
0x63: {  	_ =	shalt  }
0x64: {  	_ =	shalt  }
0x65: {  	_ =	shalt  }
0x66: {  	_ =	shalt  }
0x67: {  	_ =	shalt  }
0x68: {  	_ =	shalt  }
0x69: {  	_ =	shalt  }
0x6a: {  	_ =	shalt  }
0x6b: {  	_ =	shalt  }
0x6c: {  	_ =	shalt  }
0x6d: {  	_ =	shalt  }
0x6e: {  	_ =	shalt  }
0x6f: {  	_ =	shalt  }
0x70: {  	_ =	shalt  }
0x71: {  	_ =	shalt  }
0x72: {  	_ =	shalt  }
0x73: {  	_ =	shalt  }
0x74: {  	_ =	shalt  }
0x75: {  	_ =	shalt  }
0x76: {  	_ =	shalt  }
0x77: {  	_ =	shalt  }
0x78: {  	_ =	shalt  }
0x79: {  	_ =	shalt  }
0x7a: {  	_ =	shalt  }
0x7b: {  	_ =	shalt  }
0x7c: {  	_ =	shalt  }
0x7d: {  	_ =	shalt  }
0x7e: {  	_ =	shalt  }
0x7f: {  	_ =	shalt  }
0x80: {  	_ =	shalt  }
0x81: {  	_ =	shalt  }
0x82: {  	_ =	shalt  }
0x83: {  	_ =	shalt  }
0x84: {  	_ =	shalt  }
0x85: {  	_ =	shalt  }
0x86: {  	_ =	shalt  }
0x87: {  	_ =	shalt  }
.Lfunc_end0:
.L_simem_size_0:
called_computation.1_lowered:
.L_overlay_start_0:
0x88: {  	s2 =	sld [smem:$0x3FD9]  }
0x89: {  	s3 =	sld [smem:$0x3FFE];
	_ =	sdelay $0x1  }
0x8a: {  	s1 =	srdreg.scid  }
0x8b: {  	s0 =	sand.u32 $0x1, s1  }
0x8c: {  	s14 =	sshll.u32 s0, $0xA;
	s2 =	sadd.s32 s3, s2  }
0x8d: {  	s2 =	sadd.s32 s2, s14  }
0x8e: {  	[smem:$0x3FB5] =	sst s2  }
0x8f: {  	_ = 	snop  }
0x90: {  	s2 =	sld [smem:$0x3FD0];
	_ =	sdelay $0x2  }
0x91: {  	s15 =	simm.s32 $0xA;
	s4 =	simm.s32 $0x10  }
0x92: {  	[smem:s4], [sflag:s15] =	dma.local [hbm:s2], $0x1  }
0x93: {  	_ =	swait.eq [sflag:s15], $0x1  }
0x94: {  	[sflag:s15] =	ssyncset.done $0x0  }
0x95: {  	[sflag:s15] =	ssyncadd.s32 $0xFFFFFFFF  }
0x96: {  	s16 =	sld [smem:$0x10];
	(tm) =	ssettm $0x1  }
0x97: {  	s17 =	sld [smem:$0x3FFB];
	_ =	sdelay $0x3  }
0x98: {  	_ =	strace s17  }
0x99: {  	s3 =	sld [smem:$0x3FFC];
	_ =	sdelay $0x3  }
0x9a: {  	_ =	strace s3  }
0x9b: {  	s3 =	sld [smem:$0x3FFD];
	_ =	sdelay $0x3  }
0x9c: {  	_ =	strace s3  }
0x9d: {  	_ =	strace $0x8FFFFFFF  }
0x9e: {  	s18 =	sld [smem:$0x3FDB];
	_ =	sdelay $0x1  }
0x9f: {  	s19 =	simm.s32 $_scs_section_size  }
0xa0: {  	s5 =	simm.s32 $_size__tile_overlayer_lowered;
	s6 =	simm.s32 $_tile_overlayer_lowered  }
0xa1: {  	s22 =	simm.s32 $0x1BFF;
	s21 =	sshll.u32 s6, $0x1;
	s3 =	sadd.s32 s19, s18  }
0xa2: {  	s7 =	simm.s32 $0x0;
	s20 =	sshll.u32 s5, $0x1;
	s5 =	sadd.s32 s21, s3  }
0xa3: {  	[timem:s7], [sflag:s22] =	dma.local [hbm:s5], s20  }
0xa4: {  	_ =	swait.ge [sflag:s22], s20  }
0xa5: {  	s4 =	ssub.s32 $0x0, s20;
	[sflag:s22] =	ssyncset.done $0x0  }
0xa6: {  	[sflag:s22] =	ssyncadd.s32 s4;
	_ =	sdelay $0x1  }
0xa7: {  	s23 =	simm.s32 $0x1B8B  }
0xa8: {  	_ =	swait.ge [sflag:s23], $0x1  }
0xa9: {  	[sflag:s23] =	ssyncset.done $0x0  }
0xaa: {  	s25 =	simm.s32 $0x1B8E;
	s24 =	sld [smem:$0x3FFE];
	[sflag:s23] =	ssyncadd.s32 $0xFFFFFFFF  }
0xab: {  	s26 =	simm.s32 $execute0_lowered;
	[smem:$0x3FD2] =	sst s25  }
0xac: {  	s5 =	sshll.u32 s26, $0x1;
	_ =	strace $0x80000049;
	[dreg:$0x1] =	wrdreg $0xFFFFFFFF  }
0xad: {  	s28 =	simm.s32 $_size_execute0_lowered;
	s3 =	sadd.s32 s3, s5;
	[dreg:$0x0] =	wrdreg $0x0  }
0xae: {  	s5 =	sshll.u32 s28, $0x1;
	[dreg:$0x2] =	wrdreg s3  }
0xaf: {  	[dreg:$0x3] =	wrdreg s5  }
0xb0: {  	[dreg:$0x4] =	wrdreg $0xC0  }
0xb1: {  	_ =	task [dreg:s7], $0x5FFFF  }
0xb2: {  	[dreg:$0x1] =	wrdreg $0xFFFFFFFF  }
0xb3: {  	[dreg:$0x0] =	wrdreg $0x60  }
0xb4: {  	[dreg:$0x2] =	wrdreg s24  }
0xb5: {  	[dreg:$0x3] =	wrdreg s16  }
0xb6: {  	[dreg:$0x4] =	wrdreg $0x14A000  }
0xb7: {  	[dreg:$0x5] =	wrdreg $0x9  }
0xb8: {  	_ =	task.clear_ibuf [dreg:s7], $0x6FFFF;
	_ =	strace $0x90000049  }
0xb9: {  	s29 =	simm.s32 $0x9;
	_ =	strace $0x8000004B  }
0xba: {  	_ =	swait.ge [sflag:s29], $0x1  }
0xbb: {  	[sflag:s29] =	ssyncadd.s32 $0xFFFFFFFF  }
0xbc: {  	_ =	strace $0x9000004B  }
0xbd: {  	_ =	sfence  }
0xbe: {  	s30 =	sld [smem:$0x0];
	_ =	sdelay $0x2  }
0xbf: {  	s31 =	sshll.u32 s1, $0xD;
	s1 =	sshrl.u32 s1, $0x2  }
0xc0: {  	s3 =	sand.u32 $0x4000, s31;
	s1 =	sadd.s32 s1, s30  }
0xc1: {  	s0 =	sor.u32 s3, s0;
	s1 =	sshll.u32 s1, $0x11  }
0xc2: {  	s0 =	sor.u32 s1, s0  }
0xc3: {  	s0 =	sadd.s32 $0x8F2B, s0  }
0xc4: {  	[sflag:s0] =	ssyncadd.remote.s32 $0x1  }
0xc5: {  	_ =	sfence.sel $0xFFFF  }
0xc6: {  	[dreg:$0x0] =	wrdreg $0xFFFFFFFF;
	(pc) =	sbr.abs _section_cstart, $3  }
0xc7: {  	[dreg:$0x1] =	wrdreg $0xFFFFFFFF  }
0xc8: {  	_ =	task.clear_ibuf [dreg:s7], $0x2FFFF;
	_ =	strace $0x9FFFFFFF  }
0xc9: {  	(tm) =	ssettm $0x7FFFFFFF  }
tec
execute0_lowered:
.L_overlay_start_1:
0x0: {  	(tag) =	ssettag $0x1  }
0x1: {  	s0 =	rddreg [dreg:$0x0]  }
0x2: {  	s1 =	rddreg [dreg:$0x1]  }
0x3: {  	s2 =	rddreg [dreg:$0x2]  }
0x4: {  	s3 =	srdreg.scid;
	s8 =	stileid.u32  }
0x5: {  	s7 =	simm.s32 $0x0;
	s11 =	simm.s32 $0x7D;
	s12 =	simm.s32 $0x5000  }
0x6: {  	s14 =	simm.s32 $0x6F40;
	s16 =	simm.s32 $0x8E80;
	s18 =	simm.s32 $0xADC0  }
0x7: {  	s28 =	simm.s32 $0x2;
	s29 =	simm.s32 $0x3;
	s30 =	simm.s32 $0x4  }
0x8: {  	s31 =	simm.s32 $0x5;
	s13 =	simm.s32 $0x8;
	s15 =	simm.s32 $0x9  }
0x9: {  	s17 =	simm.s32 $0xA;
	s3 =	sand.u32 $0x1, s3;
	s5 =	smul.u32 $0xA000, s8  }
0xa: {  	s4 =	sshll.u32 s8, $0x1;
	[smem:$0x7FF] =	sst s7;
	s26 =	sshll.u32 s8, $0x6  }
0xb: {  	s6 =	smul.u32 $0xA0000, s3;
	s4 =	sor.u32 s3, s4;
	_ =	strace $0x8000004A  }
0xc: {  	s3 =	ssub.s32 $0x2, s3;
	s8 =	sor.u32 $0x1C11, s26;
	s26 =	simm.s32 $0x1  }
0xd: {  	s20 =	smul.u32 $0x500, s4;
	s4 =	sadd.s32 $0x1A200, s0;
	s21 =	sshrl.u32 s3, $0x1  }
0xe: {  	s23 =	sshrl.u32 s5, $0x3;
	[dreg:$0x9] =	wrdreg s8;
	s6 =	sadd.s32 s5, s6  }
0xf: {  	s3 =	ssub.s32 s3, s21;
	s5 =	sadd.s32 s5, s2;
	s1 =	sadd.s32 s1, s23  }
0x10: {  	s23 =	simm.s32 $0xEC40;
	s21 =	simm.s32 $0xB;
	s6 =	sshrl.u32 s6, $0x3  }
0x11: {  	s7 =	sadd.s32 s20, s0;
	[dreg:$0x5] =	wrdreg s1;
	s25 =	smax.u32 s3, $0x1  }
0x12: {  	s9 =	sshrl.u32 s5, $0x3;
	s1 =	simm.s32 $0x7;
	s5 =	simm.s32 $0xC  }
0x13: {  	s0 =	sadd.s32 s6, s0;
	s22 =	sadd.s32 $0x10200, s7;
	[dreg:$0x8] =	wrdreg s25  }
0x14: {  	s24 =	sadd.s32 $0x3A00, s7;
	s7 =	simm.s32 $0x11;
	[dreg:$0xa] =	wrdreg s9  }
0x15: {  	s25 =	simm.s32 $0x12AC0;
	s6 =	simm.s32 $0x0;
	[dreg:$0x4] =	wrdreg s22  }
0x16: {  	[dreg:$0x6] =	wrdreg s24;
	s0 =	sadd.s32 $0x2DC00, s0;
	s22 =	simm.s32 $0xCD00  }
0x17: {  	s24 =	simm.s32 $0x10B80;
	[dreg:$0x7] =	wrdreg s0;
	s0 =	simm.s32 $0x6  }
.LBB2_1:
0x18: {  	[dreg:$0xb] =	wrdreg s6  }
0x19: {  	s3 =	simm.s32 $0x0;
	s20 =	rddreg [dreg:$0x4]  }
0x1a: {  	[tilespmem:s3], [sflag:$0x11] =	stream.linear.gather [hbm4b:s20+s3], $0x2800, $0x38;
	[tilespmem:$0x1EA00] =	vst v63  }
0x1b: {  	_ =	swait.ge [sflag:s7], $0x2800  }
0x1c: {  	[sflag:s7] =	ssyncset.done $0x0  }
0x1d: {  	[sflag:s7] =	ssyncadd.s32 $0xFFFFD800  }
0x1e: {  	[tilespmem:s12], [sflag:$0x1] =	stream.indirect.gather [hbm4b:s4+s11], $0x40, s3, s11, $0xb8;
	[tilespmem:$0x1EA00] =	vst v63  }
0x1f: {  	s10 =	simm.s32 $0x80  }
0x20: {  	[tilespmem:s14], [sflag:$0x2] =	stream.indirect.gather [hbm4b:s4+s11], $0x40, s10, s11, $0xb8;
	[tilespmem:$0x1EA00] =	vst v63  }
0x21: {  	s19 =	simm.s32 $0x100  }
0x22: {  	[tilespmem:s16], [sflag:$0x3] =	stream.indirect.gather [hbm4b:s4+s11], $0x40, s19, s11, $0xb8;
	[tilespmem:$0x1EA00] =	vst v63  }
0x23: {  	s20 =	simm.s32 $0x180;
	s10 =	rddreg [dreg:$0x5]  }
0x24: {  	[tilespmem:s18], [sflag:$0x4] =	stream.indirect.gather [hbm4b:s4+s11], $0x40, s20, s11, $0xb8;
	[tilespmem:$0x1EA00] =	vst v63  }
0x25: {  	[spmem:s9], [sflag:s8] =	dma.local [hbm:s10], $0x1400  }
0x26: {  	_ =	swait.ge [sflag:s7], $0x1400  }
0x27: {  	[sflag:s7] =	ssyncset.done $0x0  }
0x28: {  	s20 =	simm.s32 $0x2800;
	s19 =	rddreg [dreg:$0x6];
	[sflag:s7] =	ssyncadd.s32 $0xFFFFEC00  }
0x29: {  	[tilespmem:s20], [sflag:$0x11] =	stream.linear.gather [hbm4b:s19+s3], $0x2800, $0x38;
	[tilespmem:$0x1EA00] =	vst v63  }
0x2a: {  	_ =	swait.ge [sflag:s7], $0x2800  }
0x2b: {  	p0 =	por $0x1, $0x1;
	[sflag:s7] =	ssyncset.done $0x0  }
0x2c: {  	p0 =	por p0, p0;
	[sflag:s7] =	ssyncadd.s32 $0xFFFFD800  }
0x2d: {  	s6 =	simm.s32 @!p0 $0xD;
	[bflag:$0x0] =	sbarrier.arrive $0xFFFF  }
0x2e: {  	_ =	swait.ge @!p0 [sflag:s6], $0x1F40  }
0x2f: {  	[sflag:s6] =	ssyncset.done @!p0 $0x0  }
0x30: {  	[sflag:s6] =	ssyncadd.s32 @!p0 $0xFFFFE0C0;
	s6 =	simm.s32 @!p0 $0xE  }
0x31: {  	_ =	swait.ge @!p0 [sflag:s6], $0x1F40  }
0x32: {  	[sflag:s6] =	ssyncset.done @!p0 $0x0  }
0x33: {  	[sflag:s6] =	ssyncadd.s32 @!p0 $0xFFFFE0C0;
	s6 =	simm.s32 @!p0 $0xF  }
0x34: {  	_ =	swait.ge @!p0 [sflag:s6], $0x1F40  }
0x35: {  	[sflag:s6] =	ssyncset.done @!p0 $0x0  }
0x36: {  	[sflag:s6] =	ssyncadd.s32 @!p0 $0xFFFFE0C0;
	s6 =	simm.s32 @!p0 $0x10  }
0x37: {  	_ =	swait.ge @!p0 [sflag:s6], $0x1F40  }
0x38: {  	[sflag:s6] =	ssyncset.done @!p0 $0x0  }
0x39: {  	s9 =	simm.s32 $0x200;
	[sflag:s6] =	ssyncadd.s32 @!p0 $0xFFFFE0C0  }
0x3a: {  	[tilespmem:s22], [sflag:$0x5] =	stream.indirect.gather [hbm4b:s4+s11], $0x40, s9, s11, $0xb8;
	[tilespmem:$0x1EA00] =	vst v63  }
0x3b: {  	s10 =	simm.s32 $0x280  }
0x3c: {  	[tilespmem:s23], [sflag:$0x6] =	stream.indirect.gather [hbm4b:s4+s11], $0x40, s10, s11, $0xb8;
	[tilespmem:$0x1EA00] =	vst v63  }
0x3d: {  	s19 =	simm.s32 $0x300  }
0x3e: {  	[tilespmem:s24], [sflag:$0x7] =	stream.indirect.gather [hbm4b:s4+s11], $0x40, s19, s11, $0xb8;
	[tilespmem:$0x1EA00] =	vst v63  }
0x3f: {  	s20 =	simm.s32 $0x380  }
0x40: {  	[tilespmem:s25], [sflag:$0x8] =	stream.indirect.gather [hbm4b:s4+s11], $0x40, s20, s11, $0xb8;
	[tilespmem:$0x1EA00] =	vst v63  }
0x41: {  	_ =	swait.ge [sflag:s26], $0x1F40  }
0x42: {  	[sflag:s26] =	ssyncset.done $0x0  }
0x43: {  	s3 =	simm.s32 $0x2800;
	[sflag:s26] =	ssyncadd.s32 $0xFFFFE0C0  }
0x44: {  	[spmem:s2] =	stream.indirect.scatter.add.f32 [tilespmem:s12], [sflag:$0x9], $0x40, s3, s11, $0xb8;
	[tilespmem:$0x1EA00] =	vst v63  }
0x45: {  	_ =	swait.ge [sflag:s28], $0x1F40  }
0x46: {  	[sflag:s28] =	ssyncset.done $0x0  }
0x47: {  	s7 =	simm.s32 $0x2880;
	[sflag:s28] =	ssyncadd.s32 $0xFFFFE0C0  }
0x48: {  	[spmem:s2] =	stream.indirect.scatter.add.f32 [tilespmem:s14], [sflag:$0xA], $0x40, s7, s11, $0xb8;
	[tilespmem:$0x1EA00] =	vst v63  }
0x49: {  	_ =	swait.ge [sflag:s29], $0x1F40  }
0x4a: {  	[sflag:s29] =	ssyncset.done $0x0  }
0x4b: {  	s8 =	simm.s32 $0x2900;
	[sflag:s29] =	ssyncadd.s32 $0xFFFFE0C0  }
0x4c: {  	[spmem:s2] =	stream.indirect.scatter.add.f32 [tilespmem:s16], [sflag:$0xB], $0x40, s8, s11, $0xb8;
	[tilespmem:$0x1EA00] =	vst v63  }
0x4d: {  	_ =	swait.ge [sflag:s30], $0x1F40  }
0x4e: {  	[sflag:s30] =	ssyncset.done $0x0  }
0x4f: {  	s9 =	simm.s32 $0x2980;
	[sflag:s30] =	ssyncadd.s32 $0xFFFFE0C0  }
0x50: {  	[spmem:s2] =	stream.indirect.scatter.add.f32 [tilespmem:s18], [sflag:$0xC], $0x40, s9, s11, $0xb8;
	[tilespmem:$0x1EA00] =	vst v63  }
0x51: {  	_ =	swait.ge [sflag:s31], $0x1F40  }
0x52: {  	[sflag:s31] =	ssyncset.done $0x0  }
0x53: {  	[sflag:s31] =	ssyncadd.s32 $0xFFFFE0C0  }
0x54: {  	_ =	swait.ge [sflag:s0], $0x1F40  }
0x55: {  	[sflag:s0] =	ssyncset.done $0x0  }
0x56: {  	[sflag:s0] =	ssyncadd.s32 $0xFFFFE0C0  }
0x57: {  	_ =	swait.ge [sflag:s1], $0x1F40  }
0x58: {  	[sflag:s1] =	ssyncset.done $0x0  }
0x59: {  	[sflag:s1] =	ssyncadd.s32 $0xFFFFE0C0  }
0x5a: {  	_ =	swait.ge [sflag:s13], $0x1F40  }
0x5b: {  	[sflag:s13] =	ssyncset.done $0x0  }
0x5c: {  	[sflag:s13] =	ssyncadd.s32 $0xFFFFE0C0  }
0x5d: {  	_ =	swait.ge [sflag:s15], $0x1F40  }
0x5e: {  	[sflag:s15] =	ssyncset.done $0x0  }
0x5f: {  	[sflag:s15] =	ssyncadd.s32 $0xFFFFE0C0  }
0x60: {  	_ =	swait.ge [sflag:s17], $0x1F40  }
0x61: {  	[sflag:s17] =	ssyncset.done $0x0  }
0x62: {  	[sflag:s17] =	ssyncadd.s32 $0xFFFFE0C0  }
0x63: {  	_ =	swait.ge [sflag:s21], $0x1F40  }
0x64: {  	[sflag:s21] =	ssyncset.done $0x0  }
0x65: {  	[sflag:s21] =	ssyncadd.s32 $0xFFFFE0C0  }
0x66: {  	p0 =	por $0x0, $0x0;
	_ =	swait.ge [sflag:s5], $0x1F40  }
0x67: {  	s6 =	simm.s32 @!p0 $0x5000;
	[sflag:s5] =	ssyncset.done $0x0  }
0x68: {  	s7 =	simm.s32 @!p0 $0x400;
	s8 =	simm.s32 @!p0 $0x7D;
	[sflag:s5] =	ssyncadd.s32 $0xFFFFE0C0  }
0x69: {  	[tilespmem:s6], [sflag:$0x1] =	stream.indirect.gather @!p0 [hbm4b:s4+s8], $0x40, s7, s8, $0xb8;
	[tilespmem:$0x1EA00] =	vst v63  }
0x6a: {  	s6 =	simm.s32 @!p0 $0x480;
	s7 =	simm.s32 @!p0 $0x6F40  }
0x6b: {  	[tilespmem:s7], [sflag:$0x2] =	stream.indirect.gather @!p0 [hbm4b:s4+s8], $0x40, s6, s8, $0xb8;
	[tilespmem:$0x1EA00] =	vst v63  }
0x6c: {  	s6 =	simm.s32 @!p0 $0x500;
	s7 =	simm.s32 @!p0 $0x8E80  }
0x6d: {  	[tilespmem:s7], [sflag:$0x3] =	stream.indirect.gather @!p0 [hbm4b:s4+s8], $0x40, s6, s8, $0xb8;
	[tilespmem:$0x1EA00] =	vst v63  }
0x6e: {  	s6 =	simm.s32 @!p0 $0x580;
	s7 =	simm.s32 @!p0 $0xADC0  }
0x6f: {  	[tilespmem:s7], [sflag:$0x4] =	stream.indirect.gather @!p0 [hbm4b:s4+s8], $0x40, s6, s8, $0xb8;
	[tilespmem:$0x1EA00] =	vst v63  }
0x70: {  	p6 =	por $0x0, $0x0;
	s10 =	simm.s32 $0x2A00  }
0x71: {  	[spmem:s2] =	stream.indirect.scatter.add.f32 [tilespmem:s22], [sflag:$0xD], $0x40, s10, s11, $0xb8;
	[tilespmem:$0x1EA00] =	vst v63  }
0x72: {  	s19 =	simm.s32 $0x2A80;
	s20 =	simm.s32 $0x2B00;
	s6 =	simm.s32 $0x1000  }
0x73: {  	[spmem:s2] =	stream.indirect.scatter.add.f32 [tilespmem:s23], [sflag:$0xE], $0x40, s19, s11, $0xb8;
	[tilespmem:$0x1EA00] =	vst v63  }
0x74: {  	s7 =	simm.s32 $0x2000;
	p0 =	por p6, p6;
	s8 =	simm.s32 $0x2B80  }
0x75: {  	[spmem:s2] =	stream.indirect.scatter.add.f32 [tilespmem:s24], [sflag:$0xF], $0x40, s20, s11, $0xb8;
	[tilespmem:$0x1EA00] =	vst v63  }
.LBB2_2:
0x76: {  	[spmem:s2] =	stream.indirect.scatter.add.f32 [tilespmem:s25], [sflag:$0x10], $0x40, s8, s11, $0xb8;
	[tilespmem:$0x1EA00] =	vst v63  }
0x77: {  	s8 =	smov.u32 s7  }
0x78: {  	s7 =	sadd.s32 $0x1000, s7;
	s9 =	simm.s32 @!p0 $0xD;
	p2 =	seq.s32 s8, $0x0  }
0x79: {  	p1 =	sne.s32 s7, $0xA000;
	_ =	swait.ge @!p0 [sflag:s9], $0x1F40  }
0x7a: {  	[sflag:s9] =	ssyncset.done @!p0 $0x0  }
0x7b: {  	[sflag:s9] =	ssyncadd.s32 @!p0 $0xFFFFE0C0;
	s9 =	simm.s32 @!p0 $0xE  }
0x7c: {  	_ =	swait.ge @!p0 [sflag:s9], $0x1F40  }
0x7d: {  	[sflag:s9] =	ssyncset.done @!p0 $0x0  }
0x7e: {  	[sflag:s9] =	ssyncadd.s32 @!p0 $0xFFFFE0C0;
	s9 =	simm.s32 @!p0 $0xF  }
0x7f: {  	_ =	swait.ge @!p0 [sflag:s9], $0x1F40  }
0x80: {  	[sflag:s9] =	ssyncset.done @!p0 $0x0  }
0x81: {  	s19 =	simm.s32 @!p0 $0x10;
	[sflag:s9] =	ssyncadd.s32 @!p0 $0xFFFFE0C0  }
0x82: {  	_ =	swait.ge @!p0 [sflag:s19], $0x1F40  }
0x83: {  	s9 =	sshra.s32 s6, $0x2;
	[sflag:s19] =	ssyncset.done @!p0 $0x0  }
0x84: {  	[sflag:s19] =	ssyncadd.s32 @!p0 $0xFFFFE0C0;
	s19 =	sadd.s32 $0x200, s9;
	p0 =	por p2, p2  }
0x85: {  	[tilespmem:s22], [sflag:$0x5] =	stream.indirect.gather [hbm4b:s4+s11], $0x40, s19, s11, $0xb8;
	[tilespmem:$0x1EA00] =	vst v63  }
0x86: {  	s19 =	sadd.s32 $0x280, s9  }
0x87: {  	[tilespmem:s23], [sflag:$0x6] =	stream.indirect.gather [hbm4b:s4+s11], $0x40, s19, s11, $0xb8;
	[tilespmem:$0x1EA00] =	vst v63  }
0x88: {  	s19 =	sadd.s32 $0x300, s9  }
0x89: {  	[tilespmem:s24], [sflag:$0x7] =	stream.indirect.gather [hbm4b:s4+s11], $0x40, s19, s11, $0xb8;
	[tilespmem:$0x1EA00] =	vst v63  }
0x8a: {  	s19 =	sadd.s32 $0x380, s9  }
0x8b: {  	[tilespmem:s25], [sflag:$0x8] =	stream.indirect.gather [hbm4b:s4+s11], $0x40, s19, s11, $0xb8;
	[tilespmem:$0x1EA00] =	vst v63  }
0x8c: {  	_ =	swait.ge [sflag:s26], $0x1F40  }
0x8d: {  	[sflag:s26] =	ssyncset.done $0x0  }
0x8e: {  	s19 =	sadd.s32 $0x2800, s9;
	[sflag:s26] =	ssyncadd.s32 $0xFFFFE0C0  }
0x8f: {  	[spmem:s2] =	stream.indirect.scatter.add.f32 [tilespmem:s12], [sflag:$0x9], $0x40, s19, s11, $0xb8;
	[tilespmem:$0x1EA00] =	vst v63  }
0x90: {  	_ =	swait.ge [sflag:s28], $0x1F40  }
0x91: {  	[sflag:s28] =	ssyncset.done $0x0  }
0x92: {  	s19 =	sadd.s32 $0x2880, s9;
	[sflag:s28] =	ssyncadd.s32 $0xFFFFE0C0  }
0x93: {  	[spmem:s2] =	stream.indirect.scatter.add.f32 [tilespmem:s14], [sflag:$0xA], $0x40, s19, s11, $0xb8;
	[tilespmem:$0x1EA00] =	vst v63  }
0x94: {  	_ =	swait.ge [sflag:s29], $0x1F40  }
0x95: {  	[sflag:s29] =	ssyncset.done $0x0  }
0x96: {  	s19 =	sadd.s32 $0x2900, s9;
	[sflag:s29] =	ssyncadd.s32 $0xFFFFE0C0  }
0x97: {  	[spmem:s2] =	stream.indirect.scatter.add.f32 [tilespmem:s16], [sflag:$0xB], $0x40, s19, s11, $0xb8;
	[tilespmem:$0x1EA00] =	vst v63  }
0x98: {  	_ =	swait.ge [sflag:s30], $0x1F40  }
0x99: {  	[sflag:s30] =	ssyncset.done $0x0  }
0x9a: {  	s19 =	sadd.s32 $0x2980, s9;
	[sflag:s30] =	ssyncadd.s32 $0xFFFFE0C0  }
0x9b: {  	[spmem:s2] =	stream.indirect.scatter.add.f32 [tilespmem:s18], [sflag:$0xC], $0x40, s19, s11, $0xb8;
	[tilespmem:$0x1EA00] =	vst v63  }
0x9c: {  	_ =	swait.ge [sflag:s31], $0x1F40  }
0x9d: {  	[sflag:s31] =	ssyncset.done $0x0  }
0x9e: {  	[sflag:s31] =	ssyncadd.s32 $0xFFFFE0C0  }
0x9f: {  	_ =	swait.ge [sflag:s0], $0x1F40  }
0xa0: {  	[sflag:s0] =	ssyncset.done $0x0  }
0xa1: {  	[sflag:s0] =	ssyncadd.s32 $0xFFFFE0C0  }
0xa2: {  	_ =	swait.ge [sflag:s1], $0x1F40  }
0xa3: {  	[sflag:s1] =	ssyncset.done $0x0  }
0xa4: {  	[sflag:s1] =	ssyncadd.s32 $0xFFFFE0C0  }
0xa5: {  	_ =	swait.ge [sflag:s13], $0x1F40  }
0xa6: {  	[sflag:s13] =	ssyncset.done $0x0  }
0xa7: {  	[sflag:s13] =	ssyncadd.s32 $0xFFFFE0C0  }
0xa8: {  	_ =	swait.ge [sflag:s15], $0x1F40  }
0xa9: {  	[sflag:s15] =	ssyncset.done $0x0  }
0xaa: {  	[sflag:s15] =	ssyncadd.s32 $0xFFFFE0C0  }
0xab: {  	_ =	swait.ge [sflag:s17], $0x1F40  }
0xac: {  	[sflag:s17] =	ssyncset.done $0x0  }
0xad: {  	[sflag:s17] =	ssyncadd.s32 $0xFFFFE0C0  }
0xae: {  	_ =	swait.ge [sflag:s21], $0x1F40  }
0xaf: {  	[sflag:s21] =	ssyncset.done $0x0  }
0xb0: {  	[sflag:s21] =	ssyncadd.s32 $0xFFFFE0C0  }
0xb1: {  	p2 =	seq.s32 s6, $0x9000;
	_ =	swait.ge [sflag:s5], $0x1F40  }
0xb2: {  	s6 =	sshra.s32 @!p2 s6, $0x2;
	s19 =	simm.s32 @!p2 $0x5000;
	[sflag:s5] =	ssyncset.done $0x0  }
0xb3: {  	s10 =	simm.s32 @!p2 $0x7D;
	s20 =	sadd.s32 @!p2 $0x400, s6;
	[sflag:s5] =	ssyncadd.s32 $0xFFFFE0C0  }
0xb4: {  	[tilespmem:s19], [sflag:$0x1] =	stream.indirect.gather @!p2 [hbm4b:s4+s10], $0x40, s20, s10, $0xb8;
	[tilespmem:$0x1EA00] =	vst v63  }
0xb5: {  	s3 =	sadd.s32 @!p2 $0x500, s6;
	s19 =	sadd.s32 @!p2 $0x480, s6;
	s20 =	simm.s32 @!p2 $0x6F40  }
0xb6: {  	[tilespmem:s20], [sflag:$0x2] =	stream.indirect.gather @!p2 [hbm4b:s4+s10], $0x40, s19, s10, $0xb8;
	[tilespmem:$0x1EA00] =	vst v63  }
0xb7: {  	s19 =	simm.s32 @!p2 $0x8E80;
	s20 =	sadd.s32 @!p2 $0x580, s6;
	s6 =	smov.u32 s8  }
0xb8: {  	[tilespmem:s19], [sflag:$0x3] =	stream.indirect.gather @!p2 [hbm4b:s4+s10], $0x40, s3, s10, $0xb8;
	[tilespmem:$0x1EA00] =	vst v63  }
0xb9: {  	s3 =	simm.s32 @!p2 $0xADC0  }
0xba: {  	[tilespmem:s3], [sflag:$0x4] =	stream.indirect.gather @!p2 [hbm4b:s4+s10], $0x40, s20, s10, $0xb8;
	[tilespmem:$0x1EA00] =	vst v63  }
0xbb: {  	s3 =	sadd.s32 $0x2A00, s9  }
0xbc: {  	[spmem:s2] =	stream.indirect.scatter.add.f32 [tilespmem:s22], [sflag:$0xD], $0x40, s3, s11, $0xb8;
	[tilespmem:$0x1EA00] =	vst v63  }
.Ltmp0:
0xbd: {  	s3 =	sadd.s32 $0x2A80, s9;
	(pc) =	sbr.rel @p1 .LBB2_2-.Ltmp0, $4  }
0xbe: {  	[spmem:s2] =	stream.indirect.scatter.add.f32 [tilespmem:s23], [sflag:$0xE], $0x40, s3, s11, $0xb8;
	[tilespmem:$0x1EA00] =	vst v63  }
0xbf: {  	s3 =	sadd.s32 $0x2B00, s9  }
0xc0: {  	[spmem:s2] =	stream.indirect.scatter.add.f32 [tilespmem:s24], [sflag:$0xF], $0x40, s3, s11, $0xb8;
	[tilespmem:$0x1EA00] =	vst v63  }
0xc1: {  	s8 =	sadd.s32 $0x2B80, s9  }
0xc2: {  	[spmem:s2] =	stream.indirect.scatter.add.f32 [tilespmem:s25], [sflag:$0x10], $0x40, s8, s11, $0xb8;
	[tilespmem:$0x1EA00] =	vst v63  }
0xc3: {  	s3 =	simm.s32 @!p0 $0xD  }
0xc4: {  	_ =	swait.ge @!p0 [sflag:s3], $0x1F40  }
0xc5: {  	[sflag:s3] =	ssyncset.done @!p0 $0x0  }
0xc6: {  	[sflag:s3] =	ssyncadd.s32 @!p0 $0xFFFFE0C0;
	s3 =	simm.s32 @!p0 $0xE  }
0xc7: {  	_ =	swait.ge @!p0 [sflag:s3], $0x1F40  }
0xc8: {  	[sflag:s3] =	ssyncset.done @!p0 $0x0  }
0xc9: {  	[sflag:s3] =	ssyncadd.s32 @!p0 $0xFFFFE0C0;
	s3 =	simm.s32 @!p0 $0xF  }
0xca: {  	_ =	swait.ge @!p0 [sflag:s3], $0x1F40  }
0xcb: {  	[sflag:s3] =	ssyncset.done @!p0 $0x0  }
0xcc: {  	[sflag:s3] =	ssyncadd.s32 @!p0 $0xFFFFE0C0;
	s3 =	simm.s32 @!p0 $0x10  }
0xcd: {  	_ =	swait.ge @!p0 [sflag:s3], $0x1F40  }
0xce: {  	s7 =	sshra.s32 s6, $0x2;
	[sflag:s3] =	ssyncset.done @!p0 $0x0  }
0xcf: {  	s19 =	sadd.s32 $0x200, s7;
	[sflag:s3] =	ssyncadd.s32 @!p0 $0xFFFFE0C0  }
0xd0: {  	[tilespmem:s22], [sflag:$0x5] =	stream.indirect.gather [hbm4b:s4+s11], $0x40, s19, s11, $0xb8;
	[tilespmem:$0x1EA00] =	vst v63  }
0xd1: {  	s20 =	sadd.s32 $0x280, s7  }
0xd2: {  	[tilespmem:s23], [sflag:$0x6] =	stream.indirect.gather [hbm4b:s4+s11], $0x40, s20, s11, $0xb8;
	[tilespmem:$0x1EA00] =	vst v63  }
0xd3: {  	s8 =	sadd.s32 $0x300, s7  }
0xd4: {  	[tilespmem:s24], [sflag:$0x7] =	stream.indirect.gather [hbm4b:s4+s11], $0x40, s8, s11, $0xb8;
	[tilespmem:$0x1EA00] =	vst v63  }
0xd5: {  	s9 =	sadd.s32 $0x380, s7  }
0xd6: {  	[tilespmem:s25], [sflag:$0x8] =	stream.indirect.gather [hbm4b:s4+s11], $0x40, s9, s11, $0xb8;
	[tilespmem:$0x1EA00] =	vst v63  }
0xd7: {  	_ =	swait.ge [sflag:s26], $0x1F40  }
0xd8: {  	[sflag:s26] =	ssyncset.done $0x0  }
0xd9: {  	s10 =	sadd.s32 $0x2800, s7;
	[sflag:s26] =	ssyncadd.s32 $0xFFFFE0C0  }
0xda: {  	[spmem:s2] =	stream.indirect.scatter.add.f32 [tilespmem:s12], [sflag:$0x9], $0x40, s10, s11, $0xb8;
	[tilespmem:$0x1EA00] =	vst v63  }
0xdb: {  	_ =	swait.ge [sflag:s28], $0x1F40  }
0xdc: {  	[sflag:s28] =	ssyncset.done $0x0  }
0xdd: {  	s19 =	sadd.s32 $0x2880, s7;
	[sflag:s28] =	ssyncadd.s32 $0xFFFFE0C0  }
0xde: {  	[spmem:s2] =	stream.indirect.scatter.add.f32 [tilespmem:s14], [sflag:$0xA], $0x40, s19, s11, $0xb8;
	[tilespmem:$0x1EA00] =	vst v63  }
0xdf: {  	_ =	swait.ge [sflag:s29], $0x1F40  }
0xe0: {  	[sflag:s29] =	ssyncset.done $0x0  }
0xe1: {  	s20 =	sadd.s32 $0x2900, s7;
	[sflag:s29] =	ssyncadd.s32 $0xFFFFE0C0  }
0xe2: {  	[spmem:s2] =	stream.indirect.scatter.add.f32 [tilespmem:s16], [sflag:$0xB], $0x40, s20, s11, $0xb8;
	[tilespmem:$0x1EA00] =	vst v63  }
0xe3: {  	_ =	swait.ge [sflag:s30], $0x1F40  }
0xe4: {  	[sflag:s30] =	ssyncset.done $0x0  }
0xe5: {  	s8 =	sadd.s32 $0x2980, s7;
	[sflag:s30] =	ssyncadd.s32 $0xFFFFE0C0  }
0xe6: {  	[spmem:s2] =	stream.indirect.scatter.add.f32 [tilespmem:s18], [sflag:$0xC], $0x40, s8, s11, $0xb8;
	[tilespmem:$0x1EA00] =	vst v63  }
0xe7: {  	_ =	swait.ge [sflag:s31], $0x1F40  }
0xe8: {  	[sflag:s31] =	ssyncset.done $0x0  }
0xe9: {  	[sflag:s31] =	ssyncadd.s32 $0xFFFFE0C0  }
0xea: {  	_ =	swait.ge [sflag:s0], $0x1F40  }
0xeb: {  	[sflag:s0] =	ssyncset.done $0x0  }
0xec: {  	[sflag:s0] =	ssyncadd.s32 $0xFFFFE0C0  }
0xed: {  	_ =	swait.ge [sflag:s1], $0x1F40  }
0xee: {  	[sflag:s1] =	ssyncset.done $0x0  }
0xef: {  	[sflag:s1] =	ssyncadd.s32 $0xFFFFE0C0  }
0xf0: {  	_ =	swait.ge [sflag:s13], $0x1F40  }
0xf1: {  	[sflag:s13] =	ssyncset.done $0x0  }
0xf2: {  	[sflag:s13] =	ssyncadd.s32 $0xFFFFE0C0  }
0xf3: {  	_ =	swait.ge [sflag:s15], $0x1F40  }
0xf4: {  	[sflag:s15] =	ssyncset.done $0x0  }
0xf5: {  	[sflag:s15] =	ssyncadd.s32 $0xFFFFE0C0  }
0xf6: {  	_ =	swait.ge [sflag:s17], $0x1F40  }
0xf7: {  	[sflag:s17] =	ssyncset.done $0x0  }
0xf8: {  	[sflag:s17] =	ssyncadd.s32 $0xFFFFE0C0  }
0xf9: {  	_ =	swait.ge [sflag:s21], $0x1F40  }
0xfa: {  	[sflag:s21] =	ssyncset.done $0x0  }
0xfb: {  	[sflag:s21] =	ssyncadd.s32 $0xFFFFE0C0  }
0xfc: {  	p0 =	seq.s32 s6, $0x9000;
	_ =	swait.ge [sflag:s5], $0x1F40  }
0xfd: {  	s3 =	sshra.s32 @!p0 s6, $0x2;
	s6 =	simm.s32 @!p0 $0x5000;
	[sflag:s5] =	ssyncset.done $0x0  }
0xfe: {  	s9 =	simm.s32 @!p0 $0x7D;
	s8 =	sadd.s32 @!p0 $0x400, s3;
	[sflag:s5] =	ssyncadd.s32 $0xFFFFE0C0  }
0xff: {  	[tilespmem:s6], [sflag:$0x1] =	stream.indirect.gather @!p0 [hbm4b:s4+s9], $0x40, s8, s9, $0xb8;
	[tilespmem:$0x1EA00] =	vst v63  }
0x100: {  	s6 =	sadd.s32 @!p0 $0x480, s3;
	s8 =	simm.s32 @!p0 $0x6F40  }
0x101: {  	[tilespmem:s8], [sflag:$0x2] =	stream.indirect.gather @!p0 [hbm4b:s4+s9], $0x40, s6, s9, $0xb8;
	[tilespmem:$0x1EA00] =	vst v63  }
0x102: {  	s6 =	sadd.s32 @!p0 $0x500, s3;
	s8 =	simm.s32 @!p0 $0x8E80  }
0x103: {  	[tilespmem:s8], [sflag:$0x3] =	stream.indirect.gather @!p0 [hbm4b:s4+s9], $0x40, s6, s9, $0xb8;
	[tilespmem:$0x1EA00] =	vst v63  }
0x104: {  	s3 =	sadd.s32 @!p0 $0x580, s3;
	s6 =	simm.s32 @!p0 $0xADC0  }
0x105: {  	[tilespmem:s6], [sflag:$0x4] =	stream.indirect.gather @!p0 [hbm4b:s4+s9], $0x40, s3, s9, $0xb8;
	[tilespmem:$0x1EA00] =	vst v63  }
0x106: {  	s9 =	sadd.s32 $0x2A00, s7  }
0x107: {  	[spmem:s2] =	stream.indirect.scatter.add.f32 [tilespmem:s22], [sflag:$0xD], $0x40, s9, s11, $0xb8;
	[tilespmem:$0x1EA00] =	vst v63  }
0x108: {  	s10 =	sadd.s32 $0x2A80, s7  }
0x109: {  	[spmem:s2] =	stream.indirect.scatter.add.f32 [tilespmem:s23], [sflag:$0xE], $0x40, s10, s11, $0xb8;
	[tilespmem:$0x1EA00] =	vst v63  }
0x10a: {  	s19 =	sadd.s32 $0x2B00, s7  }
0x10b: {  	[spmem:s2] =	stream.indirect.scatter.add.f32 [tilespmem:s24], [sflag:$0xF], $0x40, s19, s11, $0xb8;
	[tilespmem:$0x1EA00] =	vst v63  }
0x10c: {  	s20 =	sadd.s32 $0x2B80, s7;
	s6 =	simm.s32 $0xD  }
0x10d: {  	[spmem:s2] =	stream.indirect.scatter.add.f32 [tilespmem:s25], [sflag:$0x10], $0x40, s20, s11, $0xb8;
	[tilespmem:$0x1EA00] =	vst v63  }
0x10e: {  	_ =	swait.ge [sflag:s6], $0x1F40  }
0x10f: {  	[sflag:s6] =	ssyncset.done $0x0  }
0x110: {  	s7 =	simm.s32 $0xE;
	[sflag:s6] =	ssyncadd.s32 $0xFFFFE0C0  }
0x111: {  	_ =	swait.ge [sflag:s7], $0x1F40  }
0x112: {  	[sflag:s7] =	ssyncset.done $0x0  }
0x113: {  	s8 =	simm.s32 $0xF;
	[sflag:s7] =	ssyncadd.s32 $0xFFFFE0C0  }
0x114: {  	_ =	swait.ge [sflag:s8], $0x1F40  }
0x115: {  	[sflag:s8] =	ssyncset.done $0x0  }
0x116: {  	s9 =	simm.s32 $0x10;
	[sflag:s8] =	ssyncadd.s32 $0xFFFFE0C0  }
0x117: {  	_ =	swait.ge [sflag:s9], $0x1F40  }
0x118: {  	[sflag:s9] =	ssyncset.done $0x0  }
0x119: {  	[sflag:s9] =	ssyncadd.s32 $0xFFFFE0C0  }
0x11a: {  	[bflag:$0x0] =	sbarrier.arrive $0xFFFF  }
0x11b: {  	s10 =	rddreg [dreg:$0x7]  }
0x11c: {  	s8 =	rddreg [dreg:$0x9]  }
0x11d: {  	s7 =	simm.s32 $0x11;
	s9 =	rddreg [dreg:$0xa]  }
0x11e: {  	[hbm:s10], [sflag:s8] =	dma.local [spmem:s9], $0x1400  }
0x11f: {  	_ =	swait.ge [sflag:s7], $0x1400  }
0x120: {  	s19 =	rddreg [dreg:$0xb]  }
0x121: {  	s20 =	rddreg [dreg:$0x8];
	s6 =	sadd.s32 $0x1, s19  }
0x122: {  	p0 =	sne.s32 s6, s20  }
.Ltmp1:
0x123: {  	_ = 	snop;
	(pc) =	sbr.rel @p0 .LBB2_1-.Ltmp1, $3  }
0x124: {  	_ =	sdelay $0x1  }
0x125: {  	[sflag:s7] =	ssyncset.done $0x0  }
0x126: {  	[sflag:s7] =	ssyncadd.s32 $0xFFFFEC00  }
0x127: {  	_ =	sfence.sel $0x180000  }
0x128: {  	[bflag:$0x0] =	sbarrier.arrive $0xFFFF  }
0x129: {  	_ =	strace $0x9000004A  }
0x12a: {  	s0 =	stileid.u32;
	[bflag:$0x2] =	sbarrier.arrive $0xFFFF  }
0x12b: {  	p0 =	sne.s32 s0, $0x0;
	s0 =	rddreg [dreg:$0x3]  }
0x12c: {  	s0 =	sadd.s32 @!p0 $0x100000, s0  }
0x12d: {  	[sflag:s0] =	ssyncadd.tile.s32 @!p0 $0x1;
	_ =	shalt  }
.Lfunc_end2:
_tile_overlayer_lowered:
.L_overlay_start_2:
0x12e: {  	(tag) =	ssettag $0x2  }
0x12f: {  	s0 =	rddreg [dreg:$0x0];
	s2 =	stileid.u32  }
0x130: {  	s1 =	rddreg [dreg:$0x1];
	p0 =	sne.s32 s2, $0x0  }
0x131: {  	s3 =	rddreg [dreg:$0x2];
	[bflag:$0x3] =	sbarrier.arrive $0xFFFF;
	s2 =	simm.s32 @!p0 $0x1C11  }
0x132: {  	[timem:s3], [sflag:s2] =	dma.local @!p0 [hbm:s0], s1  }
0x133: {  	s0 =	simm.s32 @!p0 $0x11  }
0x134: {  	_ =	swait.ge @!p0 [sflag:s0], s1  }
0x135: {  	s1 =	ssub.s32 @!p0 $0x0, s1;
	[sflag:s0] =	ssyncset.done @!p0 $0x0  }
0x136: {  	[sflag:s0] =	ssyncadd.s32 @!p0 s1  }
0x137: {  	[bflag:$0x3] =	sbarrier.arrive $0xFFFF  }
0x138: {  	_ =	shalt  }

// kernel: kernel.17.cloned.1.call-start
scs
__scs_entry_jumppad:
0x0: {  	(pc) =	sbr.rel $0x88, $3  }
0x1: {  	(tag) =	ssettag $0x0;
	lr =	simm.s32 $0x1  }
0x2: {  	[smem:$0x3F8E] =	sst lr;
	_ =	strace $0xD0000000  }
0x3: {  	_ = 	snop  }
0x4: {  	_ = 	snop  }
0x5: {  	_ = 	snop  }
0x6: {  	_ = 	snop  }
0x7: {  	_ = 	snop  }
__scs_overlays_trampoline_lowered:
0x8: {  	[smem:$0x3F9D] =	sst s0  }
0x9: {  	[smem:$0x3F9E] =	sst s1  }
0xa: {  	[smem:$0x3F9F] =	sst s2  }
0xb: {  	[smem:$0x3FA0] =	sst s3  }
0xc: {  	[smem:$0x3FA1] =	sst s4  }
0xd: {  	[smem:$0x3FA2] =	sst s5  }
0xe: {  	[smem:$0x3FA3] =	sst s6  }
0xf: {  	[smem:$0x3FA4] =	sst s7  }
0x10: {  	[smem:$0x3FA5] =	sst s8  }
0x11: {  	[smem:$0x3FA6] =	sst s9;
	s0 =	simm.s32 @!p0 $0x0  }
0x12: {  	s1 =	sld [smem:$0x3F8C];
	s0 =	simm.s32 @p0 $0x1  }
0x13: {  	[smem:$0x3FA7] =	sst s0;
	s0 =	simm.s32 @!p1 $0x0  }
0x14: {  	s2 =	sld [smem:$0x3F8B];
	s0 =	simm.s32 @p1 $0x1  }
0x15: {  	[smem:$0x3FA8] =	sst s0;
	s0 =	simm.s32 @!p2 $0x0  }
0x16: {  	s3 =	sld [smem:$0x3FDB];
	s0 =	simm.s32 @p2 $0x1  }
0x17: {  	s4 =	simm.s32 $0x1BF5;
	[smem:$0x3FAA] =	sst s0  }
0x18: {  	s0 =	sld [smem:$0x3F8D];
	_ =	swait.ge [sflag:s4], $0x0  }
0x19: {  	s7 =	sld [smem:$0x3F8E]  }
0x1a: {  	s8 =	sadd.s32 $0xFFFFE003, lr  }
0x1b: {  	s9 =	sadd.s32 $0xFFFFFEF7, lr;
	s5 =	simm.s32 $0xFFFFFFFF;
	p2 =	slt.u32 s8, $0xFFFFF086  }
0x1c: {  	p1 =	slt.u32 s9, $0xF7A;
	s5 =	simm.s32 @!p2 $0x0  }
0x1d: {  	s5 =	simm.s32 @p1 $0x1;
	p0 =	seq.s32 s7, s2  }
0x1e: {  	s7 =	smul.u32 @!p0 $0xF7A, s2;
	p2 =	seq.s32 @!p0 s5, $0x0  }
0x1f: {  	s9 =	smul.u32 $0xF7A, s1;
	s8 =	simm.s32 @!p0 $0x1BF5;
	p2 =	por !p2, p0  }
0x20: {  	[sflag:s8] =	ssyncset.s32 @!p0 $0xFFFFF086;
	s6 =	sadd.s32 @!p0 s3, s7;
	s7 =	simm.s32 @!p0 $0x108  }
0x21: {  	s3 =	sadd.s32 s3, s9;
	s6 =	sadd.s32 @!p0 $0x88, s6;
	s7 =	simm.s32 @p2 $0x1082  }
0x22: {  	[simem:s7], [sflag:s8] =	dma.local @!p0 [hbm:s6], $0xF7A  }
0x23: {  	s9 =	sor.u32 $0xD0000000, s2;
	s6 =	simm.s32 $0x108;
	_ =	swait.ge @!p0 [sflag:s8], $0x0  }
0x24: {  	s3 =	sadd.s32 $0x88, s3;
	s6 =	simm.s32 @!p1 $0x1082;
	[sflag:s4] =	ssyncset.s32 $0xFFFFF086  }
0x25: {  	[simem:s6], [sflag:s4] =	dma.local [hbm:s3], $0xF7A  }
0x26: {  	[smem:$0x3F8E] =	sst s1;
	(tag) =	ssettag s2;
	_ =	strace s9  }
0x27: {  	s1 =	sld [smem:$0x3F9E]  }
0x28: {  	s2 =	sld [smem:$0x3F9F]  }
0x29: {  	s4 =	sld [smem:$0x3FA1]  }
0x2a: {  	p0 =	seq.s32 s5, $0x0;
	s5 =	sld [smem:$0x3FA2]  }
0x2b: {  	s6 =	sld [smem:$0x3FA3]  }
0x2c: {  	s7 =	sld [smem:$0x3FA4]  }
0x2d: {  	s3 =	simm.s32 $0x108;
	s8 =	sld [smem:$0x3FA5]  }
0x2e: {  	s3 =	simm.s32 @!p0 $0x1082;
	s9 =	sld [smem:$0x3FA6]  }
0x2f: {  	lr =	sadd.s32 s0, s3;
	s0 =	sld [smem:$0x3F9D]  }
0x30: {  	s3 =	sld [smem:$0x3FA0]  }
0x31: {  	[smem:$0x3FA9] =	sst s10  }
0x32: {  	s10 =	sld [smem:$0x3FA7];
	_ =	sdelay $0x3  }
0x33: {  	p0 =	seq.s32 s10, $0x1;
	s10 =	sld [smem:$0x3FA9];
	_ =	sdelay $0x3  }
0x34: {  	[smem:$0x3FA9] =	sst s10  }
0x35: {  	s10 =	sld [smem:$0x3FA8];
	_ =	sdelay $0x3  }
0x36: {  	p1 =	seq.s32 s10, $0x1;
	s10 =	sld [smem:$0x3FA9];
	_ =	sdelay $0x3  }
0x37: {  	[smem:$0x3FA9] =	sst s10  }
0x38: {  	s10 =	sld [smem:$0x3FAA]  }
0x39: {  	_ = 	snop;
	(pc) =	sbr.ind lr, $3  }
0x3a: {  	_ = 	snop  }
0x3b: {  	_ = 	snop  }
0x3c: {  	p2 =	seq.s32 s10, $0x1;
	s10 =	sld [smem:$0x3FA9]  }
0x3d: {  	_ =	shalt  }
0x3e: {  	_ =	shalt  }
0x3f: {  	_ =	shalt  }
0x40: {  	_ =	shalt  }
0x41: {  	_ =	shalt  }
0x42: {  	_ =	shalt  }
0x43: {  	_ =	shalt  }
0x44: {  	_ =	shalt  }
0x45: {  	_ =	shalt  }
0x46: {  	_ =	shalt  }
0x47: {  	_ =	shalt  }
0x48: {  	_ =	shalt  }
0x49: {  	_ =	shalt  }
0x4a: {  	_ =	shalt  }
0x4b: {  	_ =	shalt  }
0x4c: {  	_ =	shalt  }
0x4d: {  	_ =	shalt  }
0x4e: {  	_ =	shalt  }
0x4f: {  	_ =	shalt  }
0x50: {  	_ =	shalt  }
0x51: {  	_ =	shalt  }
0x52: {  	_ =	shalt  }
0x53: {  	_ =	shalt  }
0x54: {  	_ =	shalt  }
0x55: {  	_ =	shalt  }
0x56: {  	_ =	shalt  }
0x57: {  	_ =	shalt  }
0x58: {  	_ =	shalt  }
0x59: {  	_ =	shalt  }
0x5a: {  	_ =	shalt  }
0x5b: {  	_ =	shalt  }
0x5c: {  	_ =	shalt  }
0x5d: {  	_ =	shalt  }
0x5e: {  	_ =	shalt  }
0x5f: {  	_ =	shalt  }
0x60: {  	_ =	shalt  }
0x61: {  	_ =	shalt  }
0x62: {  	_ =	shalt  }
0x63: {  	_ =	shalt  }
0x64: {  	_ =	shalt  }
0x65: {  	_ =	shalt  }
0x66: {  	_ =	shalt  }
0x67: {  	_ =	shalt  }
0x68: {  	_ =	shalt  }
0x69: {  	_ =	shalt  }
0x6a: {  	_ =	shalt  }
0x6b: {  	_ =	shalt  }
0x6c: {  	_ =	shalt  }
0x6d: {  	_ =	shalt  }
0x6e: {  	_ =	shalt  }
0x6f: {  	_ =	shalt  }
0x70: {  	_ =	shalt  }
0x71: {  	_ =	shalt  }
0x72: {  	_ =	shalt  }
0x73: {  	_ =	shalt  }
0x74: {  	_ =	shalt  }
0x75: {  	_ =	shalt  }
0x76: {  	_ =	shalt  }
0x77: {  	_ =	shalt  }
0x78: {  	_ =	shalt  }
0x79: {  	_ =	shalt  }
0x7a: {  	_ =	shalt  }
0x7b: {  	_ =	shalt  }
0x7c: {  	_ =	shalt  }
0x7d: {  	_ =	shalt  }
0x7e: {  	_ =	shalt  }
0x7f: {  	_ =	shalt  }
0x80: {  	_ =	shalt  }
0x81: {  	_ =	shalt  }
0x82: {  	_ =	shalt  }
0x83: {  	_ =	shalt  }
0x84: {  	_ =	shalt  }
0x85: {  	_ =	shalt  }
0x86: {  	_ =	shalt  }
0x87: {  	_ =	shalt  }
.Lfunc_end0:
.L_simem_size_0:
called_computation.2_lowered:
.L_overlay_start_0:
0x88: {  	s2 =	sld [smem:$0x3FD9]  }
0x89: {  	s3 =	sld [smem:$0x3FFE];
	_ =	sdelay $0x1  }
0x8a: {  	s1 =	srdreg.scid  }
0x8b: {  	s0 =	sand.u32 $0x1, s1  }
0x8c: {  	s14 =	sshll.u32 s0, $0xA;
	s2 =	sadd.s32 s3, s2  }
0x8d: {  	s2 =	sadd.s32 s2, s14  }
0x8e: {  	[smem:$0x3FB5] =	sst s2  }
0x8f: {  	_ = 	snop  }
0x90: {  	s2 =	sld [smem:$0x3FD0];
	_ =	sdelay $0x2  }
0x91: {  	s15 =	simm.s32 $0xA;
	s4 =	simm.s32 $0x10  }
0x92: {  	[smem:s4], [sflag:s15] =	dma.local [hbm:s2], $0x1  }
0x93: {  	_ =	swait.eq [sflag:s15], $0x1  }
0x94: {  	[sflag:s15] =	ssyncset.done $0x0  }
0x95: {  	[sflag:s15] =	ssyncadd.s32 $0xFFFFFFFF  }
0x96: {  	s16 =	sld [smem:$0x10];
	(tm) =	ssettm $0x1  }
0x97: {  	s17 =	sld [smem:$0x3FFB];
	_ =	sdelay $0x3  }
0x98: {  	_ =	strace s17  }
0x99: {  	s3 =	sld [smem:$0x3FFC];
	_ =	sdelay $0x3  }
0x9a: {  	_ =	strace s3  }
0x9b: {  	s3 =	sld [smem:$0x3FFD];
	_ =	sdelay $0x3  }
0x9c: {  	_ =	strace s3  }
0x9d: {  	_ =	strace $0x8FFFFFFF  }
0x9e: {  	s18 =	sld [smem:$0x3FDB];
	_ =	sdelay $0x1  }
0x9f: {  	s19 =	simm.s32 $_scs_section_size  }
0xa0: {  	s5 =	simm.s32 $_size__tile_overlayer_lowered;
	s6 =	simm.s32 $_tile_overlayer_lowered  }
0xa1: {  	s22 =	simm.s32 $0x1BFF;
	s21 =	sshll.u32 s6, $0x1;
	s3 =	sadd.s32 s19, s18  }
0xa2: {  	s7 =	simm.s32 $0x0;
	s20 =	sshll.u32 s5, $0x1;
	s5 =	sadd.s32 s21, s3  }
0xa3: {  	[timem:s7], [sflag:s22] =	dma.local [hbm:s5], s20  }
0xa4: {  	_ =	swait.ge [sflag:s22], s20  }
0xa5: {  	s4 =	ssub.s32 $0x0, s20;
	[sflag:s22] =	ssyncset.done $0x0  }
0xa6: {  	[sflag:s22] =	ssyncadd.s32 s4;
	_ =	sdelay $0x1  }
0xa7: {  	s23 =	simm.s32 $0x1B8B  }
0xa8: {  	_ =	swait.ge [sflag:s23], $0x1  }
0xa9: {  	[sflag:s23] =	ssyncset.done $0x0  }
0xaa: {  	s25 =	simm.s32 $0x1B8E;
	s24 =	sld [smem:$0x3FFE];
	[sflag:s23] =	ssyncadd.s32 $0xFFFFFFFF  }
0xab: {  	s26 =	simm.s32 $execute0_lowered;
	[smem:$0x3FD2] =	sst s25  }
0xac: {  	s5 =	sshll.u32 s26, $0x1;
	_ =	strace $0x8000004C;
	[dreg:$0x1] =	wrdreg $0xFFFFFFFF  }
0xad: {  	s28 =	simm.s32 $_size_execute0_lowered;
	s3 =	sadd.s32 s3, s5;
	[dreg:$0x0] =	wrdreg $0x0  }
0xae: {  	s5 =	sshll.u32 s28, $0x1;
	[dreg:$0x2] =	wrdreg s3  }
0xaf: {  	[dreg:$0x3] =	wrdreg s5  }
0xb0: {  	[dreg:$0x4] =	wrdreg $0xC0  }
0xb1: {  	_ =	task [dreg:s7], $0x5FFFF  }
0xb2: {  	[dreg:$0x1] =	wrdreg $0xFFFFFFFF  }
0xb3: {  	[dreg:$0x0] =	wrdreg $0x60  }
0xb4: {  	[dreg:$0x2] =	wrdreg s24  }
0xb5: {  	[dreg:$0x3] =	wrdreg s16  }
0xb6: {  	[dreg:$0x4] =	wrdreg $0x14A000  }
0xb7: {  	[dreg:$0x5] =	wrdreg $0x9  }
0xb8: {  	_ =	task.clear_ibuf [dreg:s7], $0x6FFFF;
	_ =	strace $0x9000004C  }
0xb9: {  	s29 =	simm.s32 $0x9;
	_ =	strace $0x8000004E  }
0xba: {  	_ =	swait.ge [sflag:s29], $0x1  }
0xbb: {  	[sflag:s29] =	ssyncadd.s32 $0xFFFFFFFF  }
0xbc: {  	_ =	strace $0x9000004E  }
0xbd: {  	_ =	sfence  }
0xbe: {  	s30 =	sld [smem:$0x0];
	_ =	sdelay $0x2  }
0xbf: {  	s31 =	sshll.u32 s1, $0xD;
	s1 =	sshrl.u32 s1, $0x2  }
0xc0: {  	s3 =	sand.u32 $0x4000, s31;
	s1 =	sadd.s32 s1, s30  }
0xc1: {  	s0 =	sor.u32 s3, s0;
	s1 =	sshll.u32 s1, $0x11  }
0xc2: {  	s0 =	sor.u32 s1, s0  }
0xc3: {  	s0 =	sadd.s32 $0x8F2B, s0  }
0xc4: {  	[sflag:s0] =	ssyncadd.remote.s32 $0x1  }
0xc5: {  	_ =	sfence.sel $0xFFFF  }
0xc6: {  	[dreg:$0x0] =	wrdreg $0xFFFFFFFF;
	(pc) =	sbr.abs _section_cstart, $3  }
0xc7: {  	[dreg:$0x1] =	wrdreg $0xFFFFFFFF  }
0xc8: {  	_ =	task.clear_ibuf [dreg:s7], $0x2FFFF;
	_ =	strace $0x9FFFFFFF  }
0xc9: {  	(tm) =	ssettm $0x7FFFFFFF  }
tec
execute0_lowered:
.L_overlay_start_1:
0x0: {  	(tag) =	ssettag $0x1  }
0x1: {  	s0 =	rddreg [dreg:$0x0]  }
0x2: {  	s1 =	rddreg [dreg:$0x1]  }
0x3: {  	s2 =	rddreg [dreg:$0x2]  }
0x4: {  	s3 =	srdreg.scid;
	s8 =	stileid.u32  }
0x5: {  	s7 =	simm.s32 $0x0;
	s11 =	simm.s32 $0x7D;
	s12 =	simm.s32 $0x5000  }
0x6: {  	s14 =	simm.s32 $0x6F40;
	s16 =	simm.s32 $0x8E80;
	s18 =	simm.s32 $0xADC0  }
0x7: {  	s28 =	simm.s32 $0x2;
	s29 =	simm.s32 $0x3;
	s30 =	simm.s32 $0x4  }
0x8: {  	s31 =	simm.s32 $0x5;
	s13 =	simm.s32 $0x8;
	s15 =	simm.s32 $0x9  }
0x9: {  	s17 =	simm.s32 $0xA;
	s3 =	sand.u32 $0x1, s3;
	s5 =	smul.u32 $0xA000, s8  }
0xa: {  	s4 =	sshll.u32 s8, $0x1;
	[smem:$0x7FF] =	sst s7;
	s26 =	sshll.u32 s8, $0x6  }
0xb: {  	s6 =	smul.u32 $0xA0000, s3;
	s4 =	sor.u32 s3, s4;
	_ =	strace $0x8000004D  }
0xc: {  	s3 =	ssub.s32 $0x2, s3;
	s8 =	sor.u32 $0x1C11, s26;
	s26 =	simm.s32 $0x1  }
0xd: {  	s20 =	smul.u32 $0x500, s4;
	s4 =	sadd.s32 $0x1A200, s0;
	s21 =	sshrl.u32 s3, $0x1  }
0xe: {  	s23 =	sshrl.u32 s5, $0x3;
	[dreg:$0x9] =	wrdreg s8;
	s6 =	sadd.s32 s5, s6  }
0xf: {  	s3 =	ssub.s32 s3, s21;
	s5 =	sadd.s32 s5, s2;
	s1 =	sadd.s32 s1, s23  }
0x10: {  	s23 =	simm.s32 $0xEC40;
	s21 =	simm.s32 $0xB;
	s6 =	sshrl.u32 s6, $0x3  }
0x11: {  	s7 =	sadd.s32 s20, s0;
	[dreg:$0x5] =	wrdreg s1;
	s25 =	smax.u32 s3, $0x1  }
0x12: {  	s9 =	sshrl.u32 s5, $0x3;
	s1 =	simm.s32 $0x7;
	s5 =	simm.s32 $0xC  }
0x13: {  	s0 =	sadd.s32 s6, s0;
	s22 =	sadd.s32 $0x10200, s7;
	[dreg:$0x8] =	wrdreg s25  }
0x14: {  	s24 =	sadd.s32 $0x3A00, s7;
	s7 =	simm.s32 $0x11;
	[dreg:$0xa] =	wrdreg s9  }
0x15: {  	s25 =	simm.s32 $0x12AC0;
	s6 =	simm.s32 $0x0;
	[dreg:$0x4] =	wrdreg s22  }
0x16: {  	[dreg:$0x6] =	wrdreg s24;
	s0 =	sadd.s32 $0x2DC00, s0;
	s22 =	simm.s32 $0xCD00  }
0x17: {  	s24 =	simm.s32 $0x10B80;
	[dreg:$0x7] =	wrdreg s0;
	s0 =	simm.s32 $0x6  }
.LBB2_1:
0x18: {  	[dreg:$0xb] =	wrdreg s6  }
0x19: {  	s3 =	simm.s32 $0x0;
	s20 =	rddreg [dreg:$0x4]  }
0x1a: {  	[tilespmem:s3], [sflag:$0x11] =	stream.linear.gather [hbm4b:s20+s3], $0x2800, $0x38;
	[tilespmem:$0x1EA00] =	vst v63  }
0x1b: {  	_ =	swait.ge [sflag:s7], $0x2800  }
0x1c: {  	[sflag:s7] =	ssyncset.done $0x0  }
0x1d: {  	[sflag:s7] =	ssyncadd.s32 $0xFFFFD800  }
0x1e: {  	[tilespmem:s12], [sflag:$0x1] =	stream.indirect.gather [hbm4b:s4+s11], $0x40, s3, s11, $0xb8;
	[tilespmem:$0x1EA00] =	vst v63  }
0x1f: {  	s10 =	simm.s32 $0x80  }
0x20: {  	[tilespmem:s14], [sflag:$0x2] =	stream.indirect.gather [hbm4b:s4+s11], $0x40, s10, s11, $0xb8;
	[tilespmem:$0x1EA00] =	vst v63  }
0x21: {  	s19 =	simm.s32 $0x100  }
0x22: {  	[tilespmem:s16], [sflag:$0x3] =	stream.indirect.gather [hbm4b:s4+s11], $0x40, s19, s11, $0xb8;
	[tilespmem:$0x1EA00] =	vst v63  }
0x23: {  	s20 =	simm.s32 $0x180;
	s10 =	rddreg [dreg:$0x5]  }
0x24: {  	[tilespmem:s18], [sflag:$0x4] =	stream.indirect.gather [hbm4b:s4+s11], $0x40, s20, s11, $0xb8;
	[tilespmem:$0x1EA00] =	vst v63  }
0x25: {  	[spmem:s9], [sflag:s8] =	dma.local [hbm:s10], $0x1400  }
0x26: {  	_ =	swait.ge [sflag:s7], $0x1400  }
0x27: {  	[sflag:s7] =	ssyncset.done $0x0  }
0x28: {  	s20 =	simm.s32 $0x2800;
	s19 =	rddreg [dreg:$0x6];
	[sflag:s7] =	ssyncadd.s32 $0xFFFFEC00  }
0x29: {  	[tilespmem:s20], [sflag:$0x11] =	stream.linear.gather [hbm4b:s19+s3], $0x2800, $0x38;
	[tilespmem:$0x1EA00] =	vst v63  }
0x2a: {  	_ =	swait.ge [sflag:s7], $0x2800  }
0x2b: {  	p0 =	por $0x1, $0x1;
	[sflag:s7] =	ssyncset.done $0x0  }
0x2c: {  	p0 =	por p0, p0;
	[sflag:s7] =	ssyncadd.s32 $0xFFFFD800  }
0x2d: {  	s6 =	simm.s32 @!p0 $0xD;
	[bflag:$0x0] =	sbarrier.arrive $0xFFFF  }
0x2e: {  	_ =	swait.ge @!p0 [sflag:s6], $0x1F40  }
0x2f: {  	[sflag:s6] =	ssyncset.done @!p0 $0x0  }
0x30: {  	[sflag:s6] =	ssyncadd.s32 @!p0 $0xFFFFE0C0;
	s6 =	simm.s32 @!p0 $0xE  }
0x31: {  	_ =	swait.ge @!p0 [sflag:s6], $0x1F40  }
0x32: {  	[sflag:s6] =	ssyncset.done @!p0 $0x0  }
0x33: {  	[sflag:s6] =	ssyncadd.s32 @!p0 $0xFFFFE0C0;
	s6 =	simm.s32 @!p0 $0xF  }
0x34: {  	_ =	swait.ge @!p0 [sflag:s6], $0x1F40  }
0x35: {  	[sflag:s6] =	ssyncset.done @!p0 $0x0  }
0x36: {  	[sflag:s6] =	ssyncadd.s32 @!p0 $0xFFFFE0C0;
	s6 =	simm.s32 @!p0 $0x10  }
0x37: {  	_ =	swait.ge @!p0 [sflag:s6], $0x1F40  }
0x38: {  	[sflag:s6] =	ssyncset.done @!p0 $0x0  }
0x39: {  	s9 =	simm.s32 $0x200;
	[sflag:s6] =	ssyncadd.s32 @!p0 $0xFFFFE0C0  }
0x3a: {  	[tilespmem:s22], [sflag:$0x5] =	stream.indirect.gather [hbm4b:s4+s11], $0x40, s9, s11, $0xb8;
	[tilespmem:$0x1EA00] =	vst v63  }
0x3b: {  	s10 =	simm.s32 $0x280  }
0x3c: {  	[tilespmem:s23], [sflag:$0x6] =	stream.indirect.gather [hbm4b:s4+s11], $0x40, s10, s11, $0xb8;
	[tilespmem:$0x1EA00] =	vst v63  }
0x3d: {  	s19 =	simm.s32 $0x300  }
0x3e: {  	[tilespmem:s24], [sflag:$0x7] =	stream.indirect.gather [hbm4b:s4+s11], $0x40, s19, s11, $0xb8;
	[tilespmem:$0x1EA00] =	vst v63  }
0x3f: {  	s20 =	simm.s32 $0x380  }
0x40: {  	[tilespmem:s25], [sflag:$0x8] =	stream.indirect.gather [hbm4b:s4+s11], $0x40, s20, s11, $0xb8;
	[tilespmem:$0x1EA00] =	vst v63  }
0x41: {  	_ =	swait.ge [sflag:s26], $0x1F40  }
0x42: {  	[sflag:s26] =	ssyncset.done $0x0  }
0x43: {  	s3 =	simm.s32 $0x2800;
	[sflag:s26] =	ssyncadd.s32 $0xFFFFE0C0  }
0x44: {  	[spmem:s2] =	stream.indirect.scatter.add.f32 [tilespmem:s12], [sflag:$0x9], $0x40, s3, s11, $0xb8;
	[tilespmem:$0x1EA00] =	vst v63  }
0x45: {  	_ =	swait.ge [sflag:s28], $0x1F40  }
0x46: {  	[sflag:s28] =	ssyncset.done $0x0  }
0x47: {  	s7 =	simm.s32 $0x2880;
	[sflag:s28] =	ssyncadd.s32 $0xFFFFE0C0  }
0x48: {  	[spmem:s2] =	stream.indirect.scatter.add.f32 [tilespmem:s14], [sflag:$0xA], $0x40, s7, s11, $0xb8;
	[tilespmem:$0x1EA00] =	vst v63  }
0x49: {  	_ =	swait.ge [sflag:s29], $0x1F40  }
0x4a: {  	[sflag:s29] =	ssyncset.done $0x0  }
0x4b: {  	s8 =	simm.s32 $0x2900;
	[sflag:s29] =	ssyncadd.s32 $0xFFFFE0C0  }
0x4c: {  	[spmem:s2] =	stream.indirect.scatter.add.f32 [tilespmem:s16], [sflag:$0xB], $0x40, s8, s11, $0xb8;
	[tilespmem:$0x1EA00] =	vst v63  }
0x4d: {  	_ =	swait.ge [sflag:s30], $0x1F40  }
0x4e: {  	[sflag:s30] =	ssyncset.done $0x0  }
0x4f: {  	s9 =	simm.s32 $0x2980;
	[sflag:s30] =	ssyncadd.s32 $0xFFFFE0C0  }
0x50: {  	[spmem:s2] =	stream.indirect.scatter.add.f32 [tilespmem:s18], [sflag:$0xC], $0x40, s9, s11, $0xb8;
	[tilespmem:$0x1EA00] =	vst v63  }
0x51: {  	_ =	swait.ge [sflag:s31], $0x1F40  }
0x52: {  	[sflag:s31] =	ssyncset.done $0x0  }
0x53: {  	[sflag:s31] =	ssyncadd.s32 $0xFFFFE0C0  }
0x54: {  	_ =	swait.ge [sflag:s0], $0x1F40  }
0x55: {  	[sflag:s0] =	ssyncset.done $0x0  }
0x56: {  	[sflag:s0] =	ssyncadd.s32 $0xFFFFE0C0  }
0x57: {  	_ =	swait.ge [sflag:s1], $0x1F40  }
0x58: {  	[sflag:s1] =	ssyncset.done $0x0  }
0x59: {  	[sflag:s1] =	ssyncadd.s32 $0xFFFFE0C0  }
0x5a: {  	_ =	swait.ge [sflag:s13], $0x1F40  }
0x5b: {  	[sflag:s13] =	ssyncset.done $0x0  }
0x5c: {  	[sflag:s13] =	ssyncadd.s32 $0xFFFFE0C0  }
0x5d: {  	_ =	swait.ge [sflag:s15], $0x1F40  }
0x5e: {  	[sflag:s15] =	ssyncset.done $0x0  }
0x5f: {  	[sflag:s15] =	ssyncadd.s32 $0xFFFFE0C0  }
0x60: {  	_ =	swait.ge [sflag:s17], $0x1F40  }
0x61: {  	[sflag:s17] =	ssyncset.done $0x0  }
0x62: {  	[sflag:s17] =	ssyncadd.s32 $0xFFFFE0C0  }
0x63: {  	_ =	swait.ge [sflag:s21], $0x1F40  }
0x64: {  	[sflag:s21] =	ssyncset.done $0x0  }
0x65: {  	[sflag:s21] =	ssyncadd.s32 $0xFFFFE0C0  }
0x66: {  	p0 =	por $0x0, $0x0;
	_ =	swait.ge [sflag:s5], $0x1F40  }
0x67: {  	s6 =	simm.s32 @!p0 $0x5000;
	[sflag:s5] =	ssyncset.done $0x0  }
0x68: {  	s7 =	simm.s32 @!p0 $0x400;
	s8 =	simm.s32 @!p0 $0x7D;
	[sflag:s5] =	ssyncadd.s32 $0xFFFFE0C0  }
0x69: {  	[tilespmem:s6], [sflag:$0x1] =	stream.indirect.gather @!p0 [hbm4b:s4+s8], $0x40, s7, s8, $0xb8;
	[tilespmem:$0x1EA00] =	vst v63  }
0x6a: {  	s6 =	simm.s32 @!p0 $0x480;
	s7 =	simm.s32 @!p0 $0x6F40  }
0x6b: {  	[tilespmem:s7], [sflag:$0x2] =	stream.indirect.gather @!p0 [hbm4b:s4+s8], $0x40, s6, s8, $0xb8;
	[tilespmem:$0x1EA00] =	vst v63  }
0x6c: {  	s6 =	simm.s32 @!p0 $0x500;
	s7 =	simm.s32 @!p0 $0x8E80  }
0x6d: {  	[tilespmem:s7], [sflag:$0x3] =	stream.indirect.gather @!p0 [hbm4b:s4+s8], $0x40, s6, s8, $0xb8;
	[tilespmem:$0x1EA00] =	vst v63  }
0x6e: {  	s6 =	simm.s32 @!p0 $0x580;
	s7 =	simm.s32 @!p0 $0xADC0  }
0x6f: {  	[tilespmem:s7], [sflag:$0x4] =	stream.indirect.gather @!p0 [hbm4b:s4+s8], $0x40, s6, s8, $0xb8;
	[tilespmem:$0x1EA00] =	vst v63  }
0x70: {  	p6 =	por $0x0, $0x0;
	s10 =	simm.s32 $0x2A00  }
0x71: {  	[spmem:s2] =	stream.indirect.scatter.add.f32 [tilespmem:s22], [sflag:$0xD], $0x40, s10, s11, $0xb8;
	[tilespmem:$0x1EA00] =	vst v63  }
0x72: {  	s19 =	simm.s32 $0x2A80;
	s20 =	simm.s32 $0x2B00;
	s6 =	simm.s32 $0x1000  }
0x73: {  	[spmem:s2] =	stream.indirect.scatter.add.f32 [tilespmem:s23], [sflag:$0xE], $0x40, s19, s11, $0xb8;
	[tilespmem:$0x1EA00] =	vst v63  }
0x74: {  	s7 =	simm.s32 $0x2000;
	p0 =	por p6, p6;
	s8 =	simm.s32 $0x2B80  }
0x75: {  	[spmem:s2] =	stream.indirect.scatter.add.f32 [tilespmem:s24], [sflag:$0xF], $0x40, s20, s11, $0xb8;
	[tilespmem:$0x1EA00] =	vst v63  }
.LBB2_2:
0x76: {  	[spmem:s2] =	stream.indirect.scatter.add.f32 [tilespmem:s25], [sflag:$0x10], $0x40, s8, s11, $0xb8;
	[tilespmem:$0x1EA00] =	vst v63  }
0x77: {  	s8 =	smov.u32 s7  }
0x78: {  	s7 =	sadd.s32 $0x1000, s7;
	s9 =	simm.s32 @!p0 $0xD;
	p2 =	seq.s32 s8, $0x0  }
0x79: {  	p1 =	sne.s32 s7, $0xA000;
	_ =	swait.ge @!p0 [sflag:s9], $0x1F40  }
0x7a: {  	[sflag:s9] =	ssyncset.done @!p0 $0x0  }
0x7b: {  	[sflag:s9] =	ssyncadd.s32 @!p0 $0xFFFFE0C0;
	s9 =	simm.s32 @!p0 $0xE  }
0x7c: {  	_ =	swait.ge @!p0 [sflag:s9], $0x1F40  }
0x7d: {  	[sflag:s9] =	ssyncset.done @!p0 $0x0  }
0x7e: {  	[sflag:s9] =	ssyncadd.s32 @!p0 $0xFFFFE0C0;
	s9 =	simm.s32 @!p0 $0xF  }
0x7f: {  	_ =	swait.ge @!p0 [sflag:s9], $0x1F40  }
0x80: {  	[sflag:s9] =	ssyncset.done @!p0 $0x0  }
0x81: {  	s19 =	simm.s32 @!p0 $0x10;
	[sflag:s9] =	ssyncadd.s32 @!p0 $0xFFFFE0C0  }
0x82: {  	_ =	swait.ge @!p0 [sflag:s19], $0x1F40  }
0x83: {  	s9 =	sshra.s32 s6, $0x2;
	[sflag:s19] =	ssyncset.done @!p0 $0x0  }
0x84: {  	[sflag:s19] =	ssyncadd.s32 @!p0 $0xFFFFE0C0;
	s19 =	sadd.s32 $0x200, s9;
	p0 =	por p2, p2  }
0x85: {  	[tilespmem:s22], [sflag:$0x5] =	stream.indirect.gather [hbm4b:s4+s11], $0x40, s19, s11, $0xb8;
	[tilespmem:$0x1EA00] =	vst v63  }
0x86: {  	s19 =	sadd.s32 $0x280, s9  }
0x87: {  	[tilespmem:s23], [sflag:$0x6] =	stream.indirect.gather [hbm4b:s4+s11], $0x40, s19, s11, $0xb8;
	[tilespmem:$0x1EA00] =	vst v63  }
0x88: {  	s19 =	sadd.s32 $0x300, s9  }
0x89: {  	[tilespmem:s24], [sflag:$0x7] =	stream.indirect.gather [hbm4b:s4+s11], $0x40, s19, s11, $0xb8;
	[tilespmem:$0x1EA00] =	vst v63  }
0x8a: {  	s19 =	sadd.s32 $0x380, s9  }
0x8b: {  	[tilespmem:s25], [sflag:$0x8] =	stream.indirect.gather [hbm4b:s4+s11], $0x40, s19, s11, $0xb8;
	[tilespmem:$0x1EA00] =	vst v63  }
0x8c: {  	_ =	swait.ge [sflag:s26], $0x1F40  }
0x8d: {  	[sflag:s26] =	ssyncset.done $0x0  }
0x8e: {  	s19 =	sadd.s32 $0x2800, s9;
	[sflag:s26] =	ssyncadd.s32 $0xFFFFE0C0  }
0x8f: {  	[spmem:s2] =	stream.indirect.scatter.add.f32 [tilespmem:s12], [sflag:$0x9], $0x40, s19, s11, $0xb8;
	[tilespmem:$0x1EA00] =	vst v63  }
0x90: {  	_ =	swait.ge [sflag:s28], $0x1F40  }
0x91: {  	[sflag:s28] =	ssyncset.done $0x0  }
0x92: {  	s19 =	sadd.s32 $0x2880, s9;
	[sflag:s28] =	ssyncadd.s32 $0xFFFFE0C0  }
0x93: {  	[spmem:s2] =	stream.indirect.scatter.add.f32 [tilespmem:s14], [sflag:$0xA], $0x40, s19, s11, $0xb8;
	[tilespmem:$0x1EA00] =	vst v63  }
0x94: {  	_ =	swait.ge [sflag:s29], $0x1F40  }
0x95: {  	[sflag:s29] =	ssyncset.done $0x0  }
0x96: {  	s19 =	sadd.s32 $0x2900, s9;
	[sflag:s29] =	ssyncadd.s32 $0xFFFFE0C0  }
0x97: {  	[spmem:s2] =	stream.indirect.scatter.add.f32 [tilespmem:s16], [sflag:$0xB], $0x40, s19, s11, $0xb8;
	[tilespmem:$0x1EA00] =	vst v63  }
0x98: {  	_ =	swait.ge [sflag:s30], $0x1F40  }
0x99: {  	[sflag:s30] =	ssyncset.done $0x0  }
0x9a: {  	s19 =	sadd.s32 $0x2980, s9;
	[sflag:s30] =	ssyncadd.s32 $0xFFFFE0C0  }
0x9b: {  	[spmem:s2] =	stream.indirect.scatter.add.f32 [tilespmem:s18], [sflag:$0xC], $0x40, s19, s11, $0xb8;
	[tilespmem:$0x1EA00] =	vst v63  }
0x9c: {  	_ =	swait.ge [sflag:s31], $0x1F40  }
0x9d: {  	[sflag:s31] =	ssyncset.done $0x0  }
0x9e: {  	[sflag:s31] =	ssyncadd.s32 $0xFFFFE0C0  }
0x9f: {  	_ =	swait.ge [sflag:s0], $0x1F40  }
0xa0: {  	[sflag:s0] =	ssyncset.done $0x0  }
0xa1: {  	[sflag:s0] =	ssyncadd.s32 $0xFFFFE0C0  }
0xa2: {  	_ =	swait.ge [sflag:s1], $0x1F40  }
0xa3: {  	[sflag:s1] =	ssyncset.done $0x0  }
0xa4: {  	[sflag:s1] =	ssyncadd.s32 $0xFFFFE0C0  }
0xa5: {  	_ =	swait.ge [sflag:s13], $0x1F40  }
0xa6: {  	[sflag:s13] =	ssyncset.done $0x0  }
0xa7: {  	[sflag:s13] =	ssyncadd.s32 $0xFFFFE0C0  }
0xa8: {  	_ =	swait.ge [sflag:s15], $0x1F40  }
0xa9: {  	[sflag:s15] =	ssyncset.done $0x0  }
0xaa: {  	[sflag:s15] =	ssyncadd.s32 $0xFFFFE0C0  }
0xab: {  	_ =	swait.ge [sflag:s17], $0x1F40  }
0xac: {  	[sflag:s17] =	ssyncset.done $0x0  }
0xad: {  	[sflag:s17] =	ssyncadd.s32 $0xFFFFE0C0  }
0xae: {  	_ =	swait.ge [sflag:s21], $0x1F40  }
0xaf: {  	[sflag:s21] =	ssyncset.done $0x0  }
0xb0: {  	[sflag:s21] =	ssyncadd.s32 $0xFFFFE0C0  }
0xb1: {  	p2 =	seq.s32 s6, $0x9000;
	_ =	swait.ge [sflag:s5], $0x1F40  }
0xb2: {  	s6 =	sshra.s32 @!p2 s6, $0x2;
	s19 =	simm.s32 @!p2 $0x5000;
	[sflag:s5] =	ssyncset.done $0x0  }
0xb3: {  	s10 =	simm.s32 @!p2 $0x7D;
	s20 =	sadd.s32 @!p2 $0x400, s6;
	[sflag:s5] =	ssyncadd.s32 $0xFFFFE0C0  }
0xb4: {  	[tilespmem:s19], [sflag:$0x1] =	stream.indirect.gather @!p2 [hbm4b:s4+s10], $0x40, s20, s10, $0xb8;
	[tilespmem:$0x1EA00] =	vst v63  }
0xb5: {  	s3 =	sadd.s32 @!p2 $0x500, s6;
	s19 =	sadd.s32 @!p2 $0x480, s6;
	s20 =	simm.s32 @!p2 $0x6F40  }
0xb6: {  	[tilespmem:s20], [sflag:$0x2] =	stream.indirect.gather @!p2 [hbm4b:s4+s10], $0x40, s19, s10, $0xb8;
	[tilespmem:$0x1EA00] =	vst v63  }
0xb7: {  	s19 =	simm.s32 @!p2 $0x8E80;
	s20 =	sadd.s32 @!p2 $0x580, s6;
	s6 =	smov.u32 s8  }
0xb8: {  	[tilespmem:s19], [sflag:$0x3] =	stream.indirect.gather @!p2 [hbm4b:s4+s10], $0x40, s3, s10, $0xb8;
	[tilespmem:$0x1EA00] =	vst v63  }
0xb9: {  	s3 =	simm.s32 @!p2 $0xADC0  }
0xba: {  	[tilespmem:s3], [sflag:$0x4] =	stream.indirect.gather @!p2 [hbm4b:s4+s10], $0x40, s20, s10, $0xb8;
	[tilespmem:$0x1EA00] =	vst v63  }
0xbb: {  	s3 =	sadd.s32 $0x2A00, s9  }
0xbc: {  	[spmem:s2] =	stream.indirect.scatter.add.f32 [tilespmem:s22], [sflag:$0xD], $0x40, s3, s11, $0xb8;
	[tilespmem:$0x1EA00] =	vst v63  }
.Ltmp0:
0xbd: {  	s3 =	sadd.s32 $0x2A80, s9;
	(pc) =	sbr.rel @p1 .LBB2_2-.Ltmp0, $4  }
0xbe: {  	[spmem:s2] =	stream.indirect.scatter.add.f32 [tilespmem:s23], [sflag:$0xE], $0x40, s3, s11, $0xb8;
	[tilespmem:$0x1EA00] =	vst v63  }
0xbf: {  	s3 =	sadd.s32 $0x2B00, s9  }
0xc0: {  	[spmem:s2] =	stream.indirect.scatter.add.f32 [tilespmem:s24], [sflag:$0xF], $0x40, s3, s11, $0xb8;
	[tilespmem:$0x1EA00] =	vst v63  }
0xc1: {  	s8 =	sadd.s32 $0x2B80, s9  }
0xc2: {  	[spmem:s2] =	stream.indirect.scatter.add.f32 [tilespmem:s25], [sflag:$0x10], $0x40, s8, s11, $0xb8;
	[tilespmem:$0x1EA00] =	vst v63  }
0xc3: {  	s3 =	simm.s32 @!p0 $0xD  }
0xc4: {  	_ =	swait.ge @!p0 [sflag:s3], $0x1F40  }
0xc5: {  	[sflag:s3] =	ssyncset.done @!p0 $0x0  }
0xc6: {  	[sflag:s3] =	ssyncadd.s32 @!p0 $0xFFFFE0C0;
	s3 =	simm.s32 @!p0 $0xE  }
0xc7: {  	_ =	swait.ge @!p0 [sflag:s3], $0x1F40  }
0xc8: {  	[sflag:s3] =	ssyncset.done @!p0 $0x0  }
0xc9: {  	[sflag:s3] =	ssyncadd.s32 @!p0 $0xFFFFE0C0;
	s3 =	simm.s32 @!p0 $0xF  }
0xca: {  	_ =	swait.ge @!p0 [sflag:s3], $0x1F40  }
0xcb: {  	[sflag:s3] =	ssyncset.done @!p0 $0x0  }
0xcc: {  	[sflag:s3] =	ssyncadd.s32 @!p0 $0xFFFFE0C0;
	s3 =	simm.s32 @!p0 $0x10  }
0xcd: {  	_ =	swait.ge @!p0 [sflag:s3], $0x1F40  }
0xce: {  	s7 =	sshra.s32 s6, $0x2;
	[sflag:s3] =	ssyncset.done @!p0 $0x0  }
0xcf: {  	s19 =	sadd.s32 $0x200, s7;
	[sflag:s3] =	ssyncadd.s32 @!p0 $0xFFFFE0C0  }
0xd0: {  	[tilespmem:s22], [sflag:$0x5] =	stream.indirect.gather [hbm4b:s4+s11], $0x40, s19, s11, $0xb8;
	[tilespmem:$0x1EA00] =	vst v63  }
0xd1: {  	s20 =	sadd.s32 $0x280, s7  }
0xd2: {  	[tilespmem:s23], [sflag:$0x6] =	stream.indirect.gather [hbm4b:s4+s11], $0x40, s20, s11, $0xb8;
	[tilespmem:$0x1EA00] =	vst v63  }
0xd3: {  	s8 =	sadd.s32 $0x300, s7  }
0xd4: {  	[tilespmem:s24], [sflag:$0x7] =	stream.indirect.gather [hbm4b:s4+s11], $0x40, s8, s11, $0xb8;
	[tilespmem:$0x1EA00] =	vst v63  }
0xd5: {  	s9 =	sadd.s32 $0x380, s7  }
0xd6: {  	[tilespmem:s25], [sflag:$0x8] =	stream.indirect.gather [hbm4b:s4+s11], $0x40, s9, s11, $0xb8;
	[tilespmem:$0x1EA00] =	vst v63  }
0xd7: {  	_ =	swait.ge [sflag:s26], $0x1F40  }
0xd8: {  	[sflag:s26] =	ssyncset.done $0x0  }
0xd9: {  	s10 =	sadd.s32 $0x2800, s7;
	[sflag:s26] =	ssyncadd.s32 $0xFFFFE0C0  }
0xda: {  	[spmem:s2] =	stream.indirect.scatter.add.f32 [tilespmem:s12], [sflag:$0x9], $0x40, s10, s11, $0xb8;
	[tilespmem:$0x1EA00] =	vst v63  }
0xdb: {  	_ =	swait.ge [sflag:s28], $0x1F40  }
0xdc: {  	[sflag:s28] =	ssyncset.done $0x0  }
0xdd: {  	s19 =	sadd.s32 $0x2880, s7;
	[sflag:s28] =	ssyncadd.s32 $0xFFFFE0C0  }
0xde: {  	[spmem:s2] =	stream.indirect.scatter.add.f32 [tilespmem:s14], [sflag:$0xA], $0x40, s19, s11, $0xb8;
	[tilespmem:$0x1EA00] =	vst v63  }
0xdf: {  	_ =	swait.ge [sflag:s29], $0x1F40  }
0xe0: {  	[sflag:s29] =	ssyncset.done $0x0  }
0xe1: {  	s20 =	sadd.s32 $0x2900, s7;
	[sflag:s29] =	ssyncadd.s32 $0xFFFFE0C0  }
0xe2: {  	[spmem:s2] =	stream.indirect.scatter.add.f32 [tilespmem:s16], [sflag:$0xB], $0x40, s20, s11, $0xb8;
	[tilespmem:$0x1EA00] =	vst v63  }
0xe3: {  	_ =	swait.ge [sflag:s30], $0x1F40  }
0xe4: {  	[sflag:s30] =	ssyncset.done $0x0  }
0xe5: {  	s8 =	sadd.s32 $0x2980, s7;
	[sflag:s30] =	ssyncadd.s32 $0xFFFFE0C0  }
0xe6: {  	[spmem:s2] =	stream.indirect.scatter.add.f32 [tilespmem:s18], [sflag:$0xC], $0x40, s8, s11, $0xb8;
	[tilespmem:$0x1EA00] =	vst v63  }
0xe7: {  	_ =	swait.ge [sflag:s31], $0x1F40  }
0xe8: {  	[sflag:s31] =	ssyncset.done $0x0  }
0xe9: {  	[sflag:s31] =	ssyncadd.s32 $0xFFFFE0C0  }
0xea: {  	_ =	swait.ge [sflag:s0], $0x1F40  }
0xeb: {  	[sflag:s0] =	ssyncset.done $0x0  }
0xec: {  	[sflag:s0] =	ssyncadd.s32 $0xFFFFE0C0  }
0xed: {  	_ =	swait.ge [sflag:s1], $0x1F40  }
0xee: {  	[sflag:s1] =	ssyncset.done $0x0  }
0xef: {  	[sflag:s1] =	ssyncadd.s32 $0xFFFFE0C0  }
0xf0: {  	_ =	swait.ge [sflag:s13], $0x1F40  }
0xf1: {  	[sflag:s13] =	ssyncset.done $0x0  }
0xf2: {  	[sflag:s13] =	ssyncadd.s32 $0xFFFFE0C0  }
0xf3: {  	_ =	swait.ge [sflag:s15], $0x1F40  }
0xf4: {  	[sflag:s15] =	ssyncset.done $0x0  }
0xf5: {  	[sflag:s15] =	ssyncadd.s32 $0xFFFFE0C0  }
0xf6: {  	_ =	swait.ge [sflag:s17], $0x1F40  }
0xf7: {  	[sflag:s17] =	ssyncset.done $0x0  }
0xf8: {  	[sflag:s17] =	ssyncadd.s32 $0xFFFFE0C0  }
0xf9: {  	_ =	swait.ge [sflag:s21], $0x1F40  }
0xfa: {  	[sflag:s21] =	ssyncset.done $0x0  }
0xfb: {  	[sflag:s21] =	ssyncadd.s32 $0xFFFFE0C0  }
0xfc: {  	p0 =	seq.s32 s6, $0x9000;
	_ =	swait.ge [sflag:s5], $0x1F40  }
0xfd: {  	s3 =	sshra.s32 @!p0 s6, $0x2;
	s6 =	simm.s32 @!p0 $0x5000;
	[sflag:s5] =	ssyncset.done $0x0  }
0xfe: {  	s9 =	simm.s32 @!p0 $0x7D;
	s8 =	sadd.s32 @!p0 $0x400, s3;
	[sflag:s5] =	ssyncadd.s32 $0xFFFFE0C0  }
0xff: {  	[tilespmem:s6], [sflag:$0x1] =	stream.indirect.gather @!p0 [hbm4b:s4+s9], $0x40, s8, s9, $0xb8;
	[tilespmem:$0x1EA00] =	vst v63  }
0x100: {  	s6 =	sadd.s32 @!p0 $0x480, s3;
	s8 =	simm.s32 @!p0 $0x6F40  }
0x101: {  	[tilespmem:s8], [sflag:$0x2] =	stream.indirect.gather @!p0 [hbm4b:s4+s9], $0x40, s6, s9, $0xb8;
	[tilespmem:$0x1EA00] =	vst v63  }
0x102: {  	s6 =	sadd.s32 @!p0 $0x500, s3;
	s8 =	simm.s32 @!p0 $0x8E80  }
0x103: {  	[tilespmem:s8], [sflag:$0x3] =	stream.indirect.gather @!p0 [hbm4b:s4+s9], $0x40, s6, s9, $0xb8;
	[tilespmem:$0x1EA00] =	vst v63  }
0x104: {  	s3 =	sadd.s32 @!p0 $0x580, s3;
	s6 =	simm.s32 @!p0 $0xADC0  }
0x105: {  	[tilespmem:s6], [sflag:$0x4] =	stream.indirect.gather @!p0 [hbm4b:s4+s9], $0x40, s3, s9, $0xb8;
	[tilespmem:$0x1EA00] =	vst v63  }
0x106: {  	s9 =	sadd.s32 $0x2A00, s7  }
0x107: {  	[spmem:s2] =	stream.indirect.scatter.add.f32 [tilespmem:s22], [sflag:$0xD], $0x40, s9, s11, $0xb8;
	[tilespmem:$0x1EA00] =	vst v63  }
0x108: {  	s10 =	sadd.s32 $0x2A80, s7  }
0x109: {  	[spmem:s2] =	stream.indirect.scatter.add.f32 [tilespmem:s23], [sflag:$0xE], $0x40, s10, s11, $0xb8;
	[tilespmem:$0x1EA00] =	vst v63  }
0x10a: {  	s19 =	sadd.s32 $0x2B00, s7  }
0x10b: {  	[spmem:s2] =	stream.indirect.scatter.add.f32 [tilespmem:s24], [sflag:$0xF], $0x40, s19, s11, $0xb8;
	[tilespmem:$0x1EA00] =	vst v63  }
0x10c: {  	s20 =	sadd.s32 $0x2B80, s7;
	s6 =	simm.s32 $0xD  }
0x10d: {  	[spmem:s2] =	stream.indirect.scatter.add.f32 [tilespmem:s25], [sflag:$0x10], $0x40, s20, s11, $0xb8;
	[tilespmem:$0x1EA00] =	vst v63  }
0x10e: {  	_ =	swait.ge [sflag:s6], $0x1F40  }
0x10f: {  	[sflag:s6] =	ssyncset.done $0x0  }
0x110: {  	s7 =	simm.s32 $0xE;
	[sflag:s6] =	ssyncadd.s32 $0xFFFFE0C0  }
0x111: {  	_ =	swait.ge [sflag:s7], $0x1F40  }
0x112: {  	[sflag:s7] =	ssyncset.done $0x0  }
0x113: {  	s8 =	simm.s32 $0xF;
	[sflag:s7] =	ssyncadd.s32 $0xFFFFE0C0  }
0x114: {  	_ =	swait.ge [sflag:s8], $0x1F40  }
0x115: {  	[sflag:s8] =	ssyncset.done $0x0  }
0x116: {  	s9 =	simm.s32 $0x10;
	[sflag:s8] =	ssyncadd.s32 $0xFFFFE0C0  }
0x117: {  	_ =	swait.ge [sflag:s9], $0x1F40  }
0x118: {  	[sflag:s9] =	ssyncset.done $0x0  }
0x119: {  	[sflag:s9] =	ssyncadd.s32 $0xFFFFE0C0  }
0x11a: {  	[bflag:$0x0] =	sbarrier.arrive $0xFFFF  }
0x11b: {  	s10 =	rddreg [dreg:$0x7]  }
0x11c: {  	s8 =	rddreg [dreg:$0x9]  }
0x11d: {  	s7 =	simm.s32 $0x11;
	s9 =	rddreg [dreg:$0xa]  }
0x11e: {  	[hbm:s10], [sflag:s8] =	dma.local [spmem:s9], $0x1400  }
0x11f: {  	_ =	swait.ge [sflag:s7], $0x1400  }
0x120: {  	s19 =	rddreg [dreg:$0xb]  }
0x121: {  	s20 =	rddreg [dreg:$0x8];
	s6 =	sadd.s32 $0x1, s19  }
0x122: {  	p0 =	sne.s32 s6, s20  }
.Ltmp1:
0x123: {  	_ = 	snop;
	(pc) =	sbr.rel @p0 .LBB2_1-.Ltmp1, $3  }
0x124: {  	_ =	sdelay $0x1  }
0x125: {  	[sflag:s7] =	ssyncset.done $0x0  }
0x126: {  	[sflag:s7] =	ssyncadd.s32 $0xFFFFEC00  }
0x127: {  	_ =	sfence.sel $0x180000  }
0x128: {  	[bflag:$0x0] =	sbarrier.arrive $0xFFFF  }
0x129: {  	_ =	strace $0x9000004D  }
0x12a: {  	s0 =	stileid.u32;
	[bflag:$0x2] =	sbarrier.arrive $0xFFFF  }
0x12b: {  	p0 =	sne.s32 s0, $0x0;
	s0 =	rddreg [dreg:$0x3]  }
0x12c: {  	s0 =	sadd.s32 @!p0 $0x100000, s0  }
0x12d: {  	[sflag:s0] =	ssyncadd.tile.s32 @!p0 $0x1;
	_ =	shalt  }
.Lfunc_end2:
_tile_overlayer_lowered:
.L_overlay_start_2:
0x12e: {  	(tag) =	ssettag $0x2  }
0x12f: {  	s0 =	rddreg [dreg:$0x0];
	s2 =	stileid.u32  }
0x130: {  	s1 =	rddreg [dreg:$0x1];
	p0 =	sne.s32 s2, $0x0  }
0x131: {  	s3 =	rddreg [dreg:$0x2];
	[bflag:$0x3] =	sbarrier.arrive $0xFFFF;
	s2 =	simm.s32 @!p0 $0x1C11  }
0x132: {  	[timem:s3], [sflag:s2] =	dma.local @!p0 [hbm:s0], s1  }
0x133: {  	s0 =	simm.s32 @!p0 $0x11  }
0x134: {  	_ =	swait.ge @!p0 [sflag:s0], s1  }
0x135: {  	s1 =	ssub.s32 @!p0 $0x0, s1;
	[sflag:s0] =	ssyncset.done @!p0 $0x0  }
0x136: {  	[sflag:s0] =	ssyncadd.s32 @!p0 s1  }
0x137: {  	[bflag:$0x3] =	sbarrier.arrive $0xFFFF  }
0x138: {  	_ =	shalt  }

// kernel: kernel.20.cloned.1.call-start
scs
__scs_entry_jumppad:
0x0: {  	(pc) =	sbr.rel $0x88, $3  }
0x1: {  	(tag) =	ssettag $0x0;
	lr =	simm.s32 $0x1  }
0x2: {  	[smem:$0x3F8E] =	sst lr;
	_ =	strace $0xD0000000  }
0x3: {  	_ = 	snop  }
0x4: {  	_ = 	snop  }
0x5: {  	_ = 	snop  }
0x6: {  	_ = 	snop  }
0x7: {  	_ = 	snop  }
__scs_overlays_trampoline_lowered:
0x8: {  	[smem:$0x3F9D] =	sst s0  }
0x9: {  	[smem:$0x3F9E] =	sst s1  }
0xa: {  	[smem:$0x3F9F] =	sst s2  }
0xb: {  	[smem:$0x3FA0] =	sst s3  }
0xc: {  	[smem:$0x3FA1] =	sst s4  }
0xd: {  	[smem:$0x3FA2] =	sst s5  }
0xe: {  	[smem:$0x3FA3] =	sst s6  }
0xf: {  	[smem:$0x3FA4] =	sst s7  }
0x10: {  	[smem:$0x3FA5] =	sst s8  }
0x11: {  	[smem:$0x3FA6] =	sst s9;
	s0 =	simm.s32 @!p0 $0x0  }
0x12: {  	s1 =	sld [smem:$0x3F8C];
	s0 =	simm.s32 @p0 $0x1  }
0x13: {  	[smem:$0x3FA7] =	sst s0;
	s0 =	simm.s32 @!p1 $0x0  }
0x14: {  	s2 =	sld [smem:$0x3F8B];
	s0 =	simm.s32 @p1 $0x1  }
0x15: {  	[smem:$0x3FA8] =	sst s0;
	s0 =	simm.s32 @!p2 $0x0  }
0x16: {  	s3 =	sld [smem:$0x3FDB];
	s0 =	simm.s32 @p2 $0x1  }
0x17: {  	s4 =	simm.s32 $0x1BF5;
	[smem:$0x3FAA] =	sst s0  }
0x18: {  	s0 =	sld [smem:$0x3F8D];
	_ =	swait.ge [sflag:s4], $0x0  }
0x19: {  	s7 =	sld [smem:$0x3F8E]  }
0x1a: {  	s8 =	sadd.s32 $0xFFFFE003, lr  }
0x1b: {  	s9 =	sadd.s32 $0xFFFFFEF7, lr;
	s5 =	simm.s32 $0xFFFFFFFF;
	p2 =	slt.u32 s8, $0xFFFFF086  }
0x1c: {  	p1 =	slt.u32 s9, $0xF7A;
	s5 =	simm.s32 @!p2 $0x0  }
0x1d: {  	s5 =	simm.s32 @p1 $0x1;
	p0 =	seq.s32 s7, s2  }
0x1e: {  	s7 =	smul.u32 @!p0 $0xF7A, s2;
	p2 =	seq.s32 @!p0 s5, $0x0  }
0x1f: {  	s9 =	smul.u32 $0xF7A, s1;
	s8 =	simm.s32 @!p0 $0x1BF5;
	p2 =	por !p2, p0  }
0x20: {  	[sflag:s8] =	ssyncset.s32 @!p0 $0xFFFFF086;
	s6 =	sadd.s32 @!p0 s3, s7;
	s7 =	simm.s32 @!p0 $0x108  }
0x21: {  	s3 =	sadd.s32 s3, s9;
	s6 =	sadd.s32 @!p0 $0x88, s6;
	s7 =	simm.s32 @p2 $0x1082  }
0x22: {  	[simem:s7], [sflag:s8] =	dma.local @!p0 [hbm:s6], $0xF7A  }
0x23: {  	s9 =	sor.u32 $0xD0000000, s2;
	s6 =	simm.s32 $0x108;
	_ =	swait.ge @!p0 [sflag:s8], $0x0  }
0x24: {  	s3 =	sadd.s32 $0x88, s3;
	s6 =	simm.s32 @!p1 $0x1082;
	[sflag:s4] =	ssyncset.s32 $0xFFFFF086  }
0x25: {  	[simem:s6], [sflag:s4] =	dma.local [hbm:s3], $0xF7A  }
0x26: {  	[smem:$0x3F8E] =	sst s1;
	(tag) =	ssettag s2;
	_ =	strace s9  }
0x27: {  	s1 =	sld [smem:$0x3F9E]  }
0x28: {  	s2 =	sld [smem:$0x3F9F]  }
0x29: {  	s4 =	sld [smem:$0x3FA1]  }
0x2a: {  	p0 =	seq.s32 s5, $0x0;
	s5 =	sld [smem:$0x3FA2]  }
0x2b: {  	s6 =	sld [smem:$0x3FA3]  }
0x2c: {  	s7 =	sld [smem:$0x3FA4]  }
0x2d: {  	s3 =	simm.s32 $0x108;
	s8 =	sld [smem:$0x3FA5]  }
0x2e: {  	s3 =	simm.s32 @!p0 $0x1082;
	s9 =	sld [smem:$0x3FA6]  }
0x2f: {  	lr =	sadd.s32 s0, s3;
	s0 =	sld [smem:$0x3F9D]  }
0x30: {  	s3 =	sld [smem:$0x3FA0]  }
0x31: {  	[smem:$0x3FA9] =	sst s10  }
0x32: {  	s10 =	sld [smem:$0x3FA7];
	_ =	sdelay $0x3  }
0x33: {  	p0 =	seq.s32 s10, $0x1;
	s10 =	sld [smem:$0x3FA9];
	_ =	sdelay $0x3  }
0x34: {  	[smem:$0x3FA9] =	sst s10  }
0x35: {  	s10 =	sld [smem:$0x3FA8];
	_ =	sdelay $0x3  }
0x36: {  	p1 =	seq.s32 s10, $0x1;
	s10 =	sld [smem:$0x3FA9];
	_ =	sdelay $0x3  }
0x37: {  	[smem:$0x3FA9] =	sst s10  }
0x38: {  	s10 =	sld [smem:$0x3FAA]  }
0x39: {  	_ = 	snop;
	(pc) =	sbr.ind lr, $3  }
0x3a: {  	_ = 	snop  }
0x3b: {  	_ = 	snop  }
0x3c: {  	p2 =	seq.s32 s10, $0x1;
	s10 =	sld [smem:$0x3FA9]  }
0x3d: {  	_ =	shalt  }
0x3e: {  	_ =	shalt  }
0x3f: {  	_ =	shalt  }
0x40: {  	_ =	shalt  }
0x41: {  	_ =	shalt  }
0x42: {  	_ =	shalt  }
0x43: {  	_ =	shalt  }
0x44: {  	_ =	shalt  }
0x45: {  	_ =	shalt  }
0x46: {  	_ =	shalt  }
0x47: {  	_ =	shalt  }
0x48: {  	_ =	shalt  }
0x49: {  	_ =	shalt  }
0x4a: {  	_ =	shalt  }
0x4b: {  	_ =	shalt  }
0x4c: {  	_ =	shalt  }
0x4d: {  	_ =	shalt  }
0x4e: {  	_ =	shalt  }
0x4f: {  	_ =	shalt  }
0x50: {  	_ =	shalt  }
0x51: {  	_ =	shalt  }
0x52: {  	_ =	shalt  }
0x53: {  	_ =	shalt  }
0x54: {  	_ =	shalt  }
0x55: {  	_ =	shalt  }
0x56: {  	_ =	shalt  }
0x57: {  	_ =	shalt  }
0x58: {  	_ =	shalt  }
0x59: {  	_ =	shalt  }
0x5a: {  	_ =	shalt  }
0x5b: {  	_ =	shalt  }
0x5c: {  	_ =	shalt  }
0x5d: {  	_ =	shalt  }
0x5e: {  	_ =	shalt  }
0x5f: {  	_ =	shalt  }
0x60: {  	_ =	shalt  }
0x61: {  	_ =	shalt  }
0x62: {  	_ =	shalt  }
0x63: {  	_ =	shalt  }
0x64: {  	_ =	shalt  }
0x65: {  	_ =	shalt  }
0x66: {  	_ =	shalt  }
0x67: {  	_ =	shalt  }
0x68: {  	_ =	shalt  }
0x69: {  	_ =	shalt  }
0x6a: {  	_ =	shalt  }
0x6b: {  	_ =	shalt  }
0x6c: {  	_ =	shalt  }
0x6d: {  	_ =	shalt  }
0x6e: {  	_ =	shalt  }
0x6f: {  	_ =	shalt  }
0x70: {  	_ =	shalt  }
0x71: {  	_ =	shalt  }
0x72: {  	_ =	shalt  }
0x73: {  	_ =	shalt  }
0x74: {  	_ =	shalt  }
0x75: {  	_ =	shalt  }
0x76: {  	_ =	shalt  }
0x77: {  	_ =	shalt  }
0x78: {  	_ =	shalt  }
0x79: {  	_ =	shalt  }
0x7a: {  	_ =	shalt  }
0x7b: {  	_ =	shalt  }
0x7c: {  	_ =	shalt  }
0x7d: {  	_ =	shalt  }
0x7e: {  	_ =	shalt  }
0x7f: {  	_ =	shalt  }
0x80: {  	_ =	shalt  }
0x81: {  	_ =	shalt  }
0x82: {  	_ =	shalt  }
0x83: {  	_ =	shalt  }
0x84: {  	_ =	shalt  }
0x85: {  	_ =	shalt  }
0x86: {  	_ =	shalt  }
0x87: {  	_ =	shalt  }
.Lfunc_end0:
.L_simem_size_0:
called_computation.3_lowered:
.L_overlay_start_0:
0x88: {  	s2 =	sld [smem:$0x3FD9]  }
0x89: {  	s3 =	sld [smem:$0x3FFE];
	_ =	sdelay $0x1  }
0x8a: {  	s1 =	srdreg.scid  }
0x8b: {  	s0 =	sand.u32 $0x1, s1  }
0x8c: {  	s14 =	sshll.u32 s0, $0xA;
	s2 =	sadd.s32 s3, s2  }
0x8d: {  	s2 =	sadd.s32 s2, s14  }
0x8e: {  	[smem:$0x3FB5] =	sst s2  }
0x8f: {  	_ = 	snop  }
0x90: {  	s2 =	sld [smem:$0x3FD0];
	_ =	sdelay $0x2  }
0x91: {  	s15 =	simm.s32 $0xA;
	s4 =	simm.s32 $0x10  }
0x92: {  	[smem:s4], [sflag:s15] =	dma.local [hbm:s2], $0x1  }
0x93: {  	_ =	swait.eq [sflag:s15], $0x1  }
0x94: {  	[sflag:s15] =	ssyncset.done $0x0  }
0x95: {  	[sflag:s15] =	ssyncadd.s32 $0xFFFFFFFF  }
0x96: {  	s16 =	sld [smem:$0x10];
	(tm) =	ssettm $0x1  }
0x97: {  	s17 =	sld [smem:$0x3FFB];
	_ =	sdelay $0x3  }
0x98: {  	_ =	strace s17  }
0x99: {  	s3 =	sld [smem:$0x3FFC];
	_ =	sdelay $0x3  }
0x9a: {  	_ =	strace s3  }
0x9b: {  	s3 =	sld [smem:$0x3FFD];
	_ =	sdelay $0x3  }
0x9c: {  	_ =	strace s3  }
0x9d: {  	_ =	strace $0x8FFFFFFF  }
0x9e: {  	s18 =	sld [smem:$0x3FDB];
	_ =	sdelay $0x1  }
0x9f: {  	s19 =	simm.s32 $_scs_section_size  }
0xa0: {  	s5 =	simm.s32 $_size__tile_overlayer_lowered;
	s6 =	simm.s32 $_tile_overlayer_lowered  }
0xa1: {  	s22 =	simm.s32 $0x1BFF;
	s21 =	sshll.u32 s6, $0x1;
	s3 =	sadd.s32 s19, s18  }
0xa2: {  	s7 =	simm.s32 $0x0;
	s20 =	sshll.u32 s5, $0x1;
	s5 =	sadd.s32 s21, s3  }
0xa3: {  	[timem:s7], [sflag:s22] =	dma.local [hbm:s5], s20  }
0xa4: {  	_ =	swait.ge [sflag:s22], s20  }
0xa5: {  	s4 =	ssub.s32 $0x0, s20;
	[sflag:s22] =	ssyncset.done $0x0  }
0xa6: {  	[sflag:s22] =	ssyncadd.s32 s4;
	_ =	sdelay $0x1  }
0xa7: {  	s23 =	simm.s32 $0x1B8B  }
0xa8: {  	_ =	swait.ge [sflag:s23], $0x1  }
0xa9: {  	[sflag:s23] =	ssyncset.done $0x0  }
0xaa: {  	s25 =	simm.s32 $0x1B8E;
	s24 =	sld [smem:$0x3FFE];
	[sflag:s23] =	ssyncadd.s32 $0xFFFFFFFF  }
0xab: {  	s26 =	simm.s32 $execute0_lowered;
	[smem:$0x3FD2] =	sst s25  }
0xac: {  	s5 =	sshll.u32 s26, $0x1;
	_ =	strace $0x8000004F;
	[dreg:$0x1] =	wrdreg $0xFFFFFFFF  }
0xad: {  	s28 =	simm.s32 $_size_execute0_lowered;
	s3 =	sadd.s32 s3, s5;
	[dreg:$0x0] =	wrdreg $0x0  }
0xae: {  	s5 =	sshll.u32 s28, $0x1;
	[dreg:$0x2] =	wrdreg s3  }
0xaf: {  	[dreg:$0x3] =	wrdreg s5  }
0xb0: {  	[dreg:$0x4] =	wrdreg $0xC0  }
0xb1: {  	_ =	task [dreg:s7], $0x5FFFF  }
0xb2: {  	[dreg:$0x1] =	wrdreg $0xFFFFFFFF  }
0xb3: {  	[dreg:$0x0] =	wrdreg $0x60  }
0xb4: {  	[dreg:$0x2] =	wrdreg s24  }
0xb5: {  	[dreg:$0x3] =	wrdreg s16  }
0xb6: {  	[dreg:$0x4] =	wrdreg $0x14A000  }
0xb7: {  	[dreg:$0x5] =	wrdreg $0x9  }
0xb8: {  	_ =	task.clear_ibuf [dreg:s7], $0x6FFFF;
	_ =	strace $0x9000004F  }
0xb9: {  	s29 =	simm.s32 $0x9;
	_ =	strace $0x80000051  }
0xba: {  	_ =	swait.ge [sflag:s29], $0x1  }
0xbb: {  	[sflag:s29] =	ssyncadd.s32 $0xFFFFFFFF  }
0xbc: {  	_ =	strace $0x90000051  }
0xbd: {  	_ =	sfence  }
0xbe: {  	s30 =	sld [smem:$0x0];
	_ =	sdelay $0x2  }
0xbf: {  	s31 =	sshll.u32 s1, $0xD;
	s1 =	sshrl.u32 s1, $0x2  }
0xc0: {  	s3 =	sand.u32 $0x4000, s31;
	s1 =	sadd.s32 s1, s30  }
0xc1: {  	s0 =	sor.u32 s3, s0;
	s1 =	sshll.u32 s1, $0x11  }
0xc2: {  	s0 =	sor.u32 s1, s0  }
0xc3: {  	s0 =	sadd.s32 $0x8F2B, s0  }
0xc4: {  	[sflag:s0] =	ssyncadd.remote.s32 $0x1  }
0xc5: {  	_ =	sfence.sel $0xFFFF  }
0xc6: {  	[dreg:$0x0] =	wrdreg $0xFFFFFFFF;
	(pc) =	sbr.abs _section_cstart, $3  }
0xc7: {  	[dreg:$0x1] =	wrdreg $0xFFFFFFFF  }
0xc8: {  	_ =	task.clear_ibuf [dreg:s7], $0x2FFFF;
	_ =	strace $0x9FFFFFFF  }
0xc9: {  	(tm) =	ssettm $0x7FFFFFFF  }
tec
execute0_lowered:
.L_overlay_start_1:
0x0: {  	(tag) =	ssettag $0x1  }
0x1: {  	s0 =	rddreg [dreg:$0x0]  }
0x2: {  	s1 =	rddreg [dreg:$0x1]  }
0x3: {  	s2 =	rddreg [dreg:$0x2]  }
0x4: {  	s3 =	srdreg.scid;
	s8 =	stileid.u32  }
0x5: {  	s7 =	simm.s32 $0x0;
	s11 =	simm.s32 $0x7D;
	s12 =	simm.s32 $0x5000  }
0x6: {  	s14 =	simm.s32 $0x6F40;
	s16 =	simm.s32 $0x8E80;
	s18 =	simm.s32 $0xADC0  }
0x7: {  	s28 =	simm.s32 $0x2;
	s29 =	simm.s32 $0x3;
	s30 =	simm.s32 $0x4  }
0x8: {  	s31 =	simm.s32 $0x5;
	s13 =	simm.s32 $0x8;
	s15 =	simm.s32 $0x9  }
0x9: {  	s17 =	simm.s32 $0xA;
	s3 =	sand.u32 $0x1, s3;
	s5 =	smul.u32 $0xA000, s8  }
0xa: {  	s4 =	sshll.u32 s8, $0x1;
	[smem:$0x7FF] =	sst s7;
	s26 =	sshll.u32 s8, $0x6  }
0xb: {  	s6 =	smul.u32 $0xA0000, s3;
	s4 =	sor.u32 s3, s4;
	_ =	strace $0x80000050  }
0xc: {  	s3 =	ssub.s32 $0x2, s3;
	s8 =	sor.u32 $0x1C11, s26;
	s26 =	simm.s32 $0x1  }
0xd: {  	s20 =	smul.u32 $0x500, s4;
	s4 =	sadd.s32 $0x1A200, s0;
	s21 =	sshrl.u32 s3, $0x1  }
0xe: {  	s23 =	sshrl.u32 s5, $0x3;
	[dreg:$0x9] =	wrdreg s8;
	s6 =	sadd.s32 s5, s6  }
0xf: {  	s3 =	ssub.s32 s3, s21;
	s5 =	sadd.s32 s5, s2;
	s1 =	sadd.s32 s1, s23  }
0x10: {  	s23 =	simm.s32 $0xEC40;
	s21 =	simm.s32 $0xB;
	s6 =	sshrl.u32 s6, $0x3  }
0x11: {  	s7 =	sadd.s32 s20, s0;
	[dreg:$0x5] =	wrdreg s1;
	s25 =	smax.u32 s3, $0x1  }
0x12: {  	s9 =	sshrl.u32 s5, $0x3;
	s1 =	simm.s32 $0x7;
	s5 =	simm.s32 $0xC  }
0x13: {  	s0 =	sadd.s32 s6, s0;
	s22 =	sadd.s32 $0x10200, s7;
	[dreg:$0x8] =	wrdreg s25  }
0x14: {  	s24 =	sadd.s32 $0x3A00, s7;
	s7 =	simm.s32 $0x11;
	[dreg:$0xa] =	wrdreg s9  }
0x15: {  	s25 =	simm.s32 $0x12AC0;
	s6 =	simm.s32 $0x0;
	[dreg:$0x4] =	wrdreg s22  }
0x16: {  	[dreg:$0x6] =	wrdreg s24;
	s0 =	sadd.s32 $0x2DC00, s0;
	s22 =	simm.s32 $0xCD00  }
0x17: {  	s24 =	simm.s32 $0x10B80;
	[dreg:$0x7] =	wrdreg s0;
	s0 =	simm.s32 $0x6  }
.LBB2_1:
0x18: {  	[dreg:$0xb] =	wrdreg s6  }
0x19: {  	s3 =	simm.s32 $0x0;
	s20 =	rddreg [dreg:$0x4]  }
0x1a: {  	[tilespmem:s3], [sflag:$0x11] =	stream.linear.gather [hbm4b:s20+s3], $0x2800, $0x38;
	[tilespmem:$0x1EA00] =	vst v63  }
0x1b: {  	_ =	swait.ge [sflag:s7], $0x2800  }
0x1c: {  	[sflag:s7] =	ssyncset.done $0x0  }
0x1d: {  	[sflag:s7] =	ssyncadd.s32 $0xFFFFD800  }
0x1e: {  	[tilespmem:s12], [sflag:$0x1] =	stream.indirect.gather [hbm4b:s4+s11], $0x40, s3, s11, $0xb8;
	[tilespmem:$0x1EA00] =	vst v63  }
0x1f: {  	s10 =	simm.s32 $0x80  }
0x20: {  	[tilespmem:s14], [sflag:$0x2] =	stream.indirect.gather [hbm4b:s4+s11], $0x40, s10, s11, $0xb8;
	[tilespmem:$0x1EA00] =	vst v63  }
0x21: {  	s19 =	simm.s32 $0x100  }
0x22: {  	[tilespmem:s16], [sflag:$0x3] =	stream.indirect.gather [hbm4b:s4+s11], $0x40, s19, s11, $0xb8;
	[tilespmem:$0x1EA00] =	vst v63  }
0x23: {  	s20 =	simm.s32 $0x180;
	s10 =	rddreg [dreg:$0x5]  }
0x24: {  	[tilespmem:s18], [sflag:$0x4] =	stream.indirect.gather [hbm4b:s4+s11], $0x40, s20, s11, $0xb8;
	[tilespmem:$0x1EA00] =	vst v63  }
0x25: {  	[spmem:s9], [sflag:s8] =	dma.local [hbm:s10], $0x1400  }
0x26: {  	_ =	swait.ge [sflag:s7], $0x1400  }
0x27: {  	[sflag:s7] =	ssyncset.done $0x0  }
0x28: {  	s20 =	simm.s32 $0x2800;
	s19 =	rddreg [dreg:$0x6];
	[sflag:s7] =	ssyncadd.s32 $0xFFFFEC00  }
0x29: {  	[tilespmem:s20], [sflag:$0x11] =	stream.linear.gather [hbm4b:s19+s3], $0x2800, $0x38;
	[tilespmem:$0x1EA00] =	vst v63  }
0x2a: {  	_ =	swait.ge [sflag:s7], $0x2800  }
0x2b: {  	p0 =	por $0x1, $0x1;
	[sflag:s7] =	ssyncset.done $0x0  }
0x2c: {  	p0 =	por p0, p0;
	[sflag:s7] =	ssyncadd.s32 $0xFFFFD800  }
0x2d: {  	s6 =	simm.s32 @!p0 $0xD;
	[bflag:$0x0] =	sbarrier.arrive $0xFFFF  }
0x2e: {  	_ =	swait.ge @!p0 [sflag:s6], $0x1F40  }
0x2f: {  	[sflag:s6] =	ssyncset.done @!p0 $0x0  }
0x30: {  	[sflag:s6] =	ssyncadd.s32 @!p0 $0xFFFFE0C0;
	s6 =	simm.s32 @!p0 $0xE  }
0x31: {  	_ =	swait.ge @!p0 [sflag:s6], $0x1F40  }
0x32: {  	[sflag:s6] =	ssyncset.done @!p0 $0x0  }
0x33: {  	[sflag:s6] =	ssyncadd.s32 @!p0 $0xFFFFE0C0;
	s6 =	simm.s32 @!p0 $0xF  }
0x34: {  	_ =	swait.ge @!p0 [sflag:s6], $0x1F40  }
0x35: {  	[sflag:s6] =	ssyncset.done @!p0 $0x0  }
0x36: {  	[sflag:s6] =	ssyncadd.s32 @!p0 $0xFFFFE0C0;
	s6 =	simm.s32 @!p0 $0x10  }
0x37: {  	_ =	swait.ge @!p0 [sflag:s6], $0x1F40  }
0x38: {  	[sflag:s6] =	ssyncset.done @!p0 $0x0  }
0x39: {  	s9 =	simm.s32 $0x200;
	[sflag:s6] =	ssyncadd.s32 @!p0 $0xFFFFE0C0  }
0x3a: {  	[tilespmem:s22], [sflag:$0x5] =	stream.indirect.gather [hbm4b:s4+s11], $0x40, s9, s11, $0xb8;
	[tilespmem:$0x1EA00] =	vst v63  }
0x3b: {  	s10 =	simm.s32 $0x280  }
0x3c: {  	[tilespmem:s23], [sflag:$0x6] =	stream.indirect.gather [hbm4b:s4+s11], $0x40, s10, s11, $0xb8;
	[tilespmem:$0x1EA00] =	vst v63  }
0x3d: {  	s19 =	simm.s32 $0x300  }
0x3e: {  	[tilespmem:s24], [sflag:$0x7] =	stream.indirect.gather [hbm4b:s4+s11], $0x40, s19, s11, $0xb8;
	[tilespmem:$0x1EA00] =	vst v63  }
0x3f: {  	s20 =	simm.s32 $0x380  }
0x40: {  	[tilespmem:s25], [sflag:$0x8] =	stream.indirect.gather [hbm4b:s4+s11], $0x40, s20, s11, $0xb8;
	[tilespmem:$0x1EA00] =	vst v63  }
0x41: {  	_ =	swait.ge [sflag:s26], $0x1F40  }
0x42: {  	[sflag:s26] =	ssyncset.done $0x0  }
0x43: {  	s3 =	simm.s32 $0x2800;
	[sflag:s26] =	ssyncadd.s32 $0xFFFFE0C0  }
0x44: {  	[spmem:s2] =	stream.indirect.scatter.add.f32 [tilespmem:s12], [sflag:$0x9], $0x40, s3, s11, $0xb8;
	[tilespmem:$0x1EA00] =	vst v63  }
0x45: {  	_ =	swait.ge [sflag:s28], $0x1F40  }
0x46: {  	[sflag:s28] =	ssyncset.done $0x0  }
0x47: {  	s7 =	simm.s32 $0x2880;
	[sflag:s28] =	ssyncadd.s32 $0xFFFFE0C0  }
0x48: {  	[spmem:s2] =	stream.indirect.scatter.add.f32 [tilespmem:s14], [sflag:$0xA], $0x40, s7, s11, $0xb8;
	[tilespmem:$0x1EA00] =	vst v63  }
0x49: {  	_ =	swait.ge [sflag:s29], $0x1F40  }
0x4a: {  	[sflag:s29] =	ssyncset.done $0x0  }
0x4b: {  	s8 =	simm.s32 $0x2900;
	[sflag:s29] =	ssyncadd.s32 $0xFFFFE0C0  }
0x4c: {  	[spmem:s2] =	stream.indirect.scatter.add.f32 [tilespmem:s16], [sflag:$0xB], $0x40, s8, s11, $0xb8;
	[tilespmem:$0x1EA00] =	vst v63  }
0x4d: {  	_ =	swait.ge [sflag:s30], $0x1F40  }
0x4e: {  	[sflag:s30] =	ssyncset.done $0x0  }
0x4f: {  	s9 =	simm.s32 $0x2980;
	[sflag:s30] =	ssyncadd.s32 $0xFFFFE0C0  }
0x50: {  	[spmem:s2] =	stream.indirect.scatter.add.f32 [tilespmem:s18], [sflag:$0xC], $0x40, s9, s11, $0xb8;
	[tilespmem:$0x1EA00] =	vst v63  }
0x51: {  	_ =	swait.ge [sflag:s31], $0x1F40  }
0x52: {  	[sflag:s31] =	ssyncset.done $0x0  }
0x53: {  	[sflag:s31] =	ssyncadd.s32 $0xFFFFE0C0  }
0x54: {  	_ =	swait.ge [sflag:s0], $0x1F40  }
0x55: {  	[sflag:s0] =	ssyncset.done $0x0  }
0x56: {  	[sflag:s0] =	ssyncadd.s32 $0xFFFFE0C0  }
0x57: {  	_ =	swait.ge [sflag:s1], $0x1F40  }
0x58: {  	[sflag:s1] =	ssyncset.done $0x0  }
0x59: {  	[sflag:s1] =	ssyncadd.s32 $0xFFFFE0C0  }
0x5a: {  	_ =	swait.ge [sflag:s13], $0x1F40  }
0x5b: {  	[sflag:s13] =	ssyncset.done $0x0  }
0x5c: {  	[sflag:s13] =	ssyncadd.s32 $0xFFFFE0C0  }
0x5d: {  	_ =	swait.ge [sflag:s15], $0x1F40  }
0x5e: {  	[sflag:s15] =	ssyncset.done $0x0  }
0x5f: {  	[sflag:s15] =	ssyncadd.s32 $0xFFFFE0C0  }
0x60: {  	_ =	swait.ge [sflag:s17], $0x1F40  }
0x61: {  	[sflag:s17] =	ssyncset.done $0x0  }
0x62: {  	[sflag:s17] =	ssyncadd.s32 $0xFFFFE0C0  }
0x63: {  	_ =	swait.ge [sflag:s21], $0x1F40  }
0x64: {  	[sflag:s21] =	ssyncset.done $0x0  }
0x65: {  	[sflag:s21] =	ssyncadd.s32 $0xFFFFE0C0  }
0x66: {  	p0 =	por $0x0, $0x0;
	_ =	swait.ge [sflag:s5], $0x1F40  }
0x67: {  	s6 =	simm.s32 @!p0 $0x5000;
	[sflag:s5] =	ssyncset.done $0x0  }
0x68: {  	s7 =	simm.s32 @!p0 $0x400;
	s8 =	simm.s32 @!p0 $0x7D;
	[sflag:s5] =	ssyncadd.s32 $0xFFFFE0C0  }
0x69: {  	[tilespmem:s6], [sflag:$0x1] =	stream.indirect.gather @!p0 [hbm4b:s4+s8], $0x40, s7, s8, $0xb8;
	[tilespmem:$0x1EA00] =	vst v63  }
0x6a: {  	s6 =	simm.s32 @!p0 $0x480;
	s7 =	simm.s32 @!p0 $0x6F40  }
0x6b: {  	[tilespmem:s7], [sflag:$0x2] =	stream.indirect.gather @!p0 [hbm4b:s4+s8], $0x40, s6, s8, $0xb8;
	[tilespmem:$0x1EA00] =	vst v63  }
0x6c: {  	s6 =	simm.s32 @!p0 $0x500;
	s7 =	simm.s32 @!p0 $0x8E80  }
0x6d: {  	[tilespmem:s7], [sflag:$0x3] =	stream.indirect.gather @!p0 [hbm4b:s4+s8], $0x40, s6, s8, $0xb8;
	[tilespmem:$0x1EA00] =	vst v63  }
0x6e: {  	s6 =	simm.s32 @!p0 $0x580;
	s7 =	simm.s32 @!p0 $0xADC0  }
0x6f: {  	[tilespmem:s7], [sflag:$0x4] =	stream.indirect.gather @!p0 [hbm4b:s4+s8], $0x40, s6, s8, $0xb8;
	[tilespmem:$0x1EA00] =	vst v63  }
0x70: {  	p6 =	por $0x0, $0x0;
	s10 =	simm.s32 $0x2A00  }
0x71: {  	[spmem:s2] =	stream.indirect.scatter.add.f32 [tilespmem:s22], [sflag:$0xD], $0x40, s10, s11, $0xb8;
	[tilespmem:$0x1EA00] =	vst v63  }
0x72: {  	s19 =	simm.s32 $0x2A80;
	s20 =	simm.s32 $0x2B00;
	s6 =	simm.s32 $0x1000  }
0x73: {  	[spmem:s2] =	stream.indirect.scatter.add.f32 [tilespmem:s23], [sflag:$0xE], $0x40, s19, s11, $0xb8;
	[tilespmem:$0x1EA00] =	vst v63  }
0x74: {  	s7 =	simm.s32 $0x2000;
	p0 =	por p6, p6;
	s8 =	simm.s32 $0x2B80  }
0x75: {  	[spmem:s2] =	stream.indirect.scatter.add.f32 [tilespmem:s24], [sflag:$0xF], $0x40, s20, s11, $0xb8;
	[tilespmem:$0x1EA00] =	vst v63  }
.LBB2_2:
0x76: {  	[spmem:s2] =	stream.indirect.scatter.add.f32 [tilespmem:s25], [sflag:$0x10], $0x40, s8, s11, $0xb8;
	[tilespmem:$0x1EA00] =	vst v63  }
0x77: {  	s8 =	smov.u32 s7  }
0x78: {  	s7 =	sadd.s32 $0x1000, s7;
	s9 =	simm.s32 @!p0 $0xD;
	p2 =	seq.s32 s8, $0x0  }
0x79: {  	p1 =	sne.s32 s7, $0xA000;
	_ =	swait.ge @!p0 [sflag:s9], $0x1F40  }
0x7a: {  	[sflag:s9] =	ssyncset.done @!p0 $0x0  }
0x7b: {  	[sflag:s9] =	ssyncadd.s32 @!p0 $0xFFFFE0C0;
	s9 =	simm.s32 @!p0 $0xE  }
0x7c: {  	_ =	swait.ge @!p0 [sflag:s9], $0x1F40  }
0x7d: {  	[sflag:s9] =	ssyncset.done @!p0 $0x0  }
0x7e: {  	[sflag:s9] =	ssyncadd.s32 @!p0 $0xFFFFE0C0;
	s9 =	simm.s32 @!p0 $0xF  }
0x7f: {  	_ =	swait.ge @!p0 [sflag:s9], $0x1F40  }
0x80: {  	[sflag:s9] =	ssyncset.done @!p0 $0x0  }
0x81: {  	s19 =	simm.s32 @!p0 $0x10;
	[sflag:s9] =	ssyncadd.s32 @!p0 $0xFFFFE0C0  }
0x82: {  	_ =	swait.ge @!p0 [sflag:s19], $0x1F40  }
0x83: {  	s9 =	sshra.s32 s6, $0x2;
	[sflag:s19] =	ssyncset.done @!p0 $0x0  }
0x84: {  	[sflag:s19] =	ssyncadd.s32 @!p0 $0xFFFFE0C0;
	s19 =	sadd.s32 $0x200, s9;
	p0 =	por p2, p2  }
0x85: {  	[tilespmem:s22], [sflag:$0x5] =	stream.indirect.gather [hbm4b:s4+s11], $0x40, s19, s11, $0xb8;
	[tilespmem:$0x1EA00] =	vst v63  }
0x86: {  	s19 =	sadd.s32 $0x280, s9  }
0x87: {  	[tilespmem:s23], [sflag:$0x6] =	stream.indirect.gather [hbm4b:s4+s11], $0x40, s19, s11, $0xb8;
	[tilespmem:$0x1EA00] =	vst v63  }
0x88: {  	s19 =	sadd.s32 $0x300, s9  }
0x89: {  	[tilespmem:s24], [sflag:$0x7] =	stream.indirect.gather [hbm4b:s4+s11], $0x40, s19, s11, $0xb8;
	[tilespmem:$0x1EA00] =	vst v63  }
0x8a: {  	s19 =	sadd.s32 $0x380, s9  }
0x8b: {  	[tilespmem:s25], [sflag:$0x8] =	stream.indirect.gather [hbm4b:s4+s11], $0x40, s19, s11, $0xb8;
	[tilespmem:$0x1EA00] =	vst v63  }
0x8c: {  	_ =	swait.ge [sflag:s26], $0x1F40  }
0x8d: {  	[sflag:s26] =	ssyncset.done $0x0  }
0x8e: {  	s19 =	sadd.s32 $0x2800, s9;
	[sflag:s26] =	ssyncadd.s32 $0xFFFFE0C0  }
0x8f: {  	[spmem:s2] =	stream.indirect.scatter.add.f32 [tilespmem:s12], [sflag:$0x9], $0x40, s19, s11, $0xb8;
	[tilespmem:$0x1EA00] =	vst v63  }
0x90: {  	_ =	swait.ge [sflag:s28], $0x1F40  }
0x91: {  	[sflag:s28] =	ssyncset.done $0x0  }
0x92: {  	s19 =	sadd.s32 $0x2880, s9;
	[sflag:s28] =	ssyncadd.s32 $0xFFFFE0C0  }
0x93: {  	[spmem:s2] =	stream.indirect.scatter.add.f32 [tilespmem:s14], [sflag:$0xA], $0x40, s19, s11, $0xb8;
	[tilespmem:$0x1EA00] =	vst v63  }
0x94: {  	_ =	swait.ge [sflag:s29], $0x1F40  }
0x95: {  	[sflag:s29] =	ssyncset.done $0x0  }
0x96: {  	s19 =	sadd.s32 $0x2900, s9;
	[sflag:s29] =	ssyncadd.s32 $0xFFFFE0C0  }
0x97: {  	[spmem:s2] =	stream.indirect.scatter.add.f32 [tilespmem:s16], [sflag:$0xB], $0x40, s19, s11, $0xb8;
	[tilespmem:$0x1EA00] =	vst v63  }
0x98: {  	_ =	swait.ge [sflag:s30], $0x1F40  }
0x99: {  	[sflag:s30] =	ssyncset.done $0x0  }
0x9a: {  	s19 =	sadd.s32 $0x2980, s9;
	[sflag:s30] =	ssyncadd.s32 $0xFFFFE0C0  }
0x9b: {  	[spmem:s2] =	stream.indirect.scatter.add.f32 [tilespmem:s18], [sflag:$0xC], $0x40, s19, s11, $0xb8;
	[tilespmem:$0x1EA00] =	vst v63  }
0x9c: {  	_ =	swait.ge [sflag:s31], $0x1F40  }
0x9d: {  	[sflag:s31] =	ssyncset.done $0x0  }
0x9e: {  	[sflag:s31] =	ssyncadd.s32 $0xFFFFE0C0  }
0x9f: {  	_ =	swait.ge [sflag:s0], $0x1F40  }
0xa0: {  	[sflag:s0] =	ssyncset.done $0x0  }
0xa1: {  	[sflag:s0] =	ssyncadd.s32 $0xFFFFE0C0  }
0xa2: {  	_ =	swait.ge [sflag:s1], $0x1F40  }
0xa3: {  	[sflag:s1] =	ssyncset.done $0x0  }
0xa4: {  	[sflag:s1] =	ssyncadd.s32 $0xFFFFE0C0  }
0xa5: {  	_ =	swait.ge [sflag:s13], $0x1F40  }
0xa6: {  	[sflag:s13] =	ssyncset.done $0x0  }
0xa7: {  	[sflag:s13] =	ssyncadd.s32 $0xFFFFE0C0  }
0xa8: {  	_ =	swait.ge [sflag:s15], $0x1F40  }
0xa9: {  	[sflag:s15] =	ssyncset.done $0x0  }
0xaa: {  	[sflag:s15] =	ssyncadd.s32 $0xFFFFE0C0  }
0xab: {  	_ =	swait.ge [sflag:s17], $0x1F40  }
0xac: {  	[sflag:s17] =	ssyncset.done $0x0  }
0xad: {  	[sflag:s17] =	ssyncadd.s32 $0xFFFFE0C0  }
0xae: {  	_ =	swait.ge [sflag:s21], $0x1F40  }
0xaf: {  	[sflag:s21] =	ssyncset.done $0x0  }
0xb0: {  	[sflag:s21] =	ssyncadd.s32 $0xFFFFE0C0  }
0xb1: {  	p2 =	seq.s32 s6, $0x9000;
	_ =	swait.ge [sflag:s5], $0x1F40  }
0xb2: {  	s6 =	sshra.s32 @!p2 s6, $0x2;
	s19 =	simm.s32 @!p2 $0x5000;
	[sflag:s5] =	ssyncset.done $0x0  }
0xb3: {  	s10 =	simm.s32 @!p2 $0x7D;
	s20 =	sadd.s32 @!p2 $0x400, s6;
	[sflag:s5] =	ssyncadd.s32 $0xFFFFE0C0  }
0xb4: {  	[tilespmem:s19], [sflag:$0x1] =	stream.indirect.gather @!p2 [hbm4b:s4+s10], $0x40, s20, s10, $0xb8;
	[tilespmem:$0x1EA00] =	vst v63  }
0xb5: {  	s3 =	sadd.s32 @!p2 $0x500, s6;
	s19 =	sadd.s32 @!p2 $0x480, s6;
	s20 =	simm.s32 @!p2 $0x6F40  }
0xb6: {  	[tilespmem:s20], [sflag:$0x2] =	stream.indirect.gather @!p2 [hbm4b:s4+s10], $0x40, s19, s10, $0xb8;
	[tilespmem:$0x1EA00] =	vst v63  }
0xb7: {  	s19 =	simm.s32 @!p2 $0x8E80;
	s20 =	sadd.s32 @!p2 $0x580, s6;
	s6 =	smov.u32 s8  }
0xb8: {  	[tilespmem:s19], [sflag:$0x3] =	stream.indirect.gather @!p2 [hbm4b:s4+s10], $0x40, s3, s10, $0xb8;
	[tilespmem:$0x1EA00] =	vst v63  }
0xb9: {  	s3 =	simm.s32 @!p2 $0xADC0  }
0xba: {  	[tilespmem:s3], [sflag:$0x4] =	stream.indirect.gather @!p2 [hbm4b:s4+s10], $0x40, s20, s10, $0xb8;
	[tilespmem:$0x1EA00] =	vst v63  }
0xbb: {  	s3 =	sadd.s32 $0x2A00, s9  }
0xbc: {  	[spmem:s2] =	stream.indirect.scatter.add.f32 [tilespmem:s22], [sflag:$0xD], $0x40, s3, s11, $0xb8;
	[tilespmem:$0x1EA00] =	vst v63  }
.Ltmp0:
0xbd: {  	s3 =	sadd.s32 $0x2A80, s9;
	(pc) =	sbr.rel @p1 .LBB2_2-.Ltmp0, $4  }
0xbe: {  	[spmem:s2] =	stream.indirect.scatter.add.f32 [tilespmem:s23], [sflag:$0xE], $0x40, s3, s11, $0xb8;
	[tilespmem:$0x1EA00] =	vst v63  }
0xbf: {  	s3 =	sadd.s32 $0x2B00, s9  }
0xc0: {  	[spmem:s2] =	stream.indirect.scatter.add.f32 [tilespmem:s24], [sflag:$0xF], $0x40, s3, s11, $0xb8;
	[tilespmem:$0x1EA00] =	vst v63  }
0xc1: {  	s8 =	sadd.s32 $0x2B80, s9  }
0xc2: {  	[spmem:s2] =	stream.indirect.scatter.add.f32 [tilespmem:s25], [sflag:$0x10], $0x40, s8, s11, $0xb8;
	[tilespmem:$0x1EA00] =	vst v63  }
0xc3: {  	s3 =	simm.s32 @!p0 $0xD  }
0xc4: {  	_ =	swait.ge @!p0 [sflag:s3], $0x1F40  }
0xc5: {  	[sflag:s3] =	ssyncset.done @!p0 $0x0  }
0xc6: {  	[sflag:s3] =	ssyncadd.s32 @!p0 $0xFFFFE0C0;
	s3 =	simm.s32 @!p0 $0xE  }
0xc7: {  	_ =	swait.ge @!p0 [sflag:s3], $0x1F40  }
0xc8: {  	[sflag:s3] =	ssyncset.done @!p0 $0x0  }
0xc9: {  	[sflag:s3] =	ssyncadd.s32 @!p0 $0xFFFFE0C0;
	s3 =	simm.s32 @!p0 $0xF  }
0xca: {  	_ =	swait.ge @!p0 [sflag:s3], $0x1F40  }
0xcb: {  	[sflag:s3] =	ssyncset.done @!p0 $0x0  }
0xcc: {  	[sflag:s3] =	ssyncadd.s32 @!p0 $0xFFFFE0C0;
	s3 =	simm.s32 @!p0 $0x10  }
0xcd: {  	_ =	swait.ge @!p0 [sflag:s3], $0x1F40  }
0xce: {  	s7 =	sshra.s32 s6, $0x2;
	[sflag:s3] =	ssyncset.done @!p0 $0x0  }
0xcf: {  	s19 =	sadd.s32 $0x200, s7;
	[sflag:s3] =	ssyncadd.s32 @!p0 $0xFFFFE0C0  }
0xd0: {  	[tilespmem:s22], [sflag:$0x5] =	stream.indirect.gather [hbm4b:s4+s11], $0x40, s19, s11, $0xb8;
	[tilespmem:$0x1EA00] =	vst v63  }
0xd1: {  	s20 =	sadd.s32 $0x280, s7  }
0xd2: {  	[tilespmem:s23], [sflag:$0x6] =	stream.indirect.gather [hbm4b:s4+s11], $0x40, s20, s11, $0xb8;
	[tilespmem:$0x1EA00] =	vst v63  }
0xd3: {  	s8 =	sadd.s32 $0x300, s7  }
0xd4: {  	[tilespmem:s24], [sflag:$0x7] =	stream.indirect.gather [hbm4b:s4+s11], $0x40, s8, s11, $0xb8;
	[tilespmem:$0x1EA00] =	vst v63  }
0xd5: {  	s9 =	sadd.s32 $0x380, s7  }
0xd6: {  	[tilespmem:s25], [sflag:$0x8] =	stream.indirect.gather [hbm4b:s4+s11], $0x40, s9, s11, $0xb8;
	[tilespmem:$0x1EA00] =	vst v63  }
0xd7: {  	_ =	swait.ge [sflag:s26], $0x1F40  }
0xd8: {  	[sflag:s26] =	ssyncset.done $0x0  }
0xd9: {  	s10 =	sadd.s32 $0x2800, s7;
	[sflag:s26] =	ssyncadd.s32 $0xFFFFE0C0  }
0xda: {  	[spmem:s2] =	stream.indirect.scatter.add.f32 [tilespmem:s12], [sflag:$0x9], $0x40, s10, s11, $0xb8;
	[tilespmem:$0x1EA00] =	vst v63  }
0xdb: {  	_ =	swait.ge [sflag:s28], $0x1F40  }
0xdc: {  	[sflag:s28] =	ssyncset.done $0x0  }
0xdd: {  	s19 =	sadd.s32 $0x2880, s7;
	[sflag:s28] =	ssyncadd.s32 $0xFFFFE0C0  }
0xde: {  	[spmem:s2] =	stream.indirect.scatter.add.f32 [tilespmem:s14], [sflag:$0xA], $0x40, s19, s11, $0xb8;
	[tilespmem:$0x1EA00] =	vst v63  }
0xdf: {  	_ =	swait.ge [sflag:s29], $0x1F40  }
0xe0: {  	[sflag:s29] =	ssyncset.done $0x0  }
0xe1: {  	s20 =	sadd.s32 $0x2900, s7;
	[sflag:s29] =	ssyncadd.s32 $0xFFFFE0C0  }
0xe2: {  	[spmem:s2] =	stream.indirect.scatter.add.f32 [tilespmem:s16], [sflag:$0xB], $0x40, s20, s11, $0xb8;
	[tilespmem:$0x1EA00] =	vst v63  }
0xe3: {  	_ =	swait.ge [sflag:s30], $0x1F40  }
0xe4: {  	[sflag:s30] =	ssyncset.done $0x0  }
0xe5: {  	s8 =	sadd.s32 $0x2980, s7;
	[sflag:s30] =	ssyncadd.s32 $0xFFFFE0C0  }
0xe6: {  	[spmem:s2] =	stream.indirect.scatter.add.f32 [tilespmem:s18], [sflag:$0xC], $0x40, s8, s11, $0xb8;
	[tilespmem:$0x1EA00] =	vst v63  }
0xe7: {  	_ =	swait.ge [sflag:s31], $0x1F40  }
0xe8: {  	[sflag:s31] =	ssyncset.done $0x0  }
0xe9: {  	[sflag:s31] =	ssyncadd.s32 $0xFFFFE0C0  }
0xea: {  	_ =	swait.ge [sflag:s0], $0x1F40  }
0xeb: {  	[sflag:s0] =	ssyncset.done $0x0  }
0xec: {  	[sflag:s0] =	ssyncadd.s32 $0xFFFFE0C0  }
0xed: {  	_ =	swait.ge [sflag:s1], $0x1F40  }
0xee: {  	[sflag:s1] =	ssyncset.done $0x0  }
0xef: {  	[sflag:s1] =	ssyncadd.s32 $0xFFFFE0C0  }
0xf0: {  	_ =	swait.ge [sflag:s13], $0x1F40  }
0xf1: {  	[sflag:s13] =	ssyncset.done $0x0  }
0xf2: {  	[sflag:s13] =	ssyncadd.s32 $0xFFFFE0C0  }
0xf3: {  	_ =	swait.ge [sflag:s15], $0x1F40  }
0xf4: {  	[sflag:s15] =	ssyncset.done $0x0  }
0xf5: {  	[sflag:s15] =	ssyncadd.s32 $0xFFFFE0C0  }
0xf6: {  	_ =	swait.ge [sflag:s17], $0x1F40  }
0xf7: {  	[sflag:s17] =	ssyncset.done $0x0  }
0xf8: {  	[sflag:s17] =	ssyncadd.s32 $0xFFFFE0C0  }
0xf9: {  	_ =	swait.ge [sflag:s21], $0x1F40  }
0xfa: {  	[sflag:s21] =	ssyncset.done $0x0  }
0xfb: {  	[sflag:s21] =	ssyncadd.s32 $0xFFFFE0C0  }
0xfc: {  	p0 =	seq.s32 s6, $0x9000;
	_ =	swait.ge [sflag:s5], $0x1F40  }
0xfd: {  	s3 =	sshra.s32 @!p0 s6, $0x2;
	s6 =	simm.s32 @!p0 $0x5000;
	[sflag:s5] =	ssyncset.done $0x0  }
0xfe: {  	s9 =	simm.s32 @!p0 $0x7D;
	s8 =	sadd.s32 @!p0 $0x400, s3;
	[sflag:s5] =	ssyncadd.s32 $0xFFFFE0C0  }
0xff: {  	[tilespmem:s6], [sflag:$0x1] =	stream.indirect.gather @!p0 [hbm4b:s4+s9], $0x40, s8, s9, $0xb8;
	[tilespmem:$0x1EA00] =	vst v63  }
0x100: {  	s6 =	sadd.s32 @!p0 $0x480, s3;
	s8 =	simm.s32 @!p0 $0x6F40  }
0x101: {  	[tilespmem:s8], [sflag:$0x2] =	stream.indirect.gather @!p0 [hbm4b:s4+s9], $0x40, s6, s9, $0xb8;
	[tilespmem:$0x1EA00] =	vst v63  }
0x102: {  	s6 =	sadd.s32 @!p0 $0x500, s3;
	s8 =	simm.s32 @!p0 $0x8E80  }
0x103: {  	[tilespmem:s8], [sflag:$0x3] =	stream.indirect.gather @!p0 [hbm4b:s4+s9], $0x40, s6, s9, $0xb8;
	[tilespmem:$0x1EA00] =	vst v63  }
0x104: {  	s3 =	sadd.s32 @!p0 $0x580, s3;
	s6 =	simm.s32 @!p0 $0xADC0  }
0x105: {  	[tilespmem:s6], [sflag:$0x4] =	stream.indirect.gather @!p0 [hbm4b:s4+s9], $0x40, s3, s9, $0xb8;
	[tilespmem:$0x1EA00] =	vst v63  }
0x106: {  	s9 =	sadd.s32 $0x2A00, s7  }
0x107: {  	[spmem:s2] =	stream.indirect.scatter.add.f32 [tilespmem:s22], [sflag:$0xD], $0x40, s9, s11, $0xb8;
	[tilespmem:$0x1EA00] =	vst v63  }
0x108: {  	s10 =	sadd.s32 $0x2A80, s7  }
0x109: {  	[spmem:s2] =	stream.indirect.scatter.add.f32 [tilespmem:s23], [sflag:$0xE], $0x40, s10, s11, $0xb8;
	[tilespmem:$0x1EA00] =	vst v63  }
0x10a: {  	s19 =	sadd.s32 $0x2B00, s7  }
0x10b: {  	[spmem:s2] =	stream.indirect.scatter.add.f32 [tilespmem:s24], [sflag:$0xF], $0x40, s19, s11, $0xb8;
	[tilespmem:$0x1EA00] =	vst v63  }
0x10c: {  	s20 =	sadd.s32 $0x2B80, s7;
	s6 =	simm.s32 $0xD  }
0x10d: {  	[spmem:s2] =	stream.indirect.scatter.add.f32 [tilespmem:s25], [sflag:$0x10], $0x40, s20, s11, $0xb8;
	[tilespmem:$0x1EA00] =	vst v63  }
0x10e: {  	_ =	swait.ge [sflag:s6], $0x1F40  }
0x10f: {  	[sflag:s6] =	ssyncset.done $0x0  }
0x110: {  	s7 =	simm.s32 $0xE;
	[sflag:s6] =	ssyncadd.s32 $0xFFFFE0C0  }
0x111: {  	_ =	swait.ge [sflag:s7], $0x1F40  }
0x112: {  	[sflag:s7] =	ssyncset.done $0x0  }
0x113: {  	s8 =	simm.s32 $0xF;
	[sflag:s7] =	ssyncadd.s32 $0xFFFFE0C0  }
0x114: {  	_ =	swait.ge [sflag:s8], $0x1F40  }
0x115: {  	[sflag:s8] =	ssyncset.done $0x0  }
0x116: {  	s9 =	simm.s32 $0x10;
	[sflag:s8] =	ssyncadd.s32 $0xFFFFE0C0  }
0x117: {  	_ =	swait.ge [sflag:s9], $0x1F40  }
0x118: {  	[sflag:s9] =	ssyncset.done $0x0  }
0x119: {  	[sflag:s9] =	ssyncadd.s32 $0xFFFFE0C0  }
0x11a: {  	[bflag:$0x0] =	sbarrier.arrive $0xFFFF  }
0x11b: {  	s10 =	rddreg [dreg:$0x7]  }
0x11c: {  	s8 =	rddreg [dreg:$0x9]  }
0x11d: {  	s7 =	simm.s32 $0x11;
	s9 =	rddreg [dreg:$0xa]  }
0x11e: {  	[hbm:s10], [sflag:s8] =	dma.local [spmem:s9], $0x1400  }
0x11f: {  	_ =	swait.ge [sflag:s7], $0x1400  }
0x120: {  	s19 =	rddreg [dreg:$0xb]  }
0x121: {  	s20 =	rddreg [dreg:$0x8];
	s6 =	sadd.s32 $0x1, s19  }
0x122: {  	p0 =	sne.s32 s6, s20  }
.Ltmp1:
0x123: {  	_ = 	snop;
	(pc) =	sbr.rel @p0 .LBB2_1-.Ltmp1, $3  }
0x124: {  	_ =	sdelay $0x1  }
0x125: {  	[sflag:s7] =	ssyncset.done $0x0  }
0x126: {  	[sflag:s7] =	ssyncadd.s32 $0xFFFFEC00  }
0x127: {  	_ =	sfence.sel $0x180000  }
0x128: {  	[bflag:$0x0] =	sbarrier.arrive $0xFFFF  }
0x129: {  	_ =	strace $0x90000050  }
0x12a: {  	s0 =	stileid.u32;
	[bflag:$0x2] =	sbarrier.arrive $0xFFFF  }
0x12b: {  	p0 =	sne.s32 s0, $0x0;
	s0 =	rddreg [dreg:$0x3]  }
0x12c: {  	s0 =	sadd.s32 @!p0 $0x100000, s0  }
0x12d: {  	[sflag:s0] =	ssyncadd.tile.s32 @!p0 $0x1;
	_ =	shalt  }
.Lfunc_end2:
_tile_overlayer_lowered:
.L_overlay_start_2:
0x12e: {  	(tag) =	ssettag $0x2  }
0x12f: {  	s0 =	rddreg [dreg:$0x0];
	s2 =	stileid.u32  }
0x130: {  	s1 =	rddreg [dreg:$0x1];
	p0 =	sne.s32 s2, $0x0  }
0x131: {  	s3 =	rddreg [dreg:$0x2];
	[bflag:$0x3] =	sbarrier.arrive $0xFFFF;
	s2 =	simm.s32 @!p0 $0x1C11  }
0x132: {  	[timem:s3], [sflag:s2] =	dma.local @!p0 [hbm:s0], s1  }
0x133: {  	s0 =	simm.s32 @!p0 $0x11  }
0x134: {  	_ =	swait.ge @!p0 [sflag:s0], s1  }
0x135: {  	s1 =	ssub.s32 @!p0 $0x0, s1;
	[sflag:s0] =	ssyncset.done @!p0 $0x0  }
0x136: {  	[sflag:s0] =	ssyncadd.s32 @!p0 s1  }
0x137: {  	[bflag:$0x3] =	sbarrier.arrive $0xFFFF  }
0x138: {  	_ =	shalt  }

</sc_bundles>
